<compile_context>
chip_gen: v7x
topology: tpu7x:2x2x1
jax: 0.10.2.dev20260603
libtpu: 0.0.44.dev20260713+nightly
codegen_flags: <defaults>
</compile_context>

<pallas_src>
import functools

import jax
import jax.numpy as jnp
from jax import lax
from jax.experimental import pallas as pl
from jax.experimental.pallas import tpu as pltpu
from jax.experimental.pallas import tpu_sc as plsc

SEQ = 256
C = 1024
CH = 32
JC = SEQ // CH

_info = plsc.get_sparse_core_info()
_NC, _NS = _info.num_cores, _info.num_subcores
_NW = _NC * _NS
_ROWS = SEQ // _NW

_mesh = plsc.VectorSubcoreMesh(core_axis_name="c", subcore_axis_name="s")


@functools.partial(
    pl.kernel,
    mesh=_mesh,
    out_type=jax.ShapeDtypeStruct((SEQ, SEQ, 2 * C), jnp.float32),
    scratch_types=[
        pltpu.VMEM((3, CH, C), jnp.float32),
        pltpu.SemaphoreType.DMA,
        pltpu.SemaphoreType.DMA,
    ],
)
def _sc_embed(emb_hbm, out_hbm, ebuf, ein_sem, eout_sem):
    wid = lax.axis_index("s") * _NC + lax.axis_index("c")
    base = wid * _ROWS

    ein = [None, None, None]
    eouts = [[], [], []]
    for j in range(2):
        ein[j] = pltpu.async_copy(
            emb_hbm.at[pl.ds(j * CH, CH), :], ebuf.at[j], ein_sem)
    for jc in range(JC):
        b = jc % 3
        ein[b].wait()
        for ii in range(_ROWS):
            eouts[b].append(pltpu.async_copy(
                ebuf.at[b],
                out_hbm.at[base + ii, pl.ds(jc * CH, CH), pl.ds(C, C)],
                eout_sem))
        nj = jc + 2
        if nj < JC:
            nb = nj % 3
            for h in eouts[nb]:
                h.wait()
            eouts[nb] = []
            ein[nb] = pltpu.async_copy(
                emb_hbm.at[pl.ds(nj * CH, CH), :], ebuf.at[nb], ein_sem)
    for hs in eouts:
        for h in hs:
            h.wait()


def _tc_body(x_ref, shell_ref, out_ref):
    del shell_ref
    out_ref[...] = x_ref[...]


_BI = 8

_tc_fill = pl.pallas_call(
    _tc_body,
    grid=(SEQ // _BI,),
    in_specs=[
        pl.BlockSpec((_BI, SEQ, C), lambda i: (i, 0, 0)),
        pl.BlockSpec(memory_space=pl.ANY),
    ],
    out_specs=pl.BlockSpec((_BI, SEQ, C), lambda i: (i, 0, 0)),
    out_shape=jax.ShapeDtypeStruct((SEQ, SEQ, 2 * C), jnp.float32),
    input_output_aliases={1: 0},
)


def kernel(x, embedding):
    shell = _sc_embed(embedding)
    return _tc_fill(x, shell)

# --- scband reference (transcript-rebuilt; emitter-appended) ---
"""Pipeline reference for scband-relative-positional-encoding-49538152792901 (READ-ONLY COPY).

The authoritative reference and input builder live on the scoring server;
editing this copy changes nothing except your own understanding.
"""

import jax, jax.numpy as jnp
import numpy as np

SEQ_LEN = 256
NUM_CHANNELS = 1024

def setup_inputs(seed: int = 0) -> dict:
    key = jax.random.key(seed)
    k1, k2 = jax.random.split(key)
    x = jax.random.normal(k1, (SEQ_LEN, SEQ_LEN, NUM_CHANNELS), dtype=jnp.float32)
    embedding = jax.random.normal(k2, (NUM_CHANNELS, NUM_CHANNELS), dtype=jnp.float32) * 0.02
    return {"x": x, "embedding": embedding}

def reference(x, embedding):
    # batch_size, seq_len = x.size(0), x.size(1); here batch_size == seq_len by construction
    seq_len = x.shape[1]
    positions = jnp.tile(jnp.arange(seq_len)[None, :], (seq_len, 1))  # [seq_len, seq_len]
    pos_embedding = jnp.take(embedding, positions, axis=0)            # [seq_len, seq_len, num_channels]
    encoded_input = jnp.concatenate([x, pos_embedding], axis=-1)      # [seq_len, seq_len, 2*num_channels]
    return encoded_input

if __name__ == "__main__":
    import jax
    _d = setup_inputs()
    print(jax.jit(kernel)(*tuple(_d.values())))

</pallas_src>

<mosaic_0001>
#map = affine_map<(d0, d1) -> (0, 0)>
#map1 = affine_map<(d0, d1) -> (0, 0, 0)>
module attributes {stable_mosaic.version = 14 : i64} {
  func.func @_sc_embed(%arg0: i32, %arg1: i32, %arg2: memref<1024x1024xf32, #tpu.memory_space<hbm>>, %arg3: memref<256x256x2048xf32, #tpu.memory_space<hbm>>, %arg4: memref<3x32x1024xf32, #tpu.memory_space<vmem>>, %arg5: memref<!tpu.dma_semaphore, #tpu.memory_space<semaphore_mem>>, %arg6: memref<!tpu.dma_semaphore, #tpu.memory_space<semaphore_mem>>) attributes {dimension_semantics = [#tpu.dimension_semantics<core_parallel>, #tpu.dimension_semantics<subcore_parallel>], iteration_bounds = array<i64: 2, 16>, scalar_prefetch = 0 : i64, scratch_operands = 3 : i64, tpu.core_type = #tpu.core_type<sc_vector_subcore>, window_params = [{transform_indices = #map}, {transform_indices = #map1}]} {
    %mul3A = arith.constant 2 : i32
    %mul3A_0 = arith.muli %arg1, %mul3A : i32
    %add3A = arith.addi %mul3A_0, %arg0 : i32
    %mul3A_1 = arith.constant 8 : i32
    %mul3A_2 = arith.muli %add3A, %mul3A_1 : i32
    %dma_start3A = arith.constant 0 : i32
    %dma_start3A_3 = arith.constant 0 : i32
    %dma_start3A_4 = arith.constant 0 : i32
    %dma_start3A_5 = tpu.memref_slice %arg4[%dma_start3A, %dma_start3A_3, %dma_start3A_4] : memref<3x32x1024xf32, #tpu.memory_space<vmem>> -> memref<1x32x1024xf32, #tpu.memory_space<vmem>>
    %dma_start3A_6 = tpu.memref_squeeze %dma_start3A_5 : memref<1x32x1024xf32, #tpu.memory_space<vmem>> -> memref<32x1024xf32, #tpu.memory_space<vmem>>
    %dma_start3A_7 = arith.constant 0 : i32
    %dma_start3A_8 = arith.constant 0 : i32
    %dma_start3A_9 = tpu.memref_slice %arg2[%dma_start3A_7, %dma_start3A_8] : memref<1024x1024xf32, #tpu.memory_space<hbm>> -> memref<32x1024xf32, #tpu.memory_space<hbm>>
    %dma_start3A_10 = arith.constant 0 : i32
    %dma_start3A_11 = arith.constant 0 : i32
    %dma_start3A_12 = tpu.memref_slice %arg4[%dma_start3A, %dma_start3A_10, %dma_start3A_11] : memref<3x32x1024xf32, #tpu.memory_space<vmem>> -> memref<1x32x1024xf32, #tpu.memory_space<vmem>>
    %dma_start3A_13 = tpu.memref_squeeze %dma_start3A_12 : memref<1x32x1024xf32, #tpu.memory_space<vmem>> -> memref<32x1024xf32, #tpu.memory_space<vmem>>
    %dma_start3A_14 = arith.constant 0 : i32
    %dma_start3A_15 = arith.constant 0 : i32
    %dma_start3A_16 = tpu.memref_slice %arg2[%dma_start3A_14, %dma_start3A_15] : memref<1024x1024xf32, #tpu.memory_space<hbm>> -> memref<32x1024xf32, #tpu.memory_space<hbm>>
    tpu.enqueue_dma source(%dma_start3A_16 : memref<32x1024xf32, #tpu.memory_space<hbm>>) target(%dma_start3A_13 : memref<32x1024xf32, #tpu.memory_space<vmem>>) target_semaphore(%arg5 : memref<!tpu.dma_semaphore, #tpu.memory_space<semaphore_mem>>)
    %dma_start3A_17 = arith.constant 1 : i32
    %dma_start3A_18 = arith.constant 0 : i32
    %dma_start3A_19 = arith.constant 0 : i32
    %dma_start3A_20 = tpu.memref_slice %arg4[%dma_start3A_17, %dma_start3A_18, %dma_start3A_19] : memref<3x32x1024xf32, #tpu.memory_space<vmem>> -> memref<1x32x1024xf32, #tpu.memory_space<vmem>>
    %dma_start3A_21 = tpu.memref_squeeze %dma_start3A_20 : memref<1x32x1024xf32, #tpu.memory_space<vmem>> -> memref<32x1024xf32, #tpu.memory_space<vmem>>
    %dma_start3A_22 = arith.constant 32 : i32
    %dma_start3A_23 = arith.constant 0 : i32
    %dma_start3A_24 = tpu.memref_slice %arg2[%dma_start3A_22, %dma_start3A_23] : memref<1024x1024xf32, #tpu.memory_space<hbm>> -> memref<32x1024xf32, #tpu.memory_space<hbm>>
    %dma_start3A_25 = arith.constant 0 : i32
    %dma_start3A_26 = arith.constant 0 : i32
    %dma_start3A_27 = tpu.memref_slice %arg4[%dma_start3A_17, %dma_start3A_25, %dma_start3A_26] : memref<3x32x1024xf32, #tpu.memory_space<vmem>> -> memref<1x32x1024xf32, #tpu.memory_space<vmem>>
    %dma_start3A_28 = tpu.memref_squeeze %dma_start3A_27 : memref<1x32x1024xf32, #tpu.memory_space<vmem>> -> memref<32x1024xf32, #tpu.memory_space<vmem>>
    %dma_start3A_29 = arith.constant 32 : i32
    %dma_start3A_30 = arith.constant 0 : i32
    %dma_start3A_31 = tpu.memref_slice %arg2[%dma_start3A_29, %dma_start3A_30] : memref<1024x1024xf32, #tpu.memory_space<hbm>> -> memref<32x1024xf32, #tpu.memory_space<hbm>>
    tpu.enqueue_dma source(%dma_start3A_31 : memref<32x1024xf32, #tpu.memory_space<hbm>>) target(%dma_start3A_28 : memref<32x1024xf32, #tpu.memory_space<vmem>>) target_semaphore(%arg5 : memref<!tpu.dma_semaphore, #tpu.memory_space<semaphore_mem>>)
    %dma_wait3A = arith.constant 0 : i32
    %dma_wait3A_32 = arith.constant 0 : i32
    %dma_wait3A_33 = arith.constant 0 : i32
    %dma_wait3A_34 = tpu.memref_slice %arg4[%dma_wait3A, %dma_wait3A_32, %dma_wait3A_33] : memref<3x32x1024xf32, #tpu.memory_space<vmem>> -> memref<1x32x1024xf32, #tpu.memory_space<vmem>>
    %dma_wait3A_35 = tpu.memref_squeeze %dma_wait3A_34 : memref<1x32x1024xf32, #tpu.memory_space<vmem>> -> memref<32x1024xf32, #tpu.memory_space<vmem>>
    %dma_wait3A_36 = arith.constant 0 : i32
    %dma_wait3A_37 = arith.constant 0 : i32
    %dma_wait3A_38 = tpu.memref_slice %arg2[%dma_wait3A_36, %dma_wait3A_37] : memref<1024x1024xf32, #tpu.memory_space<hbm>> -> memref<32x1024xf32, #tpu.memory_space<hbm>>
    %dma_wait3A_39 = arith.constant 0 : i32
    %dma_wait3A_40 = arith.constant 0 : i32
    %dma_wait3A_41 = tpu.memref_slice %arg4[%dma_wait3A, %dma_wait3A_39, %dma_wait3A_40] : memref<3x32x1024xf32, #tpu.memory_space<vmem>> -> memref<1x32x1024xf32, #tpu.memory_space<vmem>>
    %dma_wait3A_42 = tpu.memref_squeeze %dma_wait3A_41 : memref<1x32x1024xf32, #tpu.memory_space<vmem>> -> memref<32x1024xf32, #tpu.memory_space<vmem>>
    %dma_wait3A_43 = arith.constant 0 : i32
    %dma_wait3A_44 = arith.constant 0 : i32
    %dma_wait3A_45 = tpu.memref_slice %arg2[%dma_wait3A_43, %dma_wait3A_44] : memref<1024x1024xf32, #tpu.memory_space<hbm>> -> memref<32x1024xf32, #tpu.memory_space<hbm>>
    tpu.wait_dma2 semaphore(%arg5 : memref<!tpu.dma_semaphore, #tpu.memory_space<semaphore_mem>>) src(%dma_wait3A_45 : memref<32x1024xf32, #tpu.memory_space<hbm>>) dst(%dma_wait3A_42 : memref<32x1024xf32, #tpu.memory_space<vmem>>)
    %add3A_46 = arith.constant 0 : i32
    %add3A_47 = arith.addi %mul3A_2, %add3A_46 : i32
    %dma_start3A_48 = arith.constant 0 : i32
    %dma_start3A_49 = arith.constant 0 : i32
    %dma_start3A_50 = arith.constant 0 : i32
    %dma_start3A_51 = tpu.memref_slice %arg4[%dma_start3A_48, %dma_start3A_49, %dma_start3A_50] : memref<3x32x1024xf32, #tpu.memory_space<vmem>> -> memref<1x32x1024xf32, #tpu.memory_space<vmem>>
    %dma_start3A_52 = tpu.memref_squeeze %dma_start3A_51 : memref<1x32x1024xf32, #tpu.memory_space<vmem>> -> memref<32x1024xf32, #tpu.memory_space<vmem>>
    %dma_start3A_53 = arith.constant 0 : i32
    %dma_start3A_54 = arith.constant 1024 : i32
    %dma_start3A_55 = tpu.memref_slice %arg3[%add3A_47, %dma_start3A_53, %dma_start3A_54] : memref<256x256x2048xf32, #tpu.memory_space<hbm>> -> memref<1x32x1024xf32, #tpu.memory_space<hbm>>
    %dma_start3A_56 = tpu.memref_squeeze %dma_start3A_55 : memref<1x32x1024xf32, #tpu.memory_space<hbm>> -> memref<32x1024xf32, #tpu.memory_space<hbm>>
    %dma_start3A_57 = arith.constant 0 : i32
    %dma_start3A_58 = arith.constant 1024 : i32
    %dma_start3A_59 = tpu.memref_slice %arg3[%add3A_47, %dma_start3A_57, %dma_start3A_58] : memref<256x256x2048xf32, #tpu.memory_space<hbm>> -> memref<1x32x1024xf32, #tpu.memory_space<hbm>>
    %dma_start3A_60 = tpu.memref_squeeze %dma_start3A_59 : memref<1x32x1024xf32, #tpu.memory_space<hbm>> -> memref<32x1024xf32, #tpu.memory_space<hbm>>
    %dma_start3A_61 = arith.constant 0 : i32
    %dma_start3A_62 = arith.constant 0 : i32
    %dma_start3A_63 = tpu.memref_slice %arg4[%dma_start3A_48, %dma_start3A_61, %dma_start3A_62] : memref<3x32x1024xf32, #tpu.memory_space<vmem>> -> memref<1x32x1024xf32, #tpu.memory_space<vmem>>
    %dma_start3A_64 = tpu.memref_squeeze %dma_start3A_63 : memref<1x32x1024xf32, #tpu.memory_space<vmem>> -> memref<32x1024xf32, #tpu.memory_space<vmem>>
    tpu.enqueue_dma source(%dma_start3A_64 : memref<32x1024xf32, #tpu.memory_space<vmem>>) target(%dma_start3A_60 : memref<32x1024xf32, #tpu.memory_space<hbm>>) target_semaphore(%arg6 : memref<!tpu.dma_semaphore, #tpu.memory_space<semaphore_mem>>)
    %add3A_65 = arith.constant 1 : i32
    %add3A_66 = arith.addi %mul3A_2, %add3A_65 : i32
    %dma_start3A_67 = arith.constant 0 : i32
    %dma_start3A_68 = arith.constant 0 : i32
    %dma_start3A_69 = arith.constant 0 : i32
    %dma_start3A_70 = tpu.memref_slice %arg4[%dma_start3A_67, %dma_start3A_68, %dma_start3A_69] : memref<3x32x1024xf32, #tpu.memory_space<vmem>> -> memref<1x32x1024xf32, #tpu.memory_space<vmem>>
    %dma_start3A_71 = tpu.memref_squeeze %dma_start3A_70 : memref<1x32x1024xf32, #tpu.memory_space<vmem>> -> memref<32x1024xf32, #tpu.memory_space<vmem>>
    %dma_start3A_72 = arith.constant 0 : i32
    %dma_start3A_73 = arith.constant 1024 : i32
    %dma_start3A_74 = tpu.memref_slice %arg3[%add3A_66, %dma_start3A_72, %dma_start3A_73] : memref<256x256x2048xf32, #tpu.memory_space<hbm>> -> memref<1x32x1024xf32, #tpu.memory_space<hbm>>
    %dma_start3A_75 = tpu.memref_squeeze %dma_start3A_74 : memref<1x32x1024xf32, #tpu.memory_space<hbm>> -> memref<32x1024xf32, #tpu.memory_space<hbm>>
    %dma_start3A_76 = arith.constant 0 : i32
    %dma_start3A_77 = arith.constant 1024 : i32
    %dma_start3A_78 = tpu.memref_slice %arg3[%add3A_66, %dma_start3A_76, %dma_start3A_77] : memref<256x256x2048xf32, #tpu.memory_space<hbm>> -> memref<1x32x1024xf32, #tpu.memory_space<hbm>>
    %dma_start3A_79 = tpu.memref_squeeze %dma_start3A_78 : memref<1x32x1024xf32, #tpu.memory_space<hbm>> -> memref<32x1024xf32, #tpu.memory_space<hbm>>
    %dma_start3A_80 = arith.constant 0 : i32
    %dma_start3A_81 = arith.constant 0 : i32
    %dma_start3A_82 = tpu.memref_slice %arg4[%dma_start3A_67, %dma_start3A_80, %dma_start3A_81] : memref<3x32x1024xf32, #tpu.memory_space<vmem>> -> memref<1x32x1024xf32, #tpu.memory_space<vmem>>
    %dma_start3A_83 = tpu.memref_squeeze %dma_start3A_82 : memref<1x32x1024xf32, #tpu.memory_space<vmem>> -> memref<32x1024xf32, #tpu.memory_space<vmem>>
    tpu.enqueue_dma source(%dma_start3A_83 : memref<32x1024xf32, #tpu.memory_space<vmem>>) target(%dma_start3A_79 : memref<32x1024xf32, #tpu.memory_space<hbm>>) target_semaphore(%arg6 : memref<!tpu.dma_semaphore, #tpu.memory_space<semaphore_mem>>)
    %add3A_84 = arith.constant 2 : i32
    %add3A_85 = arith.addi %mul3A_2, %add3A_84 : i32
    %dma_start3A_86 = arith.constant 0 : i32
    %dma_start3A_87 = arith.constant 0 : i32
    %dma_start3A_88 = arith.constant 0 : i32
    %dma_start3A_89 = tpu.memref_slice %arg4[%dma_start3A_86, %dma_start3A_87, %dma_start3A_88] : memref<3x32x1024xf32, #tpu.memory_space<vmem>> -> memref<1x32x1024xf32, #tpu.memory_space<vmem>>
    %dma_start3A_90 = tpu.memref_squeeze %dma_start3A_89 : memref<1x32x1024xf32, #tpu.memory_space<vmem>> -> memref<32x1024xf32, #tpu.memory_space<vmem>>
    %dma_start3A_91 = arith.constant 0 : i32
    %dma_start3A_92 = arith.constant 1024 : i32
    %dma_start3A_93 = tpu.memref_slice %arg3[%add3A_85, %dma_start3A_91, %dma_start3A_92] : memref<256x256x2048xf32, #tpu.memory_space<hbm>> -> memref<1x32x1024xf32, #tpu.memory_space<hbm>>
    %dma_start3A_94 = tpu.memref_squeeze %dma_start3A_93 : memref<1x32x1024xf32, #tpu.memory_space<hbm>> -> memref<32x1024xf32, #tpu.memory_space<hbm>>
    %dma_start3A_95 = arith.constant 0 : i32
    %dma_start3A_96 = arith.constant 1024 : i32
    %dma_start3A_97 = tpu.memref_slice %arg3[%add3A_85, %dma_start3A_95, %dma_start3A_96] : memref<256x256x2048xf32, #tpu.memory_space<hbm>> -> memref<1x32x1024xf32, #tpu.memory_space<hbm>>
    %dma_start3A_98 = tpu.memref_squeeze %dma_start3A_97 : memref<1x32x1024xf32, #tpu.memory_space<hbm>> -> memref<32x1024xf32, #tpu.memory_space<hbm>>
    %dma_start3A_99 = arith.constant 0 : i32
    %dma_start3A_100 = arith.constant 0 : i32
    %dma_start3A_101 = tpu.memref_slice %arg4[%dma_start3A_86, %dma_start3A_99, %dma_start3A_100] : memref<3x32x1024xf32, #tpu.memory_space<vmem>> -> memref<1x32x1024xf32, #tpu.memory_space<vmem>>
    %dma_start3A_102 = tpu.memref_squeeze %dma_start3A_101 : memref<1x32x1024xf32, #tpu.memory_space<vmem>> -> memref<32x1024xf32, #tpu.memory_space<vmem>>
    tpu.enqueue_dma source(%dma_start3A_102 : memref<32x1024xf32, #tpu.memory_space<vmem>>) target(%dma_start3A_98 : memref<32x1024xf32, #tpu.memory_space<hbm>>) target_semaphore(%arg6 : memref<!tpu.dma_semaphore, #tpu.memory_space<semaphore_mem>>)
    %add3A_103 = arith.constant 3 : i32
    %add3A_104 = arith.addi %mul3A_2, %add3A_103 : i32
    %dma_start3A_105 = arith.constant 0 : i32
    %dma_start3A_106 = arith.constant 0 : i32
    %dma_start3A_107 = arith.constant 0 : i32
    %dma_start3A_108 = tpu.memref_slice %arg4[%dma_start3A_105, %dma_start3A_106, %dma_start3A_107] : memref<3x32x1024xf32, #tpu.memory_space<vmem>> -> memref<1x32x1024xf32, #tpu.memory_space<vmem>>
    %dma_start3A_109 = tpu.memref_squeeze %dma_start3A_108 : memref<1x32x1024xf32, #tpu.memory_space<vmem>> -> memref<32x1024xf32, #tpu.memory_space<vmem>>
    %dma_start3A_110 = arith.constant 0 : i32
    %dma_start3A_111 = arith.constant 1024 : i32
    %dma_start3A_112 = tpu.memref_slice %arg3[%add3A_104, %dma_start3A_110, %dma_start3A_111] : memref<256x256x2048xf32, #tpu.memory_space<hbm>> -> memref<1x32x1024xf32, #tpu.memory_space<hbm>>
    %dma_start3A_113 = tpu.memref_squeeze %dma_start3A_112 : memref<1x32x1024xf32, #tpu.memory_space<hbm>> -> memref<32x1024xf32, #tpu.memory_space<hbm>>
    %dma_start3A_114 = arith.constant 0 : i32
    %dma_start3A_115 = arith.constant 1024 : i32
    %dma_start3A_116 = tpu.memref_slice %arg3[%add3A_104, %dma_start3A_114, %dma_start3A_115] : memref<256x256x2048xf32, #tpu.memory_space<hbm>> -> memref<1x32x1024xf32, #tpu.memory_space<hbm>>
    %dma_start3A_117 = tpu.memref_squeeze %dma_start3A_116 : memref<1x32x1024xf32, #tpu.memory_space<hbm>> -> memref<32x1024xf32, #tpu.memory_space<hbm>>
    %dma_start3A_118 = arith.constant 0 : i32
    %dma_start3A_119 = arith.constant 0 : i32
    %dma_start3A_120 = tpu.memref_slice %arg4[%dma_start3A_105, %dma_start3A_118, %dma_start3A_119] : memref<3x32x1024xf32, #tpu.memory_space<vmem>> -> memref<1x32x1024xf32, #tpu.memory_space<vmem>>
    %dma_start3A_121 = tpu.memref_squeeze %dma_start3A_120 : memref<1x32x1024xf32, #tpu.memory_space<vmem>> -> memref<32x1024xf32, #tpu.memory_space<vmem>>
    tpu.enqueue_dma source(%dma_start3A_121 : memref<32x1024xf32, #tpu.memory_space<vmem>>) target(%dma_start3A_117 : memref<32x1024xf32, #tpu.memory_space<hbm>>) target_semaphore(%arg6 : memref<!tpu.dma_semaphore, #tpu.memory_space<semaphore_mem>>)
    %add3A_122 = arith.constant 4 : i32
    %add3A_123 = arith.addi %mul3A_2, %add3A_122 : i32
    %dma_start3A_124 = arith.constant 0 : i32
    %dma_start3A_125 = arith.constant 0 : i32
    %dma_start3A_126 = arith.constant 0 : i32
    %dma_start3A_127 = tpu.memref_slice %arg4[%dma_start3A_124, %dma_start3A_125, %dma_start3A_126] : memref<3x32x1024xf32, #tpu.memory_space<vmem>> -> memref<1x32x1024xf32, #tpu.memory_space<vmem>>
    %dma_start3A_128 = tpu.memref_squeeze %dma_start3A_127 : memref<1x32x1024xf32, #tpu.memory_space<vmem>> -> memref<32x1024xf32, #tpu.memory_space<vmem>>
    %dma_start3A_129 = arith.constant 0 : i32
    %dma_start3A_130 = arith.constant 1024 : i32
    %dma_start3A_131 = tpu.memref_slice %arg3[%add3A_123, %dma_start3A_129, %dma_start3A_130] : memref<256x256x2048xf32, #tpu.memory_space<hbm>> -> memref<1x32x1024xf32, #tpu.memory_space<hbm>>
    %dma_start3A_132 = tpu.memref_squeeze %dma_start3A_131 : memref<1x32x1024xf32, #tpu.memory_space<hbm>> -> memref<32x1024xf32, #tpu.memory_space<hbm>>
    %dma_start3A_133 = arith.constant 0 : i32
    %dma_start3A_134 = arith.constant 1024 : i32
    %dma_start3A_135 = tpu.memref_slice %arg3[%add3A_123, %dma_start3A_133, %dma_start3A_134] : memref<256x256x2048xf32, #tpu.memory_space<hbm>> -> memref<1x32x1024xf32, #tpu.memory_space<hbm>>
    %dma_start3A_136 = tpu.memref_squeeze %dma_start3A_135 : memref<1x32x1024xf32, #tpu.memory_space<hbm>> -> memref<32x1024xf32, #tpu.memory_space<hbm>>
    %dma_start3A_137 = arith.constant 0 : i32
    %dma_start3A_138 = arith.constant 0 : i32
    %dma_start3A_139 = tpu.memref_slice %arg4[%dma_start3A_124, %dma_start3A_137, %dma_start3A_138] : memref<3x32x1024xf32, #tpu.memory_space<vmem>> -> memref<1x32x1024xf32, #tpu.memory_space<vmem>>
    %dma_start3A_140 = tpu.memref_squeeze %dma_start3A_139 : memref<1x32x1024xf32, #tpu.memory_space<vmem>> -> memref<32x1024xf32, #tpu.memory_space<vmem>>
    tpu.enqueue_dma source(%dma_start3A_140 : memref<32x1024xf32, #tpu.memory_space<vmem>>) target(%dma_start3A_136 : memref<32x1024xf32, #tpu.memory_space<hbm>>) target_semaphore(%arg6 : memref<!tpu.dma_semaphore, #tpu.memory_space<semaphore_mem>>)
    %add3A_141 = arith.constant 5 : i32
    %add3A_142 = arith.addi %mul3A_2, %add3A_141 : i32
    %dma_start3A_143 = arith.constant 0 : i32
    %dma_start3A_144 = arith.constant 0 : i32
    %dma_start3A_145 = arith.constant 0 : i32
    %dma_start3A_146 = tpu.memref_slice %arg4[%dma_start3A_143, %dma_start3A_144, %dma_start3A_145] : memref<3x32x1024xf32, #tpu.memory_space<vmem>> -> memref<1x32x1024xf32, #tpu.memory_space<vmem>>
    %dma_start3A_147 = tpu.memref_squeeze %dma_start3A_146 : memref<1x32x1024xf32, #tpu.memory_space<vmem>> -> memref<32x1024xf32, #tpu.memory_space<vmem>>
    %dma_start3A_148 = arith.constant 0 : i32
    %dma_start3A_149 = arith.constant 1024 : i32
    %dma_start3A_150 = tpu.memref_slice %arg3[%add3A_142, %dma_start3A_148, %dma_start3A_149] : memref<256x256x2048xf32, #tpu.memory_space<hbm>> -> memref<1x32x1024xf32, #tpu.memory_space<hbm>>
    %dma_start3A_151 = tpu.memref_squeeze %dma_start3A_150 : memref<1x32x1024xf32, #tpu.memory_space<hbm>> -> memref<32x1024xf32, #tpu.memory_space<hbm>>
    %dma_start3A_152 = arith.constant 0 : i32
    %dma_start3A_153 = arith.constant 1024 : i32
    %dma_start3A_154 = tpu.memref_slice %arg3[%add3A_142, %dma_start3A_152, %dma_start3A_153] : memref<256x256x2048xf32, #tpu.memory_space<hbm>> -> memref<1x32x1024xf32, #tpu.memory_space<hbm>>
    %dma_start3A_155 = tpu.memref_squeeze %dma_start3A_154 : memref<1x32x1024xf32, #tpu.memory_space<hbm>> -> memref<32x1024xf32, #tpu.memory_space<hbm>>
    %dma_start3A_156 = arith.constant 0 : i32
    %dma_start3A_157 = arith.constant 0 : i32
    %dma_start3A_158 = tpu.memref_slice %arg4[%dma_start3A_143, %dma_start3A_156, %dma_start3A_157] : memref<3x32x1024xf32, #tpu.memory_space<vmem>> -> memref<1x32x1024xf32, #tpu.memory_space<vmem>>
    %dma_start3A_159 = tpu.memref_squeeze %dma_start3A_158 : memref<1x32x1024xf32, #tpu.memory_space<vmem>> -> memref<32x1024xf32, #tpu.memory_space<vmem>>
    tpu.enqueue_dma source(%dma_start3A_159 : memref<32x1024xf32, #tpu.memory_space<vmem>>) target(%dma_start3A_155 : memref<32x1024xf32, #tpu.memory_space<hbm>>) target_semaphore(%arg6 : memref<!tpu.dma_semaphore, #tpu.memory_space<semaphore_mem>>)
    %add3A_160 = arith.constant 6 : i32
    %add3A_161 = arith.addi %mul3A_2, %add3A_160 : i32
    %dma_start3A_162 = arith.constant 0 : i32
    %dma_start3A_163 = arith.constant 0 : i32
    %dma_start3A_164 = arith.constant 0 : i32
    %dma_start3A_165 = tpu.memref_slice %arg4[%dma_start3A_162, %dma_start3A_163, %dma_start3A_164] : memref<3x32x1024xf32, #tpu.memory_space<vmem>> -> memref<1x32x1024xf32, #tpu.memory_space<vmem>>
    %dma_start3A_166 = tpu.memref_squeeze %dma_start3A_165 : memref<1x32x1024xf32, #tpu.memory_space<vmem>> -> memref<32x1024xf32, #tpu.memory_space<vmem>>
    %dma_start3A_167 = arith.constant 0 : i32
    %dma_start3A_168 = arith.constant 1024 : i32
    %dma_start3A_169 = tpu.memref_slice %arg3[%add3A_161, %dma_start3A_167, %dma_start3A_168] : memref<256x256x2048xf32, #tpu.memory_space<hbm>> -> memref<1x32x1024xf32, #tpu.memory_space<hbm>>
    %dma_start3A_170 = tpu.memref_squeeze %dma_start3A_169 : memref<1x32x1024xf32, #tpu.memory_space<hbm>> -> memref<32x1024xf32, #tpu.memory_space<hbm>>
    %dma_start3A_171 = arith.constant 0 : i32
    %dma_start3A_172 = arith.constant 1024 : i32
    %dma_start3A_173 = tpu.memref_slice %arg3[%add3A_161, %dma_start3A_171, %dma_start3A_172] : memref<256x256x2048xf32, #tpu.memory_space<hbm>> -> memref<1x32x1024xf32, #tpu.memory_space<hbm>>
    %dma_start3A_174 = tpu.memref_squeeze %dma_start3A_173 : memref<1x32x1024xf32, #tpu.memory_space<hbm>> -> memref<32x1024xf32, #tpu.memory_space<hbm>>
    %dma_start3A_175 = arith.constant 0 : i32
    %dma_start3A_176 = arith.constant 0 : i32
    %dma_start3A_177 = tpu.memref_slice %arg4[%dma_start3A_162, %dma_start3A_175, %dma_start3A_176] : memref<3x32x1024xf32, #tpu.memory_space<vmem>> -> memref<1x32x1024xf32, #tpu.memory_space<vmem>>
    %dma_start3A_178 = tpu.memref_squeeze %dma_start3A_177 : memref<1x32x1024xf32, #tpu.memory_space<vmem>> -> memref<32x1024xf32, #tpu.memory_space<vmem>>
    tpu.enqueue_dma source(%dma_start3A_178 : memref<32x1024xf32, #tpu.memory_space<vmem>>) target(%dma_start3A_174 : memref<32x1024xf32, #tpu.memory_space<hbm>>) target_semaphore(%arg6 : memref<!tpu.dma_semaphore, #tpu.memory_space<semaphore_mem>>)
    %add3A_179 = arith.constant 7 : i32
    %add3A_180 = arith.addi %mul3A_2, %add3A_179 : i32
    %dma_start3A_181 = arith.constant 0 : i32
    %dma_start3A_182 = arith.constant 0 : i32
    %dma_start3A_183 = arith.constant 0 : i32
    %dma_start3A_184 = tpu.memref_slice %arg4[%dma_start3A_181, %dma_start3A_182, %dma_start3A_183] : memref<3x32x1024xf32, #tpu.memory_space<vmem>> -> memref<1x32x1024xf32, #tpu.memory_space<vmem>>
    %dma_start3A_185 = tpu.memref_squeeze %dma_start3A_184 : memref<1x32x1024xf32, #tpu.memory_space<vmem>> -> memref<32x1024xf32, #tpu.memory_space<vmem>>
    %dma_start3A_186 = arith.constant 0 : i32
    %dma_start3A_187 = arith.constant 1024 : i32
    %dma_start3A_188 = tpu.memref_slice %arg3[%add3A_180, %dma_start3A_186, %dma_start3A_187] : memref<256x256x2048xf32, #tpu.memory_space<hbm>> -> memref<1x32x1024xf32, #tpu.memory_space<hbm>>
    %dma_start3A_189 = tpu.memref_squeeze %dma_start3A_188 : memref<1x32x1024xf32, #tpu.memory_space<hbm>> -> memref<32x1024xf32, #tpu.memory_space<hbm>>
    %dma_start3A_190 = arith.constant 0 : i32
    %dma_start3A_191 = arith.constant 1024 : i32
    %dma_start3A_192 = tpu.memref_slice %arg3[%add3A_180, %dma_start3A_190, %dma_start3A_191] : memref<256x256x2048xf32, #tpu.memory_space<hbm>> -> memref<1x32x1024xf32, #tpu.memory_space<hbm>>
    %dma_start3A_193 = tpu.memref_squeeze %dma_start3A_192 : memref<1x32x1024xf32, #tpu.memory_space<hbm>> -> memref<32x1024xf32, #tpu.memory_space<hbm>>
    %dma_start3A_194 = arith.constant 0 : i32
    %dma_start3A_195 = arith.constant 0 : i32
    %dma_start3A_196 = tpu.memref_slice %arg4[%dma_start3A_181, %dma_start3A_194, %dma_start3A_195] : memref<3x32x1024xf32, #tpu.memory_space<vmem>> -> memref<1x32x1024xf32, #tpu.memory_space<vmem>>
    %dma_start3A_197 = tpu.memref_squeeze %dma_start3A_196 : memref<1x32x1024xf32, #tpu.memory_space<vmem>> -> memref<32x1024xf32, #tpu.memory_space<vmem>>
    tpu.enqueue_dma source(%dma_start3A_197 : memref<32x1024xf32, #tpu.memory_space<vmem>>) target(%dma_start3A_193 : memref<32x1024xf32, #tpu.memory_space<hbm>>) target_semaphore(%arg6 : memref<!tpu.dma_semaphore, #tpu.memory_space<semaphore_mem>>)
    %dma_start3A_198 = arith.constant 2 : i32
    %dma_start3A_199 = arith.constant 0 : i32
    %dma_start3A_200 = arith.constant 0 : i32
    %dma_start3A_201 = tpu.memref_slice %arg4[%dma_start3A_198, %dma_start3A_199, %dma_start3A_200] : memref<3x32x1024xf32, #tpu.memory_space<vmem>> -> memref<1x32x1024xf32, #tpu.memory_space<vmem>>
    %dma_start3A_202 = tpu.memref_squeeze %dma_start3A_201 : memref<1x32x1024xf32, #tpu.memory_space<vmem>> -> memref<32x1024xf32, #tpu.memory_space<vmem>>
    %dma_start3A_203 = arith.constant 64 : i32
    %dma_start3A_204 = arith.constant 0 : i32
    %dma_start3A_205 = tpu.memref_slice %arg2[%dma_start3A_203, %dma_start3A_204] : memref<1024x1024xf32, #tpu.memory_space<hbm>> -> memref<32x1024xf32, #tpu.memory_space<hbm>>
    %dma_start3A_206 = arith.constant 0 : i32
    %dma_start3A_207 = arith.constant 0 : i32
    %dma_start3A_208 = tpu.memref_slice %arg4[%dma_start3A_198, %dma_start3A_206, %dma_start3A_207] : memref<3x32x1024xf32, #tpu.memory_space<vmem>> -> memref<1x32x1024xf32, #tpu.memory_space<vmem>>
    %dma_start3A_209 = tpu.memref_squeeze %dma_start3A_208 : memref<1x32x1024xf32, #tpu.memory_space<vmem>> -> memref<32x1024xf32, #tpu.memory_space<vmem>>
    %dma_start3A_210 = arith.constant 64 : i32
    %dma_start3A_211 = arith.constant 0 : i32
    %dma_start3A_212 = tpu.memref_slice %arg2[%dma_start3A_210, %dma_start3A_211] : memref<1024x1024xf32, #tpu.memory_space<hbm>> -> memref<32x1024xf32, #tpu.memory_space<hbm>>
    tpu.enqueue_dma source(%dma_start3A_212 : memref<32x1024xf32, #tpu.memory_space<hbm>>) target(%dma_start3A_209 : memref<32x1024xf32, #tpu.memory_space<vmem>>) target_semaphore(%arg5 : memref<!tpu.dma_semaphore, #tpu.memory_space<semaphore_mem>>)
    %dma_wait3A_213 = arith.constant 1 : i32
    %dma_wait3A_214 = arith.constant 0 : i32
    %dma_wait3A_215 = arith.constant 0 : i32
    %dma_wait3A_216 = tpu.memref_slice %arg4[%dma_wait3A_213, %dma_wait3A_214, %dma_wait3A_215] : memref<3x32x1024xf32, #tpu.memory_space<vmem>> -> memref<1x32x1024xf32, #tpu.memory_space<vmem>>
    %dma_wait3A_217 = tpu.memref_squeeze %dma_wait3A_216 : memref<1x32x1024xf32, #tpu.memory_space<vmem>> -> memref<32x1024xf32, #tpu.memory_space<vmem>>
    %dma_wait3A_218 = arith.constant 32 : i32
    %dma_wait3A_219 = arith.constant 0 : i32
    %dma_wait3A_220 = tpu.memref_slice %arg2[%dma_wait3A_218, %dma_wait3A_219] : memref<1024x1024xf32, #tpu.memory_space<hbm>> -> memref<32x1024xf32, #tpu.memory_space<hbm>>
    %dma_wait3A_221 = arith.constant 0 : i32
    %dma_wait3A_222 = arith.constant 0 : i32
    %dma_wait3A_223 = tpu.memref_slice %arg4[%dma_wait3A_213, %dma_wait3A_221, %dma_wait3A_222] : memref<3x32x1024xf32, #tpu.memory_space<vmem>> -> memref<1x32x1024xf32, #tpu.memory_space<vmem>>
    %dma_wait3A_224 = tpu.memref_squeeze %dma_wait3A_223 : memref<1x32x1024xf32, #tpu.memory_space<vmem>> -> memref<32x1024xf32, #tpu.memory_space<vmem>>
    %dma_wait3A_225 = arith.constant 32 : i32
    %dma_wait3A_226 = arith.constant 0 : i32
    %dma_wait3A_227 = tpu.memref_slice %arg2[%dma_wait3A_225, %dma_wait3A_226] : memref<1024x1024xf32, #tpu.memory_space<hbm>> -> memref<32x1024xf32, #tpu.memory_space<hbm>>
    tpu.wait_dma2 semaphore(%arg5 : memref<!tpu.dma_semaphore, #tpu.memory_space<semaphore_mem>>) src(%dma_wait3A_227 : memref<32x1024xf32, #tpu.memory_space<hbm>>) dst(%dma_wait3A_224 : memref<32x1024xf32, #tpu.memory_space<vmem>>)
    %add3A_228 = arith.constant 0 : i32
    %add3A_229 = arith.addi %mul3A_2, %add3A_228 : i32
    %dma_start3A_230 = arith.constant 1 : i32
    %dma_start3A_231 = arith.constant 0 : i32
    %dma_start3A_232 = arith.constant 0 : i32
    %dma_start3A_233 = tpu.memref_slice %arg4[%dma_start3A_230, %dma_start3A_231, %dma_start3A_232] : memref<3x32x1024xf32, #tpu.memory_space<vmem>> -> memref<1x32x1024xf32, #tpu.memory_space<vmem>>
    %dma_start3A_234 = tpu.memref_squeeze %dma_start3A_233 : memref<1x32x1024xf32, #tpu.memory_space<vmem>> -> memref<32x1024xf32, #tpu.memory_space<vmem>>
    %dma_start3A_235 = arith.constant 32 : i32
    %dma_start3A_236 = arith.constant 1024 : i32
    %dma_start3A_237 = tpu.memref_slice %arg3[%add3A_229, %dma_start3A_235, %dma_start3A_236] : memref<256x256x2048xf32, #tpu.memory_space<hbm>> -> memref<1x32x1024xf32, #tpu.memory_space<hbm>>
    %dma_start3A_238 = tpu.memref_squeeze %dma_start3A_237 : memref<1x32x1024xf32, #tpu.memory_space<hbm>> -> memref<32x1024xf32, #tpu.memory_space<hbm>>
    %dma_start3A_239 = arith.constant 32 : i32
    %dma_start3A_240 = arith.constant 1024 : i32
    %dma_start3A_241 = tpu.memref_slice %arg3[%add3A_229, %dma_start3A_239, %dma_start3A_240] : memref<256x256x2048xf32, #tpu.memory_space<hbm>> -> memref<1x32x1024xf32, #tpu.memory_space<hbm>>
    %dma_start3A_242 = tpu.memref_squeeze %dma_start3A_241 : memref<1x32x1024xf32, #tpu.memory_space<hbm>> -> memref<32x1024xf32, #tpu.memory_space<hbm>>
    %dma_start3A_243 = arith.constant 0 : i32
    %dma_start3A_244 = arith.constant 0 : i32
    %dma_start3A_245 = tpu.memref_slice %arg4[%dma_start3A_230, %dma_start3A_243, %dma_start3A_244] : memref<3x32x1024xf32, #tpu.memory_space<vmem>> -> memref<1x32x1024xf32, #tpu.memory_space<vmem>>
    %dma_start3A_246 = tpu.memref_squeeze %dma_start3A_245 : memref<1x32x1024xf32, #tpu.memory_space<vmem>> -> memref<32x1024xf32, #tpu.memory_space<vmem>>
    tpu.enqueue_dma source(%dma_start3A_246 : memref<32x1024xf32, #tpu.memory_space<vmem>>) target(%dma_start3A_242 : memref<32x1024xf32, #tpu.memory_space<hbm>>) target_semaphore(%arg6 : memref<!tpu.dma_semaphore, #tpu.memory_space<semaphore_mem>>)
    %add3A_247 = arith.constant 1 : i32
    %add3A_248 = arith.addi %mul3A_2, %add3A_247 : i32
    %dma_start3A_249 = arith.constant 1 : i32
    %dma_start3A_250 = arith.constant 0 : i32
    %dma_start3A_251 = arith.constant 0 : i32
    %dma_start3A_252 = tpu.memref_slice %arg4[%dma_start3A_249, %dma_start3A_250, %dma_start3A_251] : memref<3x32x1024xf32, #tpu.memory_space<vmem>> -> memref<1x32x1024xf32, #tpu.memory_space<vmem>>
    %dma_start3A_253 = tpu.memref_squeeze %dma_start3A_252 : memref<1x32x1024xf32, #tpu.memory_space<vmem>> -> memref<32x1024xf32, #tpu.memory_space<vmem>>
    %dma_start3A_254 = arith.constant 32 : i32
    %dma_start3A_255 = arith.constant 1024 : i32
    %dma_start3A_256 = tpu.memref_slice %arg3[%add3A_248, %dma_start3A_254, %dma_start3A_255] : memref<256x256x2048xf32, #tpu.memory_space<hbm>> -> memref<1x32x1024xf32, #tpu.memory_space<hbm>>
    %dma_start3A_257 = tpu.memref_squeeze %dma_start3A_256 : memref<1x32x1024xf32, #tpu.memory_space<hbm>> -> memref<32x1024xf32, #tpu.memory_space<hbm>>
    %dma_start3A_258 = arith.constant 32 : i32
    %dma_start3A_259 = arith.constant 1024 : i32
    %dma_start3A_260 = tpu.memref_slice %arg3[%add3A_248, %dma_start3A_258, %dma_start3A_259] : memref<256x256x2048xf32, #tpu.memory_space<hbm>> -> memref<1x32x1024xf32, #tpu.memory_space<hbm>>
    %dma_start3A_261 = tpu.memref_squeeze %dma_start3A_260 : memref<1x32x1024xf32, #tpu.memory_space<hbm>> -> memref<32x1024xf32, #tpu.memory_space<hbm>>
    %dma_start3A_262 = arith.constant 0 : i32
    %dma_start3A_263 = arith.constant 0 : i32
    %dma_start3A_264 = tpu.memref_slice %arg4[%dma_start3A_249, %dma_start3A_262, %dma_start3A_263] : memref<3x32x1024xf32, #tpu.memory_space<vmem>> -> memref<1x32x1024xf32, #tpu.memory_space<vmem>>
    %dma_start3A_265 = tpu.memref_squeeze %dma_start3A_264 : memref<1x32x1024xf32, #tpu.memory_space<vmem>> -> memref<32x1024xf32, #tpu.memory_space<vmem>>
    tpu.enqueue_dma source(%dma_start3A_265 : memref<32x1024xf32, #tpu.memory_space<vmem>>) target(%dma_start3A_261 : memref<32x1024xf32, #tpu.memory_space<hbm>>) target_semaphore(%arg6 : memref<!tpu.dma_semaphore, #tpu.memory_space<semaphore_mem>>)
    %add3A_266 = arith.constant 2 : i32
    %add3A_267 = arith.addi %mul3A_2, %add3A_266 : i32
    %dma_start3A_268 = arith.constant 1 : i32
    %dma_start3A_269 = arith.constant 0 : i32
    %dma_start3A_270 = arith.constant 0 : i32
    %dma_start3A_271 = tpu.memref_slice %arg4[%dma_start3A_268, %dma_start3A_269, %dma_start3A_270] : memref<3x32x1024xf32, #tpu.memory_space<vmem>> -> memref<1x32x1024xf32, #tpu.memory_space<vmem>>
    %dma_start3A_272 = tpu.memref_squeeze %dma_start3A_271 : memref<1x32x1024xf32, #tpu.memory_space<vmem>> -> memref<32x1024xf32, #tpu.memory_space<vmem>>
    %dma_start3A_273 = arith.constant 32 : i32
    %dma_start3A_274 = arith.constant 1024 : i32
    %dma_start3A_275 = tpu.memref_slice %arg3[%add3A_267, %dma_start3A_273, %dma_start3A_274] : memref<256x256x2048xf32, #tpu.memory_space<hbm>> -> memref<1x32x1024xf32, #tpu.memory_space<hbm>>
    %dma_start3A_276 = tpu.memref_squeeze %dma_start3A_275 : memref<1x32x1024xf32, #tpu.memory_space<hbm>> -> memref<32x1024xf32, #tpu.memory_space<hbm>>
    %dma_start3A_277 = arith.constant 32 : i32
    %dma_start3A_278 = arith.constant 1024 : i32
    %dma_start3A_279 = tpu.memref_slice %arg3[%add3A_267, %dma_start3A_277, %dma_start3A_278] : memref<256x256x2048xf32, #tpu.memory_space<hbm>> -> memref<1x32x1024xf32, #tpu.memory_space<hbm>>
    %dma_start3A_280 = tpu.memref_squeeze %dma_start3A_279 : memref<1x32x1024xf32, #tpu.memory_space<hbm>> -> memref<32x1024xf32, #tpu.memory_space<hbm>>
    %dma_start3A_281 = arith.constant 0 : i32
    %dma_start3A_282 = arith.constant 0 : i32
    %dma_start3A_283 = tpu.memref_slice %arg4[%dma_start3A_268, %dma_start3A_281, %dma_start3A_282] : memref<3x32x1024xf32, #tpu.memory_space<vmem>> -> memref<1x32x1024xf32, #tpu.memory_space<vmem>>
    %dma_start3A_284 = tpu.memref_squeeze %dma_start3A_283 : memref<1x32x1024xf32, #tpu.memory_space<vmem>> -> memref<32x1024xf32, #tpu.memory_space<vmem>>
    tpu.enqueue_dma source(%dma_start3A_284 : memref<32x1024xf32, #tpu.memory_space<vmem>>) target(%dma_start3A_280 : memref<32x1024xf32, #tpu.memory_space<hbm>>) target_semaphore(%arg6 : memref<!tpu.dma_semaphore, #tpu.memory_space<semaphore_mem>>)
    %add3A_285 = arith.constant 3 : i32
    %add3A_286 = arith.addi %mul3A_2, %add3A_285 : i32
    %dma_start3A_287 = arith.constant 1 : i32
    %dma_start3A_288 = arith.constant 0 : i32
    %dma_start3A_289 = arith.constant 0 : i32
    %dma_start3A_290 = tpu.memref_slice %arg4[%dma_start3A_287, %dma_start3A_288, %dma_start3A_289] : memref<3x32x1024xf32, #tpu.memory_space<vmem>> -> memref<1x32x1024xf32, #tpu.memory_space<vmem>>
    %dma_start3A_291 = tpu.memref_squeeze %dma_start3A_290 : memref<1x32x1024xf32, #tpu.memory_space<vmem>> -> memref<32x1024xf32, #tpu.memory_space<vmem>>
    %dma_start3A_292 = arith.constant 32 : i32
    %dma_start3A_293 = arith.constant 1024 : i32
    %dma_start3A_294 = tpu.memref_slice %arg3[%add3A_286, %dma_start3A_292, %dma_start3A_293] : memref<256x256x2048xf32, #tpu.memory_space<hbm>> -> memref<1x32x1024xf32, #tpu.memory_space<hbm>>
    %dma_start3A_295 = tpu.memref_squeeze %dma_start3A_294 : memref<1x32x1024xf32, #tpu.memory_space<hbm>> -> memref<32x1024xf32, #tpu.memory_space<hbm>>
    %dma_start3A_296 = arith.constant 32 : i32
    %dma_start3A_297 = arith.constant 1024 : i32
    %dma_start3A_298 = tpu.memref_slice %arg3[%add3A_286, %dma_start3A_296, %dma_start3A_297] : memref<256x256x2048xf32, #tpu.memory_space<hbm>> -> memref<1x32x1024xf32, #tpu.memory_space<hbm>>
    %dma_start3A_299 = tpu.memref_squeeze %dma_start3A_298 : memref<1x32x1024xf32, #tpu.memory_space<hbm>> -> memref<32x1024xf32, #tpu.memory_space<hbm>>
    %dma_start3A_300 = arith.constant 0 : i32
    %dma_start3A_301 = arith.constant 0 : i32
    %dma_start3A_302 = tpu.memref_slice %arg4[%dma_start3A_287, %dma_start3A_300, %dma_start3A_301] : memref<3x32x1024xf32, #tpu.memory_space<vmem>> -> memref<1x32x1024xf32, #tpu.memory_space<vmem>>
    %dma_start3A_303 = tpu.memref_squeeze %dma_start3A_302 : memref<1x32x1024xf32, #tpu.memory_space<vmem>> -> memref<32x1024xf32, #tpu.memory_space<vmem>>
    tpu.enqueue_dma source(%dma_start3A_303 : memref<32x1024xf32, #tpu.memory_space<vmem>>) target(%dma_start3A_299 : memref<32x1024xf32, #tpu.memory_space<hbm>>) target_semaphore(%arg6 : memref<!tpu.dma_semaphore, #tpu.memory_space<semaphore_mem>>)
    %add3A_304 = arith.constant 4 : i32
    %add3A_305 = arith.addi %mul3A_2, %add3A_304 : i32
    %dma_start3A_306 = arith.constant 1 : i32
    %dma_start3A_307 = arith.constant 0 : i32
    %dma_start3A_308 = arith.constant 0 : i32
    %dma_start3A_309 = tpu.memref_slice %arg4[%dma_start3A_306, %dma_start3A_307, %dma_start3A_308] : memref<3x32x1024xf32, #tpu.memory_space<vmem>> -> memref<1x32x1024xf32, #tpu.memory_space<vmem>>
    %dma_start3A_310 = tpu.memref_squeeze %dma_start3A_309 : memref<1x32x1024xf32, #tpu.memory_space<vmem>> -> memref<32x1024xf32, #tpu.memory_space<vmem>>
    %dma_start3A_311 = arith.constant 32 : i32
    %dma_start3A_312 = arith.constant 1024 : i32
    %dma_start3A_313 = tpu.memref_slice %arg3[%add3A_305, %dma_start3A_311, %dma_start3A_312] : memref<256x256x2048xf32, #tpu.memory_space<hbm>> -> memref<1x32x1024xf32, #tpu.memory_space<hbm>>
    %dma_start3A_314 = tpu.memref_squeeze %dma_start3A_313 : memref<1x32x1024xf32, #tpu.memory_space<hbm>> -> memref<32x1024xf32, #tpu.memory_space<hbm>>
    %dma_start3A_315 = arith.constant 32 : i32
    %dma_start3A_316 = arith.constant 1024 : i32
    %dma_start3A_317 = tpu.memref_slice %arg3[%add3A_305, %dma_start3A_315, %dma_start3A_316] : memref<256x256x2048xf32, #tpu.memory_space<hbm>> -> memref<1x32x1024xf32, #tpu.memory_space<hbm>>
    %dma_start3A_318 = tpu.memref_squeeze %dma_start3A_317 : memref<1x32x1024xf32, #tpu.memory_space<hbm>> -> memref<32x1024xf32, #tpu.memory_space<hbm>>
    %dma_start3A_319 = arith.constant 0 : i32
    %dma_start3A_320 = arith.constant 0 : i32
    %dma_start3A_321 = tpu.memref_slice %arg4[%dma_start3A_306, %dma_start3A_319, %dma_start3A_320] : memref<3x32x1024xf32, #tpu.memory_space<vmem>> -> memref<1x32x1024xf32, #tpu.memory_space<vmem>>
    %dma_start3A_322 = tpu.memref_squeeze %dma_start3A_321 : memref<1x32x1024xf32, #tpu.memory_space<vmem>> -> memref<32x1024xf32, #tpu.memory_space<vmem>>
    tpu.enqueue_dma source(%dma_start3A_322 : memref<32x1024xf32, #tpu.memory_space<vmem>>) target(%dma_start3A_318 : memref<32x1024xf32, #tpu.memory_space<hbm>>) target_semaphore(%arg6 : memref<!tpu.dma_semaphore, #tpu.memory_space<semaphore_mem>>)
    %add3A_323 = arith.constant 5 : i32
    %add3A_324 = arith.addi %mul3A_2, %add3A_323 : i32
    %dma_start3A_325 = arith.constant 1 : i32
    %dma_start3A_326 = arith.constant 0 : i32
    %dma_start3A_327 = arith.constant 0 : i32
    %dma_start3A_328 = tpu.memref_slice %arg4[%dma_start3A_325, %dma_start3A_326, %dma_start3A_327] : memref<3x32x1024xf32, #tpu.memory_space<vmem>> -> memref<1x32x1024xf32, #tpu.memory_space<vmem>>
    %dma_start3A_329 = tpu.memref_squeeze %dma_start3A_328 : memref<1x32x1024xf32, #tpu.memory_space<vmem>> -> memref<32x1024xf32, #tpu.memory_space<vmem>>
    %dma_start3A_330 = arith.constant 32 : i32
    %dma_start3A_331 = arith.constant 1024 : i32
    %dma_start3A_332 = tpu.memref_slice %arg3[%add3A_324, %dma_start3A_330, %dma_start3A_331] : memref<256x256x2048xf32, #tpu.memory_space<hbm>> -> memref<1x32x1024xf32, #tpu.memory_space<hbm>>
    %dma_start3A_333 = tpu.memref_squeeze %dma_start3A_332 : memref<1x32x1024xf32, #tpu.memory_space<hbm>> -> memref<32x1024xf32, #tpu.memory_space<hbm>>
    %dma_start3A_334 = arith.constant 32 : i32
    %dma_start3A_335 = arith.constant 1024 : i32
    %dma_start3A_336 = tpu.memref_slice %arg3[%add3A_324, %dma_start3A_334, %dma_start3A_335] : memref<256x256x2048xf32, #tpu.memory_space<hbm>> -> memref<1x32x1024xf32, #tpu.memory_space<hbm>>
    %dma_start3A_337 = tpu.memref_squeeze %dma_start3A_336 : memref<1x32x1024xf32, #tpu.memory_space<hbm>> -> memref<32x1024xf32, #tpu.memory_space<hbm>>
    %dma_start3A_338 = arith.constant 0 : i32
    %dma_start3A_339 = arith.constant 0 : i32
    %dma_start3A_340 = tpu.memref_slice %arg4[%dma_start3A_325, %dma_start3A_338, %dma_start3A_339] : memref<3x32x1024xf32, #tpu.memory_space<vmem>> -> memref<1x32x1024xf32, #tpu.memory_space<vmem>>
    %dma_start3A_341 = tpu.memref_squeeze %dma_start3A_340 : memref<1x32x1024xf32, #tpu.memory_space<vmem>> -> memref<32x1024xf32, #tpu.memory_space<vmem>>
    tpu.enqueue_dma source(%dma_start3A_341 : memref<32x1024xf32, #tpu.memory_space<vmem>>) target(%dma_start3A_337 : memref<32x1024xf32, #tpu.memory_space<hbm>>) target_semaphore(%arg6 : memref<!tpu.dma_semaphore, #tpu.memory_space<semaphore_mem>>)
    %add3A_342 = arith.constant 6 : i32
    %add3A_343 = arith.addi %mul3A_2, %add3A_342 : i32
    %dma_start3A_344 = arith.constant 1 : i32
    %dma_start3A_345 = arith.constant 0 : i32
    %dma_start3A_346 = arith.constant 0 : i32
    %dma_start3A_347 = tpu.memref_slice %arg4[%dma_start3A_344, %dma_start3A_345, %dma_start3A_346] : memref<3x32x1024xf32, #tpu.memory_space<vmem>> -> memref<1x32x1024xf32, #tpu.memory_space<vmem>>
    %dma_start3A_348 = tpu.memref_squeeze %dma_start3A_347 : memref<1x32x1024xf32, #tpu.memory_space<vmem>> -> memref<32x1024xf32, #tpu.memory_space<vmem>>
    %dma_start3A_349 = arith.constant 32 : i32
    %dma_start3A_350 = arith.constant 1024 : i32
    %dma_start3A_351 = tpu.memref_slice %arg3[%add3A_343, %dma_start3A_349, %dma_start3A_350] : memref<256x256x2048xf32, #tpu.memory_space<hbm>> -> memref<1x32x1024xf32, #tpu.memory_space<hbm>>
    %dma_start3A_352 = tpu.memref_squeeze %dma_start3A_351 : memref<1x32x1024xf32, #tpu.memory_space<hbm>> -> memref<32x1024xf32, #tpu.memory_space<hbm>>
    %dma_start3A_353 = arith.constant 32 : i32
    %dma_start3A_354 = arith.constant 1024 : i32
    %dma_start3A_355 = tpu.memref_slice %arg3[%add3A_343, %dma_start3A_353, %dma_start3A_354] : memref<256x256x2048xf32, #tpu.memory_space<hbm>> -> memref<1x32x1024xf32, #tpu.memory_space<hbm>>
    %dma_start3A_356 = tpu.memref_squeeze %dma_start3A_355 : memref<1x32x1024xf32, #tpu.memory_space<hbm>> -> memref<32x1024xf32, #tpu.memory_space<hbm>>
    %dma_start3A_357 = arith.constant 0 : i32
    %dma_start3A_358 = arith.constant 0 : i32
    %dma_start3A_359 = tpu.memref_slice %arg4[%dma_start3A_344, %dma_start3A_357, %dma_start3A_358] : memref<3x32x1024xf32, #tpu.memory_space<vmem>> -> memref<1x32x1024xf32, #tpu.memory_space<vmem>>
    %dma_start3A_360 = tpu.memref_squeeze %dma_start3A_359 : memref<1x32x1024xf32, #tpu.memory_space<vmem>> -> memref<32x1024xf32, #tpu.memory_space<vmem>>
    tpu.enqueue_dma source(%dma_start3A_360 : memref<32x1024xf32, #tpu.memory_space<vmem>>) target(%dma_start3A_356 : memref<32x1024xf32, #tpu.memory_space<hbm>>) target_semaphore(%arg6 : memref<!tpu.dma_semaphore, #tpu.memory_space<semaphore_mem>>)
    %add3A_361 = arith.constant 7 : i32
    %add3A_362 = arith.addi %mul3A_2, %add3A_361 : i32
    %dma_start3A_363 = arith.constant 1 : i32
    %dma_start3A_364 = arith.constant 0 : i32
    %dma_start3A_365 = arith.constant 0 : i32
    %dma_start3A_366 = tpu.memref_slice %arg4[%dma_start3A_363, %dma_start3A_364, %dma_start3A_365] : memref<3x32x1024xf32, #tpu.memory_space<vmem>> -> memref<1x32x1024xf32, #tpu.memory_space<vmem>>
    %dma_start3A_367 = tpu.memref_squeeze %dma_start3A_366 : memref<1x32x1024xf32, #tpu.memory_space<vmem>> -> memref<32x1024xf32, #tpu.memory_space<vmem>>
    %dma_start3A_368 = arith.constant 32 : i32
    %dma_start3A_369 = arith.constant 1024 : i32
    %dma_start3A_370 = tpu.memref_slice %arg3[%add3A_362, %dma_start3A_368, %dma_start3A_369] : memref<256x256x2048xf32, #tpu.memory_space<hbm>> -> memref<1x32x1024xf32, #tpu.memory_space<hbm>>
    %dma_start3A_371 = tpu.memref_squeeze %dma_start3A_370 : memref<1x32x1024xf32, #tpu.memory_space<hbm>> -> memref<32x1024xf32, #tpu.memory_space<hbm>>
    %dma_start3A_372 = arith.constant 32 : i32
    %dma_start3A_373 = arith.constant 1024 : i32
    %dma_start3A_374 = tpu.memref_slice %arg3[%add3A_362, %dma_start3A_372, %dma_start3A_373] : memref<256x256x2048xf32, #tpu.memory_space<hbm>> -> memref<1x32x1024xf32, #tpu.memory_space<hbm>>
    %dma_start3A_375 = tpu.memref_squeeze %dma_start3A_374 : memref<1x32x1024xf32, #tpu.memory_space<hbm>> -> memref<32x1024xf32, #tpu.memory_space<hbm>>
    %dma_start3A_376 = arith.constant 0 : i32
    %dma_start3A_377 = arith.constant 0 : i32
    %dma_start3A_378 = tpu.memref_slice %arg4[%dma_start3A_363, %dma_start3A_376, %dma_start3A_377] : memref<3x32x1024xf32, #tpu.memory_space<vmem>> -> memref<1x32x1024xf32, #tpu.memory_space<vmem>>
    %dma_start3A_379 = tpu.memref_squeeze %dma_start3A_378 : memref<1x32x1024xf32, #tpu.memory_space<vmem>> -> memref<32x1024xf32, #tpu.memory_space<vmem>>
    tpu.enqueue_dma source(%dma_start3A_379 : memref<32x1024xf32, #tpu.memory_space<vmem>>) target(%dma_start3A_375 : memref<32x1024xf32, #tpu.memory_space<hbm>>) target_semaphore(%arg6 : memref<!tpu.dma_semaphore, #tpu.memory_space<semaphore_mem>>)
    %dma_wait3A_380 = arith.constant 0 : i32
    %dma_wait3A_381 = arith.constant 0 : i32
    %dma_wait3A_382 = arith.constant 0 : i32
    %dma_wait3A_383 = tpu.memref_slice %arg4[%dma_wait3A_380, %dma_wait3A_381, %dma_wait3A_382] : memref<3x32x1024xf32, #tpu.memory_space<vmem>> -> memref<1x32x1024xf32, #tpu.memory_space<vmem>>
    %dma_wait3A_384 = tpu.memref_squeeze %dma_wait3A_383 : memref<1x32x1024xf32, #tpu.memory_space<vmem>> -> memref<32x1024xf32, #tpu.memory_space<vmem>>
    %dma_wait3A_385 = arith.constant 0 : i32
    %dma_wait3A_386 = arith.constant 1024 : i32
    %dma_wait3A_387 = tpu.memref_slice %arg3[%add3A_47, %dma_wait3A_385, %dma_wait3A_386] : memref<256x256x2048xf32, #tpu.memory_space<hbm>> -> memref<1x32x1024xf32, #tpu.memory_space<hbm>>
    %dma_wait3A_388 = tpu.memref_squeeze %dma_wait3A_387 : memref<1x32x1024xf32, #tpu.memory_space<hbm>> -> memref<32x1024xf32, #tpu.memory_space<hbm>>
    %dma_wait3A_389 = arith.constant 0 : i32
    %dma_wait3A_390 = arith.constant 1024 : i32
    %dma_wait3A_391 = tpu.memref_slice %arg3[%add3A_47, %dma_wait3A_389, %dma_wait3A_390] : memref<256x256x2048xf32, #tpu.memory_space<hbm>> -> memref<1x32x1024xf32, #tpu.memory_space<hbm>>
    %dma_wait3A_392 = tpu.memref_squeeze %dma_wait3A_391 : memref<1x32x1024xf32, #tpu.memory_space<hbm>> -> memref<32x1024xf32, #tpu.memory_space<hbm>>
    %dma_wait3A_393 = arith.constant 0 : i32
    %dma_wait3A_394 = arith.constant 0 : i32
    %dma_wait3A_395 = tpu.memref_slice %arg4[%dma_wait3A_380, %dma_wait3A_393, %dma_wait3A_394] : memref<3x32x1024xf32, #tpu.memory_space<vmem>> -> memref<1x32x1024xf32, #tpu.memory_space<vmem>>
    %dma_wait3A_396 = tpu.memref_squeeze %dma_wait3A_395 : memref<1x32x1024xf32, #tpu.memory_space<vmem>> -> memref<32x1024xf32, #tpu.memory_space<vmem>>
    tpu.wait_dma2 semaphore(%arg6 : memref<!tpu.dma_semaphore, #tpu.memory_space<semaphore_mem>>) src(%dma_wait3A_396 : memref<32x1024xf32, #tpu.memory_space<vmem>>) dst(%dma_wait3A_392 : memref<32x1024xf32, #tpu.memory_space<hbm>>)
    %dma_wait3A_397 = arith.constant 0 : i32
    %dma_wait3A_398 = arith.constant 0 : i32
    %dma_wait3A_399 = arith.constant 0 : i32
    %dma_wait3A_400 = tpu.memref_slice %arg4[%dma_wait3A_397, %dma_wait3A_398, %dma_wait3A_399] : memref<3x32x1024xf32, #tpu.memory_space<vmem>> -> memref<1x32x1024xf32, #tpu.memory_space<vmem>>
    %dma_wait3A_401 = tpu.memref_squeeze %dma_wait3A_400 : memref<1x32x1024xf32, #tpu.memory_space<vmem>> -> memref<32x1024xf32, #tpu.memory_space<vmem>>
    %dma_wait3A_402 = arith.constant 0 : i32
    %dma_wait3A_403 = arith.constant 1024 : i32
    %dma_wait3A_404 = tpu.memref_slice %arg3[%add3A_66, %dma_wait3A_402, %dma_wait3A_403] : memref<256x256x2048xf32, #tpu.memory_space<hbm>> -> memref<1x32x1024xf32, #tpu.memory_space<hbm>>
    %dma_wait3A_405 = tpu.memref_squeeze %dma_wait3A_404 : memref<1x32x1024xf32, #tpu.memory_space<hbm>> -> memref<32x1024xf32, #tpu.memory_space<hbm>>
    %dma_wait3A_406 = arith.constant 0 : i32
    %dma_wait3A_407 = arith.constant 1024 : i32
    %dma_wait3A_408 = tpu.memref_slice %arg3[%add3A_66, %dma_wait3A_406, %dma_wait3A_407] : memref<256x256x2048xf32, #tpu.memory_space<hbm>> -> memref<1x32x1024xf32, #tpu.memory_space<hbm>>
    %dma_wait3A_409 = tpu.memref_squeeze %dma_wait3A_408 : memref<1x32x1024xf32, #tpu.memory_space<hbm>> -> memref<32x1024xf32, #tpu.memory_space<hbm>>
    %dma_wait3A_410 = arith.constant 0 : i32
    %dma_wait3A_411 = arith.constant 0 : i32
    %dma_wait3A_412 = tpu.memref_slice %arg4[%dma_wait3A_397, %dma_wait3A_410, %dma_wait3A_411] : memref<3x32x1024xf32, #tpu.memory_space<vmem>> -> memref<1x32x1024xf32, #tpu.memory_space<vmem>>
    %dma_wait3A_413 = tpu.memref_squeeze %dma_wait3A_412 : memref<1x32x1024xf32, #tpu.memory_space<vmem>> -> memref<32x1024xf32, #tpu.memory_space<vmem>>
    tpu.wait_dma2 semaphore(%arg6 : memref<!tpu.dma_semaphore, #tpu.memory_space<semaphore_mem>>) src(%dma_wait3A_413 : memref<32x1024xf32, #tpu.memory_space<vmem>>) dst(%dma_wait3A_409 : memref<32x1024xf32, #tpu.memory_space<hbm>>)
    %dma_wait3A_414 = arith.constant 0 : i32
    %dma_wait3A_415 = arith.constant 0 : i32
    %dma_wait3A_416 = arith.constant 0 : i32
    %dma_wait3A_417 = tpu.memref_slice %arg4[%dma_wait3A_414, %dma_wait3A_415, %dma_wait3A_416] : memref<3x32x1024xf32, #tpu.memory_space<vmem>> -> memref<1x32x1024xf32, #tpu.memory_space<vmem>>
    %dma_wait3A_418 = tpu.memref_squeeze %dma_wait3A_417 : memref<1x32x1024xf32, #tpu.memory_space<vmem>> -> memref<32x1024xf32, #tpu.memory_space<vmem>>
    %dma_wait3A_419 = arith.constant 0 : i32
    %dma_wait3A_420 = arith.constant 1024 : i32
    %dma_wait3A_421 = tpu.memref_slice %arg3[%add3A_85, %dma_wait3A_419, %dma_wait3A_420] : memref<256x256x2048xf32, #tpu.memory_space<hbm>> -> memref<1x32x1024xf32, #tpu.memory_space<hbm>>
    %dma_wait3A_422 = tpu.memref_squeeze %dma_wait3A_421 : memref<1x32x1024xf32, #tpu.memory_space<hbm>> -> memref<32x1024xf32, #tpu.memory_space<hbm>>
    %dma_wait3A_423 = arith.constant 0 : i32
    %dma_wait3A_424 = arith.constant 1024 : i32
    %dma_wait3A_425 = tpu.memref_slice %arg3[%add3A_85, %dma_wait3A_423, %dma_wait3A_424] : memref<256x256x2048xf32, #tpu.memory_space<hbm>> -> memref<1x32x1024xf32, #tpu.memory_space<hbm>>
    %dma_wait3A_426 = tpu.memref_squeeze %dma_wait3A_425 : memref<1x32x1024xf32, #tpu.memory_space<hbm>> -> memref<32x1024xf32, #tpu.memory_space<hbm>>
    %dma_wait3A_427 = arith.constant 0 : i32
    %dma_wait3A_428 = arith.constant 0 : i32
    %dma_wait3A_429 = tpu.memref_slice %arg4[%dma_wait3A_414, %dma_wait3A_427, %dma_wait3A_428] : memref<3x32x1024xf32, #tpu.memory_space<vmem>> -> memref<1x32x1024xf32, #tpu.memory_space<vmem>>
    %dma_wait3A_430 = tpu.memref_squeeze %dma_wait3A_429 : memref<1x32x1024xf32, #tpu.memory_space<vmem>> -> memref<32x1024xf32, #tpu.memory_space<vmem>>
    tpu.wait_dma2 semaphore(%arg6 : memref<!tpu.dma_semaphore, #tpu.memory_space<semaphore_mem>>) src(%dma_wait3A_430 : memref<32x1024xf32, #tpu.memory_space<vmem>>) dst(%dma_wait3A_426 : memref<32x1024xf32, #tpu.memory_space<hbm>>)
    %dma_wait3A_431 = arith.constant 0 : i32
    %dma_wait3A_432 = arith.constant 0 : i32
    %dma_wait3A_433 = arith.constant 0 : i32
    %dma_wait3A_434 = tpu.memref_slice %arg4[%dma_wait3A_431, %dma_wait3A_432, %dma_wait3A_433] : memref<3x32x1024xf32, #tpu.memory_space<vmem>> -> memref<1x32x1024xf32, #tpu.memory_space<vmem>>
    %dma_wait3A_435 = tpu.memref_squeeze %dma_wait3A_434 : memref<1x32x1024xf32, #tpu.memory_space<vmem>> -> memref<32x1024xf32, #tpu.memory_space<vmem>>
    %dma_wait3A_436 = arith.constant 0 : i32
    %dma_wait3A_437 = arith.constant 1024 : i32
    %dma_wait3A_438 = tpu.memref_slice %arg3[%add3A_104, %dma_wait3A_436, %dma_wait3A_437] : memref<256x256x2048xf32, #tpu.memory_space<hbm>> -> memref<1x32x1024xf32, #tpu.memory_space<hbm>>
    %dma_wait3A_439 = tpu.memref_squeeze %dma_wait3A_438 : memref<1x32x1024xf32, #tpu.memory_space<hbm>> -> memref<32x1024xf32, #tpu.memory_space<hbm>>
    %dma_wait3A_440 = arith.constant 0 : i32
    %dma_wait3A_441 = arith.constant 1024 : i32
    %dma_wait3A_442 = tpu.memref_slice %arg3[%add3A_104, %dma_wait3A_440, %dma_wait3A_441] : memref<256x256x2048xf32, #tpu.memory_space<hbm>> -> memref<1x32x1024xf32, #tpu.memory_space<hbm>>
    %dma_wait3A_443 = tpu.memref_squeeze %dma_wait3A_442 : memref<1x32x1024xf32, #tpu.memory_space<hbm>> -> memref<32x1024xf32, #tpu.memory_space<hbm>>
    %dma_wait3A_444 = arith.constant 0 : i32
    %dma_wait3A_445 = arith.constant 0 : i32
    %dma_wait3A_446 = tpu.memref_slice %arg4[%dma_wait3A_431, %dma_wait3A_444, %dma_wait3A_445] : memref<3x32x1024xf32, #tpu.memory_space<vmem>> -> memref<1x32x1024xf32, #tpu.memory_space<vmem>>
    %dma_wait3A_447 = tpu.memref_squeeze %dma_wait3A_446 : memref<1x32x1024xf32, #tpu.memory_space<vmem>> -> memref<32x1024xf32, #tpu.memory_space<vmem>>
    tpu.wait_dma2 semaphore(%arg6 : memref<!tpu.dma_semaphore, #tpu.memory_space<semaphore_mem>>) src(%dma_wait3A_447 : memref<32x1024xf32, #tpu.memory_space<vmem>>) dst(%dma_wait3A_443 : memref<32x1024xf32, #tpu.memory_space<hbm>>)
    %dma_wait3A_448 = arith.constant 0 : i32
    %dma_wait3A_449 = arith.constant 0 : i32
    %dma_wait3A_450 = arith.constant 0 : i32
    %dma_wait3A_451 = tpu.memref_slice %arg4[%dma_wait3A_448, %dma_wait3A_449, %dma_wait3A_450] : memref<3x32x1024xf32, #tpu.memory_space<vmem>> -> memref<1x32x1024xf32, #tpu.memory_space<vmem>>
    %dma_wait3A_452 = tpu.memref_squeeze %dma_wait3A_451 : memref<1x32x1024xf32, #tpu.memory_space<vmem>> -> memref<32x1024xf32, #tpu.memory_space<vmem>>
    %dma_wait3A_453 = arith.constant 0 : i32
    %dma_wait3A_454 = arith.constant 1024 : i32
    %dma_wait3A_455 = tpu.memref_slice %arg3[%add3A_123, %dma_wait3A_453, %dma_wait3A_454] : memref<256x256x2048xf32, #tpu.memory_space<hbm>> -> memref<1x32x1024xf32, #tpu.memory_space<hbm>>
    %dma_wait3A_456 = tpu.memref_squeeze %dma_wait3A_455 : memref<1x32x1024xf32, #tpu.memory_space<hbm>> -> memref<32x1024xf32, #tpu.memory_space<hbm>>
    %dma_wait3A_457 = arith.constant 0 : i32
    %dma_wait3A_458 = arith.constant 1024 : i32
    %dma_wait3A_459 = tpu.memref_slice %arg3[%add3A_123, %dma_wait3A_457, %dma_wait3A_458] : memref<256x256x2048xf32, #tpu.memory_space<hbm>> -> memref<1x32x1024xf32, #tpu.memory_space<hbm>>
    %dma_wait3A_460 = tpu.memref_squeeze %dma_wait3A_459 : memref<1x32x1024xf32, #tpu.memory_space<hbm>> -> memref<32x1024xf32, #tpu.memory_space<hbm>>
    %dma_wait3A_461 = arith.constant 0 : i32
    %dma_wait3A_462 = arith.constant 0 : i32
    %dma_wait3A_463 = tpu.memref_slice %arg4[%dma_wait3A_448, %dma_wait3A_461, %dma_wait3A_462] : memref<3x32x1024xf32, #tpu.memory_space<vmem>> -> memref<1x32x1024xf32, #tpu.memory_space<vmem>>
    %dma_wait3A_464 = tpu.memref_squeeze %dma_wait3A_463 : memref<1x32x1024xf32, #tpu.memory_space<vmem>> -> memref<32x1024xf32, #tpu.memory_space<vmem>>
    tpu.wait_dma2 semaphore(%arg6 : memref<!tpu.dma_semaphore, #tpu.memory_space<semaphore_mem>>) src(%dma_wait3A_464 : memref<32x1024xf32, #tpu.memory_space<vmem>>) dst(%dma_wait3A_460 : memref<32x1024xf32, #tpu.memory_space<hbm>>)
    %dma_wait3A_465 = arith.constant 0 : i32
    %dma_wait3A_466 = arith.constant 0 : i32
    %dma_wait3A_467 = arith.constant 0 : i32
    %dma_wait3A_468 = tpu.memref_slice %arg4[%dma_wait3A_465, %dma_wait3A_466, %dma_wait3A_467] : memref<3x32x1024xf32, #tpu.memory_space<vmem>> -> memref<1x32x1024xf32, #tpu.memory_space<vmem>>
    %dma_wait3A_469 = tpu.memref_squeeze %dma_wait3A_468 : memref<1x32x1024xf32, #tpu.memory_space<vmem>> -> memref<32x1024xf32, #tpu.memory_space<vmem>>
    %dma_wait3A_470 = arith.constant 0 : i32
    %dma_wait3A_471 = arith.constant 1024 : i32
    %dma_wait3A_472 = tpu.memref_slice %arg3[%add3A_142, %dma_wait3A_470, %dma_wait3A_471] : memref<256x256x2048xf32, #tpu.memory_space<hbm>> -> memref<1x32x1024xf32, #tpu.memory_space<hbm>>
    %dma_wait3A_473 = tpu.memref_squeeze %dma_wait3A_472 : memref<1x32x1024xf32, #tpu.memory_space<hbm>> -> memref<32x1024xf32, #tpu.memory_space<hbm>>
    %dma_wait3A_474 = arith.constant 0 : i32
    %dma_wait3A_475 = arith.constant 1024 : i32
    %dma_wait3A_476 = tpu.memref_slice %arg3[%add3A_142, %dma_wait3A_474, %dma_wait3A_475] : memref<256x256x2048xf32, #tpu.memory_space<hbm>> -> memref<1x32x1024xf32, #tpu.memory_space<hbm>>
    %dma_wait3A_477 = tpu.memref_squeeze %dma_wait3A_476 : memref<1x32x1024xf32, #tpu.memory_space<hbm>> -> memref<32x1024xf32, #tpu.memory_space<hbm>>
    %dma_wait3A_478 = arith.constant 0 : i32
    %dma_wait3A_479 = arith.constant 0 : i32
    %dma_wait3A_480 = tpu.memref_slice %arg4[%dma_wait3A_465, %dma_wait3A_478, %dma_wait3A_479] : memref<3x32x1024xf32, #tpu.memory_space<vmem>> -> memref<1x32x1024xf32, #tpu.memory_space<vmem>>
    %dma_wait3A_481 = tpu.memref_squeeze %dma_wait3A_480 : memref<1x32x1024xf32, #tpu.memory_space<vmem>> -> memref<32x1024xf32, #tpu.memory_space<vmem>>
    tpu.wait_dma2 semaphore(%arg6 : memref<!tpu.dma_semaphore, #tpu.memory_space<semaphore_mem>>) src(%dma_wait3A_481 : memref<32x1024xf32, #tpu.memory_space<vmem>>) dst(%dma_wait3A_477 : memref<32x1024xf32, #tpu.memory_space<hbm>>)
    %dma_wait3A_482 = arith.constant 0 : i32
    %dma_wait3A_483 = arith.constant 0 : i32
    %dma_wait3A_484 = arith.constant 0 : i32
    %dma_wait3A_485 = tpu.memref_slice %arg4[%dma_wait3A_482, %dma_wait3A_483, %dma_wait3A_484] : memref<3x32x1024xf32, #tpu.memory_space<vmem>> -> memref<1x32x1024xf32, #tpu.memory_space<vmem>>
    %dma_wait3A_486 = tpu.memref_squeeze %dma_wait3A_485 : memref<1x32x1024xf32, #tpu.memory_space<vmem>> -> memref<32x1024xf32, #tpu.memory_space<vmem>>
    %dma_wait3A_487 = arith.constant 0 : i32
    %dma_wait3A_488 = arith.constant 1024 : i32
    %dma_wait3A_489 = tpu.memref_slice %arg3[%add3A_161, %dma_wait3A_487, %dma_wait3A_488] : memref<256x256x2048xf32, #tpu.memory_space<hbm>> -> memref<1x32x1024xf32, #tpu.memory_space<hbm>>
    %dma_wait3A_490 = tpu.memref_squeeze %dma_wait3A_489 : memref<1x32x1024xf32, #tpu.memory_space<hbm>> -> memref<32x1024xf32, #tpu.memory_space<hbm>>
    %dma_wait3A_491 = arith.constant 0 : i32
    %dma_wait3A_492 = arith.constant 1024 : i32
    %dma_wait3A_493 = tpu.memref_slice %arg3[%add3A_161, %dma_wait3A_491, %dma_wait3A_492] : memref<256x256x2048xf32, #tpu.memory_space<hbm>> -> memref<1x32x1024xf32, #tpu.memory_space<hbm>>
    %dma_wait3A_494 = tpu.memref_squeeze %dma_wait3A_493 : memref<1x32x1024xf32, #tpu.memory_space<hbm>> -> memref<32x1024xf32, #tpu.memory_space<hbm>>
    %dma_wait3A_495 = arith.constant 0 : i32
    %dma_wait3A_496 = arith.constant 0 : i32
    %dma_wait3A_497 = tpu.memref_slice %arg4[%dma_wait3A_482, %dma_wait3A_495, %dma_wait3A_496] : memref<3x32x1024xf32, #tpu.memory_space<vmem>> -> memref<1x32x1024xf32, #tpu.memory_space<vmem>>
    %dma_wait3A_498 = tpu.memref_squeeze %dma_wait3A_497 : memref<1x32x1024xf32, #tpu.memory_space<vmem>> -> memref<32x1024xf32, #tpu.memory_space<vmem>>
    tpu.wait_dma2 semaphore(%arg6 : memref<!tpu.dma_semaphore, #tpu.memory_space<semaphore_mem>>) src(%dma_wait3A_498 : memref<32x1024xf32, #tpu.memory_space<vmem>>) dst(%dma_wait3A_494 : memref<32x1024xf32, #tpu.memory_space<hbm>>)
    %dma_wait3A_499 = arith.constant 0 : i32
    %dma_wait3A_500 = arith.constant 0 : i32
    %dma_wait3A_501 = arith.constant 0 : i32
    %dma_wait3A_502 = tpu.memref_slice %arg4[%dma_wait3A_499, %dma_wait3A_500, %dma_wait3A_501] : memref<3x32x1024xf32, #tpu.memory_space<vmem>> -> memref<1x32x1024xf32, #tpu.memory_space<vmem>>
    %dma_wait3A_503 = tpu.memref_squeeze %dma_wait3A_502 : memref<1x32x1024xf32, #tpu.memory_space<vmem>> -> memref<32x1024xf32, #tpu.memory_space<vmem>>
    %dma_wait3A_504 = arith.constant 0 : i32
    %dma_wait3A_505 = arith.constant 1024 : i32
    %dma_wait3A_506 = tpu.memref_slice %arg3[%add3A_180, %dma_wait3A_504, %dma_wait3A_505] : memref<256x256x2048xf32, #tpu.memory_space<hbm>> -> memref<1x32x1024xf32, #tpu.memory_space<hbm>>
    %dma_wait3A_507 = tpu.memref_squeeze %dma_wait3A_506 : memref<1x32x1024xf32, #tpu.memory_space<hbm>> -> memref<32x1024xf32, #tpu.memory_space<hbm>>
    %dma_wait3A_508 = arith.constant 0 : i32
    %dma_wait3A_509 = arith.constant 1024 : i32
    %dma_wait3A_510 = tpu.memref_slice %arg3[%add3A_180, %dma_wait3A_508, %dma_wait3A_509] : memref<256x256x2048xf32, #tpu.memory_space<hbm>> -> memref<1x32x1024xf32, #tpu.memory_space<hbm>>
    %dma_wait3A_511 = tpu.memref_squeeze %dma_wait3A_510 : memref<1x32x1024xf32, #tpu.memory_space<hbm>> -> memref<32x1024xf32, #tpu.memory_space<hbm>>
    %dma_wait3A_512 = arith.constant 0 : i32
    %dma_wait3A_513 = arith.constant 0 : i32
    %dma_wait3A_514 = tpu.memref_slice %arg4[%dma_wait3A_499, %dma_wait3A_512, %dma_wait3A_513] : memref<3x32x1024xf32, #tpu.memory_space<vmem>> -> memref<1x32x1024xf32, #tpu.memory_space<vmem>>
    %dma_wait3A_515 = tpu.memref_squeeze %dma_wait3A_514 : memref<1x32x1024xf32, #tpu.memory_space<vmem>> -> memref<32x1024xf32, #tpu.memory_space<vmem>>
    tpu.wait_dma2 semaphore(%arg6 : memref<!tpu.dma_semaphore, #tpu.memory_space<semaphore_mem>>) src(%dma_wait3A_515 : memref<32x1024xf32, #tpu.memory_space<vmem>>) dst(%dma_wait3A_511 : memref<32x1024xf32, #tpu.memory_space<hbm>>)
    %dma_start3A_516 = arith.constant 0 : i32
    %dma_start3A_517 = arith.constant 0 : i32
    %dma_start3A_518 = arith.constant 0 : i32
    %dma_start3A_519 = tpu.memref_slice %arg4[%dma_start3A_516, %dma_start3A_517, %dma_start3A_518] : memref<3x32x1024xf32, #tpu.memory_space<vmem>> -> memref<1x32x1024xf32, #tpu.memory_space<vmem>>
    %dma_start3A_520 = tpu.memref_squeeze %dma_start3A_519 : memref<1x32x1024xf32, #tpu.memory_space<vmem>> -> memref<32x1024xf32, #tpu.memory_space<vmem>>
    %dma_start3A_521 = arith.constant 96 : i32
    %dma_start3A_522 = arith.constant 0 : i32
    %dma_start3A_523 = tpu.memref_slice %arg2[%dma_start3A_521, %dma_start3A_522] : memref<1024x1024xf32, #tpu.memory_space<hbm>> -> memref<32x1024xf32, #tpu.memory_space<hbm>>
    %dma_start3A_524 = arith.constant 0 : i32
    %dma_start3A_525 = arith.constant 0 : i32
    %dma_start3A_526 = tpu.memref_slice %arg4[%dma_start3A_516, %dma_start3A_524, %dma_start3A_525] : memref<3x32x1024xf32, #tpu.memory_space<vmem>> -> memref<1x32x1024xf32, #tpu.memory_space<vmem>>
    %dma_start3A_527 = tpu.memref_squeeze %dma_start3A_526 : memref<1x32x1024xf32, #tpu.memory_space<vmem>> -> memref<32x1024xf32, #tpu.memory_space<vmem>>
    %dma_start3A_528 = arith.constant 96 : i32
    %dma_start3A_529 = arith.constant 0 : i32
    %dma_start3A_530 = tpu.memref_slice %arg2[%dma_start3A_528, %dma_start3A_529] : memref<1024x1024xf32, #tpu.memory_space<hbm>> -> memref<32x1024xf32, #tpu.memory_space<hbm>>
    tpu.enqueue_dma source(%dma_start3A_530 : memref<32x1024xf32, #tpu.memory_space<hbm>>) target(%dma_start3A_527 : memref<32x1024xf32, #tpu.memory_space<vmem>>) target_semaphore(%arg5 : memref<!tpu.dma_semaphore, #tpu.memory_space<semaphore_mem>>)
    %dma_wait3A_531 = arith.constant 2 : i32
    %dma_wait3A_532 = arith.constant 0 : i32
    %dma_wait3A_533 = arith.constant 0 : i32
    %dma_wait3A_534 = tpu.memref_slice %arg4[%dma_wait3A_531, %dma_wait3A_532, %dma_wait3A_533] : memref<3x32x1024xf32, #tpu.memory_space<vmem>> -> memref<1x32x1024xf32, #tpu.memory_space<vmem>>
    %dma_wait3A_535 = tpu.memref_squeeze %dma_wait3A_534 : memref<1x32x1024xf32, #tpu.memory_space<vmem>> -> memref<32x1024xf32, #tpu.memory_space<vmem>>
    %dma_wait3A_536 = arith.constant 64 : i32
    %dma_wait3A_537 = arith.constant 0 : i32
    %dma_wait3A_538 = tpu.memref_slice %arg2[%dma_wait3A_536, %dma_wait3A_537] : memref<1024x1024xf32, #tpu.memory_space<hbm>> -> memref<32x1024xf32, #tpu.memory_space<hbm>>
    %dma_wait3A_539 = arith.constant 0 : i32
    %dma_wait3A_540 = arith.constant 0 : i32
    %dma_wait3A_541 = tpu.memref_slice %arg4[%dma_wait3A_531, %dma_wait3A_539, %dma_wait3A_540] : memref<3x32x1024xf32, #tpu.memory_space<vmem>> -> memref<1x32x1024xf32, #tpu.memory_space<vmem>>
    %dma_wait3A_542 = tpu.memref_squeeze %dma_wait3A_541 : memref<1x32x1024xf32, #tpu.memory_space<vmem>> -> memref<32x1024xf32, #tpu.memory_space<vmem>>
    %dma_wait3A_543 = arith.constant 64 : i32
    %dma_wait3A_544 = arith.constant 0 : i32
    %dma_wait3A_545 = tpu.memref_slice %arg2[%dma_wait3A_543, %dma_wait3A_544] : memref<1024x1024xf32, #tpu.memory_space<hbm>> -> memref<32x1024xf32, #tpu.memory_space<hbm>>
    tpu.wait_dma2 semaphore(%arg5 : memref<!tpu.dma_semaphore, #tpu.memory_space<semaphore_mem>>) src(%dma_wait3A_545 : memref<32x1024xf32, #tpu.memory_space<hbm>>) dst(%dma_wait3A_542 : memref<32x1024xf32, #tpu.memory_space<vmem>>)
    %add3A_546 = arith.constant 0 : i32
    %add3A_547 = arith.addi %mul3A_2, %add3A_546 : i32
    %dma_start3A_548 = arith.constant 2 : i32
    %dma_start3A_549 = arith.constant 0 : i32
    %dma_start3A_550 = arith.constant 0 : i32
    %dma_start3A_551 = tpu.memref_slice %arg4[%dma_start3A_548, %dma_start3A_549, %dma_start3A_550] : memref<3x32x1024xf32, #tpu.memory_space<vmem>> -> memref<1x32x1024xf32, #tpu.memory_space<vmem>>
    %dma_start3A_552 = tpu.memref_squeeze %dma_start3A_551 : memref<1x32x1024xf32, #tpu.memory_space<vmem>> -> memref<32x1024xf32, #tpu.memory_space<vmem>>
    %dma_start3A_553 = arith.constant 64 : i32
    %dma_start3A_554 = arith.constant 1024 : i32
    %dma_start3A_555 = tpu.memref_slice %arg3[%add3A_547, %dma_start3A_553, %dma_start3A_554] : memref<256x256x2048xf32, #tpu.memory_space<hbm>> -> memref<1x32x1024xf32, #tpu.memory_space<hbm>>
    %dma_start3A_556 = tpu.memref_squeeze %dma_start3A_555 : memref<1x32x1024xf32, #tpu.memory_space<hbm>> -> memref<32x1024xf32, #tpu.memory_space<hbm>>
    %dma_start3A_557 = arith.constant 64 : i32
    %dma_start3A_558 = arith.constant 1024 : i32
    %dma_start3A_559 = tpu.memref_slice %arg3[%add3A_547, %dma_start3A_557, %dma_start3A_558] : memref<256x256x2048xf32, #tpu.memory_space<hbm>> -> memref<1x32x1024xf32, #tpu.memory_space<hbm>>
    %dma_start3A_560 = tpu.memref_squeeze %dma_start3A_559 : memref<1x32x1024xf32, #tpu.memory_space<hbm>> -> memref<32x1024xf32, #tpu.memory_space<hbm>>
    %dma_start3A_561 = arith.constant 0 : i32
    %dma_start3A_562 = arith.constant 0 : i32
    %dma_start3A_563 = tpu.memref_slice %arg4[%dma_start3A_548, %dma_start3A_561, %dma_start3A_562] : memref<3x32x1024xf32, #tpu.memory_space<vmem>> -> memref<1x32x1024xf32, #tpu.memory_space<vmem>>
    %dma_start3A_564 = tpu.memref_squeeze %dma_start3A_563 : memref<1x32x1024xf32, #tpu.memory_space<vmem>> -> memref<32x1024xf32, #tpu.memory_space<vmem>>
    tpu.enqueue_dma source(%dma_start3A_564 : memref<32x1024xf32, #tpu.memory_space<vmem>>) target(%dma_start3A_560 : memref<32x1024xf32, #tpu.memory_space<hbm>>) target_semaphore(%arg6 : memref<!tpu.dma_semaphore, #tpu.memory_space<semaphore_mem>>)
    %add3A_565 = arith.constant 1 : i32
    %add3A_566 = arith.addi %mul3A_2, %add3A_565 : i32
    %dma_start3A_567 = arith.constant 2 : i32
    %dma_start3A_568 = arith.constant 0 : i32
    %dma_start3A_569 = arith.constant 0 : i32
    %dma_start3A_570 = tpu.memref_slice %arg4[%dma_start3A_567, %dma_start3A_568, %dma_start3A_569] : memref<3x32x1024xf32, #tpu.memory_space<vmem>> -> memref<1x32x1024xf32, #tpu.memory_space<vmem>>
    %dma_start3A_571 = tpu.memref_squeeze %dma_start3A_570 : memref<1x32x1024xf32, #tpu.memory_space<vmem>> -> memref<32x1024xf32, #tpu.memory_space<vmem>>
    %dma_start3A_572 = arith.constant 64 : i32
    %dma_start3A_573 = arith.constant 1024 : i32
    %dma_start3A_574 = tpu.memref_slice %arg3[%add3A_566, %dma_start3A_572, %dma_start3A_573] : memref<256x256x2048xf32, #tpu.memory_space<hbm>> -> memref<1x32x1024xf32, #tpu.memory_space<hbm>>
    %dma_start3A_575 = tpu.memref_squeeze %dma_start3A_574 : memref<1x32x1024xf32, #tpu.memory_space<hbm>> -> memref<32x1024xf32, #tpu.memory_space<hbm>>
    %dma_start3A_576 = arith.constant 64 : i32
    %dma_start3A_577 = arith.constant 1024 : i32
    %dma_start3A_578 = tpu.memref_slice %arg3[%add3A_566, %dma_start3A_576, %dma_start3A_577] : memref<256x256x2048xf32, #tpu.memory_space<hbm>> -> memref<1x32x1024xf32, #tpu.memory_space<hbm>>
    %dma_start3A_579 = tpu.memref_squeeze %dma_start3A_578 : memref<1x32x1024xf32, #tpu.memory_space<hbm>> -> memref<32x1024xf32, #tpu.memory_space<hbm>>
    %dma_start3A_580 = arith.constant 0 : i32
    %dma_start3A_581 = arith.constant 0 : i32
    %dma_start3A_582 = tpu.memref_slice %arg4[%dma_start3A_567, %dma_start3A_580, %dma_start3A_581] : memref<3x32x1024xf32, #tpu.memory_space<vmem>> -> memref<1x32x1024xf32, #tpu.memory_space<vmem>>
    %dma_start3A_583 = tpu.memref_squeeze %dma_start3A_582 : memref<1x32x1024xf32, #tpu.memory_space<vmem>> -> memref<32x1024xf32, #tpu.memory_space<vmem>>
    tpu.enqueue_dma source(%dma_start3A_583 : memref<32x1024xf32, #tpu.memory_space<vmem>>) target(%dma_start3A_579 : memref<32x1024xf32, #tpu.memory_space<hbm>>) target_semaphore(%arg6 : memref<!tpu.dma_semaphore, #tpu.memory_space<semaphore_mem>>)
    %add3A_584 = arith.constant 2 : i32
    %add3A_585 = arith.addi %mul3A_2, %add3A_584 : i32
    %dma_start3A_586 = arith.constant 2 : i32
    %dma_start3A_587 = arith.constant 0 : i32
    %dma_start3A_588 = arith.constant 0 : i32
    %dma_start3A_589 = tpu.memref_slice %arg4[%dma_start3A_586, %dma_start3A_587, %dma_start3A_588] : memref<3x32x1024xf32, #tpu.memory_space<vmem>> -> memref<1x32x1024xf32, #tpu.memory_space<vmem>>
    %dma_start3A_590 = tpu.memref_squeeze %dma_start3A_589 : memref<1x32x1024xf32, #tpu.memory_space<vmem>> -> memref<32x1024xf32, #tpu.memory_space<vmem>>
    %dma_start3A_591 = arith.constant 64 : i32
    %dma_start3A_592 = arith.constant 1024 : i32
    %dma_start3A_593 = tpu.memref_slice %arg3[%add3A_585, %dma_start3A_591, %dma_start3A_592] : memref<256x256x2048xf32, #tpu.memory_space<hbm>> -> memref<1x32x1024xf32, #tpu.memory_space<hbm>>
    %dma_start3A_594 = tpu.memref_squeeze %dma_start3A_593 : memref<1x32x1024xf32, #tpu.memory_space<hbm>> -> memref<32x1024xf32, #tpu.memory_space<hbm>>
    %dma_start3A_595 = arith.constant 64 : i32
    %dma_start3A_596 = arith.constant 1024 : i32
    %dma_start3A_597 = tpu.memref_slice %arg3[%add3A_585, %dma_start3A_595, %dma_start3A_596] : memref<256x256x2048xf32, #tpu.memory_space<hbm>> -> memref<1x32x1024xf32, #tpu.memory_space<hbm>>
    %dma_start3A_598 = tpu.memref_squeeze %dma_start3A_597 : memref<1x32x1024xf32, #tpu.memory_space<hbm>> -> memref<32x1024xf32, #tpu.memory_space<hbm>>
    %dma_start3A_599 = arith.constant 0 : i32
    %dma_start3A_600 = arith.constant 0 : i32
    %dma_start3A_601 = tpu.memref_slice %arg4[%dma_start3A_586, %dma_start3A_599, %dma_start3A_600] : memref<3x32x1024xf32, #tpu.memory_space<vmem>> -> memref<1x32x1024xf32, #tpu.memory_space<vmem>>
    %dma_start3A_602 = tpu.memref_squeeze %dma_start3A_601 : memref<1x32x1024xf32, #tpu.memory_space<vmem>> -> memref<32x1024xf32, #tpu.memory_space<vmem>>
    tpu.enqueue_dma source(%dma_start3A_602 : memref<32x1024xf32, #tpu.memory_space<vmem>>) target(%dma_start3A_598 : memref<32x1024xf32, #tpu.memory_space<hbm>>) target_semaphore(%arg6 : memref<!tpu.dma_semaphore, #tpu.memory_space<semaphore_mem>>)
    %add3A_603 = arith.constant 3 : i32
    %add3A_604 = arith.addi %mul3A_2, %add3A_603 : i32
    %dma_start3A_605 = arith.constant 2 : i32
    %dma_start3A_606 = arith.constant 0 : i32
    %dma_start3A_607 = arith.constant 0 : i32
    %dma_start3A_608 = tpu.memref_slice %arg4[%dma_start3A_605, %dma_start3A_606, %dma_start3A_607] : memref<3x32x1024xf32, #tpu.memory_space<vmem>> -> memref<1x32x1024xf32, #tpu.memory_space<vmem>>
    %dma_start3A_609 = tpu.memref_squeeze %dma_start3A_608 : memref<1x32x1024xf32, #tpu.memory_space<vmem>> -> memref<32x1024xf32, #tpu.memory_space<vmem>>
    %dma_start3A_610 = arith.constant 64 : i32
    %dma_start3A_611 = arith.constant 1024 : i32
    %dma_start3A_612 = tpu.memref_slice %arg3[%add3A_604, %dma_start3A_610, %dma_start3A_611] : memref<256x256x2048xf32, #tpu.memory_space<hbm>> -> memref<1x32x1024xf32, #tpu.memory_space<hbm>>
    %dma_start3A_613 = tpu.memref_squeeze %dma_start3A_612 : memref<1x32x1024xf32, #tpu.memory_space<hbm>> -> memref<32x1024xf32, #tpu.memory_space<hbm>>
    %dma_start3A_614 = arith.constant 64 : i32
    %dma_start3A_615 = arith.constant 1024 : i32
    %dma_start3A_616 = tpu.memref_slice %arg3[%add3A_604, %dma_start3A_614, %dma_start3A_615] : memref<256x256x2048xf32, #tpu.memory_space<hbm>> -> memref<1x32x1024xf32, #tpu.memory_space<hbm>>
    %dma_start3A_617 = tpu.memref_squeeze %dma_start3A_616 : memref<1x32x1024xf32, #tpu.memory_space<hbm>> -> memref<32x1024xf32, #tpu.memory_space<hbm>>
    %dma_start3A_618 = arith.constant 0 : i32
    %dma_start3A_619 = arith.constant 0 : i32
    %dma_start3A_620 = tpu.memref_slice %arg4[%dma_start3A_605, %dma_start3A_618, %dma_start3A_619] : memref<3x32x1024xf32, #tpu.memory_space<vmem>> -> memref<1x32x1024xf32, #tpu.memory_space<vmem>>
    %dma_start3A_621 = tpu.memref_squeeze %dma_start3A_620 : memref<1x32x1024xf32, #tpu.memory_space<vmem>> -> memref<32x1024xf32, #tpu.memory_space<vmem>>
    tpu.enqueue_dma source(%dma_start3A_621 : memref<32x1024xf32, #tpu.memory_space<vmem>>) target(%dma_start3A_617 : memref<32x1024xf32, #tpu.memory_space<hbm>>) target_semaphore(%arg6 : memref<!tpu.dma_semaphore, #tpu.memory_space<semaphore_mem>>)
    %add3A_622 = arith.constant 4 : i32
    %add3A_623 = arith.addi %mul3A_2, %add3A_622 : i32
    %dma_start3A_624 = arith.constant 2 : i32
    %dma_start3A_625 = arith.constant 0 : i32
    %dma_start3A_626 = arith.constant 0 : i32
    %dma_start3A_627 = tpu.memref_slice %arg4[%dma_start3A_624, %dma_start3A_625, %dma_start3A_626] : memref<3x32x1024xf32, #tpu.memory_space<vmem>> -> memref<1x32x1024xf32, #tpu.memory_space<vmem>>
    %dma_start3A_628 = tpu.memref_squeeze %dma_start3A_627 : memref<1x32x1024xf32, #tpu.memory_space<vmem>> -> memref<32x1024xf32, #tpu.memory_space<vmem>>
    %dma_start3A_629 = arith.constant 64 : i32
    %dma_start3A_630 = arith.constant 1024 : i32
    %dma_start3A_631 = tpu.memref_slice %arg3[%add3A_623, %dma_start3A_629, %dma_start3A_630] : memref<256x256x2048xf32, #tpu.memory_space<hbm>> -> memref<1x32x1024xf32, #tpu.memory_space<hbm>>
    %dma_start3A_632 = tpu.memref_squeeze %dma_start3A_631 : memref<1x32x1024xf32, #tpu.memory_space<hbm>> -> memref<32x1024xf32, #tpu.memory_space<hbm>>
    %dma_start3A_633 = arith.constant 64 : i32
    %dma_start3A_634 = arith.constant 1024 : i32
    %dma_start3A_635 = tpu.memref_slice %arg3[%add3A_623, %dma_start3A_633, %dma_start3A_634] : memref<256x256x2048xf32, #tpu.memory_space<hbm>> -> memref<1x32x1024xf32, #tpu.memory_space<hbm>>
    %dma_start3A_636 = tpu.memref_squeeze %dma_start3A_635 : memref<1x32x1024xf32, #tpu.memory_space<hbm>> -> memref<32x1024xf32, #tpu.memory_space<hbm>>
    %dma_start3A_637 = arith.constant 0 : i32
    %dma_start3A_638 = arith.constant 0 : i32
    %dma_start3A_639 = tpu.memref_slice %arg4[%dma_start3A_624, %dma_start3A_637, %dma_start3A_638] : memref<3x32x1024xf32, #tpu.memory_space<vmem>> -> memref<1x32x1024xf32, #tpu.memory_space<vmem>>
    %dma_start3A_640 = tpu.memref_squeeze %dma_start3A_639 : memref<1x32x1024xf32, #tpu.memory_space<vmem>> -> memref<32x1024xf32, #tpu.memory_space<vmem>>
    tpu.enqueue_dma source(%dma_start3A_640 : memref<32x1024xf32, #tpu.memory_space<vmem>>) target(%dma_start3A_636 : memref<32x1024xf32, #tpu.memory_space<hbm>>) target_semaphore(%arg6 : memref<!tpu.dma_semaphore, #tpu.memory_space<semaphore_mem>>)
    %add3A_641 = arith.constant 5 : i32
    %add3A_642 = arith.addi %mul3A_2, %add3A_641 : i32
    %dma_start3A_643 = arith.constant 2 : i32
    %dma_start3A_644 = arith.constant 0 : i32
    %dma_start3A_645 = arith.constant 0 : i32
    %dma_start3A_646 = tpu.memref_slice %arg4[%dma_start3A_643, %dma_start3A_644, %dma_start3A_645] : memref<3x32x1024xf32, #tpu.memory_space<vmem>> -> memref<1x32x1024xf32, #tpu.memory_space<vmem>>
    %dma_start3A_647 = tpu.memref_squeeze %dma_start3A_646 : memref<1x32x1024xf32, #tpu.memory_space<vmem>> -> memref<32x1024xf32, #tpu.memory_space<vmem>>
    %dma_start3A_648 = arith.constant 64 : i32
    %dma_start3A_649 = arith.constant 1024 : i32
    %dma_start3A_650 = tpu.memref_slice %arg3[%add3A_642, %dma_start3A_648, %dma_start3A_649] : memref<256x256x2048xf32, #tpu.memory_space<hbm>> -> memref<1x32x1024xf32, #tpu.memory_space<hbm>>
    %dma_start3A_651 = tpu.memref_squeeze %dma_start3A_650 : memref<1x32x1024xf32, #tpu.memory_space<hbm>> -> memref<32x1024xf32, #tpu.memory_space<hbm>>
    %dma_start3A_652 = arith.constant 64 : i32
    %dma_start3A_653 = arith.constant 1024 : i32
    %dma_start3A_654 = tpu.memref_slice %arg3[%add3A_642, %dma_start3A_652, %dma_start3A_653] : memref<256x256x2048xf32, #tpu.memory_space<hbm>> -> memref<1x32x1024xf32, #tpu.memory_space<hbm>>
    %dma_start3A_655 = tpu.memref_squeeze %dma_start3A_654 : memref<1x32x1024xf32, #tpu.memory_space<hbm>> -> memref<32x1024xf32, #tpu.memory_space<hbm>>
    %dma_start3A_656 = arith.constant 0 : i32
    %dma_start3A_657 = arith.constant 0 : i32
    %dma_start3A_658 = tpu.memref_slice %arg4[%dma_start3A_643, %dma_start3A_656, %dma_start3A_657] : memref<3x32x1024xf32, #tpu.memory_space<vmem>> -> memref<1x32x1024xf32, #tpu.memory_space<vmem>>
    %dma_start3A_659 = tpu.memref_squeeze %dma_start3A_658 : memref<1x32x1024xf32, #tpu.memory_space<vmem>> -> memref<32x1024xf32, #tpu.memory_space<vmem>>
    tpu.enqueue_dma source(%dma_start3A_659 : memref<32x1024xf32, #tpu.memory_space<vmem>>) target(%dma_start3A_655 : memref<32x1024xf32, #tpu.memory_space<hbm>>) target_semaphore(%arg6 : memref<!tpu.dma_semaphore, #tpu.memory_space<semaphore_mem>>)
    %add3A_660 = arith.constant 6 : i32
    %add3A_661 = arith.addi %mul3A_2, %add3A_660 : i32
    %dma_start3A_662 = arith.constant 2 : i32
    %dma_start3A_663 = arith.constant 0 : i32
    %dma_start3A_664 = arith.constant 0 : i32
    %dma_start3A_665 = tpu.memref_slice %arg4[%dma_start3A_662, %dma_start3A_663, %dma_start3A_664] : memref<3x32x1024xf32, #tpu.memory_space<vmem>> -> memref<1x32x1024xf32, #tpu.memory_space<vmem>>
    %dma_start3A_666 = tpu.memref_squeeze %dma_start3A_665 : memref<1x32x1024xf32, #tpu.memory_space<vmem>> -> memref<32x1024xf32, #tpu.memory_space<vmem>>
    %dma_start3A_667 = arith.constant 64 : i32
    %dma_start3A_668 = arith.constant 1024 : i32
    %dma_start3A_669 = tpu.memref_slice %arg3[%add3A_661, %dma_start3A_667, %dma_start3A_668] : memref<256x256x2048xf32, #tpu.memory_space<hbm>> -> memref<1x32x1024xf32, #tpu.memory_space<hbm>>
    %dma_start3A_670 = tpu.memref_squeeze %dma_start3A_669 : memref<1x32x1024xf32, #tpu.memory_space<hbm>> -> memref<32x1024xf32, #tpu.memory_space<hbm>>
    %dma_start3A_671 = arith.constant 64 : i32
    %dma_start3A_672 = arith.constant 1024 : i32
    %dma_start3A_673 = tpu.memref_slice %arg3[%add3A_661, %dma_start3A_671, %dma_start3A_672] : memref<256x256x2048xf32, #tpu.memory_space<hbm>> -> memref<1x32x1024xf32, #tpu.memory_space<hbm>>
    %dma_start3A_674 = tpu.memref_squeeze %dma_start3A_673 : memref<1x32x1024xf32, #tpu.memory_space<hbm>> -> memref<32x1024xf32, #tpu.memory_space<hbm>>
    %dma_start3A_675 = arith.constant 0 : i32
    %dma_start3A_676 = arith.constant 0 : i32
    %dma_start3A_677 = tpu.memref_slice %arg4[%dma_start3A_662, %dma_start3A_675, %dma_start3A_676] : memref<3x32x1024xf32, #tpu.memory_space<vmem>> -> memref<1x32x1024xf32, #tpu.memory_space<vmem>>
    %dma_start3A_678 = tpu.memref_squeeze %dma_start3A_677 : memref<1x32x1024xf32, #tpu.memory_space<vmem>> -> memref<32x1024xf32, #tpu.memory_space<vmem>>
    tpu.enqueue_dma source(%dma_start3A_678 : memref<32x1024xf32, #tpu.memory_space<vmem>>) target(%dma_start3A_674 : memref<32x1024xf32, #tpu.memory_space<hbm>>) target_semaphore(%arg6 : memref<!tpu.dma_semaphore, #tpu.memory_space<semaphore_mem>>)
    %add3A_679 = arith.constant 7 : i32
    %add3A_680 = arith.addi %mul3A_2, %add3A_679 : i32
    %dma_start3A_681 = arith.constant 2 : i32
    %dma_start3A_682 = arith.constant 0 : i32
    %dma_start3A_683 = arith.constant 0 : i32
    %dma_start3A_684 = tpu.memref_slice %arg4[%dma_start3A_681, %dma_start3A_682, %dma_start3A_683] : memref<3x32x1024xf32, #tpu.memory_space<vmem>> -> memref<1x32x1024xf32, #tpu.memory_space<vmem>>
    %dma_start3A_685 = tpu.memref_squeeze %dma_start3A_684 : memref<1x32x1024xf32, #tpu.memory_space<vmem>> -> memref<32x1024xf32, #tpu.memory_space<vmem>>
    %dma_start3A_686 = arith.constant 64 : i32
    %dma_start3A_687 = arith.constant 1024 : i32
    %dma_start3A_688 = tpu.memref_slice %arg3[%add3A_680, %dma_start3A_686, %dma_start3A_687] : memref<256x256x2048xf32, #tpu.memory_space<hbm>> -> memref<1x32x1024xf32, #tpu.memory_space<hbm>>
    %dma_start3A_689 = tpu.memref_squeeze %dma_start3A_688 : memref<1x32x1024xf32, #tpu.memory_space<hbm>> -> memref<32x1024xf32, #tpu.memory_space<hbm>>
    %dma_start3A_690 = arith.constant 64 : i32
    %dma_start3A_691 = arith.constant 1024 : i32
    %dma_start3A_692 = tpu.memref_slice %arg3[%add3A_680, %dma_start3A_690, %dma_start3A_691] : memref<256x256x2048xf32, #tpu.memory_space<hbm>> -> memref<1x32x1024xf32, #tpu.memory_space<hbm>>
    %dma_start3A_693 = tpu.memref_squeeze %dma_start3A_692 : memref<1x32x1024xf32, #tpu.memory_space<hbm>> -> memref<32x1024xf32, #tpu.memory_space<hbm>>
    %dma_start3A_694 = arith.constant 0 : i32
    %dma_start3A_695 = arith.constant 0 : i32
    %dma_start3A_696 = tpu.memref_slice %arg4[%dma_start3A_681, %dma_start3A_694, %dma_start3A_695] : memref<3x32x1024xf32, #tpu.memory_space<vmem>> -> memref<1x32x1024xf32, #tpu.memory_space<vmem>>
    %dma_start3A_697 = tpu.memref_squeeze %dma_start3A_696 : memref<1x32x1024xf32, #tpu.memory_space<vmem>> -> memref<32x1024xf32, #tpu.memory_space<vmem>>
    tpu.enqueue_dma source(%dma_start3A_697 : memref<32x1024xf32, #tpu.memory_space<vmem>>) target(%dma_start3A_693 : memref<32x1024xf32, #tpu.memory_space<hbm>>) target_semaphore(%arg6 : memref<!tpu.dma_semaphore, #tpu.memory_space<semaphore_mem>>)
    %dma_wait3A_698 = arith.constant 1 : i32
    %dma_wait3A_699 = arith.constant 0 : i32
    %dma_wait3A_700 = arith.constant 0 : i32
    %dma_wait3A_701 = tpu.memref_slice %arg4[%dma_wait3A_698, %dma_wait3A_699, %dma_wait3A_700] : memref<3x32x1024xf32, #tpu.memory_space<vmem>> -> memref<1x32x1024xf32, #tpu.memory_space<vmem>>
    %dma_wait3A_702 = tpu.memref_squeeze %dma_wait3A_701 : memref<1x32x1024xf32, #tpu.memory_space<vmem>> -> memref<32x1024xf32, #tpu.memory_space<vmem>>
    %dma_wait3A_703 = arith.constant 32 : i32
    %dma_wait3A_704 = arith.constant 1024 : i32
    %dma_wait3A_705 = tpu.memref_slice %arg3[%add3A_229, %dma_wait3A_703, %dma_wait3A_704] : memref<256x256x2048xf32, #tpu.memory_space<hbm>> -> memref<1x32x1024xf32, #tpu.memory_space<hbm>>
    %dma_wait3A_706 = tpu.memref_squeeze %dma_wait3A_705 : memref<1x32x1024xf32, #tpu.memory_space<hbm>> -> memref<32x1024xf32, #tpu.memory_space<hbm>>
    %dma_wait3A_707 = arith.constant 32 : i32
    %dma_wait3A_708 = arith.constant 1024 : i32
    %dma_wait3A_709 = tpu.memref_slice %arg3[%add3A_229, %dma_wait3A_707, %dma_wait3A_708] : memref<256x256x2048xf32, #tpu.memory_space<hbm>> -> memref<1x32x1024xf32, #tpu.memory_space<hbm>>
    %dma_wait3A_710 = tpu.memref_squeeze %dma_wait3A_709 : memref<1x32x1024xf32, #tpu.memory_space<hbm>> -> memref<32x1024xf32, #tpu.memory_space<hbm>>
    %dma_wait3A_711 = arith.constant 0 : i32
    %dma_wait3A_712 = arith.constant 0 : i32
    %dma_wait3A_713 = tpu.memref_slice %arg4[%dma_wait3A_698, %dma_wait3A_711, %dma_wait3A_712] : memref<3x32x1024xf32, #tpu.memory_space<vmem>> -> memref<1x32x1024xf32, #tpu.memory_space<vmem>>
    %dma_wait3A_714 = tpu.memref_squeeze %dma_wait3A_713 : memref<1x32x1024xf32, #tpu.memory_space<vmem>> -> memref<32x1024xf32, #tpu.memory_space<vmem>>
    tpu.wait_dma2 semaphore(%arg6 : memref<!tpu.dma_semaphore, #tpu.memory_space<semaphore_mem>>) src(%dma_wait3A_714 : memref<32x1024xf32, #tpu.memory_space<vmem>>) dst(%dma_wait3A_710 : memref<32x1024xf32, #tpu.memory_space<hbm>>)
    %dma_wait3A_715 = arith.constant 1 : i32
    %dma_wait3A_716 = arith.constant 0 : i32
    %dma_wait3A_717 = arith.constant 0 : i32
    %dma_wait3A_718 = tpu.memref_slice %arg4[%dma_wait3A_715, %dma_wait3A_716, %dma_wait3A_717] : memref<3x32x1024xf32, #tpu.memory_space<vmem>> -> memref<1x32x1024xf32, #tpu.memory_space<vmem>>
    %dma_wait3A_719 = tpu.memref_squeeze %dma_wait3A_718 : memref<1x32x1024xf32, #tpu.memory_space<vmem>> -> memref<32x1024xf32, #tpu.memory_space<vmem>>
    %dma_wait3A_720 = arith.constant 32 : i32
    %dma_wait3A_721 = arith.constant 1024 : i32
    %dma_wait3A_722 = tpu.memref_slice %arg3[%add3A_248, %dma_wait3A_720, %dma_wait3A_721] : memref<256x256x2048xf32, #tpu.memory_space<hbm>> -> memref<1x32x1024xf32, #tpu.memory_space<hbm>>
    %dma_wait3A_723 = tpu.memref_squeeze %dma_wait3A_722 : memref<1x32x1024xf32, #tpu.memory_space<hbm>> -> memref<32x1024xf32, #tpu.memory_space<hbm>>
    %dma_wait3A_724 = arith.constant 32 : i32
    %dma_wait3A_725 = arith.constant 1024 : i32
    %dma_wait3A_726 = tpu.memref_slice %arg3[%add3A_248, %dma_wait3A_724, %dma_wait3A_725] : memref<256x256x2048xf32, #tpu.memory_space<hbm>> -> memref<1x32x1024xf32, #tpu.memory_space<hbm>>
    %dma_wait3A_727 = tpu.memref_squeeze %dma_wait3A_726 : memref<1x32x1024xf32, #tpu.memory_space<hbm>> -> memref<32x1024xf32, #tpu.memory_space<hbm>>
    %dma_wait3A_728 = arith.constant 0 : i32
    %dma_wait3A_729 = arith.constant 0 : i32
    %dma_wait3A_730 = tpu.memref_slice %arg4[%dma_wait3A_715, %dma_wait3A_728, %dma_wait3A_729] : memref<3x32x1024xf32, #tpu.memory_space<vmem>> -> memref<1x32x1024xf32, #tpu.memory_space<vmem>>
    %dma_wait3A_731 = tpu.memref_squeeze %dma_wait3A_730 : memref<1x32x1024xf32, #tpu.memory_space<vmem>> -> memref<32x1024xf32, #tpu.memory_space<vmem>>
    tpu.wait_dma2 semaphore(%arg6 : memref<!tpu.dma_semaphore, #tpu.memory_space<semaphore_mem>>) src(%dma_wait3A_731 : memref<32x1024xf32, #tpu.memory_space<vmem>>) dst(%dma_wait3A_727 : memref<32x1024xf32, #tpu.memory_space<hbm>>)
    %dma_wait3A_732 = arith.constant 1 : i32
    %dma_wait3A_733 = arith.constant 0 : i32
    %dma_wait3A_734 = arith.constant 0 : i32
    %dma_wait3A_735 = tpu.memref_slice %arg4[%dma_wait3A_732, %dma_wait3A_733, %dma_wait3A_734] : memref<3x32x1024xf32, #tpu.memory_space<vmem>> -> memref<1x32x1024xf32, #tpu.memory_space<vmem>>
    %dma_wait3A_736 = tpu.memref_squeeze %dma_wait3A_735 : memref<1x32x1024xf32, #tpu.memory_space<vmem>> -> memref<32x1024xf32, #tpu.memory_space<vmem>>
    %dma_wait3A_737 = arith.constant 32 : i32
    %dma_wait3A_738 = arith.constant 1024 : i32
    %dma_wait3A_739 = tpu.memref_slice %arg3[%add3A_267, %dma_wait3A_737, %dma_wait3A_738] : memref<256x256x2048xf32, #tpu.memory_space<hbm>> -> memref<1x32x1024xf32, #tpu.memory_space<hbm>>
    %dma_wait3A_740 = tpu.memref_squeeze %dma_wait3A_739 : memref<1x32x1024xf32, #tpu.memory_space<hbm>> -> memref<32x1024xf32, #tpu.memory_space<hbm>>
    %dma_wait3A_741 = arith.constant 32 : i32
    %dma_wait3A_742 = arith.constant 1024 : i32
    %dma_wait3A_743 = tpu.memref_slice %arg3[%add3A_267, %dma_wait3A_741, %dma_wait3A_742] : memref<256x256x2048xf32, #tpu.memory_space<hbm>> -> memref<1x32x1024xf32, #tpu.memory_space<hbm>>
    %dma_wait3A_744 = tpu.memref_squeeze %dma_wait3A_743 : memref<1x32x1024xf32, #tpu.memory_space<hbm>> -> memref<32x1024xf32, #tpu.memory_space<hbm>>
    %dma_wait3A_745 = arith.constant 0 : i32
    %dma_wait3A_746 = arith.constant 0 : i32
    %dma_wait3A_747 = tpu.memref_slice %arg4[%dma_wait3A_732, %dma_wait3A_745, %dma_wait3A_746] : memref<3x32x1024xf32, #tpu.memory_space<vmem>> -> memref<1x32x1024xf32, #tpu.memory_space<vmem>>
    %dma_wait3A_748 = tpu.memref_squeeze %dma_wait3A_747 : memref<1x32x1024xf32, #tpu.memory_space<vmem>> -> memref<32x1024xf32, #tpu.memory_space<vmem>>
    tpu.wait_dma2 semaphore(%arg6 : memref<!tpu.dma_semaphore, #tpu.memory_space<semaphore_mem>>) src(%dma_wait3A_748 : memref<32x1024xf32, #tpu.memory_space<vmem>>) dst(%dma_wait3A_744 : memref<32x1024xf32, #tpu.memory_space<hbm>>)
    %dma_wait3A_749 = arith.constant 1 : i32
    %dma_wait3A_750 = arith.constant 0 : i32
    %dma_wait3A_751 = arith.constant 0 : i32
    %dma_wait3A_752 = tpu.memref_slice %arg4[%dma_wait3A_749, %dma_wait3A_750, %dma_wait3A_751] : memref<3x32x1024xf32, #tpu.memory_space<vmem>> -> memref<1x32x1024xf32, #tpu.memory_space<vmem>>
    %dma_wait3A_753 = tpu.memref_squeeze %dma_wait3A_752 : memref<1x32x1024xf32, #tpu.memory_space<vmem>> -> memref<32x1024xf32, #tpu.memory_space<vmem>>
    %dma_wait3A_754 = arith.constant 32 : i32
    %dma_wait3A_755 = arith.constant 1024 : i32
    %dma_wait3A_756 = tpu.memref_slice %arg3[%add3A_286, %dma_wait3A_754, %dma_wait3A_755] : memref<256x256x2048xf32, #tpu.memory_space<hbm>> -> memref<1x32x1024xf32, #tpu.memory_space<hbm>>
    %dma_wait3A_757 = tpu.memref_squeeze %dma_wait3A_756 : memref<1x32x1024xf32, #tpu.memory_space<hbm>> -> memref<32x1024xf32, #tpu.memory_space<hbm>>
    %dma_wait3A_758 = arith.constant 32 : i32
    %dma_wait3A_759 = arith.constant 1024 : i32
    %dma_wait3A_760 = tpu.memref_slice %arg3[%add3A_286, %dma_wait3A_758, %dma_wait3A_759] : memref<256x256x2048xf32, #tpu.memory_space<hbm>> -> memref<1x32x1024xf32, #tpu.memory_space<hbm>>
    %dma_wait3A_761 = tpu.memref_squeeze %dma_wait3A_760 : memref<1x32x1024xf32, #tpu.memory_space<hbm>> -> memref<32x1024xf32, #tpu.memory_space<hbm>>
    %dma_wait3A_762 = arith.constant 0 : i32
    %dma_wait3A_763 = arith.constant 0 : i32
    %dma_wait3A_764 = tpu.memref_slice %arg4[%dma_wait3A_749, %dma_wait3A_762, %dma_wait3A_763] : memref<3x32x1024xf32, #tpu.memory_space<vmem>> -> memref<1x32x1024xf32, #tpu.memory_space<vmem>>
    %dma_wait3A_765 = tpu.memref_squeeze %dma_wait3A_764 : memref<1x32x1024xf32, #tpu.memory_space<vmem>> -> memref<32x1024xf32, #tpu.memory_space<vmem>>
    tpu.wait_dma2 semaphore(%arg6 : memref<!tpu.dma_semaphore, #tpu.memory_space<semaphore_mem>>) src(%dma_wait3A_765 : memref<32x1024xf32, #tpu.memory_space<vmem>>) dst(%dma_wait3A_761 : memref<32x1024xf32, #tpu.memory_space<hbm>>)
    %dma_wait3A_766 = arith.constant 1 : i32
    %dma_wait3A_767 = arith.constant 0 : i32
    %dma_wait3A_768 = arith.constant 0 : i32
    %dma_wait3A_769 = tpu.memref_slice %arg4[%dma_wait3A_766, %dma_wait3A_767, %dma_wait3A_768] : memref<3x32x1024xf32, #tpu.memory_space<vmem>> -> memref<1x32x1024xf32, #tpu.memory_space<vmem>>
    %dma_wait3A_770 = tpu.memref_squeeze %dma_wait3A_769 : memref<1x32x1024xf32, #tpu.memory_space<vmem>> -> memref<32x1024xf32, #tpu.memory_space<vmem>>
    %dma_wait3A_771 = arith.constant 32 : i32
    %dma_wait3A_772 = arith.constant 1024 : i32
    %dma_wait3A_773 = tpu.memref_slice %arg3[%add3A_305, %dma_wait3A_771, %dma_wait3A_772] : memref<256x256x2048xf32, #tpu.memory_space<hbm>> -> memref<1x32x1024xf32, #tpu.memory_space<hbm>>
    %dma_wait3A_774 = tpu.memref_squeeze %dma_wait3A_773 : memref<1x32x1024xf32, #tpu.memory_space<hbm>> -> memref<32x1024xf32, #tpu.memory_space<hbm>>
    %dma_wait3A_775 = arith.constant 32 : i32
    %dma_wait3A_776 = arith.constant 1024 : i32
    %dma_wait3A_777 = tpu.memref_slice %arg3[%add3A_305, %dma_wait3A_775, %dma_wait3A_776] : memref<256x256x2048xf32, #tpu.memory_space<hbm>> -> memref<1x32x1024xf32, #tpu.memory_space<hbm>>
    %dma_wait3A_778 = tpu.memref_squeeze %dma_wait3A_777 : memref<1x32x1024xf32, #tpu.memory_space<hbm>> -> memref<32x1024xf32, #tpu.memory_space<hbm>>
    %dma_wait3A_779 = arith.constant 0 : i32
    %dma_wait3A_780 = arith.constant 0 : i32
    %dma_wait3A_781 = tpu.memref_slice %arg4[%dma_wait3A_766, %dma_wait3A_779, %dma_wait3A_780] : memref<3x32x1024xf32, #tpu.memory_space<vmem>> -> memref<1x32x1024xf32, #tpu.memory_space<vmem>>
    %dma_wait3A_782 = tpu.memref_squeeze %dma_wait3A_781 : memref<1x32x1024xf32, #tpu.memory_space<vmem>> -> memref<32x1024xf32, #tpu.memory_space<vmem>>
    tpu.wait_dma2 semaphore(%arg6 : memref<!tpu.dma_semaphore, #tpu.memory_space<semaphore_mem>>) src(%dma_wait3A_782 : memref<32x1024xf32, #tpu.memory_space<vmem>>) dst(%dma_wait3A_778 : memref<32x1024xf32, #tpu.memory_space<hbm>>)
    %dma_wait3A_783 = arith.constant 1 : i32
    %dma_wait3A_784 = arith.constant 0 : i32
    %dma_wait3A_785 = arith.constant 0 : i32
    %dma_wait3A_786 = tpu.memref_slice %arg4[%dma_wait3A_783, %dma_wait3A_784, %dma_wait3A_785] : memref<3x32x1024xf32, #tpu.memory_space<vmem>> -> memref<1x32x1024xf32, #tpu.memory_space<vmem>>
    %dma_wait3A_787 = tpu.memref_squeeze %dma_wait3A_786 : memref<1x32x1024xf32, #tpu.memory_space<vmem>> -> memref<32x1024xf32, #tpu.memory_space<vmem>>
    %dma_wait3A_788 = arith.constant 32 : i32
    %dma_wait3A_789 = arith.constant 1024 : i32
    %dma_wait3A_790 = tpu.memref_slice %arg3[%add3A_324, %dma_wait3A_788, %dma_wait3A_789] : memref<256x256x2048xf32, #tpu.memory_space<hbm>> -> memref<1x32x1024xf32, #tpu.memory_space<hbm>>
    %dma_wait3A_791 = tpu.memref_squeeze %dma_wait3A_790 : memref<1x32x1024xf32, #tpu.memory_space<hbm>> -> memref<32x1024xf32, #tpu.memory_space<hbm>>
    %dma_wait3A_792 = arith.constant 32 : i32
    %dma_wait3A_793 = arith.constant 1024 : i32
    %dma_wait3A_794 = tpu.memref_slice %arg3[%add3A_324, %dma_wait3A_792, %dma_wait3A_793] : memref<256x256x2048xf32, #tpu.memory_space<hbm>> -> memref<1x32x1024xf32, #tpu.memory_space<hbm>>
    %dma_wait3A_795 = tpu.memref_squeeze %dma_wait3A_794 : memref<1x32x1024xf32, #tpu.memory_space<hbm>> -> memref<32x1024xf32, #tpu.memory_space<hbm>>
    %dma_wait3A_796 = arith.constant 0 : i32
    %dma_wait3A_797 = arith.constant 0 : i32
    %dma_wait3A_798 = tpu.memref_slice %arg4[%dma_wait3A_783, %dma_wait3A_796, %dma_wait3A_797] : memref<3x32x1024xf32, #tpu.memory_space<vmem>> -> memref<1x32x1024xf32, #tpu.memory_space<vmem>>
    %dma_wait3A_799 = tpu.memref_squeeze %dma_wait3A_798 : memref<1x32x1024xf32, #tpu.memory_space<vmem>> -> memref<32x1024xf32, #tpu.memory_space<vmem>>
    tpu.wait_dma2 semaphore(%arg6 : memref<!tpu.dma_semaphore, #tpu.memory_space<semaphore_mem>>) src(%dma_wait3A_799 : memref<32x1024xf32, #tpu.memory_space<vmem>>) dst(%dma_wait3A_795 : memref<32x1024xf32, #tpu.memory_space<hbm>>)
    %dma_wait3A_800 = arith.constant 1 : i32
    %dma_wait3A_801 = arith.constant 0 : i32
    %dma_wait3A_802 = arith.constant 0 : i32
    %dma_wait3A_803 = tpu.memref_slice %arg4[%dma_wait3A_800, %dma_wait3A_801, %dma_wait3A_802] : memref<3x32x1024xf32, #tpu.memory_space<vmem>> -> memref<1x32x1024xf32, #tpu.memory_space<vmem>>
    %dma_wait3A_804 = tpu.memref_squeeze %dma_wait3A_803 : memref<1x32x1024xf32, #tpu.memory_space<vmem>> -> memref<32x1024xf32, #tpu.memory_space<vmem>>
    %dma_wait3A_805 = arith.constant 32 : i32
    %dma_wait3A_806 = arith.constant 1024 : i32
    %dma_wait3A_807 = tpu.memref_slice %arg3[%add3A_343, %dma_wait3A_805, %dma_wait3A_806] : memref<256x256x2048xf32, #tpu.memory_space<hbm>> -> memref<1x32x1024xf32, #tpu.memory_space<hbm>>
    %dma_wait3A_808 = tpu.memref_squeeze %dma_wait3A_807 : memref<1x32x1024xf32, #tpu.memory_space<hbm>> -> memref<32x1024xf32, #tpu.memory_space<hbm>>
    %dma_wait3A_809 = arith.constant 32 : i32
    %dma_wait3A_810 = arith.constant 1024 : i32
    %dma_wait3A_811 = tpu.memref_slice %arg3[%add3A_343, %dma_wait3A_809, %dma_wait3A_810] : memref<256x256x2048xf32, #tpu.memory_space<hbm>> -> memref<1x32x1024xf32, #tpu.memory_space<hbm>>
    %dma_wait3A_812 = tpu.memref_squeeze %dma_wait3A_811 : memref<1x32x1024xf32, #tpu.memory_space<hbm>> -> memref<32x1024xf32, #tpu.memory_space<hbm>>
    %dma_wait3A_813 = arith.constant 0 : i32
    %dma_wait3A_814 = arith.constant 0 : i32
    %dma_wait3A_815 = tpu.memref_slice %arg4[%dma_wait3A_800, %dma_wait3A_813, %dma_wait3A_814] : memref<3x32x1024xf32, #tpu.memory_space<vmem>> -> memref<1x32x1024xf32, #tpu.memory_space<vmem>>
    %dma_wait3A_816 = tpu.memref_squeeze %dma_wait3A_815 : memref<1x32x1024xf32, #tpu.memory_space<vmem>> -> memref<32x1024xf32, #tpu.memory_space<vmem>>
    tpu.wait_dma2 semaphore(%arg6 : memref<!tpu.dma_semaphore, #tpu.memory_space<semaphore_mem>>) src(%dma_wait3A_816 : memref<32x1024xf32, #tpu.memory_space<vmem>>) dst(%dma_wait3A_812 : memref<32x1024xf32, #tpu.memory_space<hbm>>)
    %dma_wait3A_817 = arith.constant 1 : i32
    %dma_wait3A_818 = arith.constant 0 : i32
    %dma_wait3A_819 = arith.constant 0 : i32
    %dma_wait3A_820 = tpu.memref_slice %arg4[%dma_wait3A_817, %dma_wait3A_818, %dma_wait3A_819] : memref<3x32x1024xf32, #tpu.memory_space<vmem>> -> memref<1x32x1024xf32, #tpu.memory_space<vmem>>
    %dma_wait3A_821 = tpu.memref_squeeze %dma_wait3A_820 : memref<1x32x1024xf32, #tpu.memory_space<vmem>> -> memref<32x1024xf32, #tpu.memory_space<vmem>>
    %dma_wait3A_822 = arith.constant 32 : i32
    %dma_wait3A_823 = arith.constant 1024 : i32
    %dma_wait3A_824 = tpu.memref_slice %arg3[%add3A_362, %dma_wait3A_822, %dma_wait3A_823] : memref<256x256x2048xf32, #tpu.memory_space<hbm>> -> memref<1x32x1024xf32, #tpu.memory_space<hbm>>
    %dma_wait3A_825 = tpu.memref_squeeze %dma_wait3A_824 : memref<1x32x1024xf32, #tpu.memory_space<hbm>> -> memref<32x1024xf32, #tpu.memory_space<hbm>>
    %dma_wait3A_826 = arith.constant 32 : i32
    %dma_wait3A_827 = arith.constant 1024 : i32
    %dma_wait3A_828 = tpu.memref_slice %arg3[%add3A_362, %dma_wait3A_826, %dma_wait3A_827] : memref<256x256x2048xf32, #tpu.memory_space<hbm>> -> memref<1x32x1024xf32, #tpu.memory_space<hbm>>
    %dma_wait3A_829 = tpu.memref_squeeze %dma_wait3A_828 : memref<1x32x1024xf32, #tpu.memory_space<hbm>> -> memref<32x1024xf32, #tpu.memory_space<hbm>>
    %dma_wait3A_830 = arith.constant 0 : i32
    %dma_wait3A_831 = arith.constant 0 : i32
    %dma_wait3A_832 = tpu.memref_slice %arg4[%dma_wait3A_817, %dma_wait3A_830, %dma_wait3A_831] : memref<3x32x1024xf32, #tpu.memory_space<vmem>> -> memref<1x32x1024xf32, #tpu.memory_space<vmem>>
    %dma_wait3A_833 = tpu.memref_squeeze %dma_wait3A_832 : memref<1x32x1024xf32, #tpu.memory_space<vmem>> -> memref<32x1024xf32, #tpu.memory_space<vmem>>
    tpu.wait_dma2 semaphore(%arg6 : memref<!tpu.dma_semaphore, #tpu.memory_space<semaphore_mem>>) src(%dma_wait3A_833 : memref<32x1024xf32, #tpu.memory_space<vmem>>) dst(%dma_wait3A_829 : memref<32x1024xf32, #tpu.memory_space<hbm>>)
    %dma_start3A_834 = arith.constant 1 : i32
    %dma_start3A_835 = arith.constant 0 : i32
    %dma_start3A_836 = arith.constant 0 : i32
    %dma_start3A_837 = tpu.memref_slice %arg4[%dma_start3A_834, %dma_start3A_835, %dma_start3A_836] : memref<3x32x1024xf32, #tpu.memory_space<vmem>> -> memref<1x32x1024xf32, #tpu.memory_space<vmem>>
    %dma_start3A_838 = tpu.memref_squeeze %dma_start3A_837 : memref<1x32x1024xf32, #tpu.memory_space<vmem>> -> memref<32x1024xf32, #tpu.memory_space<vmem>>
    %dma_start3A_839 = arith.constant 128 : i32
    %dma_start3A_840 = arith.constant 0 : i32
    %dma_start3A_841 = tpu.memref_slice %arg2[%dma_start3A_839, %dma_start3A_840] : memref<1024x1024xf32, #tpu.memory_space<hbm>> -> memref<32x1024xf32, #tpu.memory_space<hbm>>
    %dma_start3A_842 = arith.constant 0 : i32
    %dma_start3A_843 = arith.constant 0 : i32
    %dma_start3A_844 = tpu.memref_slice %arg4[%dma_start3A_834, %dma_start3A_842, %dma_start3A_843] : memref<3x32x1024xf32, #tpu.memory_space<vmem>> -> memref<1x32x1024xf32, #tpu.memory_space<vmem>>
    %dma_start3A_845 = tpu.memref_squeeze %dma_start3A_844 : memref<1x32x1024xf32, #tpu.memory_space<vmem>> -> memref<32x1024xf32, #tpu.memory_space<vmem>>
    %dma_start3A_846 = arith.constant 128 : i32
    %dma_start3A_847 = arith.constant 0 : i32
    %dma_start3A_848 = tpu.memref_slice %arg2[%dma_start3A_846, %dma_start3A_847] : memref<1024x1024xf32, #tpu.memory_space<hbm>> -> memref<32x1024xf32, #tpu.memory_space<hbm>>
    tpu.enqueue_dma source(%dma_start3A_848 : memref<32x1024xf32, #tpu.memory_space<hbm>>) target(%dma_start3A_845 : memref<32x1024xf32, #tpu.memory_space<vmem>>) target_semaphore(%arg5 : memref<!tpu.dma_semaphore, #tpu.memory_space<semaphore_mem>>)
    %dma_wait3A_849 = arith.constant 0 : i32
    %dma_wait3A_850 = arith.constant 0 : i32
    %dma_wait3A_851 = arith.constant 0 : i32
    %dma_wait3A_852 = tpu.memref_slice %arg4[%dma_wait3A_849, %dma_wait3A_850, %dma_wait3A_851] : memref<3x32x1024xf32, #tpu.memory_space<vmem>> -> memref<1x32x1024xf32, #tpu.memory_space<vmem>>
    %dma_wait3A_853 = tpu.memref_squeeze %dma_wait3A_852 : memref<1x32x1024xf32, #tpu.memory_space<vmem>> -> memref<32x1024xf32, #tpu.memory_space<vmem>>
    %dma_wait3A_854 = arith.constant 96 : i32
    %dma_wait3A_855 = arith.constant 0 : i32
    %dma_wait3A_856 = tpu.memref_slice %arg2[%dma_wait3A_854, %dma_wait3A_855] : memref<1024x1024xf32, #tpu.memory_space<hbm>> -> memref<32x1024xf32, #tpu.memory_space<hbm>>
    %dma_wait3A_857 = arith.constant 0 : i32
    %dma_wait3A_858 = arith.constant 0 : i32
    %dma_wait3A_859 = tpu.memref_slice %arg4[%dma_wait3A_849, %dma_wait3A_857, %dma_wait3A_858] : memref<3x32x1024xf32, #tpu.memory_space<vmem>> -> memref<1x32x1024xf32, #tpu.memory_space<vmem>>
    %dma_wait3A_860 = tpu.memref_squeeze %dma_wait3A_859 : memref<1x32x1024xf32, #tpu.memory_space<vmem>> -> memref<32x1024xf32, #tpu.memory_space<vmem>>
    %dma_wait3A_861 = arith.constant 96 : i32
    %dma_wait3A_862 = arith.constant 0 : i32
    %dma_wait3A_863 = tpu.memref_slice %arg2[%dma_wait3A_861, %dma_wait3A_862] : memref<1024x1024xf32, #tpu.memory_space<hbm>> -> memref<32x1024xf32, #tpu.memory_space<hbm>>
    tpu.wait_dma2 semaphore(%arg5 : memref<!tpu.dma_semaphore, #tpu.memory_space<semaphore_mem>>) src(%dma_wait3A_863 : memref<32x1024xf32, #tpu.memory_space<hbm>>) dst(%dma_wait3A_860 : memref<32x1024xf32, #tpu.memory_space<vmem>>)
    %add3A_864 = arith.constant 0 : i32
    %add3A_865 = arith.addi %mul3A_2, %add3A_864 : i32
    %dma_start3A_866 = arith.constant 0 : i32
    %dma_start3A_867 = arith.constant 0 : i32
    %dma_start3A_868 = arith.constant 0 : i32
    %dma_start3A_869 = tpu.memref_slice %arg4[%dma_start3A_866, %dma_start3A_867, %dma_start3A_868] : memref<3x32x1024xf32, #tpu.memory_space<vmem>> -> memref<1x32x1024xf32, #tpu.memory_space<vmem>>
    %dma_start3A_870 = tpu.memref_squeeze %dma_start3A_869 : memref<1x32x1024xf32, #tpu.memory_space<vmem>> -> memref<32x1024xf32, #tpu.memory_space<vmem>>
    %dma_start3A_871 = arith.constant 96 : i32
    %dma_start3A_872 = arith.constant 1024 : i32
    %dma_start3A_873 = tpu.memref_slice %arg3[%add3A_865, %dma_start3A_871, %dma_start3A_872] : memref<256x256x2048xf32, #tpu.memory_space<hbm>> -> memref<1x32x1024xf32, #tpu.memory_space<hbm>>
    %dma_start3A_874 = tpu.memref_squeeze %dma_start3A_873 : memref<1x32x1024xf32, #tpu.memory_space<hbm>> -> memref<32x1024xf32, #tpu.memory_space<hbm>>
    %dma_start3A_875 = arith.constant 96 : i32
    %dma_start3A_876 = arith.constant 1024 : i32
    %dma_start3A_877 = tpu.memref_slice %arg3[%add3A_865, %dma_start3A_875, %dma_start3A_876] : memref<256x256x2048xf32, #tpu.memory_space<hbm>> -> memref<1x32x1024xf32, #tpu.memory_space<hbm>>
    %dma_start3A_878 = tpu.memref_squeeze %dma_start3A_877 : memref<1x32x1024xf32, #tpu.memory_space<hbm>> -> memref<32x1024xf32, #tpu.memory_space<hbm>>
    %dma_start3A_879 = arith.constant 0 : i32
    %dma_start3A_880 = arith.constant 0 : i32
    %dma_start3A_881 = tpu.memref_slice %arg4[%dma_start3A_866, %dma_start3A_879, %dma_start3A_880] : memref<3x32x1024xf32, #tpu.memory_space<vmem>> -> memref<1x32x1024xf32, #tpu.memory_space<vmem>>
    %dma_start3A_882 = tpu.memref_squeeze %dma_start3A_881 : memref<1x32x1024xf32, #tpu.memory_space<vmem>> -> memref<32x1024xf32, #tpu.memory_space<vmem>>
    tpu.enqueue_dma source(%dma_start3A_882 : memref<32x1024xf32, #tpu.memory_space<vmem>>) target(%dma_start3A_878 : memref<32x1024xf32, #tpu.memory_space<hbm>>) target_semaphore(%arg6 : memref<!tpu.dma_semaphore, #tpu.memory_space<semaphore_mem>>)
    %add3A_883 = arith.constant 1 : i32
    %add3A_884 = arith.addi %mul3A_2, %add3A_883 : i32
    %dma_start3A_885 = arith.constant 0 : i32
    %dma_start3A_886 = arith.constant 0 : i32
    %dma_start3A_887 = arith.constant 0 : i32
    %dma_start3A_888 = tpu.memref_slice %arg4[%dma_start3A_885, %dma_start3A_886, %dma_start3A_887] : memref<3x32x1024xf32, #tpu.memory_space<vmem>> -> memref<1x32x1024xf32, #tpu.memory_space<vmem>>
    %dma_start3A_889 = tpu.memref_squeeze %dma_start3A_888 : memref<1x32x1024xf32, #tpu.memory_space<vmem>> -> memref<32x1024xf32, #tpu.memory_space<vmem>>
    %dma_start3A_890 = arith.constant 96 : i32
    %dma_start3A_891 = arith.constant 1024 : i32
    %dma_start3A_892 = tpu.memref_slice %arg3[%add3A_884, %dma_start3A_890, %dma_start3A_891] : memref<256x256x2048xf32, #tpu.memory_space<hbm>> -> memref<1x32x1024xf32, #tpu.memory_space<hbm>>
    %dma_start3A_893 = tpu.memref_squeeze %dma_start3A_892 : memref<1x32x1024xf32, #tpu.memory_space<hbm>> -> memref<32x1024xf32, #tpu.memory_space<hbm>>
    %dma_start3A_894 = arith.constant 96 : i32
    %dma_start3A_895 = arith.constant 1024 : i32
    %dma_start3A_896 = tpu.memref_slice %arg3[%add3A_884, %dma_start3A_894, %dma_start3A_895] : memref<256x256x2048xf32, #tpu.memory_space<hbm>> -> memref<1x32x1024xf32, #tpu.memory_space<hbm>>
    %dma_start3A_897 = tpu.memref_squeeze %dma_start3A_896 : memref<1x32x1024xf32, #tpu.memory_space<hbm>> -> memref<32x1024xf32, #tpu.memory_space<hbm>>
    %dma_start3A_898 = arith.constant 0 : i32
    %dma_start3A_899 = arith.constant 0 : i32
    %dma_start3A_900 = tpu.memref_slice %arg4[%dma_start3A_885, %dma_start3A_898, %dma_start3A_899] : memref<3x32x1024xf32, #tpu.memory_space<vmem>> -> memref<1x32x1024xf32, #tpu.memory_space<vmem>>
    %dma_start3A_901 = tpu.memref_squeeze %dma_start3A_900 : memref<1x32x1024xf32, #tpu.memory_space<vmem>> -> memref<32x1024xf32, #tpu.memory_space<vmem>>
    tpu.enqueue_dma source(%dma_start3A_901 : memref<32x1024xf32, #tpu.memory_space<vmem>>) target(%dma_start3A_897 : memref<32x1024xf32, #tpu.memory_space<hbm>>) target_semaphore(%arg6 : memref<!tpu.dma_semaphore, #tpu.memory_space<semaphore_mem>>)
    %add3A_902 = arith.constant 2 : i32
    %add3A_903 = arith.addi %mul3A_2, %add3A_902 : i32
    %dma_start3A_904 = arith.constant 0 : i32
    %dma_start3A_905 = arith.constant 0 : i32
    %dma_start3A_906 = arith.constant 0 : i32
    %dma_start3A_907 = tpu.memref_slice %arg4[%dma_start3A_904, %dma_start3A_905, %dma_start3A_906] : memref<3x32x1024xf32, #tpu.memory_space<vmem>> -> memref<1x32x1024xf32, #tpu.memory_space<vmem>>
    %dma_start3A_908 = tpu.memref_squeeze %dma_start3A_907 : memref<1x32x1024xf32, #tpu.memory_space<vmem>> -> memref<32x1024xf32, #tpu.memory_space<vmem>>
    %dma_start3A_909 = arith.constant 96 : i32
    %dma_start3A_910 = arith.constant 1024 : i32
    %dma_start3A_911 = tpu.memref_slice %arg3[%add3A_903, %dma_start3A_909, %dma_start3A_910] : memref<256x256x2048xf32, #tpu.memory_space<hbm>> -> memref<1x32x1024xf32, #tpu.memory_space<hbm>>
    %dma_start3A_912 = tpu.memref_squeeze %dma_start3A_911 : memref<1x32x1024xf32, #tpu.memory_space<hbm>> -> memref<32x1024xf32, #tpu.memory_space<hbm>>
    %dma_start3A_913 = arith.constant 96 : i32
    %dma_start3A_914 = arith.constant 1024 : i32
    %dma_start3A_915 = tpu.memref_slice %arg3[%add3A_903, %dma_start3A_913, %dma_start3A_914] : memref<256x256x2048xf32, #tpu.memory_space<hbm>> -> memref<1x32x1024xf32, #tpu.memory_space<hbm>>
    %dma_start3A_916 = tpu.memref_squeeze %dma_start3A_915 : memref<1x32x1024xf32, #tpu.memory_space<hbm>> -> memref<32x1024xf32, #tpu.memory_space<hbm>>
    %dma_start3A_917 = arith.constant 0 : i32
    %dma_start3A_918 = arith.constant 0 : i32
    %dma_start3A_919 = tpu.memref_slice %arg4[%dma_start3A_904, %dma_start3A_917, %dma_start3A_918] : memref<3x32x1024xf32, #tpu.memory_space<vmem>> -> memref<1x32x1024xf32, #tpu.memory_space<vmem>>
    %dma_start3A_920 = tpu.memref_squeeze %dma_start3A_919 : memref<1x32x1024xf32, #tpu.memory_space<vmem>> -> memref<32x1024xf32, #tpu.memory_space<vmem>>
    tpu.enqueue_dma source(%dma_start3A_920 : memref<32x1024xf32, #tpu.memory_space<vmem>>) target(%dma_start3A_916 : memref<32x1024xf32, #tpu.memory_space<hbm>>) target_semaphore(%arg6 : memref<!tpu.dma_semaphore, #tpu.memory_space<semaphore_mem>>)
    %add3A_921 = arith.constant 3 : i32
    %add3A_922 = arith.addi %mul3A_2, %add3A_921 : i32
    %dma_start3A_923 = arith.constant 0 : i32
    %dma_start3A_924 = arith.constant 0 : i32
    %dma_start3A_925 = arith.constant 0 : i32
    %dma_start3A_926 = tpu.memref_slice %arg4[%dma_start3A_923, %dma_start3A_924, %dma_start3A_925] : memref<3x32x1024xf32, #tpu.memory_space<vmem>> -> memref<1x32x1024xf32, #tpu.memory_space<vmem>>
    %dma_start3A_927 = tpu.memref_squeeze %dma_start3A_926 : memref<1x32x1024xf32, #tpu.memory_space<vmem>> -> memref<32x1024xf32, #tpu.memory_space<vmem>>
    %dma_start3A_928 = arith.constant 96 : i32
    %dma_start3A_929 = arith.constant 1024 : i32
    %dma_start3A_930 = tpu.memref_slice %arg3[%add3A_922, %dma_start3A_928, %dma_start3A_929] : memref<256x256x2048xf32, #tpu.memory_space<hbm>> -> memref<1x32x1024xf32, #tpu.memory_space<hbm>>
    %dma_start3A_931 = tpu.memref_squeeze %dma_start3A_930 : memref<1x32x1024xf32, #tpu.memory_space<hbm>> -> memref<32x1024xf32, #tpu.memory_space<hbm>>
    %dma_start3A_932 = arith.constant 96 : i32
    %dma_start3A_933 = arith.constant 1024 : i32
    %dma_start3A_934 = tpu.memref_slice %arg3[%add3A_922, %dma_start3A_932, %dma_start3A_933] : memref<256x256x2048xf32, #tpu.memory_space<hbm>> -> memref<1x32x1024xf32, #tpu.memory_space<hbm>>
    %dma_start3A_935 = tpu.memref_squeeze %dma_start3A_934 : memref<1x32x1024xf32, #tpu.memory_space<hbm>> -> memref<32x1024xf32, #tpu.memory_space<hbm>>
    %dma_start3A_936 = arith.constant 0 : i32
    %dma_start3A_937 = arith.constant 0 : i32
    %dma_start3A_938 = tpu.memref_slice %arg4[%dma_start3A_923, %dma_start3A_936, %dma_start3A_937] : memref<3x32x1024xf32, #tpu.memory_space<vmem>> -> memref<1x32x1024xf32, #tpu.memory_space<vmem>>
    %dma_start3A_939 = tpu.memref_squeeze %dma_start3A_938 : memref<1x32x1024xf32, #tpu.memory_space<vmem>> -> memref<32x1024xf32, #tpu.memory_space<vmem>>
    tpu.enqueue_dma source(%dma_start3A_939 : memref<32x1024xf32, #tpu.memory_space<vmem>>) target(%dma_start3A_935 : memref<32x1024xf32, #tpu.memory_space<hbm>>) target_semaphore(%arg6 : memref<!tpu.dma_semaphore, #tpu.memory_space<semaphore_mem>>)
    %add3A_940 = arith.constant 4 : i32
    %add3A_941 = arith.addi %mul3A_2, %add3A_940 : i32
    %dma_start3A_942 = arith.constant 0 : i32
    %dma_start3A_943 = arith.constant 0 : i32
    %dma_start3A_944 = arith.constant 0 : i32
    %dma_start3A_945 = tpu.memref_slice %arg4[%dma_start3A_942, %dma_start3A_943, %dma_start3A_944] : memref<3x32x1024xf32, #tpu.memory_space<vmem>> -> memref<1x32x1024xf32, #tpu.memory_space<vmem>>
    %dma_start3A_946 = tpu.memref_squeeze %dma_start3A_945 : memref<1x32x1024xf32, #tpu.memory_space<vmem>> -> memref<32x1024xf32, #tpu.memory_space<vmem>>
    %dma_start3A_947 = arith.constant 96 : i32
    %dma_start3A_948 = arith.constant 1024 : i32
    %dma_start3A_949 = tpu.memref_slice %arg3[%add3A_941, %dma_start3A_947, %dma_start3A_948] : memref<256x256x2048xf32, #tpu.memory_space<hbm>> -> memref<1x32x1024xf32, #tpu.memory_space<hbm>>
    %dma_start3A_950 = tpu.memref_squeeze %dma_start3A_949 : memref<1x32x1024xf32, #tpu.memory_space<hbm>> -> memref<32x1024xf32, #tpu.memory_space<hbm>>
    %dma_start3A_951 = arith.constant 96 : i32
    %dma_start3A_952 = arith.constant 1024 : i32
    %dma_start3A_953 = tpu.memref_slice %arg3[%add3A_941, %dma_start3A_951, %dma_start3A_952] : memref<256x256x2048xf32, #tpu.memory_space<hbm>> -> memref<1x32x1024xf32, #tpu.memory_space<hbm>>
    %dma_start3A_954 = tpu.memref_squeeze %dma_start3A_953 : memref<1x32x1024xf32, #tpu.memory_space<hbm>> -> memref<32x1024xf32, #tpu.memory_space<hbm>>
    %dma_start3A_955 = arith.constant 0 : i32
    %dma_start3A_956 = arith.constant 0 : i32
    %dma_start3A_957 = tpu.memref_slice %arg4[%dma_start3A_942, %dma_start3A_955, %dma_start3A_956] : memref<3x32x1024xf32, #tpu.memory_space<vmem>> -> memref<1x32x1024xf32, #tpu.memory_space<vmem>>
    %dma_start3A_958 = tpu.memref_squeeze %dma_start3A_957 : memref<1x32x1024xf32, #tpu.memory_space<vmem>> -> memref<32x1024xf32, #tpu.memory_space<vmem>>
    tpu.enqueue_dma source(%dma_start3A_958 : memref<32x1024xf32, #tpu.memory_space<vmem>>) target(%dma_start3A_954 : memref<32x1024xf32, #tpu.memory_space<hbm>>) target_semaphore(%arg6 : memref<!tpu.dma_semaphore, #tpu.memory_space<semaphore_mem>>)
    %add3A_959 = arith.constant 5 : i32
    %add3A_960 = arith.addi %mul3A_2, %add3A_959 : i32
    %dma_start3A_961 = arith.constant 0 : i32
    %dma_start3A_962 = arith.constant 0 : i32
    %dma_start3A_963 = arith.constant 0 : i32
    %dma_start3A_964 = tpu.memref_slice %arg4[%dma_start3A_961, %dma_start3A_962, %dma_start3A_963] : memref<3x32x1024xf32, #tpu.memory_space<vmem>> -> memref<1x32x1024xf32, #tpu.memory_space<vmem>>
    %dma_start3A_965 = tpu.memref_squeeze %dma_start3A_964 : memref<1x32x1024xf32, #tpu.memory_space<vmem>> -> memref<32x1024xf32, #tpu.memory_space<vmem>>
    %dma_start3A_966 = arith.constant 96 : i32
    %dma_start3A_967 = arith.constant 1024 : i32
    %dma_start3A_968 = tpu.memref_slice %arg3[%add3A_960, %dma_start3A_966, %dma_start3A_967] : memref<256x256x2048xf32, #tpu.memory_space<hbm>> -> memref<1x32x1024xf32, #tpu.memory_space<hbm>>
    %dma_start3A_969 = tpu.memref_squeeze %dma_start3A_968 : memref<1x32x1024xf32, #tpu.memory_space<hbm>> -> memref<32x1024xf32, #tpu.memory_space<hbm>>
    %dma_start3A_970 = arith.constant 96 : i32
    %dma_start3A_971 = arith.constant 1024 : i32
    %dma_start3A_972 = tpu.memref_slice %arg3[%add3A_960, %dma_start3A_970, %dma_start3A_971] : memref<256x256x2048xf32, #tpu.memory_space<hbm>> -> memref<1x32x1024xf32, #tpu.memory_space<hbm>>
    %dma_start3A_973 = tpu.memref_squeeze %dma_start3A_972 : memref<1x32x1024xf32, #tpu.memory_space<hbm>> -> memref<32x1024xf32, #tpu.memory_space<hbm>>
    %dma_start3A_974 = arith.constant 0 : i32
    %dma_start3A_975 = arith.constant 0 : i32
    %dma_start3A_976 = tpu.memref_slice %arg4[%dma_start3A_961, %dma_start3A_974, %dma_start3A_975] : memref<3x32x1024xf32, #tpu.memory_space<vmem>> -> memref<1x32x1024xf32, #tpu.memory_space<vmem>>
    %dma_start3A_977 = tpu.memref_squeeze %dma_start3A_976 : memref<1x32x1024xf32, #tpu.memory_space<vmem>> -> memref<32x1024xf32, #tpu.memory_space<vmem>>
    tpu.enqueue_dma source(%dma_start3A_977 : memref<32x1024xf32, #tpu.memory_space<vmem>>) target(%dma_start3A_973 : memref<32x1024xf32, #tpu.memory_space<hbm>>) target_semaphore(%arg6 : memref<!tpu.dma_semaphore, #tpu.memory_space<semaphore_mem>>)
    %add3A_978 = arith.constant 6 : i32
    %add3A_979 = arith.addi %mul3A_2, %add3A_978 : i32
    %dma_start3A_980 = arith.constant 0 : i32
    %dma_start3A_981 = arith.constant 0 : i32
    %dma_start3A_982 = arith.constant 0 : i32
    %dma_start3A_983 = tpu.memref_slice %arg4[%dma_start3A_980, %dma_start3A_981, %dma_start3A_982] : memref<3x32x1024xf32, #tpu.memory_space<vmem>> -> memref<1x32x1024xf32, #tpu.memory_space<vmem>>
    %dma_start3A_984 = tpu.memref_squeeze %dma_start3A_983 : memref<1x32x1024xf32, #tpu.memory_space<vmem>> -> memref<32x1024xf32, #tpu.memory_space<vmem>>
    %dma_start3A_985 = arith.constant 96 : i32
    %dma_start3A_986 = arith.constant 1024 : i32
    %dma_start3A_987 = tpu.memref_slice %arg3[%add3A_979, %dma_start3A_985, %dma_start3A_986] : memref<256x256x2048xf32, #tpu.memory_space<hbm>> -> memref<1x32x1024xf32, #tpu.memory_space<hbm>>
    %dma_start3A_988 = tpu.memref_squeeze %dma_start3A_987 : memref<1x32x1024xf32, #tpu.memory_space<hbm>> -> memref<32x1024xf32, #tpu.memory_space<hbm>>
    %dma_start3A_989 = arith.constant 96 : i32
    %dma_start3A_990 = arith.constant 1024 : i32
    %dma_start3A_991 = tpu.memref_slice %arg3[%add3A_979, %dma_start3A_989, %dma_start3A_990] : memref<256x256x2048xf32, #tpu.memory_space<hbm>> -> memref<1x32x1024xf32, #tpu.memory_space<hbm>>
    %dma_start3A_992 = tpu.memref_squeeze %dma_start3A_991 : memref<1x32x1024xf32, #tpu.memory_space<hbm>> -> memref<32x1024xf32, #tpu.memory_space<hbm>>
    %dma_start3A_993 = arith.constant 0 : i32
    %dma_start3A_994 = arith.constant 0 : i32
    %dma_start3A_995 = tpu.memref_slice %arg4[%dma_start3A_980, %dma_start3A_993, %dma_start3A_994] : memref<3x32x1024xf32, #tpu.memory_space<vmem>> -> memref<1x32x1024xf32, #tpu.memory_space<vmem>>
    %dma_start3A_996 = tpu.memref_squeeze %dma_start3A_995 : memref<1x32x1024xf32, #tpu.memory_space<vmem>> -> memref<32x1024xf32, #tpu.memory_space<vmem>>
    tpu.enqueue_dma source(%dma_start3A_996 : memref<32x1024xf32, #tpu.memory_space<vmem>>) target(%dma_start3A_992 : memref<32x1024xf32, #tpu.memory_space<hbm>>) target_semaphore(%arg6 : memref<!tpu.dma_semaphore, #tpu.memory_space<semaphore_mem>>)
    %add3A_997 = arith.constant 7 : i32
    %add3A_998 = arith.addi %mul3A_2, %add3A_997 : i32
    %dma_start3A_999 = arith.constant 0 : i32
    %dma_start3A_1000 = arith.constant 0 : i32
    %dma_start3A_1001 = arith.constant 0 : i32
    %dma_start3A_1002 = tpu.memref_slice %arg4[%dma_start3A_999, %dma_start3A_1000, %dma_start3A_1001] : memref<3x32x1024xf32, #tpu.memory_space<vmem>> -> memref<1x32x1024xf32, #tpu.memory_space<vmem>>
    %dma_start3A_1003 = tpu.memref_squeeze %dma_start3A_1002 : memref<1x32x1024xf32, #tpu.memory_space<vmem>> -> memref<32x1024xf32, #tpu.memory_space<vmem>>
    %dma_start3A_1004 = arith.constant 96 : i32
    %dma_start3A_1005 = arith.constant 1024 : i32
    %dma_start3A_1006 = tpu.memref_slice %arg3[%add3A_998, %dma_start3A_1004, %dma_start3A_1005] : memref<256x256x2048xf32, #tpu.memory_space<hbm>> -> memref<1x32x1024xf32, #tpu.memory_space<hbm>>
    %dma_start3A_1007 = tpu.memref_squeeze %dma_start3A_1006 : memref<1x32x1024xf32, #tpu.memory_space<hbm>> -> memref<32x1024xf32, #tpu.memory_space<hbm>>
    %dma_start3A_1008 = arith.constant 96 : i32
    %dma_start3A_1009 = arith.constant 1024 : i32
    %dma_start3A_1010 = tpu.memref_slice %arg3[%add3A_998, %dma_start3A_1008, %dma_start3A_1009] : memref<256x256x2048xf32, #tpu.memory_space<hbm>> -> memref<1x32x1024xf32, #tpu.memory_space<hbm>>
    %dma_start3A_1011 = tpu.memref_squeeze %dma_start3A_1010 : memref<1x32x1024xf32, #tpu.memory_space<hbm>> -> memref<32x1024xf32, #tpu.memory_space<hbm>>
    %dma_start3A_1012 = arith.constant 0 : i32
    %dma_start3A_1013 = arith.constant 0 : i32
    %dma_start3A_1014 = tpu.memref_slice %arg4[%dma_start3A_999, %dma_start3A_1012, %dma_start3A_1013] : memref<3x32x1024xf32, #tpu.memory_space<vmem>> -> memref<1x32x1024xf32, #tpu.memory_space<vmem>>
    %dma_start3A_1015 = tpu.memref_squeeze %dma_start3A_1014 : memref<1x32x1024xf32, #tpu.memory_space<vmem>> -> memref<32x1024xf32, #tpu.memory_space<vmem>>
    tpu.enqueue_dma source(%dma_start3A_1015 : memref<32x1024xf32, #tpu.memory_space<vmem>>) target(%dma_start3A_1011 : memref<32x1024xf32, #tpu.memory_space<hbm>>) target_semaphore(%arg6 : memref<!tpu.dma_semaphore, #tpu.memory_space<semaphore_mem>>)
    %dma_wait3A_1016 = arith.constant 2 : i32
    %dma_wait3A_1017 = arith.constant 0 : i32
    %dma_wait3A_1018 = arith.constant 0 : i32
    %dma_wait3A_1019 = tpu.memref_slice %arg4[%dma_wait3A_1016, %dma_wait3A_1017, %dma_wait3A_1018] : memref<3x32x1024xf32, #tpu.memory_space<vmem>> -> memref<1x32x1024xf32, #tpu.memory_space<vmem>>
    %dma_wait3A_1020 = tpu.memref_squeeze %dma_wait3A_1019 : memref<1x32x1024xf32, #tpu.memory_space<vmem>> -> memref<32x1024xf32, #tpu.memory_space<vmem>>
    %dma_wait3A_1021 = arith.constant 64 : i32
    %dma_wait3A_1022 = arith.constant 1024 : i32
    %dma_wait3A_1023 = tpu.memref_slice %arg3[%add3A_547, %dma_wait3A_1021, %dma_wait3A_1022] : memref<256x256x2048xf32, #tpu.memory_space<hbm>> -> memref<1x32x1024xf32, #tpu.memory_space<hbm>>
    %dma_wait3A_1024 = tpu.memref_squeeze %dma_wait3A_1023 : memref<1x32x1024xf32, #tpu.memory_space<hbm>> -> memref<32x1024xf32, #tpu.memory_space<hbm>>
    %dma_wait3A_1025 = arith.constant 64 : i32
    %dma_wait3A_1026 = arith.constant 1024 : i32
    %dma_wait3A_1027 = tpu.memref_slice %arg3[%add3A_547, %dma_wait3A_1025, %dma_wait3A_1026] : memref<256x256x2048xf32, #tpu.memory_space<hbm>> -> memref<1x32x1024xf32, #tpu.memory_space<hbm>>
    %dma_wait3A_1028 = tpu.memref_squeeze %dma_wait3A_1027 : memref<1x32x1024xf32, #tpu.memory_space<hbm>> -> memref<32x1024xf32, #tpu.memory_space<hbm>>
    %dma_wait3A_1029 = arith.constant 0 : i32
    %dma_wait3A_1030 = arith.constant 0 : i32
    %dma_wait3A_1031 = tpu.memref_slice %arg4[%dma_wait3A_1016, %dma_wait3A_1029, %dma_wait3A_1030] : memref<3x32x1024xf32, #tpu.memory_space<vmem>> -> memref<1x32x1024xf32, #tpu.memory_space<vmem>>
    %dma_wait3A_1032 = tpu.memref_squeeze %dma_wait3A_1031 : memref<1x32x1024xf32, #tpu.memory_space<vmem>> -> memref<32x1024xf32, #tpu.memory_space<vmem>>
    tpu.wait_dma2 semaphore(%arg6 : memref<!tpu.dma_semaphore, #tpu.memory_space<semaphore_mem>>) src(%dma_wait3A_1032 : memref<32x1024xf32, #tpu.memory_space<vmem>>) dst(%dma_wait3A_1028 : memref<32x1024xf32, #tpu.memory_space<hbm>>)
    %dma_wait3A_1033 = arith.constant 2 : i32
    %dma_wait3A_1034 = arith.constant 0 : i32
    %dma_wait3A_1035 = arith.constant 0 : i32
    %dma_wait3A_1036 = tpu.memref_slice %arg4[%dma_wait3A_1033, %dma_wait3A_1034, %dma_wait3A_1035] : memref<3x32x1024xf32, #tpu.memory_space<vmem>> -> memref<1x32x1024xf32, #tpu.memory_space<vmem>>
    %dma_wait3A_1037 = tpu.memref_squeeze %dma_wait3A_1036 : memref<1x32x1024xf32, #tpu.memory_space<vmem>> -> memref<32x1024xf32, #tpu.memory_space<vmem>>
    %dma_wait3A_1038 = arith.constant 64 : i32
    %dma_wait3A_1039 = arith.constant 1024 : i32
    %dma_wait3A_1040 = tpu.memref_slice %arg3[%add3A_566, %dma_wait3A_1038, %dma_wait3A_1039] : memref<256x256x2048xf32, #tpu.memory_space<hbm>> -> memref<1x32x1024xf32, #tpu.memory_space<hbm>>
    %dma_wait3A_1041 = tpu.memref_squeeze %dma_wait3A_1040 : memref<1x32x1024xf32, #tpu.memory_space<hbm>> -> memref<32x1024xf32, #tpu.memory_space<hbm>>
    %dma_wait3A_1042 = arith.constant 64 : i32
    %dma_wait3A_1043 = arith.constant 1024 : i32
    %dma_wait3A_1044 = tpu.memref_slice %arg3[%add3A_566, %dma_wait3A_1042, %dma_wait3A_1043] : memref<256x256x2048xf32, #tpu.memory_space<hbm>> -> memref<1x32x1024xf32, #tpu.memory_space<hbm>>
    %dma_wait3A_1045 = tpu.memref_squeeze %dma_wait3A_1044 : memref<1x32x1024xf32, #tpu.memory_space<hbm>> -> memref<32x1024xf32, #tpu.memory_space<hbm>>
    %dma_wait3A_1046 = arith.constant 0 : i32
    %dma_wait3A_1047 = arith.constant 0 : i32
    %dma_wait3A_1048 = tpu.memref_slice %arg4[%dma_wait3A_1033, %dma_wait3A_1046, %dma_wait3A_1047] : memref<3x32x1024xf32, #tpu.memory_space<vmem>> -> memref<1x32x1024xf32, #tpu.memory_space<vmem>>
    %dma_wait3A_1049 = tpu.memref_squeeze %dma_wait3A_1048 : memref<1x32x1024xf32, #tpu.memory_space<vmem>> -> memref<32x1024xf32, #tpu.memory_space<vmem>>
    tpu.wait_dma2 semaphore(%arg6 : memref<!tpu.dma_semaphore, #tpu.memory_space<semaphore_mem>>) src(%dma_wait3A_1049 : memref<32x1024xf32, #tpu.memory_space<vmem>>) dst(%dma_wait3A_1045 : memref<32x1024xf32, #tpu.memory_space<hbm>>)
    %dma_wait3A_1050 = arith.constant 2 : i32
    %dma_wait3A_1051 = arith.constant 0 : i32
    %dma_wait3A_1052 = arith.constant 0 : i32
    %dma_wait3A_1053 = tpu.memref_slice %arg4[%dma_wait3A_1050, %dma_wait3A_1051, %dma_wait3A_1052] : memref<3x32x1024xf32, #tpu.memory_space<vmem>> -> memref<1x32x1024xf32, #tpu.memory_space<vmem>>
    %dma_wait3A_1054 = tpu.memref_squeeze %dma_wait3A_1053 : memref<1x32x1024xf32, #tpu.memory_space<vmem>> -> memref<32x1024xf32, #tpu.memory_space<vmem>>
    %dma_wait3A_1055 = arith.constant 64 : i32
    %dma_wait3A_1056 = arith.constant 1024 : i32
    %dma_wait3A_1057 = tpu.memref_slice %arg3[%add3A_585, %dma_wait3A_1055, %dma_wait3A_1056] : memref<256x256x2048xf32, #tpu.memory_space<hbm>> -> memref<1x32x1024xf32, #tpu.memory_space<hbm>>
    %dma_wait3A_1058 = tpu.memref_squeeze %dma_wait3A_1057 : memref<1x32x1024xf32, #tpu.memory_space<hbm>> -> memref<32x1024xf32, #tpu.memory_space<hbm>>
    %dma_wait3A_1059 = arith.constant 64 : i32
    %dma_wait3A_1060 = arith.constant 1024 : i32
    %dma_wait3A_1061 = tpu.memref_slice %arg3[%add3A_585, %dma_wait3A_1059, %dma_wait3A_1060] : memref<256x256x2048xf32, #tpu.memory_space<hbm>> -> memref<1x32x1024xf32, #tpu.memory_space<hbm>>
    %dma_wait3A_1062 = tpu.memref_squeeze %dma_wait3A_1061 : memref<1x32x1024xf32, #tpu.memory_space<hbm>> -> memref<32x1024xf32, #tpu.memory_space<hbm>>
    %dma_wait3A_1063 = arith.constant 0 : i32
    %dma_wait3A_1064 = arith.constant 0 : i32
    %dma_wait3A_1065 = tpu.memref_slice %arg4[%dma_wait3A_1050, %dma_wait3A_1063, %dma_wait3A_1064] : memref<3x32x1024xf32, #tpu.memory_space<vmem>> -> memref<1x32x1024xf32, #tpu.memory_space<vmem>>
    %dma_wait3A_1066 = tpu.memref_squeeze %dma_wait3A_1065 : memref<1x32x1024xf32, #tpu.memory_space<vmem>> -> memref<32x1024xf32, #tpu.memory_space<vmem>>
    tpu.wait_dma2 semaphore(%arg6 : memref<!tpu.dma_semaphore, #tpu.memory_space<semaphore_mem>>) src(%dma_wait3A_1066 : memref<32x1024xf32, #tpu.memory_space<vmem>>) dst(%dma_wait3A_1062 : memref<32x1024xf32, #tpu.memory_space<hbm>>)
    %dma_wait3A_1067 = arith.constant 2 : i32
    %dma_wait3A_1068 = arith.constant 0 : i32
    %dma_wait3A_1069 = arith.constant 0 : i32
    %dma_wait3A_1070 = tpu.memref_slice %arg4[%dma_wait3A_1067, %dma_wait3A_1068, %dma_wait3A_1069] : memref<3x32x1024xf32, #tpu.memory_space<vmem>> -> memref<1x32x1024xf32, #tpu.memory_space<vmem>>
    %dma_wait3A_1071 = tpu.memref_squeeze %dma_wait3A_1070 : memref<1x32x1024xf32, #tpu.memory_space<vmem>> -> memref<32x1024xf32, #tpu.memory_space<vmem>>
    %dma_wait3A_1072 = arith.constant 64 : i32
    %dma_wait3A_1073 = arith.constant 1024 : i32
    %dma_wait3A_1074 = tpu.memref_slice %arg3[%add3A_604, %dma_wait3A_1072, %dma_wait3A_1073] : memref<256x256x2048xf32, #tpu.memory_space<hbm>> -> memref<1x32x1024xf32, #tpu.memory_space<hbm>>
    %dma_wait3A_1075 = tpu.memref_squeeze %dma_wait3A_1074 : memref<1x32x1024xf32, #tpu.memory_space<hbm>> -> memref<32x1024xf32, #tpu.memory_space<hbm>>
    %dma_wait3A_1076 = arith.constant 64 : i32
    %dma_wait3A_1077 = arith.constant 1024 : i32
    %dma_wait3A_1078 = tpu.memref_slice %arg3[%add3A_604, %dma_wait3A_1076, %dma_wait3A_1077] : memref<256x256x2048xf32, #tpu.memory_space<hbm>> -> memref<1x32x1024xf32, #tpu.memory_space<hbm>>
    %dma_wait3A_1079 = tpu.memref_squeeze %dma_wait3A_1078 : memref<1x32x1024xf32, #tpu.memory_space<hbm>> -> memref<32x1024xf32, #tpu.memory_space<hbm>>
    %dma_wait3A_1080 = arith.constant 0 : i32
    %dma_wait3A_1081 = arith.constant 0 : i32
    %dma_wait3A_1082 = tpu.memref_slice %arg4[%dma_wait3A_1067, %dma_wait3A_1080, %dma_wait3A_1081] : memref<3x32x1024xf32, #tpu.memory_space<vmem>> -> memref<1x32x1024xf32, #tpu.memory_space<vmem>>
    %dma_wait3A_1083 = tpu.memref_squeeze %dma_wait3A_1082 : memref<1x32x1024xf32, #tpu.memory_space<vmem>> -> memref<32x1024xf32, #tpu.memory_space<vmem>>
    tpu.wait_dma2 semaphore(%arg6 : memref<!tpu.dma_semaphore, #tpu.memory_space<semaphore_mem>>) src(%dma_wait3A_1083 : memref<32x1024xf32, #tpu.memory_space<vmem>>) dst(%dma_wait3A_1079 : memref<32x1024xf32, #tpu.memory_space<hbm>>)
    %dma_wait3A_1084 = arith.constant 2 : i32
    %dma_wait3A_1085 = arith.constant 0 : i32
    %dma_wait3A_1086 = arith.constant 0 : i32
    %dma_wait3A_1087 = tpu.memref_slice %arg4[%dma_wait3A_1084, %dma_wait3A_1085, %dma_wait3A_1086] : memref<3x32x1024xf32, #tpu.memory_space<vmem>> -> memref<1x32x1024xf32, #tpu.memory_space<vmem>>
    %dma_wait3A_1088 = tpu.memref_squeeze %dma_wait3A_1087 : memref<1x32x1024xf32, #tpu.memory_space<vmem>> -> memref<32x1024xf32, #tpu.memory_space<vmem>>
    %dma_wait3A_1089 = arith.constant 64 : i32
    %dma_wait3A_1090 = arith.constant 1024 : i32
    %dma_wait3A_1091 = tpu.memref_slice %arg3[%add3A_623, %dma_wait3A_1089, %dma_wait3A_1090] : memref<256x256x2048xf32, #tpu.memory_space<hbm>> -> memref<1x32x1024xf32, #tpu.memory_space<hbm>>
    %dma_wait3A_1092 = tpu.memref_squeeze %dma_wait3A_1091 : memref<1x32x1024xf32, #tpu.memory_space<hbm>> -> memref<32x1024xf32, #tpu.memory_space<hbm>>
    %dma_wait3A_1093 = arith.constant 64 : i32
    %dma_wait3A_1094 = arith.constant 1024 : i32
    %dma_wait3A_1095 = tpu.memref_slice %arg3[%add3A_623, %dma_wait3A_1093, %dma_wait3A_1094] : memref<256x256x2048xf32, #tpu.memory_space<hbm>> -> memref<1x32x1024xf32, #tpu.memory_space<hbm>>
    %dma_wait3A_1096 = tpu.memref_squeeze %dma_wait3A_1095 : memref<1x32x1024xf32, #tpu.memory_space<hbm>> -> memref<32x1024xf32, #tpu.memory_space<hbm>>
    %dma_wait3A_1097 = arith.constant 0 : i32
    %dma_wait3A_1098 = arith.constant 0 : i32
    %dma_wait3A_1099 = tpu.memref_slice %arg4[%dma_wait3A_1084, %dma_wait3A_1097, %dma_wait3A_1098] : memref<3x32x1024xf32, #tpu.memory_space<vmem>> -> memref<1x32x1024xf32, #tpu.memory_space<vmem>>
    %dma_wait3A_1100 = tpu.memref_squeeze %dma_wait3A_1099 : memref<1x32x1024xf32, #tpu.memory_space<vmem>> -> memref<32x1024xf32, #tpu.memory_space<vmem>>
    tpu.wait_dma2 semaphore(%arg6 : memref<!tpu.dma_semaphore, #tpu.memory_space<semaphore_mem>>) src(%dma_wait3A_1100 : memref<32x1024xf32, #tpu.memory_space<vmem>>) dst(%dma_wait3A_1096 : memref<32x1024xf32, #tpu.memory_space<hbm>>)
    %dma_wait3A_1101 = arith.constant 2 : i32
    %dma_wait3A_1102 = arith.constant 0 : i32
    %dma_wait3A_1103 = arith.constant 0 : i32
    %dma_wait3A_1104 = tpu.memref_slice %arg4[%dma_wait3A_1101, %dma_wait3A_1102, %dma_wait3A_1103] : memref<3x32x1024xf32, #tpu.memory_space<vmem>> -> memref<1x32x1024xf32, #tpu.memory_space<vmem>>
    %dma_wait3A_1105 = tpu.memref_squeeze %dma_wait3A_1104 : memref<1x32x1024xf32, #tpu.memory_space<vmem>> -> memref<32x1024xf32, #tpu.memory_space<vmem>>
    %dma_wait3A_1106 = arith.constant 64 : i32
    %dma_wait3A_1107 = arith.constant 1024 : i32
    %dma_wait3A_1108 = tpu.memref_slice %arg3[%add3A_642, %dma_wait3A_1106, %dma_wait3A_1107] : memref<256x256x2048xf32, #tpu.memory_space<hbm>> -> memref<1x32x1024xf32, #tpu.memory_space<hbm>>
    %dma_wait3A_1109 = tpu.memref_squeeze %dma_wait3A_1108 : memref<1x32x1024xf32, #tpu.memory_space<hbm>> -> memref<32x1024xf32, #tpu.memory_space<hbm>>
    %dma_wait3A_1110 = arith.constant 64 : i32
    %dma_wait3A_1111 = arith.constant 1024 : i32
    %dma_wait3A_1112 = tpu.memref_slice %arg3[%add3A_642, %dma_wait3A_1110, %dma_wait3A_1111] : memref<256x256x2048xf32, #tpu.memory_space<hbm>> -> memref<1x32x1024xf32, #tpu.memory_space<hbm>>
    %dma_wait3A_1113 = tpu.memref_squeeze %dma_wait3A_1112 : memref<1x32x1024xf32, #tpu.memory_space<hbm>> -> memref<32x1024xf32, #tpu.memory_space<hbm>>
    %dma_wait3A_1114 = arith.constant 0 : i32
    %dma_wait3A_1115 = arith.constant 0 : i32
    %dma_wait3A_1116 = tpu.memref_slice %arg4[%dma_wait3A_1101, %dma_wait3A_1114, %dma_wait3A_1115] : memref<3x32x1024xf32, #tpu.memory_space<vmem>> -> memref<1x32x1024xf32, #tpu.memory_space<vmem>>
    %dma_wait3A_1117 = tpu.memref_squeeze %dma_wait3A_1116 : memref<1x32x1024xf32, #tpu.memory_space<vmem>> -> memref<32x1024xf32, #tpu.memory_space<vmem>>
    tpu.wait_dma2 semaphore(%arg6 : memref<!tpu.dma_semaphore, #tpu.memory_space<semaphore_mem>>) src(%dma_wait3A_1117 : memref<32x1024xf32, #tpu.memory_space<vmem>>) dst(%dma_wait3A_1113 : memref<32x1024xf32, #tpu.memory_space<hbm>>)
    %dma_wait3A_1118 = arith.constant 2 : i32
    %dma_wait3A_1119 = arith.constant 0 : i32
    %dma_wait3A_1120 = arith.constant 0 : i32
    %dma_wait3A_1121 = tpu.memref_slice %arg4[%dma_wait3A_1118, %dma_wait3A_1119, %dma_wait3A_1120] : memref<3x32x1024xf32, #tpu.memory_space<vmem>> -> memref<1x32x1024xf32, #tpu.memory_space<vmem>>
    %dma_wait3A_1122 = tpu.memref_squeeze %dma_wait3A_1121 : memref<1x32x1024xf32, #tpu.memory_space<vmem>> -> memref<32x1024xf32, #tpu.memory_space<vmem>>
    %dma_wait3A_1123 = arith.constant 64 : i32
    %dma_wait3A_1124 = arith.constant 1024 : i32
    %dma_wait3A_1125 = tpu.memref_slice %arg3[%add3A_661, %dma_wait3A_1123, %dma_wait3A_1124] : memref<256x256x2048xf32, #tpu.memory_space<hbm>> -> memref<1x32x1024xf32, #tpu.memory_space<hbm>>
    %dma_wait3A_1126 = tpu.memref_squeeze %dma_wait3A_1125 : memref<1x32x1024xf32, #tpu.memory_space<hbm>> -> memref<32x1024xf32, #tpu.memory_space<hbm>>
    %dma_wait3A_1127 = arith.constant 64 : i32
    %dma_wait3A_1128 = arith.constant 1024 : i32
    %dma_wait3A_1129 = tpu.memref_slice %arg3[%add3A_661, %dma_wait3A_1127, %dma_wait3A_1128] : memref<256x256x2048xf32, #tpu.memory_space<hbm>> -> memref<1x32x1024xf32, #tpu.memory_space<hbm>>
    %dma_wait3A_1130 = tpu.memref_squeeze %dma_wait3A_1129 : memref<1x32x1024xf32, #tpu.memory_space<hbm>> -> memref<32x1024xf32, #tpu.memory_space<hbm>>
    %dma_wait3A_1131 = arith.constant 0 : i32
    %dma_wait3A_1132 = arith.constant 0 : i32
    %dma_wait3A_1133 = tpu.memref_slice %arg4[%dma_wait3A_1118, %dma_wait3A_1131, %dma_wait3A_1132] : memref<3x32x1024xf32, #tpu.memory_space<vmem>> -> memref<1x32x1024xf32, #tpu.memory_space<vmem>>
    %dma_wait3A_1134 = tpu.memref_squeeze %dma_wait3A_1133 : memref<1x32x1024xf32, #tpu.memory_space<vmem>> -> memref<32x1024xf32, #tpu.memory_space<vmem>>
    tpu.wait_dma2 semaphore(%arg6 : memref<!tpu.dma_semaphore, #tpu.memory_space<semaphore_mem>>) src(%dma_wait3A_1134 : memref<32x1024xf32, #tpu.memory_space<vmem>>) dst(%dma_wait3A_1130 : memref<32x1024xf32, #tpu.memory_space<hbm>>)
    %dma_wait3A_1135 = arith.constant 2 : i32
    %dma_wait3A_1136 = arith.constant 0 : i32
    %dma_wait3A_1137 = arith.constant 0 : i32
    %dma_wait3A_1138 = tpu.memref_slice %arg4[%dma_wait3A_1135, %dma_wait3A_1136, %dma_wait3A_1137] : memref<3x32x1024xf32, #tpu.memory_space<vmem>> -> memref<1x32x1024xf32, #tpu.memory_space<vmem>>
    %dma_wait3A_1139 = tpu.memref_squeeze %dma_wait3A_1138 : memref<1x32x1024xf32, #tpu.memory_space<vmem>> -> memref<32x1024xf32, #tpu.memory_space<vmem>>
    %dma_wait3A_1140 = arith.constant 64 : i32
    %dma_wait3A_1141 = arith.constant 1024 : i32
    %dma_wait3A_1142 = tpu.memref_slice %arg3[%add3A_680, %dma_wait3A_1140, %dma_wait3A_1141] : memref<256x256x2048xf32, #tpu.memory_space<hbm>> -> memref<1x32x1024xf32, #tpu.memory_space<hbm>>
    %dma_wait3A_1143 = tpu.memref_squeeze %dma_wait3A_1142 : memref<1x32x1024xf32, #tpu.memory_space<hbm>> -> memref<32x1024xf32, #tpu.memory_space<hbm>>
    %dma_wait3A_1144 = arith.constant 64 : i32
    %dma_wait3A_1145 = arith.constant 1024 : i32
    %dma_wait3A_1146 = tpu.memref_slice %arg3[%add3A_680, %dma_wait3A_1144, %dma_wait3A_1145] : memref<256x256x2048xf32, #tpu.memory_space<hbm>> -> memref<1x32x1024xf32, #tpu.memory_space<hbm>>
    %dma_wait3A_1147 = tpu.memref_squeeze %dma_wait3A_1146 : memref<1x32x1024xf32, #tpu.memory_space<hbm>> -> memref<32x1024xf32, #tpu.memory_space<hbm>>
    %dma_wait3A_1148 = arith.constant 0 : i32
    %dma_wait3A_1149 = arith.constant 0 : i32
    %dma_wait3A_1150 = tpu.memref_slice %arg4[%dma_wait3A_1135, %dma_wait3A_1148, %dma_wait3A_1149] : memref<3x32x1024xf32, #tpu.memory_space<vmem>> -> memref<1x32x1024xf32, #tpu.memory_space<vmem>>
    %dma_wait3A_1151 = tpu.memref_squeeze %dma_wait3A_1150 : memref<1x32x1024xf32, #tpu.memory_space<vmem>> -> memref<32x1024xf32, #tpu.memory_space<vmem>>
    tpu.wait_dma2 semaphore(%arg6 : memref<!tpu.dma_semaphore, #tpu.memory_space<semaphore_mem>>) src(%dma_wait3A_1151 : memref<32x1024xf32, #tpu.memory_space<vmem>>) dst(%dma_wait3A_1147 : memref<32x1024xf32, #tpu.memory_space<hbm>>)
    %dma_start3A_1152 = arith.constant 2 : i32
    %dma_start3A_1153 = arith.constant 0 : i32
    %dma_start3A_1154 = arith.constant 0 : i32
    %dma_start3A_1155 = tpu.memref_slice %arg4[%dma_start3A_1152, %dma_start3A_1153, %dma_start3A_1154] : memref<3x32x1024xf32, #tpu.memory_space<vmem>> -> memref<1x32x1024xf32, #tpu.memory_space<vmem>>
    %dma_start3A_1156 = tpu.memref_squeeze %dma_start3A_1155 : memref<1x32x1024xf32, #tpu.memory_space<vmem>> -> memref<32x1024xf32, #tpu.memory_space<vmem>>
    %dma_start3A_1157 = arith.constant 160 : i32
    %dma_start3A_1158 = arith.constant 0 : i32
    %dma_start3A_1159 = tpu.memref_slice %arg2[%dma_start3A_1157, %dma_start3A_1158] : memref<1024x1024xf32, #tpu.memory_space<hbm>> -> memref<32x1024xf32, #tpu.memory_space<hbm>>
    %dma_start3A_1160 = arith.constant 0 : i32
    %dma_start3A_1161 = arith.constant 0 : i32
    %dma_start3A_1162 = tpu.memref_slice %arg4[%dma_start3A_1152, %dma_start3A_1160, %dma_start3A_1161] : memref<3x32x1024xf32, #tpu.memory_space<vmem>> -> memref<1x32x1024xf32, #tpu.memory_space<vmem>>
    %dma_start3A_1163 = tpu.memref_squeeze %dma_start3A_1162 : memref<1x32x1024xf32, #tpu.memory_space<vmem>> -> memref<32x1024xf32, #tpu.memory_space<vmem>>
    %dma_start3A_1164 = arith.constant 160 : i32
    %dma_start3A_1165 = arith.constant 0 : i32
    %dma_start3A_1166 = tpu.memref_slice %arg2[%dma_start3A_1164, %dma_start3A_1165] : memref<1024x1024xf32, #tpu.memory_space<hbm>> -> memref<32x1024xf32, #tpu.memory_space<hbm>>
    tpu.enqueue_dma source(%dma_start3A_1166 : memref<32x1024xf32, #tpu.memory_space<hbm>>) target(%dma_start3A_1163 : memref<32x1024xf32, #tpu.memory_space<vmem>>) target_semaphore(%arg5 : memref<!tpu.dma_semaphore, #tpu.memory_space<semaphore_mem>>)
    %dma_wait3A_1167 = arith.constant 1 : i32
    %dma_wait3A_1168 = arith.constant 0 : i32
    %dma_wait3A_1169 = arith.constant 0 : i32
    %dma_wait3A_1170 = tpu.memref_slice %arg4[%dma_wait3A_1167, %dma_wait3A_1168, %dma_wait3A_1169] : memref<3x32x1024xf32, #tpu.memory_space<vmem>> -> memref<1x32x1024xf32, #tpu.memory_space<vmem>>
    %dma_wait3A_1171 = tpu.memref_squeeze %dma_wait3A_1170 : memref<1x32x1024xf32, #tpu.memory_space<vmem>> -> memref<32x1024xf32, #tpu.memory_space<vmem>>
    %dma_wait3A_1172 = arith.constant 128 : i32
    %dma_wait3A_1173 = arith.constant 0 : i32
    %dma_wait3A_1174 = tpu.memref_slice %arg2[%dma_wait3A_1172, %dma_wait3A_1173] : memref<1024x1024xf32, #tpu.memory_space<hbm>> -> memref<32x1024xf32, #tpu.memory_space<hbm>>
    %dma_wait3A_1175 = arith.constant 0 : i32
    %dma_wait3A_1176 = arith.constant 0 : i32
    %dma_wait3A_1177 = tpu.memref_slice %arg4[%dma_wait3A_1167, %dma_wait3A_1175, %dma_wait3A_1176] : memref<3x32x1024xf32, #tpu.memory_space<vmem>> -> memref<1x32x1024xf32, #tpu.memory_space<vmem>>
    %dma_wait3A_1178 = tpu.memref_squeeze %dma_wait3A_1177 : memref<1x32x1024xf32, #tpu.memory_space<vmem>> -> memref<32x1024xf32, #tpu.memory_space<vmem>>
    %dma_wait3A_1179 = arith.constant 128 : i32
    %dma_wait3A_1180 = arith.constant 0 : i32
    %dma_wait3A_1181 = tpu.memref_slice %arg2[%dma_wait3A_1179, %dma_wait3A_1180] : memref<1024x1024xf32, #tpu.memory_space<hbm>> -> memref<32x1024xf32, #tpu.memory_space<hbm>>
    tpu.wait_dma2 semaphore(%arg5 : memref<!tpu.dma_semaphore, #tpu.memory_space<semaphore_mem>>) src(%dma_wait3A_1181 : memref<32x1024xf32, #tpu.memory_space<hbm>>) dst(%dma_wait3A_1178 : memref<32x1024xf32, #tpu.memory_space<vmem>>)
    %add3A_1182 = arith.constant 0 : i32
    %add3A_1183 = arith.addi %mul3A_2, %add3A_1182 : i32
    %dma_start3A_1184 = arith.constant 1 : i32
    %dma_start3A_1185 = arith.constant 0 : i32
    %dma_start3A_1186 = arith.constant 0 : i32
    %dma_start3A_1187 = tpu.memref_slice %arg4[%dma_start3A_1184, %dma_start3A_1185, %dma_start3A_1186] : memref<3x32x1024xf32, #tpu.memory_space<vmem>> -> memref<1x32x1024xf32, #tpu.memory_space<vmem>>
    %dma_start3A_1188 = tpu.memref_squeeze %dma_start3A_1187 : memref<1x32x1024xf32, #tpu.memory_space<vmem>> -> memref<32x1024xf32, #tpu.memory_space<vmem>>
    %dma_start3A_1189 = arith.constant 128 : i32
    %dma_start3A_1190 = arith.constant 1024 : i32
    %dma_start3A_1191 = tpu.memref_slice %arg3[%add3A_1183, %dma_start3A_1189, %dma_start3A_1190] : memref<256x256x2048xf32, #tpu.memory_space<hbm>> -> memref<1x32x1024xf32, #tpu.memory_space<hbm>>
    %dma_start3A_1192 = tpu.memref_squeeze %dma_start3A_1191 : memref<1x32x1024xf32, #tpu.memory_space<hbm>> -> memref<32x1024xf32, #tpu.memory_space<hbm>>
    %dma_start3A_1193 = arith.constant 128 : i32
    %dma_start3A_1194 = arith.constant 1024 : i32
    %dma_start3A_1195 = tpu.memref_slice %arg3[%add3A_1183, %dma_start3A_1193, %dma_start3A_1194] : memref<256x256x2048xf32, #tpu.memory_space<hbm>> -> memref<1x32x1024xf32, #tpu.memory_space<hbm>>
    %dma_start3A_1196 = tpu.memref_squeeze %dma_start3A_1195 : memref<1x32x1024xf32, #tpu.memory_space<hbm>> -> memref<32x1024xf32, #tpu.memory_space<hbm>>
    %dma_start3A_1197 = arith.constant 0 : i32
    %dma_start3A_1198 = arith.constant 0 : i32
    %dma_start3A_1199 = tpu.memref_slice %arg4[%dma_start3A_1184, %dma_start3A_1197, %dma_start3A_1198] : memref<3x32x1024xf32, #tpu.memory_space<vmem>> -> memref<1x32x1024xf32, #tpu.memory_space<vmem>>
    %dma_start3A_1200 = tpu.memref_squeeze %dma_start3A_1199 : memref<1x32x1024xf32, #tpu.memory_space<vmem>> -> memref<32x1024xf32, #tpu.memory_space<vmem>>
    tpu.enqueue_dma source(%dma_start3A_1200 : memref<32x1024xf32, #tpu.memory_space<vmem>>) target(%dma_start3A_1196 : memref<32x1024xf32, #tpu.memory_space<hbm>>) target_semaphore(%arg6 : memref<!tpu.dma_semaphore, #tpu.memory_space<semaphore_mem>>)
    %add3A_1201 = arith.constant 1 : i32
    %add3A_1202 = arith.addi %mul3A_2, %add3A_1201 : i32
    %dma_start3A_1203 = arith.constant 1 : i32
    %dma_start3A_1204 = arith.constant 0 : i32
    %dma_start3A_1205 = arith.constant 0 : i32
    %dma_start3A_1206 = tpu.memref_slice %arg4[%dma_start3A_1203, %dma_start3A_1204, %dma_start3A_1205] : memref<3x32x1024xf32, #tpu.memory_space<vmem>> -> memref<1x32x1024xf32, #tpu.memory_space<vmem>>
    %dma_start3A_1207 = tpu.memref_squeeze %dma_start3A_1206 : memref<1x32x1024xf32, #tpu.memory_space<vmem>> -> memref<32x1024xf32, #tpu.memory_space<vmem>>
    %dma_start3A_1208 = arith.constant 128 : i32
    %dma_start3A_1209 = arith.constant 1024 : i32
    %dma_start3A_1210 = tpu.memref_slice %arg3[%add3A_1202, %dma_start3A_1208, %dma_start3A_1209] : memref<256x256x2048xf32, #tpu.memory_space<hbm>> -> memref<1x32x1024xf32, #tpu.memory_space<hbm>>
    %dma_start3A_1211 = tpu.memref_squeeze %dma_start3A_1210 : memref<1x32x1024xf32, #tpu.memory_space<hbm>> -> memref<32x1024xf32, #tpu.memory_space<hbm>>
    %dma_start3A_1212 = arith.constant 128 : i32
    %dma_start3A_1213 = arith.constant 1024 : i32
    %dma_start3A_1214 = tpu.memref_slice %arg3[%add3A_1202, %dma_start3A_1212, %dma_start3A_1213] : memref<256x256x2048xf32, #tpu.memory_space<hbm>> -> memref<1x32x1024xf32, #tpu.memory_space<hbm>>
    %dma_start3A_1215 = tpu.memref_squeeze %dma_start3A_1214 : memref<1x32x1024xf32, #tpu.memory_space<hbm>> -> memref<32x1024xf32, #tpu.memory_space<hbm>>
    %dma_start3A_1216 = arith.constant 0 : i32
    %dma_start3A_1217 = arith.constant 0 : i32
    %dma_start3A_1218 = tpu.memref_slice %arg4[%dma_start3A_1203, %dma_start3A_1216, %dma_start3A_1217] : memref<3x32x1024xf32, #tpu.memory_space<vmem>> -> memref<1x32x1024xf32, #tpu.memory_space<vmem>>
    %dma_start3A_1219 = tpu.memref_squeeze %dma_start3A_1218 : memref<1x32x1024xf32, #tpu.memory_space<vmem>> -> memref<32x1024xf32, #tpu.memory_space<vmem>>
    tpu.enqueue_dma source(%dma_start3A_1219 : memref<32x1024xf32, #tpu.memory_space<vmem>>) target(%dma_start3A_1215 : memref<32x1024xf32, #tpu.memory_space<hbm>>) target_semaphore(%arg6 : memref<!tpu.dma_semaphore, #tpu.memory_space<semaphore_mem>>)
    %add3A_1220 = arith.constant 2 : i32
    %add3A_1221 = arith.addi %mul3A_2, %add3A_1220 : i32
    %dma_start3A_1222 = arith.constant 1 : i32
    %dma_start3A_1223 = arith.constant 0 : i32
    %dma_start3A_1224 = arith.constant 0 : i32
    %dma_start3A_1225 = tpu.memref_slice %arg4[%dma_start3A_1222, %dma_start3A_1223, %dma_start3A_1224] : memref<3x32x1024xf32, #tpu.memory_space<vmem>> -> memref<1x32x1024xf32, #tpu.memory_space<vmem>>
    %dma_start3A_1226 = tpu.memref_squeeze %dma_start3A_1225 : memref<1x32x1024xf32, #tpu.memory_space<vmem>> -> memref<32x1024xf32, #tpu.memory_space<vmem>>
    %dma_start3A_1227 = arith.constant 128 : i32
    %dma_start3A_1228 = arith.constant 1024 : i32
    %dma_start3A_1229 = tpu.memref_slice %arg3[%add3A_1221, %dma_start3A_1227, %dma_start3A_1228] : memref<256x256x2048xf32, #tpu.memory_space<hbm>> -> memref<1x32x1024xf32, #tpu.memory_space<hbm>>
    %dma_start3A_1230 = tpu.memref_squeeze %dma_start3A_1229 : memref<1x32x1024xf32, #tpu.memory_space<hbm>> -> memref<32x1024xf32, #tpu.memory_space<hbm>>
    %dma_start3A_1231 = arith.constant 128 : i32
    %dma_start3A_1232 = arith.constant 1024 : i32
    %dma_start3A_1233 = tpu.memref_slice %arg3[%add3A_1221, %dma_start3A_1231, %dma_start3A_1232] : memref<256x256x2048xf32, #tpu.memory_space<hbm>> -> memref<1x32x1024xf32, #tpu.memory_space<hbm>>
    %dma_start3A_1234 = tpu.memref_squeeze %dma_start3A_1233 : memref<1x32x1024xf32, #tpu.memory_space<hbm>> -> memref<32x1024xf32, #tpu.memory_space<hbm>>
    %dma_start3A_1235 = arith.constant 0 : i32
    %dma_start3A_1236 = arith.constant 0 : i32
    %dma_start3A_1237 = tpu.memref_slice %arg4[%dma_start3A_1222, %dma_start3A_1235, %dma_start3A_1236] : memref<3x32x1024xf32, #tpu.memory_space<vmem>> -> memref<1x32x1024xf32, #tpu.memory_space<vmem>>
    %dma_start3A_1238 = tpu.memref_squeeze %dma_start3A_1237 : memref<1x32x1024xf32, #tpu.memory_space<vmem>> -> memref<32x1024xf32, #tpu.memory_space<vmem>>
    tpu.enqueue_dma source(%dma_start3A_1238 : memref<32x1024xf32, #tpu.memory_space<vmem>>) target(%dma_start3A_1234 : memref<32x1024xf32, #tpu.memory_space<hbm>>) target_semaphore(%arg6 : memref<!tpu.dma_semaphore, #tpu.memory_space<semaphore_mem>>)
    %add3A_1239 = arith.constant 3 : i32
    %add3A_1240 = arith.addi %mul3A_2, %add3A_1239 : i32
    %dma_start3A_1241 = arith.constant 1 : i32
    %dma_start3A_1242 = arith.constant 0 : i32
    %dma_start3A_1243 = arith.constant 0 : i32
    %dma_start3A_1244 = tpu.memref_slice %arg4[%dma_start3A_1241, %dma_start3A_1242, %dma_start3A_1243] : memref<3x32x1024xf32, #tpu.memory_space<vmem>> -> memref<1x32x1024xf32, #tpu.memory_space<vmem>>
    %dma_start3A_1245 = tpu.memref_squeeze %dma_start3A_1244 : memref<1x32x1024xf32, #tpu.memory_space<vmem>> -> memref<32x1024xf32, #tpu.memory_space<vmem>>
    %dma_start3A_1246 = arith.constant 128 : i32
    %dma_start3A_1247 = arith.constant 1024 : i32
    %dma_start3A_1248 = tpu.memref_slice %arg3[%add3A_1240, %dma_start3A_1246, %dma_start3A_1247] : memref<256x256x2048xf32, #tpu.memory_space<hbm>> -> memref<1x32x1024xf32, #tpu.memory_space<hbm>>
    %dma_start3A_1249 = tpu.memref_squeeze %dma_start3A_1248 : memref<1x32x1024xf32, #tpu.memory_space<hbm>> -> memref<32x1024xf32, #tpu.memory_space<hbm>>
    %dma_start3A_1250 = arith.constant 128 : i32
    %dma_start3A_1251 = arith.constant 1024 : i32
    %dma_start3A_1252 = tpu.memref_slice %arg3[%add3A_1240, %dma_start3A_1250, %dma_start3A_1251] : memref<256x256x2048xf32, #tpu.memory_space<hbm>> -> memref<1x32x1024xf32, #tpu.memory_space<hbm>>
    %dma_start3A_1253 = tpu.memref_squeeze %dma_start3A_1252 : memref<1x32x1024xf32, #tpu.memory_space<hbm>> -> memref<32x1024xf32, #tpu.memory_space<hbm>>
    %dma_start3A_1254 = arith.constant 0 : i32
    %dma_start3A_1255 = arith.constant 0 : i32
    %dma_start3A_1256 = tpu.memref_slice %arg4[%dma_start3A_1241, %dma_start3A_1254, %dma_start3A_1255] : memref<3x32x1024xf32, #tpu.memory_space<vmem>> -> memref<1x32x1024xf32, #tpu.memory_space<vmem>>
    %dma_start3A_1257 = tpu.memref_squeeze %dma_start3A_1256 : memref<1x32x1024xf32, #tpu.memory_space<vmem>> -> memref<32x1024xf32, #tpu.memory_space<vmem>>
    tpu.enqueue_dma source(%dma_start3A_1257 : memref<32x1024xf32, #tpu.memory_space<vmem>>) target(%dma_start3A_1253 : memref<32x1024xf32, #tpu.memory_space<hbm>>) target_semaphore(%arg6 : memref<!tpu.dma_semaphore, #tpu.memory_space<semaphore_mem>>)
    %add3A_1258 = arith.constant 4 : i32
    %add3A_1259 = arith.addi %mul3A_2, %add3A_1258 : i32
    %dma_start3A_1260 = arith.constant 1 : i32
    %dma_start3A_1261 = arith.constant 0 : i32
    %dma_start3A_1262 = arith.constant 0 : i32
    %dma_start3A_1263 = tpu.memref_slice %arg4[%dma_start3A_1260, %dma_start3A_1261, %dma_start3A_1262] : memref<3x32x1024xf32, #tpu.memory_space<vmem>> -> memref<1x32x1024xf32, #tpu.memory_space<vmem>>
    %dma_start3A_1264 = tpu.memref_squeeze %dma_start3A_1263 : memref<1x32x1024xf32, #tpu.memory_space<vmem>> -> memref<32x1024xf32, #tpu.memory_space<vmem>>
    %dma_start3A_1265 = arith.constant 128 : i32
    %dma_start3A_1266 = arith.constant 1024 : i32
    %dma_start3A_1267 = tpu.memref_slice %arg3[%add3A_1259, %dma_start3A_1265, %dma_start3A_1266] : memref<256x256x2048xf32, #tpu.memory_space<hbm>> -> memref<1x32x1024xf32, #tpu.memory_space<hbm>>
    %dma_start3A_1268 = tpu.memref_squeeze %dma_start3A_1267 : memref<1x32x1024xf32, #tpu.memory_space<hbm>> -> memref<32x1024xf32, #tpu.memory_space<hbm>>
    %dma_start3A_1269 = arith.constant 128 : i32
    %dma_start3A_1270 = arith.constant 1024 : i32
    %dma_start3A_1271 = tpu.memref_slice %arg3[%add3A_1259, %dma_start3A_1269, %dma_start3A_1270] : memref<256x256x2048xf32, #tpu.memory_space<hbm>> -> memref<1x32x1024xf32, #tpu.memory_space<hbm>>
    %dma_start3A_1272 = tpu.memref_squeeze %dma_start3A_1271 : memref<1x32x1024xf32, #tpu.memory_space<hbm>> -> memref<32x1024xf32, #tpu.memory_space<hbm>>
    %dma_start3A_1273 = arith.constant 0 : i32
    %dma_start3A_1274 = arith.constant 0 : i32
    %dma_start3A_1275 = tpu.memref_slice %arg4[%dma_start3A_1260, %dma_start3A_1273, %dma_start3A_1274] : memref<3x32x1024xf32, #tpu.memory_space<vmem>> -> memref<1x32x1024xf32, #tpu.memory_space<vmem>>
    %dma_start3A_1276 = tpu.memref_squeeze %dma_start3A_1275 : memref<1x32x1024xf32, #tpu.memory_space<vmem>> -> memref<32x1024xf32, #tpu.memory_space<vmem>>
    tpu.enqueue_dma source(%dma_start3A_1276 : memref<32x1024xf32, #tpu.memory_space<vmem>>) target(%dma_start3A_1272 : memref<32x1024xf32, #tpu.memory_space<hbm>>) target_semaphore(%arg6 : memref<!tpu.dma_semaphore, #tpu.memory_space<semaphore_mem>>)
    %add3A_1277 = arith.constant 5 : i32
    %add3A_1278 = arith.addi %mul3A_2, %add3A_1277 : i32
    %dma_start3A_1279 = arith.constant 1 : i32
    %dma_start3A_1280 = arith.constant 0 : i32
    %dma_start3A_1281 = arith.constant 0 : i32
    %dma_start3A_1282 = tpu.memref_slice %arg4[%dma_start3A_1279, %dma_start3A_1280, %dma_start3A_1281] : memref<3x32x1024xf32, #tpu.memory_space<vmem>> -> memref<1x32x1024xf32, #tpu.memory_space<vmem>>
    %dma_start3A_1283 = tpu.memref_squeeze %dma_start3A_1282 : memref<1x32x1024xf32, #tpu.memory_space<vmem>> -> memref<32x1024xf32, #tpu.memory_space<vmem>>
    %dma_start3A_1284 = arith.constant 128 : i32
    %dma_start3A_1285 = arith.constant 1024 : i32
    %dma_start3A_1286 = tpu.memref_slice %arg3[%add3A_1278, %dma_start3A_1284, %dma_start3A_1285] : memref<256x256x2048xf32, #tpu.memory_space<hbm>> -> memref<1x32x1024xf32, #tpu.memory_space<hbm>>
    %dma_start3A_1287 = tpu.memref_squeeze %dma_start3A_1286 : memref<1x32x1024xf32, #tpu.memory_space<hbm>> -> memref<32x1024xf32, #tpu.memory_space<hbm>>
    %dma_start3A_1288 = arith.constant 128 : i32
    %dma_start3A_1289 = arith.constant 1024 : i32
    %dma_start3A_1290 = tpu.memref_slice %arg3[%add3A_1278, %dma_start3A_1288, %dma_start3A_1289] : memref<256x256x2048xf32, #tpu.memory_space<hbm>> -> memref<1x32x1024xf32, #tpu.memory_space<hbm>>
    %dma_start3A_1291 = tpu.memref_squeeze %dma_start3A_1290 : memref<1x32x1024xf32, #tpu.memory_space<hbm>> -> memref<32x1024xf32, #tpu.memory_space<hbm>>
    %dma_start3A_1292 = arith.constant 0 : i32
    %dma_start3A_1293 = arith.constant 0 : i32
    %dma_start3A_1294 = tpu.memref_slice %arg4[%dma_start3A_1279, %dma_start3A_1292, %dma_start3A_1293] : memref<3x32x1024xf32, #tpu.memory_space<vmem>> -> memref<1x32x1024xf32, #tpu.memory_space<vmem>>
    %dma_start3A_1295 = tpu.memref_squeeze %dma_start3A_1294 : memref<1x32x1024xf32, #tpu.memory_space<vmem>> -> memref<32x1024xf32, #tpu.memory_space<vmem>>
    tpu.enqueue_dma source(%dma_start3A_1295 : memref<32x1024xf32, #tpu.memory_space<vmem>>) target(%dma_start3A_1291 : memref<32x1024xf32, #tpu.memory_space<hbm>>) target_semaphore(%arg6 : memref<!tpu.dma_semaphore, #tpu.memory_space<semaphore_mem>>)
    %add3A_1296 = arith.constant 6 : i32
    %add3A_1297 = arith.addi %mul3A_2, %add3A_1296 : i32
    %dma_start3A_1298 = arith.constant 1 : i32
    %dma_start3A_1299 = arith.constant 0 : i32
    %dma_start3A_1300 = arith.constant 0 : i32
    %dma_start3A_1301 = tpu.memref_slice %arg4[%dma_start3A_1298, %dma_start3A_1299, %dma_start3A_1300] : memref<3x32x1024xf32, #tpu.memory_space<vmem>> -> memref<1x32x1024xf32, #tpu.memory_space<vmem>>
    %dma_start3A_1302 = tpu.memref_squeeze %dma_start3A_1301 : memref<1x32x1024xf32, #tpu.memory_space<vmem>> -> memref<32x1024xf32, #tpu.memory_space<vmem>>
    %dma_start3A_1303 = arith.constant 128 : i32
    %dma_start3A_1304 = arith.constant 1024 : i32
    %dma_start3A_1305 = tpu.memref_slice %arg3[%add3A_1297, %dma_start3A_1303, %dma_start3A_1304] : memref<256x256x2048xf32, #tpu.memory_space<hbm>> -> memref<1x32x1024xf32, #tpu.memory_space<hbm>>
    %dma_start3A_1306 = tpu.memref_squeeze %dma_start3A_1305 : memref<1x32x1024xf32, #tpu.memory_space<hbm>> -> memref<32x1024xf32, #tpu.memory_space<hbm>>
    %dma_start3A_1307 = arith.constant 128 : i32
    %dma_start3A_1308 = arith.constant 1024 : i32
    %dma_start3A_1309 = tpu.memref_slice %arg3[%add3A_1297, %dma_start3A_1307, %dma_start3A_1308] : memref<256x256x2048xf32, #tpu.memory_space<hbm>> -> memref<1x32x1024xf32, #tpu.memory_space<hbm>>
    %dma_start3A_1310 = tpu.memref_squeeze %dma_start3A_1309 : memref<1x32x1024xf32, #tpu.memory_space<hbm>> -> memref<32x1024xf32, #tpu.memory_space<hbm>>
    %dma_start3A_1311 = arith.constant 0 : i32
    %dma_start3A_1312 = arith.constant 0 : i32
    %dma_start3A_1313 = tpu.memref_slice %arg4[%dma_start3A_1298, %dma_start3A_1311, %dma_start3A_1312] : memref<3x32x1024xf32, #tpu.memory_space<vmem>> -> memref<1x32x1024xf32, #tpu.memory_space<vmem>>
    %dma_start3A_1314 = tpu.memref_squeeze %dma_start3A_1313 : memref<1x32x1024xf32, #tpu.memory_space<vmem>> -> memref<32x1024xf32, #tpu.memory_space<vmem>>
    tpu.enqueue_dma source(%dma_start3A_1314 : memref<32x1024xf32, #tpu.memory_space<vmem>>) target(%dma_start3A_1310 : memref<32x1024xf32, #tpu.memory_space<hbm>>) target_semaphore(%arg6 : memref<!tpu.dma_semaphore, #tpu.memory_space<semaphore_mem>>)
    %add3A_1315 = arith.constant 7 : i32
    %add3A_1316 = arith.addi %mul3A_2, %add3A_1315 : i32
    %dma_start3A_1317 = arith.constant 1 : i32
    %dma_start3A_1318 = arith.constant 0 : i32
    %dma_start3A_1319 = arith.constant 0 : i32
    %dma_start3A_1320 = tpu.memref_slice %arg4[%dma_start3A_1317, %dma_start3A_1318, %dma_start3A_1319] : memref<3x32x1024xf32, #tpu.memory_space<vmem>> -> memref<1x32x1024xf32, #tpu.memory_space<vmem>>
    %dma_start3A_1321 = tpu.memref_squeeze %dma_start3A_1320 : memref<1x32x1024xf32, #tpu.memory_space<vmem>> -> memref<32x1024xf32, #tpu.memory_space<vmem>>
    %dma_start3A_1322 = arith.constant 128 : i32
    %dma_start3A_1323 = arith.constant 1024 : i32
    %dma_start3A_1324 = tpu.memref_slice %arg3[%add3A_1316, %dma_start3A_1322, %dma_start3A_1323] : memref<256x256x2048xf32, #tpu.memory_space<hbm>> -> memref<1x32x1024xf32, #tpu.memory_space<hbm>>
    %dma_start3A_1325 = tpu.memref_squeeze %dma_start3A_1324 : memref<1x32x1024xf32, #tpu.memory_space<hbm>> -> memref<32x1024xf32, #tpu.memory_space<hbm>>
    %dma_start3A_1326 = arith.constant 128 : i32
    %dma_start3A_1327 = arith.constant 1024 : i32
    %dma_start3A_1328 = tpu.memref_slice %arg3[%add3A_1316, %dma_start3A_1326, %dma_start3A_1327] : memref<256x256x2048xf32, #tpu.memory_space<hbm>> -> memref<1x32x1024xf32, #tpu.memory_space<hbm>>
    %dma_start3A_1329 = tpu.memref_squeeze %dma_start3A_1328 : memref<1x32x1024xf32, #tpu.memory_space<hbm>> -> memref<32x1024xf32, #tpu.memory_space<hbm>>
    %dma_start3A_1330 = arith.constant 0 : i32
    %dma_start3A_1331 = arith.constant 0 : i32
    %dma_start3A_1332 = tpu.memref_slice %arg4[%dma_start3A_1317, %dma_start3A_1330, %dma_start3A_1331] : memref<3x32x1024xf32, #tpu.memory_space<vmem>> -> memref<1x32x1024xf32, #tpu.memory_space<vmem>>
    %dma_start3A_1333 = tpu.memref_squeeze %dma_start3A_1332 : memref<1x32x1024xf32, #tpu.memory_space<vmem>> -> memref<32x1024xf32, #tpu.memory_space<vmem>>
    tpu.enqueue_dma source(%dma_start3A_1333 : memref<32x1024xf32, #tpu.memory_space<vmem>>) target(%dma_start3A_1329 : memref<32x1024xf32, #tpu.memory_space<hbm>>) target_semaphore(%arg6 : memref<!tpu.dma_semaphore, #tpu.memory_space<semaphore_mem>>)
    %dma_wait3A_1334 = arith.constant 0 : i32
    %dma_wait3A_1335 = arith.constant 0 : i32
    %dma_wait3A_1336 = arith.constant 0 : i32
    %dma_wait3A_1337 = tpu.memref_slice %arg4[%dma_wait3A_1334, %dma_wait3A_1335, %dma_wait3A_1336] : memref<3x32x1024xf32, #tpu.memory_space<vmem>> -> memref<1x32x1024xf32, #tpu.memory_space<vmem>>
    %dma_wait3A_1338 = tpu.memref_squeeze %dma_wait3A_1337 : memref<1x32x1024xf32, #tpu.memory_space<vmem>> -> memref<32x1024xf32, #tpu.memory_space<vmem>>
    %dma_wait3A_1339 = arith.constant 96 : i32
    %dma_wait3A_1340 = arith.constant 1024 : i32
    %dma_wait3A_1341 = tpu.memref_slice %arg3[%add3A_865, %dma_wait3A_1339, %dma_wait3A_1340] : memref<256x256x2048xf32, #tpu.memory_space<hbm>> -> memref<1x32x1024xf32, #tpu.memory_space<hbm>>
    %dma_wait3A_1342 = tpu.memref_squeeze %dma_wait3A_1341 : memref<1x32x1024xf32, #tpu.memory_space<hbm>> -> memref<32x1024xf32, #tpu.memory_space<hbm>>
    %dma_wait3A_1343 = arith.constant 96 : i32
    %dma_wait3A_1344 = arith.constant 1024 : i32
    %dma_wait3A_1345 = tpu.memref_slice %arg3[%add3A_865, %dma_wait3A_1343, %dma_wait3A_1344] : memref<256x256x2048xf32, #tpu.memory_space<hbm>> -> memref<1x32x1024xf32, #tpu.memory_space<hbm>>
    %dma_wait3A_1346 = tpu.memref_squeeze %dma_wait3A_1345 : memref<1x32x1024xf32, #tpu.memory_space<hbm>> -> memref<32x1024xf32, #tpu.memory_space<hbm>>
    %dma_wait3A_1347 = arith.constant 0 : i32
    %dma_wait3A_1348 = arith.constant 0 : i32
    %dma_wait3A_1349 = tpu.memref_slice %arg4[%dma_wait3A_1334, %dma_wait3A_1347, %dma_wait3A_1348] : memref<3x32x1024xf32, #tpu.memory_space<vmem>> -> memref<1x32x1024xf32, #tpu.memory_space<vmem>>
    %dma_wait3A_1350 = tpu.memref_squeeze %dma_wait3A_1349 : memref<1x32x1024xf32, #tpu.memory_space<vmem>> -> memref<32x1024xf32, #tpu.memory_space<vmem>>
    tpu.wait_dma2 semaphore(%arg6 : memref<!tpu.dma_semaphore, #tpu.memory_space<semaphore_mem>>) src(%dma_wait3A_1350 : memref<32x1024xf32, #tpu.memory_space<vmem>>) dst(%dma_wait3A_1346 : memref<32x1024xf32, #tpu.memory_space<hbm>>)
    %dma_wait3A_1351 = arith.constant 0 : i32
    %dma_wait3A_1352 = arith.constant 0 : i32
    %dma_wait3A_1353 = arith.constant 0 : i32
    %dma_wait3A_1354 = tpu.memref_slice %arg4[%dma_wait3A_1351, %dma_wait3A_1352, %dma_wait3A_1353] : memref<3x32x1024xf32, #tpu.memory_space<vmem>> -> memref<1x32x1024xf32, #tpu.memory_space<vmem>>
    %dma_wait3A_1355 = tpu.memref_squeeze %dma_wait3A_1354 : memref<1x32x1024xf32, #tpu.memory_space<vmem>> -> memref<32x1024xf32, #tpu.memory_space<vmem>>
    %dma_wait3A_1356 = arith.constant 96 : i32
    %dma_wait3A_1357 = arith.constant 1024 : i32
    %dma_wait3A_1358 = tpu.memref_slice %arg3[%add3A_884, %dma_wait3A_1356, %dma_wait3A_1357] : memref<256x256x2048xf32, #tpu.memory_space<hbm>> -> memref<1x32x1024xf32, #tpu.memory_space<hbm>>
    %dma_wait3A_1359 = tpu.memref_squeeze %dma_wait3A_1358 : memref<1x32x1024xf32, #tpu.memory_space<hbm>> -> memref<32x1024xf32, #tpu.memory_space<hbm>>
    %dma_wait3A_1360 = arith.constant 96 : i32
    %dma_wait3A_1361 = arith.constant 1024 : i32
    %dma_wait3A_1362 = tpu.memref_slice %arg3[%add3A_884, %dma_wait3A_1360, %dma_wait3A_1361] : memref<256x256x2048xf32, #tpu.memory_space<hbm>> -> memref<1x32x1024xf32, #tpu.memory_space<hbm>>
    %dma_wait3A_1363 = tpu.memref_squeeze %dma_wait3A_1362 : memref<1x32x1024xf32, #tpu.memory_space<hbm>> -> memref<32x1024xf32, #tpu.memory_space<hbm>>
    %dma_wait3A_1364 = arith.constant 0 : i32
    %dma_wait3A_1365 = arith.constant 0 : i32
    %dma_wait3A_1366 = tpu.memref_slice %arg4[%dma_wait3A_1351, %dma_wait3A_1364, %dma_wait3A_1365] : memref<3x32x1024xf32, #tpu.memory_space<vmem>> -> memref<1x32x1024xf32, #tpu.memory_space<vmem>>
    %dma_wait3A_1367 = tpu.memref_squeeze %dma_wait3A_1366 : memref<1x32x1024xf32, #tpu.memory_space<vmem>> -> memref<32x1024xf32, #tpu.memory_space<vmem>>
    tpu.wait_dma2 semaphore(%arg6 : memref<!tpu.dma_semaphore, #tpu.memory_space<semaphore_mem>>) src(%dma_wait3A_1367 : memref<32x1024xf32, #tpu.memory_space<vmem>>) dst(%dma_wait3A_1363 : memref<32x1024xf32, #tpu.memory_space<hbm>>)
    %dma_wait3A_1368 = arith.constant 0 : i32
    %dma_wait3A_1369 = arith.constant 0 : i32
    %dma_wait3A_1370 = arith.constant 0 : i32
    %dma_wait3A_1371 = tpu.memref_slice %arg4[%dma_wait3A_1368, %dma_wait3A_1369, %dma_wait3A_1370] : memref<3x32x1024xf32, #tpu.memory_space<vmem>> -> memref<1x32x1024xf32, #tpu.memory_space<vmem>>
    %dma_wait3A_1372 = tpu.memref_squeeze %dma_wait3A_1371 : memref<1x32x1024xf32, #tpu.memory_space<vmem>> -> memref<32x1024xf32, #tpu.memory_space<vmem>>
    %dma_wait3A_1373 = arith.constant 96 : i32
    %dma_wait3A_1374 = arith.constant 1024 : i32
    %dma_wait3A_1375 = tpu.memref_slice %arg3[%add3A_903, %dma_wait3A_1373, %dma_wait3A_1374] : memref<256x256x2048xf32, #tpu.memory_space<hbm>> -> memref<1x32x1024xf32, #tpu.memory_space<hbm>>
    %dma_wait3A_1376 = tpu.memref_squeeze %dma_wait3A_1375 : memref<1x32x1024xf32, #tpu.memory_space<hbm>> -> memref<32x1024xf32, #tpu.memory_space<hbm>>
    %dma_wait3A_1377 = arith.constant 96 : i32
    %dma_wait3A_1378 = arith.constant 1024 : i32
    %dma_wait3A_1379 = tpu.memref_slice %arg3[%add3A_903, %dma_wait3A_1377, %dma_wait3A_1378] : memref<256x256x2048xf32, #tpu.memory_space<hbm>> -> memref<1x32x1024xf32, #tpu.memory_space<hbm>>
    %dma_wait3A_1380 = tpu.memref_squeeze %dma_wait3A_1379 : memref<1x32x1024xf32, #tpu.memory_space<hbm>> -> memref<32x1024xf32, #tpu.memory_space<hbm>>
    %dma_wait3A_1381 = arith.constant 0 : i32
    %dma_wait3A_1382 = arith.constant 0 : i32
    %dma_wait3A_1383 = tpu.memref_slice %arg4[%dma_wait3A_1368, %dma_wait3A_1381, %dma_wait3A_1382] : memref<3x32x1024xf32, #tpu.memory_space<vmem>> -> memref<1x32x1024xf32, #tpu.memory_space<vmem>>
    %dma_wait3A_1384 = tpu.memref_squeeze %dma_wait3A_1383 : memref<1x32x1024xf32, #tpu.memory_space<vmem>> -> memref<32x1024xf32, #tpu.memory_space<vmem>>
    tpu.wait_dma2 semaphore(%arg6 : memref<!tpu.dma_semaphore, #tpu.memory_space<semaphore_mem>>) src(%dma_wait3A_1384 : memref<32x1024xf32, #tpu.memory_space<vmem>>) dst(%dma_wait3A_1380 : memref<32x1024xf32, #tpu.memory_space<hbm>>)
    %dma_wait3A_1385 = arith.constant 0 : i32
    %dma_wait3A_1386 = arith.constant 0 : i32
    %dma_wait3A_1387 = arith.constant 0 : i32
    %dma_wait3A_1388 = tpu.memref_slice %arg4[%dma_wait3A_1385, %dma_wait3A_1386, %dma_wait3A_1387] : memref<3x32x1024xf32, #tpu.memory_space<vmem>> -> memref<1x32x1024xf32, #tpu.memory_space<vmem>>
    %dma_wait3A_1389 = tpu.memref_squeeze %dma_wait3A_1388 : memref<1x32x1024xf32, #tpu.memory_space<vmem>> -> memref<32x1024xf32, #tpu.memory_space<vmem>>
    %dma_wait3A_1390 = arith.constant 96 : i32
    %dma_wait3A_1391 = arith.constant 1024 : i32
    %dma_wait3A_1392 = tpu.memref_slice %arg3[%add3A_922, %dma_wait3A_1390, %dma_wait3A_1391] : memref<256x256x2048xf32, #tpu.memory_space<hbm>> -> memref<1x32x1024xf32, #tpu.memory_space<hbm>>
    %dma_wait3A_1393 = tpu.memref_squeeze %dma_wait3A_1392 : memref<1x32x1024xf32, #tpu.memory_space<hbm>> -> memref<32x1024xf32, #tpu.memory_space<hbm>>
    %dma_wait3A_1394 = arith.constant 96 : i32
    %dma_wait3A_1395 = arith.constant 1024 : i32
    %dma_wait3A_1396 = tpu.memref_slice %arg3[%add3A_922, %dma_wait3A_1394, %dma_wait3A_1395] : memref<256x256x2048xf32, #tpu.memory_space<hbm>> -> memref<1x32x1024xf32, #tpu.memory_space<hbm>>
    %dma_wait3A_1397 = tpu.memref_squeeze %dma_wait3A_1396 : memref<1x32x1024xf32, #tpu.memory_space<hbm>> -> memref<32x1024xf32, #tpu.memory_space<hbm>>
    %dma_wait3A_1398 = arith.constant 0 : i32
    %dma_wait3A_1399 = arith.constant 0 : i32
    %dma_wait3A_1400 = tpu.memref_slice %arg4[%dma_wait3A_1385, %dma_wait3A_1398, %dma_wait3A_1399] : memref<3x32x1024xf32, #tpu.memory_space<vmem>> -> memref<1x32x1024xf32, #tpu.memory_space<vmem>>
    %dma_wait3A_1401 = tpu.memref_squeeze %dma_wait3A_1400 : memref<1x32x1024xf32, #tpu.memory_space<vmem>> -> memref<32x1024xf32, #tpu.memory_space<vmem>>
    tpu.wait_dma2 semaphore(%arg6 : memref<!tpu.dma_semaphore, #tpu.memory_space<semaphore_mem>>) src(%dma_wait3A_1401 : memref<32x1024xf32, #tpu.memory_space<vmem>>) dst(%dma_wait3A_1397 : memref<32x1024xf32, #tpu.memory_space<hbm>>)
    %dma_wait3A_1402 = arith.constant 0 : i32
    %dma_wait3A_1403 = arith.constant 0 : i32
    %dma_wait3A_1404 = arith.constant 0 : i32
    %dma_wait3A_1405 = tpu.memref_slice %arg4[%dma_wait3A_1402, %dma_wait3A_1403, %dma_wait3A_1404] : memref<3x32x1024xf32, #tpu.memory_space<vmem>> -> memref<1x32x1024xf32, #tpu.memory_space<vmem>>
    %dma_wait3A_1406 = tpu.memref_squeeze %dma_wait3A_1405 : memref<1x32x1024xf32, #tpu.memory_space<vmem>> -> memref<32x1024xf32, #tpu.memory_space<vmem>>
    %dma_wait3A_1407 = arith.constant 96 : i32
    %dma_wait3A_1408 = arith.constant 1024 : i32
    %dma_wait3A_1409 = tpu.memref_slice %arg3[%add3A_941, %dma_wait3A_1407, %dma_wait3A_1408] : memref<256x256x2048xf32, #tpu.memory_space<hbm>> -> memref<1x32x1024xf32, #tpu.memory_space<hbm>>
    %dma_wait3A_1410 = tpu.memref_squeeze %dma_wait3A_1409 : memref<1x32x1024xf32, #tpu.memory_space<hbm>> -> memref<32x1024xf32, #tpu.memory_space<hbm>>
    %dma_wait3A_1411 = arith.constant 96 : i32
    %dma_wait3A_1412 = arith.constant 1024 : i32
    %dma_wait3A_1413 = tpu.memref_slice %arg3[%add3A_941, %dma_wait3A_1411, %dma_wait3A_1412] : memref<256x256x2048xf32, #tpu.memory_space<hbm>> -> memref<1x32x1024xf32, #tpu.memory_space<hbm>>
    %dma_wait3A_1414 = tpu.memref_squeeze %dma_wait3A_1413 : memref<1x32x1024xf32, #tpu.memory_space<hbm>> -> memref<32x1024xf32, #tpu.memory_space<hbm>>
    %dma_wait3A_1415 = arith.constant 0 : i32
    %dma_wait3A_1416 = arith.constant 0 : i32
    %dma_wait3A_1417 = tpu.memref_slice %arg4[%dma_wait3A_1402, %dma_wait3A_1415, %dma_wait3A_1416] : memref<3x32x1024xf32, #tpu.memory_space<vmem>> -> memref<1x32x1024xf32, #tpu.memory_space<vmem>>
    %dma_wait3A_1418 = tpu.memref_squeeze %dma_wait3A_1417 : memref<1x32x1024xf32, #tpu.memory_space<vmem>> -> memref<32x1024xf32, #tpu.memory_space<vmem>>
    tpu.wait_dma2 semaphore(%arg6 : memref<!tpu.dma_semaphore, #tpu.memory_space<semaphore_mem>>) src(%dma_wait3A_1418 : memref<32x1024xf32, #tpu.memory_space<vmem>>) dst(%dma_wait3A_1414 : memref<32x1024xf32, #tpu.memory_space<hbm>>)
    %dma_wait3A_1419 = arith.constant 0 : i32
    %dma_wait3A_1420 = arith.constant 0 : i32
    %dma_wait3A_1421 = arith.constant 0 : i32
    %dma_wait3A_1422 = tpu.memref_slice %arg4[%dma_wait3A_1419, %dma_wait3A_1420, %dma_wait3A_1421] : memref<3x32x1024xf32, #tpu.memory_space<vmem>> -> memref<1x32x1024xf32, #tpu.memory_space<vmem>>
    %dma_wait3A_1423 = tpu.memref_squeeze %dma_wait3A_1422 : memref<1x32x1024xf32, #tpu.memory_space<vmem>> -> memref<32x1024xf32, #tpu.memory_space<vmem>>
    %dma_wait3A_1424 = arith.constant 96 : i32
    %dma_wait3A_1425 = arith.constant 1024 : i32
    %dma_wait3A_1426 = tpu.memref_slice %arg3[%add3A_960, %dma_wait3A_1424, %dma_wait3A_1425] : memref<256x256x2048xf32, #tpu.memory_space<hbm>> -> memref<1x32x1024xf32, #tpu.memory_space<hbm>>
    %dma_wait3A_1427 = tpu.memref_squeeze %dma_wait3A_1426 : memref<1x32x1024xf32, #tpu.memory_space<hbm>> -> memref<32x1024xf32, #tpu.memory_space<hbm>>
    %dma_wait3A_1428 = arith.constant 96 : i32
    %dma_wait3A_1429 = arith.constant 1024 : i32
    %dma_wait3A_1430 = tpu.memref_slice %arg3[%add3A_960, %dma_wait3A_1428, %dma_wait3A_1429] : memref<256x256x2048xf32, #tpu.memory_space<hbm>> -> memref<1x32x1024xf32, #tpu.memory_space<hbm>>
    %dma_wait3A_1431 = tpu.memref_squeeze %dma_wait3A_1430 : memref<1x32x1024xf32, #tpu.memory_space<hbm>> -> memref<32x1024xf32, #tpu.memory_space<hbm>>
    %dma_wait3A_1432 = arith.constant 0 : i32
    %dma_wait3A_1433 = arith.constant 0 : i32
    %dma_wait3A_1434 = tpu.memref_slice %arg4[%dma_wait3A_1419, %dma_wait3A_1432, %dma_wait3A_1433] : memref<3x32x1024xf32, #tpu.memory_space<vmem>> -> memref<1x32x1024xf32, #tpu.memory_space<vmem>>
    %dma_wait3A_1435 = tpu.memref_squeeze %dma_wait3A_1434 : memref<1x32x1024xf32, #tpu.memory_space<vmem>> -> memref<32x1024xf32, #tpu.memory_space<vmem>>
    tpu.wait_dma2 semaphore(%arg6 : memref<!tpu.dma_semaphore, #tpu.memory_space<semaphore_mem>>) src(%dma_wait3A_1435 : memref<32x1024xf32, #tpu.memory_space<vmem>>) dst(%dma_wait3A_1431 : memref<32x1024xf32, #tpu.memory_space<hbm>>)
    %dma_wait3A_1436 = arith.constant 0 : i32
    %dma_wait3A_1437 = arith.constant 0 : i32
    %dma_wait3A_1438 = arith.constant 0 : i32
    %dma_wait3A_1439 = tpu.memref_slice %arg4[%dma_wait3A_1436, %dma_wait3A_1437, %dma_wait3A_1438] : memref<3x32x1024xf32, #tpu.memory_space<vmem>> -> memref<1x32x1024xf32, #tpu.memory_space<vmem>>
    %dma_wait3A_1440 = tpu.memref_squeeze %dma_wait3A_1439 : memref<1x32x1024xf32, #tpu.memory_space<vmem>> -> memref<32x1024xf32, #tpu.memory_space<vmem>>
    %dma_wait3A_1441 = arith.constant 96 : i32
    %dma_wait3A_1442 = arith.constant 1024 : i32
    %dma_wait3A_1443 = tpu.memref_slice %arg3[%add3A_979, %dma_wait3A_1441, %dma_wait3A_1442] : memref<256x256x2048xf32, #tpu.memory_space<hbm>> -> memref<1x32x1024xf32, #tpu.memory_space<hbm>>
    %dma_wait3A_1444 = tpu.memref_squeeze %dma_wait3A_1443 : memref<1x32x1024xf32, #tpu.memory_space<hbm>> -> memref<32x1024xf32, #tpu.memory_space<hbm>>
    %dma_wait3A_1445 = arith.constant 96 : i32
    %dma_wait3A_1446 = arith.constant 1024 : i32
    %dma_wait3A_1447 = tpu.memref_slice %arg3[%add3A_979, %dma_wait3A_1445, %dma_wait3A_1446] : memref<256x256x2048xf32, #tpu.memory_space<hbm>> -> memref<1x32x1024xf32, #tpu.memory_space<hbm>>
    %dma_wait3A_1448 = tpu.memref_squeeze %dma_wait3A_1447 : memref<1x32x1024xf32, #tpu.memory_space<hbm>> -> memref<32x1024xf32, #tpu.memory_space<hbm>>
    %dma_wait3A_1449 = arith.constant 0 : i32
    %dma_wait3A_1450 = arith.constant 0 : i32
    %dma_wait3A_1451 = tpu.memref_slice %arg4[%dma_wait3A_1436, %dma_wait3A_1449, %dma_wait3A_1450] : memref<3x32x1024xf32, #tpu.memory_space<vmem>> -> memref<1x32x1024xf32, #tpu.memory_space<vmem>>
    %dma_wait3A_1452 = tpu.memref_squeeze %dma_wait3A_1451 : memref<1x32x1024xf32, #tpu.memory_space<vmem>> -> memref<32x1024xf32, #tpu.memory_space<vmem>>
    tpu.wait_dma2 semaphore(%arg6 : memref<!tpu.dma_semaphore, #tpu.memory_space<semaphore_mem>>) src(%dma_wait3A_1452 : memref<32x1024xf32, #tpu.memory_space<vmem>>) dst(%dma_wait3A_1448 : memref<32x1024xf32, #tpu.memory_space<hbm>>)
    %dma_wait3A_1453 = arith.constant 0 : i32
    %dma_wait3A_1454 = arith.constant 0 : i32
    %dma_wait3A_1455 = arith.constant 0 : i32
    %dma_wait3A_1456 = tpu.memref_slice %arg4[%dma_wait3A_1453, %dma_wait3A_1454, %dma_wait3A_1455] : memref<3x32x1024xf32, #tpu.memory_space<vmem>> -> memref<1x32x1024xf32, #tpu.memory_space<vmem>>
    %dma_wait3A_1457 = tpu.memref_squeeze %dma_wait3A_1456 : memref<1x32x1024xf32, #tpu.memory_space<vmem>> -> memref<32x1024xf32, #tpu.memory_space<vmem>>
    %dma_wait3A_1458 = arith.constant 96 : i32
    %dma_wait3A_1459 = arith.constant 1024 : i32
    %dma_wait3A_1460 = tpu.memref_slice %arg3[%add3A_998, %dma_wait3A_1458, %dma_wait3A_1459] : memref<256x256x2048xf32, #tpu.memory_space<hbm>> -> memref<1x32x1024xf32, #tpu.memory_space<hbm>>
    %dma_wait3A_1461 = tpu.memref_squeeze %dma_wait3A_1460 : memref<1x32x1024xf32, #tpu.memory_space<hbm>> -> memref<32x1024xf32, #tpu.memory_space<hbm>>
    %dma_wait3A_1462 = arith.constant 96 : i32
    %dma_wait3A_1463 = arith.constant 1024 : i32
    %dma_wait3A_1464 = tpu.memref_slice %arg3[%add3A_998, %dma_wait3A_1462, %dma_wait3A_1463] : memref<256x256x2048xf32, #tpu.memory_space<hbm>> -> memref<1x32x1024xf32, #tpu.memory_space<hbm>>
    %dma_wait3A_1465 = tpu.memref_squeeze %dma_wait3A_1464 : memref<1x32x1024xf32, #tpu.memory_space<hbm>> -> memref<32x1024xf32, #tpu.memory_space<hbm>>
    %dma_wait3A_1466 = arith.constant 0 : i32
    %dma_wait3A_1467 = arith.constant 0 : i32
    %dma_wait3A_1468 = tpu.memref_slice %arg4[%dma_wait3A_1453, %dma_wait3A_1466, %dma_wait3A_1467] : memref<3x32x1024xf32, #tpu.memory_space<vmem>> -> memref<1x32x1024xf32, #tpu.memory_space<vmem>>
    %dma_wait3A_1469 = tpu.memref_squeeze %dma_wait3A_1468 : memref<1x32x1024xf32, #tpu.memory_space<vmem>> -> memref<32x1024xf32, #tpu.memory_space<vmem>>
    tpu.wait_dma2 semaphore(%arg6 : memref<!tpu.dma_semaphore, #tpu.memory_space<semaphore_mem>>) src(%dma_wait3A_1469 : memref<32x1024xf32, #tpu.memory_space<vmem>>) dst(%dma_wait3A_1465 : memref<32x1024xf32, #tpu.memory_space<hbm>>)
    %dma_start3A_1470 = arith.constant 0 : i32
    %dma_start3A_1471 = arith.constant 0 : i32
    %dma_start3A_1472 = arith.constant 0 : i32
    %dma_start3A_1473 = tpu.memref_slice %arg4[%dma_start3A_1470, %dma_start3A_1471, %dma_start3A_1472] : memref<3x32x1024xf32, #tpu.memory_space<vmem>> -> memref<1x32x1024xf32, #tpu.memory_space<vmem>>
    %dma_start3A_1474 = tpu.memref_squeeze %dma_start3A_1473 : memref<1x32x1024xf32, #tpu.memory_space<vmem>> -> memref<32x1024xf32, #tpu.memory_space<vmem>>
    %dma_start3A_1475 = arith.constant 192 : i32
    %dma_start3A_1476 = arith.constant 0 : i32
    %dma_start3A_1477 = tpu.memref_slice %arg2[%dma_start3A_1475, %dma_start3A_1476] : memref<1024x1024xf32, #tpu.memory_space<hbm>> -> memref<32x1024xf32, #tpu.memory_space<hbm>>
    %dma_start3A_1478 = arith.constant 0 : i32
    %dma_start3A_1479 = arith.constant 0 : i32
    %dma_start3A_1480 = tpu.memref_slice %arg4[%dma_start3A_1470, %dma_start3A_1478, %dma_start3A_1479] : memref<3x32x1024xf32, #tpu.memory_space<vmem>> -> memref<1x32x1024xf32, #tpu.memory_space<vmem>>
    %dma_start3A_1481 = tpu.memref_squeeze %dma_start3A_1480 : memref<1x32x1024xf32, #tpu.memory_space<vmem>> -> memref<32x1024xf32, #tpu.memory_space<vmem>>
    %dma_start3A_1482 = arith.constant 192 : i32
    %dma_start3A_1483 = arith.constant 0 : i32
    %dma_start3A_1484 = tpu.memref_slice %arg2[%dma_start3A_1482, %dma_start3A_1483] : memref<1024x1024xf32, #tpu.memory_space<hbm>> -> memref<32x1024xf32, #tpu.memory_space<hbm>>
    tpu.enqueue_dma source(%dma_start3A_1484 : memref<32x1024xf32, #tpu.memory_space<hbm>>) target(%dma_start3A_1481 : memref<32x1024xf32, #tpu.memory_space<vmem>>) target_semaphore(%arg5 : memref<!tpu.dma_semaphore, #tpu.memory_space<semaphore_mem>>)
    %dma_wait3A_1485 = arith.constant 2 : i32
    %dma_wait3A_1486 = arith.constant 0 : i32
    %dma_wait3A_1487 = arith.constant 0 : i32
    %dma_wait3A_1488 = tpu.memref_slice %arg4[%dma_wait3A_1485, %dma_wait3A_1486, %dma_wait3A_1487] : memref<3x32x1024xf32, #tpu.memory_space<vmem>> -> memref<1x32x1024xf32, #tpu.memory_space<vmem>>
    %dma_wait3A_1489 = tpu.memref_squeeze %dma_wait3A_1488 : memref<1x32x1024xf32, #tpu.memory_space<vmem>> -> memref<32x1024xf32, #tpu.memory_space<vmem>>
    %dma_wait3A_1490 = arith.constant 160 : i32
    %dma_wait3A_1491 = arith.constant 0 : i32
    %dma_wait3A_1492 = tpu.memref_slice %arg2[%dma_wait3A_1490, %dma_wait3A_1491] : memref<1024x1024xf32, #tpu.memory_space<hbm>> -> memref<32x1024xf32, #tpu.memory_space<hbm>>
    %dma_wait3A_1493 = arith.constant 0 : i32
    %dma_wait3A_1494 = arith.constant 0 : i32
    %dma_wait3A_1495 = tpu.memref_slice %arg4[%dma_wait3A_1485, %dma_wait3A_1493, %dma_wait3A_1494] : memref<3x32x1024xf32, #tpu.memory_space<vmem>> -> memref<1x32x1024xf32, #tpu.memory_space<vmem>>
    %dma_wait3A_1496 = tpu.memref_squeeze %dma_wait3A_1495 : memref<1x32x1024xf32, #tpu.memory_space<vmem>> -> memref<32x1024xf32, #tpu.memory_space<vmem>>
    %dma_wait3A_1497 = arith.constant 160 : i32
    %dma_wait3A_1498 = arith.constant 0 : i32
    %dma_wait3A_1499 = tpu.memref_slice %arg2[%dma_wait3A_1497, %dma_wait3A_1498] : memref<1024x1024xf32, #tpu.memory_space<hbm>> -> memref<32x1024xf32, #tpu.memory_space<hbm>>
    tpu.wait_dma2 semaphore(%arg5 : memref<!tpu.dma_semaphore, #tpu.memory_space<semaphore_mem>>) src(%dma_wait3A_1499 : memref<32x1024xf32, #tpu.memory_space<hbm>>) dst(%dma_wait3A_1496 : memref<32x1024xf32, #tpu.memory_space<vmem>>)
    %add3A_1500 = arith.constant 0 : i32
    %add3A_1501 = arith.addi %mul3A_2, %add3A_1500 : i32
    %dma_start3A_1502 = arith.constant 2 : i32
    %dma_start3A_1503 = arith.constant 0 : i32
    %dma_start3A_1504 = arith.constant 0 : i32
    %dma_start3A_1505 = tpu.memref_slice %arg4[%dma_start3A_1502, %dma_start3A_1503, %dma_start3A_1504] : memref<3x32x1024xf32, #tpu.memory_space<vmem>> -> memref<1x32x1024xf32, #tpu.memory_space<vmem>>
    %dma_start3A_1506 = tpu.memref_squeeze %dma_start3A_1505 : memref<1x32x1024xf32, #tpu.memory_space<vmem>> -> memref<32x1024xf32, #tpu.memory_space<vmem>>
    %dma_start3A_1507 = arith.constant 160 : i32
    %dma_start3A_1508 = arith.constant 1024 : i32
    %dma_start3A_1509 = tpu.memref_slice %arg3[%add3A_1501, %dma_start3A_1507, %dma_start3A_1508] : memref<256x256x2048xf32, #tpu.memory_space<hbm>> -> memref<1x32x1024xf32, #tpu.memory_space<hbm>>
    %dma_start3A_1510 = tpu.memref_squeeze %dma_start3A_1509 : memref<1x32x1024xf32, #tpu.memory_space<hbm>> -> memref<32x1024xf32, #tpu.memory_space<hbm>>
    %dma_start3A_1511 = arith.constant 160 : i32
    %dma_start3A_1512 = arith.constant 1024 : i32
    %dma_start3A_1513 = tpu.memref_slice %arg3[%add3A_1501, %dma_start3A_1511, %dma_start3A_1512] : memref<256x256x2048xf32, #tpu.memory_space<hbm>> -> memref<1x32x1024xf32, #tpu.memory_space<hbm>>
    %dma_start3A_1514 = tpu.memref_squeeze %dma_start3A_1513 : memref<1x32x1024xf32, #tpu.memory_space<hbm>> -> memref<32x1024xf32, #tpu.memory_space<hbm>>
    %dma_start3A_1515 = arith.constant 0 : i32
    %dma_start3A_1516 = arith.constant 0 : i32
    %dma_start3A_1517 = tpu.memref_slice %arg4[%dma_start3A_1502, %dma_start3A_1515, %dma_start3A_1516] : memref<3x32x1024xf32, #tpu.memory_space<vmem>> -> memref<1x32x1024xf32, #tpu.memory_space<vmem>>
    %dma_start3A_1518 = tpu.memref_squeeze %dma_start3A_1517 : memref<1x32x1024xf32, #tpu.memory_space<vmem>> -> memref<32x1024xf32, #tpu.memory_space<vmem>>
    tpu.enqueue_dma source(%dma_start3A_1518 : memref<32x1024xf32, #tpu.memory_space<vmem>>) target(%dma_start3A_1514 : memref<32x1024xf32, #tpu.memory_space<hbm>>) target_semaphore(%arg6 : memref<!tpu.dma_semaphore, #tpu.memory_space<semaphore_mem>>)
    %add3A_1519 = arith.constant 1 : i32
    %add3A_1520 = arith.addi %mul3A_2, %add3A_1519 : i32
    %dma_start3A_1521 = arith.constant 2 : i32
    %dma_start3A_1522 = arith.constant 0 : i32
    %dma_start3A_1523 = arith.constant 0 : i32
    %dma_start3A_1524 = tpu.memref_slice %arg4[%dma_start3A_1521, %dma_start3A_1522, %dma_start3A_1523] : memref<3x32x1024xf32, #tpu.memory_space<vmem>> -> memref<1x32x1024xf32, #tpu.memory_space<vmem>>
    %dma_start3A_1525 = tpu.memref_squeeze %dma_start3A_1524 : memref<1x32x1024xf32, #tpu.memory_space<vmem>> -> memref<32x1024xf32, #tpu.memory_space<vmem>>
    %dma_start3A_1526 = arith.constant 160 : i32
    %dma_start3A_1527 = arith.constant 1024 : i32
    %dma_start3A_1528 = tpu.memref_slice %arg3[%add3A_1520, %dma_start3A_1526, %dma_start3A_1527] : memref<256x256x2048xf32, #tpu.memory_space<hbm>> -> memref<1x32x1024xf32, #tpu.memory_space<hbm>>
    %dma_start3A_1529 = tpu.memref_squeeze %dma_start3A_1528 : memref<1x32x1024xf32, #tpu.memory_space<hbm>> -> memref<32x1024xf32, #tpu.memory_space<hbm>>
    %dma_start3A_1530 = arith.constant 160 : i32
    %dma_start3A_1531 = arith.constant 1024 : i32
    %dma_start3A_1532 = tpu.memref_slice %arg3[%add3A_1520, %dma_start3A_1530, %dma_start3A_1531] : memref<256x256x2048xf32, #tpu.memory_space<hbm>> -> memref<1x32x1024xf32, #tpu.memory_space<hbm>>
    %dma_start3A_1533 = tpu.memref_squeeze %dma_start3A_1532 : memref<1x32x1024xf32, #tpu.memory_space<hbm>> -> memref<32x1024xf32, #tpu.memory_space<hbm>>
    %dma_start3A_1534 = arith.constant 0 : i32
    %dma_start3A_1535 = arith.constant 0 : i32
    %dma_start3A_1536 = tpu.memref_slice %arg4[%dma_start3A_1521, %dma_start3A_1534, %dma_start3A_1535] : memref<3x32x1024xf32, #tpu.memory_space<vmem>> -> memref<1x32x1024xf32, #tpu.memory_space<vmem>>
    %dma_start3A_1537 = tpu.memref_squeeze %dma_start3A_1536 : memref<1x32x1024xf32, #tpu.memory_space<vmem>> -> memref<32x1024xf32, #tpu.memory_space<vmem>>
    tpu.enqueue_dma source(%dma_start3A_1537 : memref<32x1024xf32, #tpu.memory_space<vmem>>) target(%dma_start3A_1533 : memref<32x1024xf32, #tpu.memory_space<hbm>>) target_semaphore(%arg6 : memref<!tpu.dma_semaphore, #tpu.memory_space<semaphore_mem>>)
    %add3A_1538 = arith.constant 2 : i32
    %add3A_1539 = arith.addi %mul3A_2, %add3A_1538 : i32
    %dma_start3A_1540 = arith.constant 2 : i32
    %dma_start3A_1541 = arith.constant 0 : i32
    %dma_start3A_1542 = arith.constant 0 : i32
    %dma_start3A_1543 = tpu.memref_slice %arg4[%dma_start3A_1540, %dma_start3A_1541, %dma_start3A_1542] : memref<3x32x1024xf32, #tpu.memory_space<vmem>> -> memref<1x32x1024xf32, #tpu.memory_space<vmem>>
    %dma_start3A_1544 = tpu.memref_squeeze %dma_start3A_1543 : memref<1x32x1024xf32, #tpu.memory_space<vmem>> -> memref<32x1024xf32, #tpu.memory_space<vmem>>
    %dma_start3A_1545 = arith.constant 160 : i32
    %dma_start3A_1546 = arith.constant 1024 : i32
    %dma_start3A_1547 = tpu.memref_slice %arg3[%add3A_1539, %dma_start3A_1545, %dma_start3A_1546] : memref<256x256x2048xf32, #tpu.memory_space<hbm>> -> memref<1x32x1024xf32, #tpu.memory_space<hbm>>
    %dma_start3A_1548 = tpu.memref_squeeze %dma_start3A_1547 : memref<1x32x1024xf32, #tpu.memory_space<hbm>> -> memref<32x1024xf32, #tpu.memory_space<hbm>>
    %dma_start3A_1549 = arith.constant 160 : i32
    %dma_start3A_1550 = arith.constant 1024 : i32
    %dma_start3A_1551 = tpu.memref_slice %arg3[%add3A_1539, %dma_start3A_1549, %dma_start3A_1550] : memref<256x256x2048xf32, #tpu.memory_space<hbm>> -> memref<1x32x1024xf32, #tpu.memory_space<hbm>>
    %dma_start3A_1552 = tpu.memref_squeeze %dma_start3A_1551 : memref<1x32x1024xf32, #tpu.memory_space<hbm>> -> memref<32x1024xf32, #tpu.memory_space<hbm>>
    %dma_start3A_1553 = arith.constant 0 : i32
    %dma_start3A_1554 = arith.constant 0 : i32
    %dma_start3A_1555 = tpu.memref_slice %arg4[%dma_start3A_1540, %dma_start3A_1553, %dma_start3A_1554] : memref<3x32x1024xf32, #tpu.memory_space<vmem>> -> memref<1x32x1024xf32, #tpu.memory_space<vmem>>
    %dma_start3A_1556 = tpu.memref_squeeze %dma_start3A_1555 : memref<1x32x1024xf32, #tpu.memory_space<vmem>> -> memref<32x1024xf32, #tpu.memory_space<vmem>>
    tpu.enqueue_dma source(%dma_start3A_1556 : memref<32x1024xf32, #tpu.memory_space<vmem>>) target(%dma_start3A_1552 : memref<32x1024xf32, #tpu.memory_space<hbm>>) target_semaphore(%arg6 : memref<!tpu.dma_semaphore, #tpu.memory_space<semaphore_mem>>)
    %add3A_1557 = arith.constant 3 : i32
    %add3A_1558 = arith.addi %mul3A_2, %add3A_1557 : i32
    %dma_start3A_1559 = arith.constant 2 : i32
    %dma_start3A_1560 = arith.constant 0 : i32
    %dma_start3A_1561 = arith.constant 0 : i32
    %dma_start3A_1562 = tpu.memref_slice %arg4[%dma_start3A_1559, %dma_start3A_1560, %dma_start3A_1561] : memref<3x32x1024xf32, #tpu.memory_space<vmem>> -> memref<1x32x1024xf32, #tpu.memory_space<vmem>>
    %dma_start3A_1563 = tpu.memref_squeeze %dma_start3A_1562 : memref<1x32x1024xf32, #tpu.memory_space<vmem>> -> memref<32x1024xf32, #tpu.memory_space<vmem>>
    %dma_start3A_1564 = arith.constant 160 : i32
    %dma_start3A_1565 = arith.constant 1024 : i32
    %dma_start3A_1566 = tpu.memref_slice %arg3[%add3A_1558, %dma_start3A_1564, %dma_start3A_1565] : memref<256x256x2048xf32, #tpu.memory_space<hbm>> -> memref<1x32x1024xf32, #tpu.memory_space<hbm>>
    %dma_start3A_1567 = tpu.memref_squeeze %dma_start3A_1566 : memref<1x32x1024xf32, #tpu.memory_space<hbm>> -> memref<32x1024xf32, #tpu.memory_space<hbm>>
    %dma_start3A_1568 = arith.constant 160 : i32
    %dma_start3A_1569 = arith.constant 1024 : i32
    %dma_start3A_1570 = tpu.memref_slice %arg3[%add3A_1558, %dma_start3A_1568, %dma_start3A_1569] : memref<256x256x2048xf32, #tpu.memory_space<hbm>> -> memref<1x32x1024xf32, #tpu.memory_space<hbm>>
    %dma_start3A_1571 = tpu.memref_squeeze %dma_start3A_1570 : memref<1x32x1024xf32, #tpu.memory_space<hbm>> -> memref<32x1024xf32, #tpu.memory_space<hbm>>
    %dma_start3A_1572 = arith.constant 0 : i32
    %dma_start3A_1573 = arith.constant 0 : i32
    %dma_start3A_1574 = tpu.memref_slice %arg4[%dma_start3A_1559, %dma_start3A_1572, %dma_start3A_1573] : memref<3x32x1024xf32, #tpu.memory_space<vmem>> -> memref<1x32x1024xf32, #tpu.memory_space<vmem>>
    %dma_start3A_1575 = tpu.memref_squeeze %dma_start3A_1574 : memref<1x32x1024xf32, #tpu.memory_space<vmem>> -> memref<32x1024xf32, #tpu.memory_space<vmem>>
    tpu.enqueue_dma source(%dma_start3A_1575 : memref<32x1024xf32, #tpu.memory_space<vmem>>) target(%dma_start3A_1571 : memref<32x1024xf32, #tpu.memory_space<hbm>>) target_semaphore(%arg6 : memref<!tpu.dma_semaphore, #tpu.memory_space<semaphore_mem>>)
    %add3A_1576 = arith.constant 4 : i32
    %add3A_1577 = arith.addi %mul3A_2, %add3A_1576 : i32
    %dma_start3A_1578 = arith.constant 2 : i32
    %dma_start3A_1579 = arith.constant 0 : i32
    %dma_start3A_1580 = arith.constant 0 : i32
    %dma_start3A_1581 = tpu.memref_slice %arg4[%dma_start3A_1578, %dma_start3A_1579, %dma_start3A_1580] : memref<3x32x1024xf32, #tpu.memory_space<vmem>> -> memref<1x32x1024xf32, #tpu.memory_space<vmem>>
    %dma_start3A_1582 = tpu.memref_squeeze %dma_start3A_1581 : memref<1x32x1024xf32, #tpu.memory_space<vmem>> -> memref<32x1024xf32, #tpu.memory_space<vmem>>
    %dma_start3A_1583 = arith.constant 160 : i32
    %dma_start3A_1584 = arith.constant 1024 : i32
    %dma_start3A_1585 = tpu.memref_slice %arg3[%add3A_1577, %dma_start3A_1583, %dma_start3A_1584] : memref<256x256x2048xf32, #tpu.memory_space<hbm>> -> memref<1x32x1024xf32, #tpu.memory_space<hbm>>
    %dma_start3A_1586 = tpu.memref_squeeze %dma_start3A_1585 : memref<1x32x1024xf32, #tpu.memory_space<hbm>> -> memref<32x1024xf32, #tpu.memory_space<hbm>>
    %dma_start3A_1587 = arith.constant 160 : i32
    %dma_start3A_1588 = arith.constant 1024 : i32
    %dma_start3A_1589 = tpu.memref_slice %arg3[%add3A_1577, %dma_start3A_1587, %dma_start3A_1588] : memref<256x256x2048xf32, #tpu.memory_space<hbm>> -> memref<1x32x1024xf32, #tpu.memory_space<hbm>>
    %dma_start3A_1590 = tpu.memref_squeeze %dma_start3A_1589 : memref<1x32x1024xf32, #tpu.memory_space<hbm>> -> memref<32x1024xf32, #tpu.memory_space<hbm>>
    %dma_start3A_1591 = arith.constant 0 : i32
    %dma_start3A_1592 = arith.constant 0 : i32
    %dma_start3A_1593 = tpu.memref_slice %arg4[%dma_start3A_1578, %dma_start3A_1591, %dma_start3A_1592] : memref<3x32x1024xf32, #tpu.memory_space<vmem>> -> memref<1x32x1024xf32, #tpu.memory_space<vmem>>
    %dma_start3A_1594 = tpu.memref_squeeze %dma_start3A_1593 : memref<1x32x1024xf32, #tpu.memory_space<vmem>> -> memref<32x1024xf32, #tpu.memory_space<vmem>>
    tpu.enqueue_dma source(%dma_start3A_1594 : memref<32x1024xf32, #tpu.memory_space<vmem>>) target(%dma_start3A_1590 : memref<32x1024xf32, #tpu.memory_space<hbm>>) target_semaphore(%arg6 : memref<!tpu.dma_semaphore, #tpu.memory_space<semaphore_mem>>)
    %add3A_1595 = arith.constant 5 : i32
    %add3A_1596 = arith.addi %mul3A_2, %add3A_1595 : i32
    %dma_start3A_1597 = arith.constant 2 : i32
    %dma_start3A_1598 = arith.constant 0 : i32
    %dma_start3A_1599 = arith.constant 0 : i32
    %dma_start3A_1600 = tpu.memref_slice %arg4[%dma_start3A_1597, %dma_start3A_1598, %dma_start3A_1599] : memref<3x32x1024xf32, #tpu.memory_space<vmem>> -> memref<1x32x1024xf32, #tpu.memory_space<vmem>>
    %dma_start3A_1601 = tpu.memref_squeeze %dma_start3A_1600 : memref<1x32x1024xf32, #tpu.memory_space<vmem>> -> memref<32x1024xf32, #tpu.memory_space<vmem>>
    %dma_start3A_1602 = arith.constant 160 : i32
    %dma_start3A_1603 = arith.constant 1024 : i32
    %dma_start3A_1604 = tpu.memref_slice %arg3[%add3A_1596, %dma_start3A_1602, %dma_start3A_1603] : memref<256x256x2048xf32, #tpu.memory_space<hbm>> -> memref<1x32x1024xf32, #tpu.memory_space<hbm>>
    %dma_start3A_1605 = tpu.memref_squeeze %dma_start3A_1604 : memref<1x32x1024xf32, #tpu.memory_space<hbm>> -> memref<32x1024xf32, #tpu.memory_space<hbm>>
    %dma_start3A_1606 = arith.constant 160 : i32
    %dma_start3A_1607 = arith.constant 1024 : i32
    %dma_start3A_1608 = tpu.memref_slice %arg3[%add3A_1596, %dma_start3A_1606, %dma_start3A_1607] : memref<256x256x2048xf32, #tpu.memory_space<hbm>> -> memref<1x32x1024xf32, #tpu.memory_space<hbm>>
    %dma_start3A_1609 = tpu.memref_squeeze %dma_start3A_1608 : memref<1x32x1024xf32, #tpu.memory_space<hbm>> -> memref<32x1024xf32, #tpu.memory_space<hbm>>
    %dma_start3A_1610 = arith.constant 0 : i32
    %dma_start3A_1611 = arith.constant 0 : i32
    %dma_start3A_1612 = tpu.memref_slice %arg4[%dma_start3A_1597, %dma_start3A_1610, %dma_start3A_1611] : memref<3x32x1024xf32, #tpu.memory_space<vmem>> -> memref<1x32x1024xf32, #tpu.memory_space<vmem>>
    %dma_start3A_1613 = tpu.memref_squeeze %dma_start3A_1612 : memref<1x32x1024xf32, #tpu.memory_space<vmem>> -> memref<32x1024xf32, #tpu.memory_space<vmem>>
    tpu.enqueue_dma source(%dma_start3A_1613 : memref<32x1024xf32, #tpu.memory_space<vmem>>) target(%dma_start3A_1609 : memref<32x1024xf32, #tpu.memory_space<hbm>>) target_semaphore(%arg6 : memref<!tpu.dma_semaphore, #tpu.memory_space<semaphore_mem>>)
    %add3A_1614 = arith.constant 6 : i32
    %add3A_1615 = arith.addi %mul3A_2, %add3A_1614 : i32
    %dma_start3A_1616 = arith.constant 2 : i32
    %dma_start3A_1617 = arith.constant 0 : i32
    %dma_start3A_1618 = arith.constant 0 : i32
    %dma_start3A_1619 = tpu.memref_slice %arg4[%dma_start3A_1616, %dma_start3A_1617, %dma_start3A_1618] : memref<3x32x1024xf32, #tpu.memory_space<vmem>> -> memref<1x32x1024xf32, #tpu.memory_space<vmem>>
    %dma_start3A_1620 = tpu.memref_squeeze %dma_start3A_1619 : memref<1x32x1024xf32, #tpu.memory_space<vmem>> -> memref<32x1024xf32, #tpu.memory_space<vmem>>
    %dma_start3A_1621 = arith.constant 160 : i32
    %dma_start3A_1622 = arith.constant 1024 : i32
    %dma_start3A_1623 = tpu.memref_slice %arg3[%add3A_1615, %dma_start3A_1621, %dma_start3A_1622] : memref<256x256x2048xf32, #tpu.memory_space<hbm>> -> memref<1x32x1024xf32, #tpu.memory_space<hbm>>
    %dma_start3A_1624 = tpu.memref_squeeze %dma_start3A_1623 : memref<1x32x1024xf32, #tpu.memory_space<hbm>> -> memref<32x1024xf32, #tpu.memory_space<hbm>>
    %dma_start3A_1625 = arith.constant 160 : i32
    %dma_start3A_1626 = arith.constant 1024 : i32
    %dma_start3A_1627 = tpu.memref_slice %arg3[%add3A_1615, %dma_start3A_1625, %dma_start3A_1626] : memref<256x256x2048xf32, #tpu.memory_space<hbm>> -> memref<1x32x1024xf32, #tpu.memory_space<hbm>>
    %dma_start3A_1628 = tpu.memref_squeeze %dma_start3A_1627 : memref<1x32x1024xf32, #tpu.memory_space<hbm>> -> memref<32x1024xf32, #tpu.memory_space<hbm>>
    %dma_start3A_1629 = arith.constant 0 : i32
    %dma_start3A_1630 = arith.constant 0 : i32
    %dma_start3A_1631 = tpu.memref_slice %arg4[%dma_start3A_1616, %dma_start3A_1629, %dma_start3A_1630] : memref<3x32x1024xf32, #tpu.memory_space<vmem>> -> memref<1x32x1024xf32, #tpu.memory_space<vmem>>
    %dma_start3A_1632 = tpu.memref_squeeze %dma_start3A_1631 : memref<1x32x1024xf32, #tpu.memory_space<vmem>> -> memref<32x1024xf32, #tpu.memory_space<vmem>>
    tpu.enqueue_dma source(%dma_start3A_1632 : memref<32x1024xf32, #tpu.memory_space<vmem>>) target(%dma_start3A_1628 : memref<32x1024xf32, #tpu.memory_space<hbm>>) target_semaphore(%arg6 : memref<!tpu.dma_semaphore, #tpu.memory_space<semaphore_mem>>)
    %add3A_1633 = arith.constant 7 : i32
    %add3A_1634 = arith.addi %mul3A_2, %add3A_1633 : i32
    %dma_start3A_1635 = arith.constant 2 : i32
    %dma_start3A_1636 = arith.constant 0 : i32
    %dma_start3A_1637 = arith.constant 0 : i32
    %dma_start3A_1638 = tpu.memref_slice %arg4[%dma_start3A_1635, %dma_start3A_1636, %dma_start3A_1637] : memref<3x32x1024xf32, #tpu.memory_space<vmem>> -> memref<1x32x1024xf32, #tpu.memory_space<vmem>>
    %dma_start3A_1639 = tpu.memref_squeeze %dma_start3A_1638 : memref<1x32x1024xf32, #tpu.memory_space<vmem>> -> memref<32x1024xf32, #tpu.memory_space<vmem>>
    %dma_start3A_1640 = arith.constant 160 : i32
    %dma_start3A_1641 = arith.constant 1024 : i32
    %dma_start3A_1642 = tpu.memref_slice %arg3[%add3A_1634, %dma_start3A_1640, %dma_start3A_1641] : memref<256x256x2048xf32, #tpu.memory_space<hbm>> -> memref<1x32x1024xf32, #tpu.memory_space<hbm>>
    %dma_start3A_1643 = tpu.memref_squeeze %dma_start3A_1642 : memref<1x32x1024xf32, #tpu.memory_space<hbm>> -> memref<32x1024xf32, #tpu.memory_space<hbm>>
    %dma_start3A_1644 = arith.constant 160 : i32
    %dma_start3A_1645 = arith.constant 1024 : i32
    %dma_start3A_1646 = tpu.memref_slice %arg3[%add3A_1634, %dma_start3A_1644, %dma_start3A_1645] : memref<256x256x2048xf32, #tpu.memory_space<hbm>> -> memref<1x32x1024xf32, #tpu.memory_space<hbm>>
    %dma_start3A_1647 = tpu.memref_squeeze %dma_start3A_1646 : memref<1x32x1024xf32, #tpu.memory_space<hbm>> -> memref<32x1024xf32, #tpu.memory_space<hbm>>
    %dma_start3A_1648 = arith.constant 0 : i32
    %dma_start3A_1649 = arith.constant 0 : i32
    %dma_start3A_1650 = tpu.memref_slice %arg4[%dma_start3A_1635, %dma_start3A_1648, %dma_start3A_1649] : memref<3x32x1024xf32, #tpu.memory_space<vmem>> -> memref<1x32x1024xf32, #tpu.memory_space<vmem>>
    %dma_start3A_1651 = tpu.memref_squeeze %dma_start3A_1650 : memref<1x32x1024xf32, #tpu.memory_space<vmem>> -> memref<32x1024xf32, #tpu.memory_space<vmem>>
    tpu.enqueue_dma source(%dma_start3A_1651 : memref<32x1024xf32, #tpu.memory_space<vmem>>) target(%dma_start3A_1647 : memref<32x1024xf32, #tpu.memory_space<hbm>>) target_semaphore(%arg6 : memref<!tpu.dma_semaphore, #tpu.memory_space<semaphore_mem>>)
    %dma_wait3A_1652 = arith.constant 1 : i32
    %dma_wait3A_1653 = arith.constant 0 : i32
    %dma_wait3A_1654 = arith.constant 0 : i32
    %dma_wait3A_1655 = tpu.memref_slice %arg4[%dma_wait3A_1652, %dma_wait3A_1653, %dma_wait3A_1654] : memref<3x32x1024xf32, #tpu.memory_space<vmem>> -> memref<1x32x1024xf32, #tpu.memory_space<vmem>>
    %dma_wait3A_1656 = tpu.memref_squeeze %dma_wait3A_1655 : memref<1x32x1024xf32, #tpu.memory_space<vmem>> -> memref<32x1024xf32, #tpu.memory_space<vmem>>
    %dma_wait3A_1657 = arith.constant 128 : i32
    %dma_wait3A_1658 = arith.constant 1024 : i32
    %dma_wait3A_1659 = tpu.memref_slice %arg3[%add3A_1183, %dma_wait3A_1657, %dma_wait3A_1658] : memref<256x256x2048xf32, #tpu.memory_space<hbm>> -> memref<1x32x1024xf32, #tpu.memory_space<hbm>>
    %dma_wait3A_1660 = tpu.memref_squeeze %dma_wait3A_1659 : memref<1x32x1024xf32, #tpu.memory_space<hbm>> -> memref<32x1024xf32, #tpu.memory_space<hbm>>
    %dma_wait3A_1661 = arith.constant 128 : i32
    %dma_wait3A_1662 = arith.constant 1024 : i32
    %dma_wait3A_1663 = tpu.memref_slice %arg3[%add3A_1183, %dma_wait3A_1661, %dma_wait3A_1662] : memref<256x256x2048xf32, #tpu.memory_space<hbm>> -> memref<1x32x1024xf32, #tpu.memory_space<hbm>>
    %dma_wait3A_1664 = tpu.memref_squeeze %dma_wait3A_1663 : memref<1x32x1024xf32, #tpu.memory_space<hbm>> -> memref<32x1024xf32, #tpu.memory_space<hbm>>
    %dma_wait3A_1665 = arith.constant 0 : i32
    %dma_wait3A_1666 = arith.constant 0 : i32
    %dma_wait3A_1667 = tpu.memref_slice %arg4[%dma_wait3A_1652, %dma_wait3A_1665, %dma_wait3A_1666] : memref<3x32x1024xf32, #tpu.memory_space<vmem>> -> memref<1x32x1024xf32, #tpu.memory_space<vmem>>
    %dma_wait3A_1668 = tpu.memref_squeeze %dma_wait3A_1667 : memref<1x32x1024xf32, #tpu.memory_space<vmem>> -> memref<32x1024xf32, #tpu.memory_space<vmem>>
    tpu.wait_dma2 semaphore(%arg6 : memref<!tpu.dma_semaphore, #tpu.memory_space<semaphore_mem>>) src(%dma_wait3A_1668 : memref<32x1024xf32, #tpu.memory_space<vmem>>) dst(%dma_wait3A_1664 : memref<32x1024xf32, #tpu.memory_space<hbm>>)
    %dma_wait3A_1669 = arith.constant 1 : i32
    %dma_wait3A_1670 = arith.constant 0 : i32
    %dma_wait3A_1671 = arith.constant 0 : i32
    %dma_wait3A_1672 = tpu.memref_slice %arg4[%dma_wait3A_1669, %dma_wait3A_1670, %dma_wait3A_1671] : memref<3x32x1024xf32, #tpu.memory_space<vmem>> -> memref<1x32x1024xf32, #tpu.memory_space<vmem>>
    %dma_wait3A_1673 = tpu.memref_squeeze %dma_wait3A_1672 : memref<1x32x1024xf32, #tpu.memory_space<vmem>> -> memref<32x1024xf32, #tpu.memory_space<vmem>>
    %dma_wait3A_1674 = arith.constant 128 : i32
    %dma_wait3A_1675 = arith.constant 1024 : i32
    %dma_wait3A_1676 = tpu.memref_slice %arg3[%add3A_1202, %dma_wait3A_1674, %dma_wait3A_1675] : memref<256x256x2048xf32, #tpu.memory_space<hbm>> -> memref<1x32x1024xf32, #tpu.memory_space<hbm>>
    %dma_wait3A_1677 = tpu.memref_squeeze %dma_wait3A_1676 : memref<1x32x1024xf32, #tpu.memory_space<hbm>> -> memref<32x1024xf32, #tpu.memory_space<hbm>>
    %dma_wait3A_1678 = arith.constant 128 : i32
    %dma_wait3A_1679 = arith.constant 1024 : i32
    %dma_wait3A_1680 = tpu.memref_slice %arg3[%add3A_1202, %dma_wait3A_1678, %dma_wait3A_1679] : memref<256x256x2048xf32, #tpu.memory_space<hbm>> -> memref<1x32x1024xf32, #tpu.memory_space<hbm>>
    %dma_wait3A_1681 = tpu.memref_squeeze %dma_wait3A_1680 : memref<1x32x1024xf32, #tpu.memory_space<hbm>> -> memref<32x1024xf32, #tpu.memory_space<hbm>>
    %dma_wait3A_1682 = arith.constant 0 : i32
    %dma_wait3A_1683 = arith.constant 0 : i32
    %dma_wait3A_1684 = tpu.memref_slice %arg4[%dma_wait3A_1669, %dma_wait3A_1682, %dma_wait3A_1683] : memref<3x32x1024xf32, #tpu.memory_space<vmem>> -> memref<1x32x1024xf32, #tpu.memory_space<vmem>>
    %dma_wait3A_1685 = tpu.memref_squeeze %dma_wait3A_1684 : memref<1x32x1024xf32, #tpu.memory_space<vmem>> -> memref<32x1024xf32, #tpu.memory_space<vmem>>
    tpu.wait_dma2 semaphore(%arg6 : memref<!tpu.dma_semaphore, #tpu.memory_space<semaphore_mem>>) src(%dma_wait3A_1685 : memref<32x1024xf32, #tpu.memory_space<vmem>>) dst(%dma_wait3A_1681 : memref<32x1024xf32, #tpu.memory_space<hbm>>)
    %dma_wait3A_1686 = arith.constant 1 : i32
    %dma_wait3A_1687 = arith.constant 0 : i32
    %dma_wait3A_1688 = arith.constant 0 : i32
    %dma_wait3A_1689 = tpu.memref_slice %arg4[%dma_wait3A_1686, %dma_wait3A_1687, %dma_wait3A_1688] : memref<3x32x1024xf32, #tpu.memory_space<vmem>> -> memref<1x32x1024xf32, #tpu.memory_space<vmem>>
    %dma_wait3A_1690 = tpu.memref_squeeze %dma_wait3A_1689 : memref<1x32x1024xf32, #tpu.memory_space<vmem>> -> memref<32x1024xf32, #tpu.memory_space<vmem>>
    %dma_wait3A_1691 = arith.constant 128 : i32
    %dma_wait3A_1692 = arith.constant 1024 : i32
    %dma_wait3A_1693 = tpu.memref_slice %arg3[%add3A_1221, %dma_wait3A_1691, %dma_wait3A_1692] : memref<256x256x2048xf32, #tpu.memory_space<hbm>> -> memref<1x32x1024xf32, #tpu.memory_space<hbm>>
    %dma_wait3A_1694 = tpu.memref_squeeze %dma_wait3A_1693 : memref<1x32x1024xf32, #tpu.memory_space<hbm>> -> memref<32x1024xf32, #tpu.memory_space<hbm>>
    %dma_wait3A_1695 = arith.constant 128 : i32
    %dma_wait3A_1696 = arith.constant 1024 : i32
    %dma_wait3A_1697 = tpu.memref_slice %arg3[%add3A_1221, %dma_wait3A_1695, %dma_wait3A_1696] : memref<256x256x2048xf32, #tpu.memory_space<hbm>> -> memref<1x32x1024xf32, #tpu.memory_space<hbm>>
    %dma_wait3A_1698 = tpu.memref_squeeze %dma_wait3A_1697 : memref<1x32x1024xf32, #tpu.memory_space<hbm>> -> memref<32x1024xf32, #tpu.memory_space<hbm>>
    %dma_wait3A_1699 = arith.constant 0 : i32
    %dma_wait3A_1700 = arith.constant 0 : i32
    %dma_wait3A_1701 = tpu.memref_slice %arg4[%dma_wait3A_1686, %dma_wait3A_1699, %dma_wait3A_1700] : memref<3x32x1024xf32, #tpu.memory_space<vmem>> -> memref<1x32x1024xf32, #tpu.memory_space<vmem>>
    %dma_wait3A_1702 = tpu.memref_squeeze %dma_wait3A_1701 : memref<1x32x1024xf32, #tpu.memory_space<vmem>> -> memref<32x1024xf32, #tpu.memory_space<vmem>>
    tpu.wait_dma2 semaphore(%arg6 : memref<!tpu.dma_semaphore, #tpu.memory_space<semaphore_mem>>) src(%dma_wait3A_1702 : memref<32x1024xf32, #tpu.memory_space<vmem>>) dst(%dma_wait3A_1698 : memref<32x1024xf32, #tpu.memory_space<hbm>>)
    %dma_wait3A_1703 = arith.constant 1 : i32
    %dma_wait3A_1704 = arith.constant 0 : i32
    %dma_wait3A_1705 = arith.constant 0 : i32
    %dma_wait3A_1706 = tpu.memref_slice %arg4[%dma_wait3A_1703, %dma_wait3A_1704, %dma_wait3A_1705] : memref<3x32x1024xf32, #tpu.memory_space<vmem>> -> memref<1x32x1024xf32, #tpu.memory_space<vmem>>
    %dma_wait3A_1707 = tpu.memref_squeeze %dma_wait3A_1706 : memref<1x32x1024xf32, #tpu.memory_space<vmem>> -> memref<32x1024xf32, #tpu.memory_space<vmem>>
    %dma_wait3A_1708 = arith.constant 128 : i32
    %dma_wait3A_1709 = arith.constant 1024 : i32
    %dma_wait3A_1710 = tpu.memref_slice %arg3[%add3A_1240, %dma_wait3A_1708, %dma_wait3A_1709] : memref<256x256x2048xf32, #tpu.memory_space<hbm>> -> memref<1x32x1024xf32, #tpu.memory_space<hbm>>
    %dma_wait3A_1711 = tpu.memref_squeeze %dma_wait3A_1710 : memref<1x32x1024xf32, #tpu.memory_space<hbm>> -> memref<32x1024xf32, #tpu.memory_space<hbm>>
    %dma_wait3A_1712 = arith.constant 128 : i32
    %dma_wait3A_1713 = arith.constant 1024 : i32
    %dma_wait3A_1714 = tpu.memref_slice %arg3[%add3A_1240, %dma_wait3A_1712, %dma_wait3A_1713] : memref<256x256x2048xf32, #tpu.memory_space<hbm>> -> memref<1x32x1024xf32, #tpu.memory_space<hbm>>
    %dma_wait3A_1715 = tpu.memref_squeeze %dma_wait3A_1714 : memref<1x32x1024xf32, #tpu.memory_space<hbm>> -> memref<32x1024xf32, #tpu.memory_space<hbm>>
    %dma_wait3A_1716 = arith.constant 0 : i32
    %dma_wait3A_1717 = arith.constant 0 : i32
    %dma_wait3A_1718 = tpu.memref_slice %arg4[%dma_wait3A_1703, %dma_wait3A_1716, %dma_wait3A_1717] : memref<3x32x1024xf32, #tpu.memory_space<vmem>> -> memref<1x32x1024xf32, #tpu.memory_space<vmem>>
    %dma_wait3A_1719 = tpu.memref_squeeze %dma_wait3A_1718 : memref<1x32x1024xf32, #tpu.memory_space<vmem>> -> memref<32x1024xf32, #tpu.memory_space<vmem>>
    tpu.wait_dma2 semaphore(%arg6 : memref<!tpu.dma_semaphore, #tpu.memory_space<semaphore_mem>>) src(%dma_wait3A_1719 : memref<32x1024xf32, #tpu.memory_space<vmem>>) dst(%dma_wait3A_1715 : memref<32x1024xf32, #tpu.memory_space<hbm>>)
    %dma_wait3A_1720 = arith.constant 1 : i32
    %dma_wait3A_1721 = arith.constant 0 : i32
    %dma_wait3A_1722 = arith.constant 0 : i32
    %dma_wait3A_1723 = tpu.memref_slice %arg4[%dma_wait3A_1720, %dma_wait3A_1721, %dma_wait3A_1722] : memref<3x32x1024xf32, #tpu.memory_space<vmem>> -> memref<1x32x1024xf32, #tpu.memory_space<vmem>>
    %dma_wait3A_1724 = tpu.memref_squeeze %dma_wait3A_1723 : memref<1x32x1024xf32, #tpu.memory_space<vmem>> -> memref<32x1024xf32, #tpu.memory_space<vmem>>
    %dma_wait3A_1725 = arith.constant 128 : i32
    %dma_wait3A_1726 = arith.constant 1024 : i32
    %dma_wait3A_1727 = tpu.memref_slice %arg3[%add3A_1259, %dma_wait3A_1725, %dma_wait3A_1726] : memref<256x256x2048xf32, #tpu.memory_space<hbm>> -> memref<1x32x1024xf32, #tpu.memory_space<hbm>>
    %dma_wait3A_1728 = tpu.memref_squeeze %dma_wait3A_1727 : memref<1x32x1024xf32, #tpu.memory_space<hbm>> -> memref<32x1024xf32, #tpu.memory_space<hbm>>
    %dma_wait3A_1729 = arith.constant 128 : i32
    %dma_wait3A_1730 = arith.constant 1024 : i32
    %dma_wait3A_1731 = tpu.memref_slice %arg3[%add3A_1259, %dma_wait3A_1729, %dma_wait3A_1730] : memref<256x256x2048xf32, #tpu.memory_space<hbm>> -> memref<1x32x1024xf32, #tpu.memory_space<hbm>>
    %dma_wait3A_1732 = tpu.memref_squeeze %dma_wait3A_1731 : memref<1x32x1024xf32, #tpu.memory_space<hbm>> -> memref<32x1024xf32, #tpu.memory_space<hbm>>
    %dma_wait3A_1733 = arith.constant 0 : i32
    %dma_wait3A_1734 = arith.constant 0 : i32
    %dma_wait3A_1735 = tpu.memref_slice %arg4[%dma_wait3A_1720, %dma_wait3A_1733, %dma_wait3A_1734] : memref<3x32x1024xf32, #tpu.memory_space<vmem>> -> memref<1x32x1024xf32, #tpu.memory_space<vmem>>
    %dma_wait3A_1736 = tpu.memref_squeeze %dma_wait3A_1735 : memref<1x32x1024xf32, #tpu.memory_space<vmem>> -> memref<32x1024xf32, #tpu.memory_space<vmem>>
    tpu.wait_dma2 semaphore(%arg6 : memref<!tpu.dma_semaphore, #tpu.memory_space<semaphore_mem>>) src(%dma_wait3A_1736 : memref<32x1024xf32, #tpu.memory_space<vmem>>) dst(%dma_wait3A_1732 : memref<32x1024xf32, #tpu.memory_space<hbm>>)
    %dma_wait3A_1737 = arith.constant 1 : i32
    %dma_wait3A_1738 = arith.constant 0 : i32
    %dma_wait3A_1739 = arith.constant 0 : i32
    %dma_wait3A_1740 = tpu.memref_slice %arg4[%dma_wait3A_1737, %dma_wait3A_1738, %dma_wait3A_1739] : memref<3x32x1024xf32, #tpu.memory_space<vmem>> -> memref<1x32x1024xf32, #tpu.memory_space<vmem>>
    %dma_wait3A_1741 = tpu.memref_squeeze %dma_wait3A_1740 : memref<1x32x1024xf32, #tpu.memory_space<vmem>> -> memref<32x1024xf32, #tpu.memory_space<vmem>>
    %dma_wait3A_1742 = arith.constant 128 : i32
    %dma_wait3A_1743 = arith.constant 1024 : i32
    %dma_wait3A_1744 = tpu.memref_slice %arg3[%add3A_1278, %dma_wait3A_1742, %dma_wait3A_1743] : memref<256x256x2048xf32, #tpu.memory_space<hbm>> -> memref<1x32x1024xf32, #tpu.memory_space<hbm>>
    %dma_wait3A_1745 = tpu.memref_squeeze %dma_wait3A_1744 : memref<1x32x1024xf32, #tpu.memory_space<hbm>> -> memref<32x1024xf32, #tpu.memory_space<hbm>>
    %dma_wait3A_1746 = arith.constant 128 : i32
    %dma_wait3A_1747 = arith.constant 1024 : i32
    %dma_wait3A_1748 = tpu.memref_slice %arg3[%add3A_1278, %dma_wait3A_1746, %dma_wait3A_1747] : memref<256x256x2048xf32, #tpu.memory_space<hbm>> -> memref<1x32x1024xf32, #tpu.memory_space<hbm>>
    %dma_wait3A_1749 = tpu.memref_squeeze %dma_wait3A_1748 : memref<1x32x1024xf32, #tpu.memory_space<hbm>> -> memref<32x1024xf32, #tpu.memory_space<hbm>>
    %dma_wait3A_1750 = arith.constant 0 : i32
    %dma_wait3A_1751 = arith.constant 0 : i32
    %dma_wait3A_1752 = tpu.memref_slice %arg4[%dma_wait3A_1737, %dma_wait3A_1750, %dma_wait3A_1751] : memref<3x32x1024xf32, #tpu.memory_space<vmem>> -> memref<1x32x1024xf32, #tpu.memory_space<vmem>>
    %dma_wait3A_1753 = tpu.memref_squeeze %dma_wait3A_1752 : memref<1x32x1024xf32, #tpu.memory_space<vmem>> -> memref<32x1024xf32, #tpu.memory_space<vmem>>
    tpu.wait_dma2 semaphore(%arg6 : memref<!tpu.dma_semaphore, #tpu.memory_space<semaphore_mem>>) src(%dma_wait3A_1753 : memref<32x1024xf32, #tpu.memory_space<vmem>>) dst(%dma_wait3A_1749 : memref<32x1024xf32, #tpu.memory_space<hbm>>)
    %dma_wait3A_1754 = arith.constant 1 : i32
    %dma_wait3A_1755 = arith.constant 0 : i32
    %dma_wait3A_1756 = arith.constant 0 : i32
    %dma_wait3A_1757 = tpu.memref_slice %arg4[%dma_wait3A_1754, %dma_wait3A_1755, %dma_wait3A_1756] : memref<3x32x1024xf32, #tpu.memory_space<vmem>> -> memref<1x32x1024xf32, #tpu.memory_space<vmem>>
    %dma_wait3A_1758 = tpu.memref_squeeze %dma_wait3A_1757 : memref<1x32x1024xf32, #tpu.memory_space<vmem>> -> memref<32x1024xf32, #tpu.memory_space<vmem>>
    %dma_wait3A_1759 = arith.constant 128 : i32
    %dma_wait3A_1760 = arith.constant 1024 : i32
    %dma_wait3A_1761 = tpu.memref_slice %arg3[%add3A_1297, %dma_wait3A_1759, %dma_wait3A_1760] : memref<256x256x2048xf32, #tpu.memory_space<hbm>> -> memref<1x32x1024xf32, #tpu.memory_space<hbm>>
    %dma_wait3A_1762 = tpu.memref_squeeze %dma_wait3A_1761 : memref<1x32x1024xf32, #tpu.memory_space<hbm>> -> memref<32x1024xf32, #tpu.memory_space<hbm>>
    %dma_wait3A_1763 = arith.constant 128 : i32
    %dma_wait3A_1764 = arith.constant 1024 : i32
    %dma_wait3A_1765 = tpu.memref_slice %arg3[%add3A_1297, %dma_wait3A_1763, %dma_wait3A_1764] : memref<256x256x2048xf32, #tpu.memory_space<hbm>> -> memref<1x32x1024xf32, #tpu.memory_space<hbm>>
    %dma_wait3A_1766 = tpu.memref_squeeze %dma_wait3A_1765 : memref<1x32x1024xf32, #tpu.memory_space<hbm>> -> memref<32x1024xf32, #tpu.memory_space<hbm>>
    %dma_wait3A_1767 = arith.constant 0 : i32
    %dma_wait3A_1768 = arith.constant 0 : i32
    %dma_wait3A_1769 = tpu.memref_slice %arg4[%dma_wait3A_1754, %dma_wait3A_1767, %dma_wait3A_1768] : memref<3x32x1024xf32, #tpu.memory_space<vmem>> -> memref<1x32x1024xf32, #tpu.memory_space<vmem>>
    %dma_wait3A_1770 = tpu.memref_squeeze %dma_wait3A_1769 : memref<1x32x1024xf32, #tpu.memory_space<vmem>> -> memref<32x1024xf32, #tpu.memory_space<vmem>>
    tpu.wait_dma2 semaphore(%arg6 : memref<!tpu.dma_semaphore, #tpu.memory_space<semaphore_mem>>) src(%dma_wait3A_1770 : memref<32x1024xf32, #tpu.memory_space<vmem>>) dst(%dma_wait3A_1766 : memref<32x1024xf32, #tpu.memory_space<hbm>>)
    %dma_wait3A_1771 = arith.constant 1 : i32
    %dma_wait3A_1772 = arith.constant 0 : i32
    %dma_wait3A_1773 = arith.constant 0 : i32
    %dma_wait3A_1774 = tpu.memref_slice %arg4[%dma_wait3A_1771, %dma_wait3A_1772, %dma_wait3A_1773] : memref<3x32x1024xf32, #tpu.memory_space<vmem>> -> memref<1x32x1024xf32, #tpu.memory_space<vmem>>
    %dma_wait3A_1775 = tpu.memref_squeeze %dma_wait3A_1774 : memref<1x32x1024xf32, #tpu.memory_space<vmem>> -> memref<32x1024xf32, #tpu.memory_space<vmem>>
    %dma_wait3A_1776 = arith.constant 128 : i32
    %dma_wait3A_1777 = arith.constant 1024 : i32
    %dma_wait3A_1778 = tpu.memref_slice %arg3[%add3A_1316, %dma_wait3A_1776, %dma_wait3A_1777] : memref<256x256x2048xf32, #tpu.memory_space<hbm>> -> memref<1x32x1024xf32, #tpu.memory_space<hbm>>
    %dma_wait3A_1779 = tpu.memref_squeeze %dma_wait3A_1778 : memref<1x32x1024xf32, #tpu.memory_space<hbm>> -> memref<32x1024xf32, #tpu.memory_space<hbm>>
    %dma_wait3A_1780 = arith.constant 128 : i32
    %dma_wait3A_1781 = arith.constant 1024 : i32
    %dma_wait3A_1782 = tpu.memref_slice %arg3[%add3A_1316, %dma_wait3A_1780, %dma_wait3A_1781] : memref<256x256x2048xf32, #tpu.memory_space<hbm>> -> memref<1x32x1024xf32, #tpu.memory_space<hbm>>
    %dma_wait3A_1783 = tpu.memref_squeeze %dma_wait3A_1782 : memref<1x32x1024xf32, #tpu.memory_space<hbm>> -> memref<32x1024xf32, #tpu.memory_space<hbm>>
    %dma_wait3A_1784 = arith.constant 0 : i32
    %dma_wait3A_1785 = arith.constant 0 : i32
    %dma_wait3A_1786 = tpu.memref_slice %arg4[%dma_wait3A_1771, %dma_wait3A_1784, %dma_wait3A_1785] : memref<3x32x1024xf32, #tpu.memory_space<vmem>> -> memref<1x32x1024xf32, #tpu.memory_space<vmem>>
    %dma_wait3A_1787 = tpu.memref_squeeze %dma_wait3A_1786 : memref<1x32x1024xf32, #tpu.memory_space<vmem>> -> memref<32x1024xf32, #tpu.memory_space<vmem>>
    tpu.wait_dma2 semaphore(%arg6 : memref<!tpu.dma_semaphore, #tpu.memory_space<semaphore_mem>>) src(%dma_wait3A_1787 : memref<32x1024xf32, #tpu.memory_space<vmem>>) dst(%dma_wait3A_1783 : memref<32x1024xf32, #tpu.memory_space<hbm>>)
    %dma_start3A_1788 = arith.constant 1 : i32
    %dma_start3A_1789 = arith.constant 0 : i32
    %dma_start3A_1790 = arith.constant 0 : i32
    %dma_start3A_1791 = tpu.memref_slice %arg4[%dma_start3A_1788, %dma_start3A_1789, %dma_start3A_1790] : memref<3x32x1024xf32, #tpu.memory_space<vmem>> -> memref<1x32x1024xf32, #tpu.memory_space<vmem>>
    %dma_start3A_1792 = tpu.memref_squeeze %dma_start3A_1791 : memref<1x32x1024xf32, #tpu.memory_space<vmem>> -> memref<32x1024xf32, #tpu.memory_space<vmem>>
    %dma_start3A_1793 = arith.constant 224 : i32
    %dma_start3A_1794 = arith.constant 0 : i32
    %dma_start3A_1795 = tpu.memref_slice %arg2[%dma_start3A_1793, %dma_start3A_1794] : memref<1024x1024xf32, #tpu.memory_space<hbm>> -> memref<32x1024xf32, #tpu.memory_space<hbm>>
    %dma_start3A_1796 = arith.constant 0 : i32
    %dma_start3A_1797 = arith.constant 0 : i32
    %dma_start3A_1798 = tpu.memref_slice %arg4[%dma_start3A_1788, %dma_start3A_1796, %dma_start3A_1797] : memref<3x32x1024xf32, #tpu.memory_space<vmem>> -> memref<1x32x1024xf32, #tpu.memory_space<vmem>>
    %dma_start3A_1799 = tpu.memref_squeeze %dma_start3A_1798 : memref<1x32x1024xf32, #tpu.memory_space<vmem>> -> memref<32x1024xf32, #tpu.memory_space<vmem>>
    %dma_start3A_1800 = arith.constant 224 : i32
    %dma_start3A_1801 = arith.constant 0 : i32
    %dma_start3A_1802 = tpu.memref_slice %arg2[%dma_start3A_1800, %dma_start3A_1801] : memref<1024x1024xf32, #tpu.memory_space<hbm>> -> memref<32x1024xf32, #tpu.memory_space<hbm>>
    tpu.enqueue_dma source(%dma_start3A_1802 : memref<32x1024xf32, #tpu.memory_space<hbm>>) target(%dma_start3A_1799 : memref<32x1024xf32, #tpu.memory_space<vmem>>) target_semaphore(%arg5 : memref<!tpu.dma_semaphore, #tpu.memory_space<semaphore_mem>>)
    %dma_wait3A_1803 = arith.constant 0 : i32
    %dma_wait3A_1804 = arith.constant 0 : i32
    %dma_wait3A_1805 = arith.constant 0 : i32
    %dma_wait3A_1806 = tpu.memref_slice %arg4[%dma_wait3A_1803, %dma_wait3A_1804, %dma_wait3A_1805] : memref<3x32x1024xf32, #tpu.memory_space<vmem>> -> memref<1x32x1024xf32, #tpu.memory_space<vmem>>
    %dma_wait3A_1807 = tpu.memref_squeeze %dma_wait3A_1806 : memref<1x32x1024xf32, #tpu.memory_space<vmem>> -> memref<32x1024xf32, #tpu.memory_space<vmem>>
    %dma_wait3A_1808 = arith.constant 192 : i32
    %dma_wait3A_1809 = arith.constant 0 : i32
    %dma_wait3A_1810 = tpu.memref_slice %arg2[%dma_wait3A_1808, %dma_wait3A_1809] : memref<1024x1024xf32, #tpu.memory_space<hbm>> -> memref<32x1024xf32, #tpu.memory_space<hbm>>
    %dma_wait3A_1811 = arith.constant 0 : i32
    %dma_wait3A_1812 = arith.constant 0 : i32
    %dma_wait3A_1813 = tpu.memref_slice %arg4[%dma_wait3A_1803, %dma_wait3A_1811, %dma_wait3A_1812] : memref<3x32x1024xf32, #tpu.memory_space<vmem>> -> memref<1x32x1024xf32, #tpu.memory_space<vmem>>
    %dma_wait3A_1814 = tpu.memref_squeeze %dma_wait3A_1813 : memref<1x32x1024xf32, #tpu.memory_space<vmem>> -> memref<32x1024xf32, #tpu.memory_space<vmem>>
    %dma_wait3A_1815 = arith.constant 192 : i32
    %dma_wait3A_1816 = arith.constant 0 : i32
    %dma_wait3A_1817 = tpu.memref_slice %arg2[%dma_wait3A_1815, %dma_wait3A_1816] : memref<1024x1024xf32, #tpu.memory_space<hbm>> -> memref<32x1024xf32, #tpu.memory_space<hbm>>
    tpu.wait_dma2 semaphore(%arg5 : memref<!tpu.dma_semaphore, #tpu.memory_space<semaphore_mem>>) src(%dma_wait3A_1817 : memref<32x1024xf32, #tpu.memory_space<hbm>>) dst(%dma_wait3A_1814 : memref<32x1024xf32, #tpu.memory_space<vmem>>)
    %add3A_1818 = arith.constant 0 : i32
    %add3A_1819 = arith.addi %mul3A_2, %add3A_1818 : i32
    %dma_start3A_1820 = arith.constant 0 : i32
    %dma_start3A_1821 = arith.constant 0 : i32
    %dma_start3A_1822 = arith.constant 0 : i32
    %dma_start3A_1823 = tpu.memref_slice %arg4[%dma_start3A_1820, %dma_start3A_1821, %dma_start3A_1822] : memref<3x32x1024xf32, #tpu.memory_space<vmem>> -> memref<1x32x1024xf32, #tpu.memory_space<vmem>>
    %dma_start3A_1824 = tpu.memref_squeeze %dma_start3A_1823 : memref<1x32x1024xf32, #tpu.memory_space<vmem>> -> memref<32x1024xf32, #tpu.memory_space<vmem>>
    %dma_start3A_1825 = arith.constant 192 : i32
    %dma_start3A_1826 = arith.constant 1024 : i32
    %dma_start3A_1827 = tpu.memref_slice %arg3[%add3A_1819, %dma_start3A_1825, %dma_start3A_1826] : memref<256x256x2048xf32, #tpu.memory_space<hbm>> -> memref<1x32x1024xf32, #tpu.memory_space<hbm>>
    %dma_start3A_1828 = tpu.memref_squeeze %dma_start3A_1827 : memref<1x32x1024xf32, #tpu.memory_space<hbm>> -> memref<32x1024xf32, #tpu.memory_space<hbm>>
    %dma_start3A_1829 = arith.constant 192 : i32
    %dma_start3A_1830 = arith.constant 1024 : i32
    %dma_start3A_1831 = tpu.memref_slice %arg3[%add3A_1819, %dma_start3A_1829, %dma_start3A_1830] : memref<256x256x2048xf32, #tpu.memory_space<hbm>> -> memref<1x32x1024xf32, #tpu.memory_space<hbm>>
    %dma_start3A_1832 = tpu.memref_squeeze %dma_start3A_1831 : memref<1x32x1024xf32, #tpu.memory_space<hbm>> -> memref<32x1024xf32, #tpu.memory_space<hbm>>
    %dma_start3A_1833 = arith.constant 0 : i32
    %dma_start3A_1834 = arith.constant 0 : i32
    %dma_start3A_1835 = tpu.memref_slice %arg4[%dma_start3A_1820, %dma_start3A_1833, %dma_start3A_1834] : memref<3x32x1024xf32, #tpu.memory_space<vmem>> -> memref<1x32x1024xf32, #tpu.memory_space<vmem>>
    %dma_start3A_1836 = tpu.memref_squeeze %dma_start3A_1835 : memref<1x32x1024xf32, #tpu.memory_space<vmem>> -> memref<32x1024xf32, #tpu.memory_space<vmem>>
    tpu.enqueue_dma source(%dma_start3A_1836 : memref<32x1024xf32, #tpu.memory_space<vmem>>) target(%dma_start3A_1832 : memref<32x1024xf32, #tpu.memory_space<hbm>>) target_semaphore(%arg6 : memref<!tpu.dma_semaphore, #tpu.memory_space<semaphore_mem>>)
    %add3A_1837 = arith.constant 1 : i32
    %add3A_1838 = arith.addi %mul3A_2, %add3A_1837 : i32
    %dma_start3A_1839 = arith.constant 0 : i32
    %dma_start3A_1840 = arith.constant 0 : i32
    %dma_start3A_1841 = arith.constant 0 : i32
    %dma_start3A_1842 = tpu.memref_slice %arg4[%dma_start3A_1839, %dma_start3A_1840, %dma_start3A_1841] : memref<3x32x1024xf32, #tpu.memory_space<vmem>> -> memref<1x32x1024xf32, #tpu.memory_space<vmem>>
    %dma_start3A_1843 = tpu.memref_squeeze %dma_start3A_1842 : memref<1x32x1024xf32, #tpu.memory_space<vmem>> -> memref<32x1024xf32, #tpu.memory_space<vmem>>
    %dma_start3A_1844 = arith.constant 192 : i32
    %dma_start3A_1845 = arith.constant 1024 : i32
    %dma_start3A_1846 = tpu.memref_slice %arg3[%add3A_1838, %dma_start3A_1844, %dma_start3A_1845] : memref<256x256x2048xf32, #tpu.memory_space<hbm>> -> memref<1x32x1024xf32, #tpu.memory_space<hbm>>
    %dma_start3A_1847 = tpu.memref_squeeze %dma_start3A_1846 : memref<1x32x1024xf32, #tpu.memory_space<hbm>> -> memref<32x1024xf32, #tpu.memory_space<hbm>>
    %dma_start3A_1848 = arith.constant 192 : i32
    %dma_start3A_1849 = arith.constant 1024 : i32
    %dma_start3A_1850 = tpu.memref_slice %arg3[%add3A_1838, %dma_start3A_1848, %dma_start3A_1849] : memref<256x256x2048xf32, #tpu.memory_space<hbm>> -> memref<1x32x1024xf32, #tpu.memory_space<hbm>>
    %dma_start3A_1851 = tpu.memref_squeeze %dma_start3A_1850 : memref<1x32x1024xf32, #tpu.memory_space<hbm>> -> memref<32x1024xf32, #tpu.memory_space<hbm>>
    %dma_start3A_1852 = arith.constant 0 : i32
    %dma_start3A_1853 = arith.constant 0 : i32
    %dma_start3A_1854 = tpu.memref_slice %arg4[%dma_start3A_1839, %dma_start3A_1852, %dma_start3A_1853] : memref<3x32x1024xf32, #tpu.memory_space<vmem>> -> memref<1x32x1024xf32, #tpu.memory_space<vmem>>
    %dma_start3A_1855 = tpu.memref_squeeze %dma_start3A_1854 : memref<1x32x1024xf32, #tpu.memory_space<vmem>> -> memref<32x1024xf32, #tpu.memory_space<vmem>>
    tpu.enqueue_dma source(%dma_start3A_1855 : memref<32x1024xf32, #tpu.memory_space<vmem>>) target(%dma_start3A_1851 : memref<32x1024xf32, #tpu.memory_space<hbm>>) target_semaphore(%arg6 : memref<!tpu.dma_semaphore, #tpu.memory_space<semaphore_mem>>)
    %add3A_1856 = arith.constant 2 : i32
    %add3A_1857 = arith.addi %mul3A_2, %add3A_1856 : i32
    %dma_start3A_1858 = arith.constant 0 : i32
    %dma_start3A_1859 = arith.constant 0 : i32
    %dma_start3A_1860 = arith.constant 0 : i32
    %dma_start3A_1861 = tpu.memref_slice %arg4[%dma_start3A_1858, %dma_start3A_1859, %dma_start3A_1860] : memref<3x32x1024xf32, #tpu.memory_space<vmem>> -> memref<1x32x1024xf32, #tpu.memory_space<vmem>>
    %dma_start3A_1862 = tpu.memref_squeeze %dma_start3A_1861 : memref<1x32x1024xf32, #tpu.memory_space<vmem>> -> memref<32x1024xf32, #tpu.memory_space<vmem>>
    %dma_start3A_1863 = arith.constant 192 : i32
    %dma_start3A_1864 = arith.constant 1024 : i32
    %dma_start3A_1865 = tpu.memref_slice %arg3[%add3A_1857, %dma_start3A_1863, %dma_start3A_1864] : memref<256x256x2048xf32, #tpu.memory_space<hbm>> -> memref<1x32x1024xf32, #tpu.memory_space<hbm>>
    %dma_start3A_1866 = tpu.memref_squeeze %dma_start3A_1865 : memref<1x32x1024xf32, #tpu.memory_space<hbm>> -> memref<32x1024xf32, #tpu.memory_space<hbm>>
    %dma_start3A_1867 = arith.constant 192 : i32
    %dma_start3A_1868 = arith.constant 1024 : i32
    %dma_start3A_1869 = tpu.memref_slice %arg3[%add3A_1857, %dma_start3A_1867, %dma_start3A_1868] : memref<256x256x2048xf32, #tpu.memory_space<hbm>> -> memref<1x32x1024xf32, #tpu.memory_space<hbm>>
    %dma_start3A_1870 = tpu.memref_squeeze %dma_start3A_1869 : memref<1x32x1024xf32, #tpu.memory_space<hbm>> -> memref<32x1024xf32, #tpu.memory_space<hbm>>
    %dma_start3A_1871 = arith.constant 0 : i32
    %dma_start3A_1872 = arith.constant 0 : i32
    %dma_start3A_1873 = tpu.memref_slice %arg4[%dma_start3A_1858, %dma_start3A_1871, %dma_start3A_1872] : memref<3x32x1024xf32, #tpu.memory_space<vmem>> -> memref<1x32x1024xf32, #tpu.memory_space<vmem>>
    %dma_start3A_1874 = tpu.memref_squeeze %dma_start3A_1873 : memref<1x32x1024xf32, #tpu.memory_space<vmem>> -> memref<32x1024xf32, #tpu.memory_space<vmem>>
    tpu.enqueue_dma source(%dma_start3A_1874 : memref<32x1024xf32, #tpu.memory_space<vmem>>) target(%dma_start3A_1870 : memref<32x1024xf32, #tpu.memory_space<hbm>>) target_semaphore(%arg6 : memref<!tpu.dma_semaphore, #tpu.memory_space<semaphore_mem>>)
    %add3A_1875 = arith.constant 3 : i32
    %add3A_1876 = arith.addi %mul3A_2, %add3A_1875 : i32
    %dma_start3A_1877 = arith.constant 0 : i32
    %dma_start3A_1878 = arith.constant 0 : i32
    %dma_start3A_1879 = arith.constant 0 : i32
    %dma_start3A_1880 = tpu.memref_slice %arg4[%dma_start3A_1877, %dma_start3A_1878, %dma_start3A_1879] : memref<3x32x1024xf32, #tpu.memory_space<vmem>> -> memref<1x32x1024xf32, #tpu.memory_space<vmem>>
    %dma_start3A_1881 = tpu.memref_squeeze %dma_start3A_1880 : memref<1x32x1024xf32, #tpu.memory_space<vmem>> -> memref<32x1024xf32, #tpu.memory_space<vmem>>
    %dma_start3A_1882 = arith.constant 192 : i32
    %dma_start3A_1883 = arith.constant 1024 : i32
    %dma_start3A_1884 = tpu.memref_slice %arg3[%add3A_1876, %dma_start3A_1882, %dma_start3A_1883] : memref<256x256x2048xf32, #tpu.memory_space<hbm>> -> memref<1x32x1024xf32, #tpu.memory_space<hbm>>
    %dma_start3A_1885 = tpu.memref_squeeze %dma_start3A_1884 : memref<1x32x1024xf32, #tpu.memory_space<hbm>> -> memref<32x1024xf32, #tpu.memory_space<hbm>>
    %dma_start3A_1886 = arith.constant 192 : i32
    %dma_start3A_1887 = arith.constant 1024 : i32
    %dma_start3A_1888 = tpu.memref_slice %arg3[%add3A_1876, %dma_start3A_1886, %dma_start3A_1887] : memref<256x256x2048xf32, #tpu.memory_space<hbm>> -> memref<1x32x1024xf32, #tpu.memory_space<hbm>>
    %dma_start3A_1889 = tpu.memref_squeeze %dma_start3A_1888 : memref<1x32x1024xf32, #tpu.memory_space<hbm>> -> memref<32x1024xf32, #tpu.memory_space<hbm>>
    %dma_start3A_1890 = arith.constant 0 : i32
    %dma_start3A_1891 = arith.constant 0 : i32
    %dma_start3A_1892 = tpu.memref_slice %arg4[%dma_start3A_1877, %dma_start3A_1890, %dma_start3A_1891] : memref<3x32x1024xf32, #tpu.memory_space<vmem>> -> memref<1x32x1024xf32, #tpu.memory_space<vmem>>
    %dma_start3A_1893 = tpu.memref_squeeze %dma_start3A_1892 : memref<1x32x1024xf32, #tpu.memory_space<vmem>> -> memref<32x1024xf32, #tpu.memory_space<vmem>>
    tpu.enqueue_dma source(%dma_start3A_1893 : memref<32x1024xf32, #tpu.memory_space<vmem>>) target(%dma_start3A_1889 : memref<32x1024xf32, #tpu.memory_space<hbm>>) target_semaphore(%arg6 : memref<!tpu.dma_semaphore, #tpu.memory_space<semaphore_mem>>)
    %add3A_1894 = arith.constant 4 : i32
    %add3A_1895 = arith.addi %mul3A_2, %add3A_1894 : i32
    %dma_start3A_1896 = arith.constant 0 : i32
    %dma_start3A_1897 = arith.constant 0 : i32
    %dma_start3A_1898 = arith.constant 0 : i32
    %dma_start3A_1899 = tpu.memref_slice %arg4[%dma_start3A_1896, %dma_start3A_1897, %dma_start3A_1898] : memref<3x32x1024xf32, #tpu.memory_space<vmem>> -> memref<1x32x1024xf32, #tpu.memory_space<vmem>>
    %dma_start3A_1900 = tpu.memref_squeeze %dma_start3A_1899 : memref<1x32x1024xf32, #tpu.memory_space<vmem>> -> memref<32x1024xf32, #tpu.memory_space<vmem>>
    %dma_start3A_1901 = arith.constant 192 : i32
    %dma_start3A_1902 = arith.constant 1024 : i32
    %dma_start3A_1903 = tpu.memref_slice %arg3[%add3A_1895, %dma_start3A_1901, %dma_start3A_1902] : memref<256x256x2048xf32, #tpu.memory_space<hbm>> -> memref<1x32x1024xf32, #tpu.memory_space<hbm>>
    %dma_start3A_1904 = tpu.memref_squeeze %dma_start3A_1903 : memref<1x32x1024xf32, #tpu.memory_space<hbm>> -> memref<32x1024xf32, #tpu.memory_space<hbm>>
    %dma_start3A_1905 = arith.constant 192 : i32
    %dma_start3A_1906 = arith.constant 1024 : i32
    %dma_start3A_1907 = tpu.memref_slice %arg3[%add3A_1895, %dma_start3A_1905, %dma_start3A_1906] : memref<256x256x2048xf32, #tpu.memory_space<hbm>> -> memref<1x32x1024xf32, #tpu.memory_space<hbm>>
    %dma_start3A_1908 = tpu.memref_squeeze %dma_start3A_1907 : memref<1x32x1024xf32, #tpu.memory_space<hbm>> -> memref<32x1024xf32, #tpu.memory_space<hbm>>
    %dma_start3A_1909 = arith.constant 0 : i32
    %dma_start3A_1910 = arith.constant 0 : i32
    %dma_start3A_1911 = tpu.memref_slice %arg4[%dma_start3A_1896, %dma_start3A_1909, %dma_start3A_1910] : memref<3x32x1024xf32, #tpu.memory_space<vmem>> -> memref<1x32x1024xf32, #tpu.memory_space<vmem>>
    %dma_start3A_1912 = tpu.memref_squeeze %dma_start3A_1911 : memref<1x32x1024xf32, #tpu.memory_space<vmem>> -> memref<32x1024xf32, #tpu.memory_space<vmem>>
    tpu.enqueue_dma source(%dma_start3A_1912 : memref<32x1024xf32, #tpu.memory_space<vmem>>) target(%dma_start3A_1908 : memref<32x1024xf32, #tpu.memory_space<hbm>>) target_semaphore(%arg6 : memref<!tpu.dma_semaphore, #tpu.memory_space<semaphore_mem>>)
    %add3A_1913 = arith.constant 5 : i32
    %add3A_1914 = arith.addi %mul3A_2, %add3A_1913 : i32
    %dma_start3A_1915 = arith.constant 0 : i32
    %dma_start3A_1916 = arith.constant 0 : i32
    %dma_start3A_1917 = arith.constant 0 : i32
    %dma_start3A_1918 = tpu.memref_slice %arg4[%dma_start3A_1915, %dma_start3A_1916, %dma_start3A_1917] : memref<3x32x1024xf32, #tpu.memory_space<vmem>> -> memref<1x32x1024xf32, #tpu.memory_space<vmem>>
    %dma_start3A_1919 = tpu.memref_squeeze %dma_start3A_1918 : memref<1x32x1024xf32, #tpu.memory_space<vmem>> -> memref<32x1024xf32, #tpu.memory_space<vmem>>
    %dma_start3A_1920 = arith.constant 192 : i32
    %dma_start3A_1921 = arith.constant 1024 : i32
    %dma_start3A_1922 = tpu.memref_slice %arg3[%add3A_1914, %dma_start3A_1920, %dma_start3A_1921] : memref<256x256x2048xf32, #tpu.memory_space<hbm>> -> memref<1x32x1024xf32, #tpu.memory_space<hbm>>
    %dma_start3A_1923 = tpu.memref_squeeze %dma_start3A_1922 : memref<1x32x1024xf32, #tpu.memory_space<hbm>> -> memref<32x1024xf32, #tpu.memory_space<hbm>>
    %dma_start3A_1924 = arith.constant 192 : i32
    %dma_start3A_1925 = arith.constant 1024 : i32
    %dma_start3A_1926 = tpu.memref_slice %arg3[%add3A_1914, %dma_start3A_1924, %dma_start3A_1925] : memref<256x256x2048xf32, #tpu.memory_space<hbm>> -> memref<1x32x1024xf32, #tpu.memory_space<hbm>>
    %dma_start3A_1927 = tpu.memref_squeeze %dma_start3A_1926 : memref<1x32x1024xf32, #tpu.memory_space<hbm>> -> memref<32x1024xf32, #tpu.memory_space<hbm>>
    %dma_start3A_1928 = arith.constant 0 : i32
    %dma_start3A_1929 = arith.constant 0 : i32
    %dma_start3A_1930 = tpu.memref_slice %arg4[%dma_start3A_1915, %dma_start3A_1928, %dma_start3A_1929] : memref<3x32x1024xf32, #tpu.memory_space<vmem>> -> memref<1x32x1024xf32, #tpu.memory_space<vmem>>
    %dma_start3A_1931 = tpu.memref_squeeze %dma_start3A_1930 : memref<1x32x1024xf32, #tpu.memory_space<vmem>> -> memref<32x1024xf32, #tpu.memory_space<vmem>>
    tpu.enqueue_dma source(%dma_start3A_1931 : memref<32x1024xf32, #tpu.memory_space<vmem>>) target(%dma_start3A_1927 : memref<32x1024xf32, #tpu.memory_space<hbm>>) target_semaphore(%arg6 : memref<!tpu.dma_semaphore, #tpu.memory_space<semaphore_mem>>)
    %add3A_1932 = arith.constant 6 : i32
    %add3A_1933 = arith.addi %mul3A_2, %add3A_1932 : i32
    %dma_start3A_1934 = arith.constant 0 : i32
    %dma_start3A_1935 = arith.constant 0 : i32
    %dma_start3A_1936 = arith.constant 0 : i32
    %dma_start3A_1937 = tpu.memref_slice %arg4[%dma_start3A_1934, %dma_start3A_1935, %dma_start3A_1936] : memref<3x32x1024xf32, #tpu.memory_space<vmem>> -> memref<1x32x1024xf32, #tpu.memory_space<vmem>>
    %dma_start3A_1938 = tpu.memref_squeeze %dma_start3A_1937 : memref<1x32x1024xf32, #tpu.memory_space<vmem>> -> memref<32x1024xf32, #tpu.memory_space<vmem>>
    %dma_start3A_1939 = arith.constant 192 : i32
    %dma_start3A_1940 = arith.constant 1024 : i32
    %dma_start3A_1941 = tpu.memref_slice %arg3[%add3A_1933, %dma_start3A_1939, %dma_start3A_1940] : memref<256x256x2048xf32, #tpu.memory_space<hbm>> -> memref<1x32x1024xf32, #tpu.memory_space<hbm>>
    %dma_start3A_1942 = tpu.memref_squeeze %dma_start3A_1941 : memref<1x32x1024xf32, #tpu.memory_space<hbm>> -> memref<32x1024xf32, #tpu.memory_space<hbm>>
    %dma_start3A_1943 = arith.constant 192 : i32
    %dma_start3A_1944 = arith.constant 1024 : i32
    %dma_start3A_1945 = tpu.memref_slice %arg3[%add3A_1933, %dma_start3A_1943, %dma_start3A_1944] : memref<256x256x2048xf32, #tpu.memory_space<hbm>> -> memref<1x32x1024xf32, #tpu.memory_space<hbm>>
    %dma_start3A_1946 = tpu.memref_squeeze %dma_start3A_1945 : memref<1x32x1024xf32, #tpu.memory_space<hbm>> -> memref<32x1024xf32, #tpu.memory_space<hbm>>
    %dma_start3A_1947 = arith.constant 0 : i32
    %dma_start3A_1948 = arith.constant 0 : i32
    %dma_start3A_1949 = tpu.memref_slice %arg4[%dma_start3A_1934, %dma_start3A_1947, %dma_start3A_1948] : memref<3x32x1024xf32, #tpu.memory_space<vmem>> -> memref<1x32x1024xf32, #tpu.memory_space<vmem>>
    %dma_start3A_1950 = tpu.memref_squeeze %dma_start3A_1949 : memref<1x32x1024xf32, #tpu.memory_space<vmem>> -> memref<32x1024xf32, #tpu.memory_space<vmem>>
    tpu.enqueue_dma source(%dma_start3A_1950 : memref<32x1024xf32, #tpu.memory_space<vmem>>) target(%dma_start3A_1946 : memref<32x1024xf32, #tpu.memory_space<hbm>>) target_semaphore(%arg6 : memref<!tpu.dma_semaphore, #tpu.memory_space<semaphore_mem>>)
    %add3A_1951 = arith.constant 7 : i32
    %add3A_1952 = arith.addi %mul3A_2, %add3A_1951 : i32
    %dma_start3A_1953 = arith.constant 0 : i32
    %dma_start3A_1954 = arith.constant 0 : i32
    %dma_start3A_1955 = arith.constant 0 : i32
    %dma_start3A_1956 = tpu.memref_slice %arg4[%dma_start3A_1953, %dma_start3A_1954, %dma_start3A_1955] : memref<3x32x1024xf32, #tpu.memory_space<vmem>> -> memref<1x32x1024xf32, #tpu.memory_space<vmem>>
    %dma_start3A_1957 = tpu.memref_squeeze %dma_start3A_1956 : memref<1x32x1024xf32, #tpu.memory_space<vmem>> -> memref<32x1024xf32, #tpu.memory_space<vmem>>
    %dma_start3A_1958 = arith.constant 192 : i32
    %dma_start3A_1959 = arith.constant 1024 : i32
    %dma_start3A_1960 = tpu.memref_slice %arg3[%add3A_1952, %dma_start3A_1958, %dma_start3A_1959] : memref<256x256x2048xf32, #tpu.memory_space<hbm>> -> memref<1x32x1024xf32, #tpu.memory_space<hbm>>
    %dma_start3A_1961 = tpu.memref_squeeze %dma_start3A_1960 : memref<1x32x1024xf32, #tpu.memory_space<hbm>> -> memref<32x1024xf32, #tpu.memory_space<hbm>>
    %dma_start3A_1962 = arith.constant 192 : i32
    %dma_start3A_1963 = arith.constant 1024 : i32
    %dma_start3A_1964 = tpu.memref_slice %arg3[%add3A_1952, %dma_start3A_1962, %dma_start3A_1963] : memref<256x256x2048xf32, #tpu.memory_space<hbm>> -> memref<1x32x1024xf32, #tpu.memory_space<hbm>>
    %dma_start3A_1965 = tpu.memref_squeeze %dma_start3A_1964 : memref<1x32x1024xf32, #tpu.memory_space<hbm>> -> memref<32x1024xf32, #tpu.memory_space<hbm>>
    %dma_start3A_1966 = arith.constant 0 : i32
    %dma_start3A_1967 = arith.constant 0 : i32
    %dma_start3A_1968 = tpu.memref_slice %arg4[%dma_start3A_1953, %dma_start3A_1966, %dma_start3A_1967] : memref<3x32x1024xf32, #tpu.memory_space<vmem>> -> memref<1x32x1024xf32, #tpu.memory_space<vmem>>
    %dma_start3A_1969 = tpu.memref_squeeze %dma_start3A_1968 : memref<1x32x1024xf32, #tpu.memory_space<vmem>> -> memref<32x1024xf32, #tpu.memory_space<vmem>>
    tpu.enqueue_dma source(%dma_start3A_1969 : memref<32x1024xf32, #tpu.memory_space<vmem>>) target(%dma_start3A_1965 : memref<32x1024xf32, #tpu.memory_space<hbm>>) target_semaphore(%arg6 : memref<!tpu.dma_semaphore, #tpu.memory_space<semaphore_mem>>)
    %dma_wait3A_1970 = arith.constant 1 : i32
    %dma_wait3A_1971 = arith.constant 0 : i32
    %dma_wait3A_1972 = arith.constant 0 : i32
    %dma_wait3A_1973 = tpu.memref_slice %arg4[%dma_wait3A_1970, %dma_wait3A_1971, %dma_wait3A_1972] : memref<3x32x1024xf32, #tpu.memory_space<vmem>> -> memref<1x32x1024xf32, #tpu.memory_space<vmem>>
    %dma_wait3A_1974 = tpu.memref_squeeze %dma_wait3A_1973 : memref<1x32x1024xf32, #tpu.memory_space<vmem>> -> memref<32x1024xf32, #tpu.memory_space<vmem>>
    %dma_wait3A_1975 = arith.constant 224 : i32
    %dma_wait3A_1976 = arith.constant 0 : i32
    %dma_wait3A_1977 = tpu.memref_slice %arg2[%dma_wait3A_1975, %dma_wait3A_1976] : memref<1024x1024xf32, #tpu.memory_space<hbm>> -> memref<32x1024xf32, #tpu.memory_space<hbm>>
    %dma_wait3A_1978 = arith.constant 0 : i32
    %dma_wait3A_1979 = arith.constant 0 : i32
    %dma_wait3A_1980 = tpu.memref_slice %arg4[%dma_wait3A_1970, %dma_wait3A_1978, %dma_wait3A_1979] : memref<3x32x1024xf32, #tpu.memory_space<vmem>> -> memref<1x32x1024xf32, #tpu.memory_space<vmem>>
    %dma_wait3A_1981 = tpu.memref_squeeze %dma_wait3A_1980 : memref<1x32x1024xf32, #tpu.memory_space<vmem>> -> memref<32x1024xf32, #tpu.memory_space<vmem>>
    %dma_wait3A_1982 = arith.constant 224 : i32
    %dma_wait3A_1983 = arith.constant 0 : i32
    %dma_wait3A_1984 = tpu.memref_slice %arg2[%dma_wait3A_1982, %dma_wait3A_1983] : memref<1024x1024xf32, #tpu.memory_space<hbm>> -> memref<32x1024xf32, #tpu.memory_space<hbm>>
    tpu.wait_dma2 semaphore(%arg5 : memref<!tpu.dma_semaphore, #tpu.memory_space<semaphore_mem>>) src(%dma_wait3A_1984 : memref<32x1024xf32, #tpu.memory_space<hbm>>) dst(%dma_wait3A_1981 : memref<32x1024xf32, #tpu.memory_space<vmem>>)
    %add3A_1985 = arith.constant 0 : i32
    %add3A_1986 = arith.addi %mul3A_2, %add3A_1985 : i32
    %dma_start3A_1987 = arith.constant 1 : i32
    %dma_start3A_1988 = arith.constant 0 : i32
    %dma_start3A_1989 = arith.constant 0 : i32
    %dma_start3A_1990 = tpu.memref_slice %arg4[%dma_start3A_1987, %dma_start3A_1988, %dma_start3A_1989] : memref<3x32x1024xf32, #tpu.memory_space<vmem>> -> memref<1x32x1024xf32, #tpu.memory_space<vmem>>
    %dma_start3A_1991 = tpu.memref_squeeze %dma_start3A_1990 : memref<1x32x1024xf32, #tpu.memory_space<vmem>> -> memref<32x1024xf32, #tpu.memory_space<vmem>>
    %dma_start3A_1992 = arith.constant 224 : i32
    %dma_start3A_1993 = arith.constant 1024 : i32
    %dma_start3A_1994 = tpu.memref_slice %arg3[%add3A_1986, %dma_start3A_1992, %dma_start3A_1993] : memref<256x256x2048xf32, #tpu.memory_space<hbm>> -> memref<1x32x1024xf32, #tpu.memory_space<hbm>>
    %dma_start3A_1995 = tpu.memref_squeeze %dma_start3A_1994 : memref<1x32x1024xf32, #tpu.memory_space<hbm>> -> memref<32x1024xf32, #tpu.memory_space<hbm>>
    %dma_start3A_1996 = arith.constant 224 : i32
    %dma_start3A_1997 = arith.constant 1024 : i32
    %dma_start3A_1998 = tpu.memref_slice %arg3[%add3A_1986, %dma_start3A_1996, %dma_start3A_1997] : memref<256x256x2048xf32, #tpu.memory_space<hbm>> -> memref<1x32x1024xf32, #tpu.memory_space<hbm>>
    %dma_start3A_1999 = tpu.memref_squeeze %dma_start3A_1998 : memref<1x32x1024xf32, #tpu.memory_space<hbm>> -> memref<32x1024xf32, #tpu.memory_space<hbm>>
    %dma_start3A_2000 = arith.constant 0 : i32
    %dma_start3A_2001 = arith.constant 0 : i32
    %dma_start3A_2002 = tpu.memref_slice %arg4[%dma_start3A_1987, %dma_start3A_2000, %dma_start3A_2001] : memref<3x32x1024xf32, #tpu.memory_space<vmem>> -> memref<1x32x1024xf32, #tpu.memory_space<vmem>>
    %dma_start3A_2003 = tpu.memref_squeeze %dma_start3A_2002 : memref<1x32x1024xf32, #tpu.memory_space<vmem>> -> memref<32x1024xf32, #tpu.memory_space<vmem>>
    tpu.enqueue_dma source(%dma_start3A_2003 : memref<32x1024xf32, #tpu.memory_space<vmem>>) target(%dma_start3A_1999 : memref<32x1024xf32, #tpu.memory_space<hbm>>) target_semaphore(%arg6 : memref<!tpu.dma_semaphore, #tpu.memory_space<semaphore_mem>>)
    %add3A_2004 = arith.constant 1 : i32
    %add3A_2005 = arith.addi %mul3A_2, %add3A_2004 : i32
    %dma_start3A_2006 = arith.constant 1 : i32
    %dma_start3A_2007 = arith.constant 0 : i32
    %dma_start3A_2008 = arith.constant 0 : i32
    %dma_start3A_2009 = tpu.memref_slice %arg4[%dma_start3A_2006, %dma_start3A_2007, %dma_start3A_2008] : memref<3x32x1024xf32, #tpu.memory_space<vmem>> -> memref<1x32x1024xf32, #tpu.memory_space<vmem>>
    %dma_start3A_2010 = tpu.memref_squeeze %dma_start3A_2009 : memref<1x32x1024xf32, #tpu.memory_space<vmem>> -> memref<32x1024xf32, #tpu.memory_space<vmem>>
    %dma_start3A_2011 = arith.constant 224 : i32
    %dma_start3A_2012 = arith.constant 1024 : i32
    %dma_start3A_2013 = tpu.memref_slice %arg3[%add3A_2005, %dma_start3A_2011, %dma_start3A_2012] : memref<256x256x2048xf32, #tpu.memory_space<hbm>> -> memref<1x32x1024xf32, #tpu.memory_space<hbm>>
    %dma_start3A_2014 = tpu.memref_squeeze %dma_start3A_2013 : memref<1x32x1024xf32, #tpu.memory_space<hbm>> -> memref<32x1024xf32, #tpu.memory_space<hbm>>
    %dma_start3A_2015 = arith.constant 224 : i32
    %dma_start3A_2016 = arith.constant 1024 : i32
    %dma_start3A_2017 = tpu.memref_slice %arg3[%add3A_2005, %dma_start3A_2015, %dma_start3A_2016] : memref<256x256x2048xf32, #tpu.memory_space<hbm>> -> memref<1x32x1024xf32, #tpu.memory_space<hbm>>
    %dma_start3A_2018 = tpu.memref_squeeze %dma_start3A_2017 : memref<1x32x1024xf32, #tpu.memory_space<hbm>> -> memref<32x1024xf32, #tpu.memory_space<hbm>>
    %dma_start3A_2019 = arith.constant 0 : i32
    %dma_start3A_2020 = arith.constant 0 : i32
    %dma_start3A_2021 = tpu.memref_slice %arg4[%dma_start3A_2006, %dma_start3A_2019, %dma_start3A_2020] : memref<3x32x1024xf32, #tpu.memory_space<vmem>> -> memref<1x32x1024xf32, #tpu.memory_space<vmem>>
    %dma_start3A_2022 = tpu.memref_squeeze %dma_start3A_2021 : memref<1x32x1024xf32, #tpu.memory_space<vmem>> -> memref<32x1024xf32, #tpu.memory_space<vmem>>
    tpu.enqueue_dma source(%dma_start3A_2022 : memref<32x1024xf32, #tpu.memory_space<vmem>>) target(%dma_start3A_2018 : memref<32x1024xf32, #tpu.memory_space<hbm>>) target_semaphore(%arg6 : memref<!tpu.dma_semaphore, #tpu.memory_space<semaphore_mem>>)
    %add3A_2023 = arith.constant 2 : i32
    %add3A_2024 = arith.addi %mul3A_2, %add3A_2023 : i32
    %dma_start3A_2025 = arith.constant 1 : i32
    %dma_start3A_2026 = arith.constant 0 : i32
    %dma_start3A_2027 = arith.constant 0 : i32
    %dma_start3A_2028 = tpu.memref_slice %arg4[%dma_start3A_2025, %dma_start3A_2026, %dma_start3A_2027] : memref<3x32x1024xf32, #tpu.memory_space<vmem>> -> memref<1x32x1024xf32, #tpu.memory_space<vmem>>
    %dma_start3A_2029 = tpu.memref_squeeze %dma_start3A_2028 : memref<1x32x1024xf32, #tpu.memory_space<vmem>> -> memref<32x1024xf32, #tpu.memory_space<vmem>>
    %dma_start3A_2030 = arith.constant 224 : i32
    %dma_start3A_2031 = arith.constant 1024 : i32
    %dma_start3A_2032 = tpu.memref_slice %arg3[%add3A_2024, %dma_start3A_2030, %dma_start3A_2031] : memref<256x256x2048xf32, #tpu.memory_space<hbm>> -> memref<1x32x1024xf32, #tpu.memory_space<hbm>>
    %dma_start3A_2033 = tpu.memref_squeeze %dma_start3A_2032 : memref<1x32x1024xf32, #tpu.memory_space<hbm>> -> memref<32x1024xf32, #tpu.memory_space<hbm>>
    %dma_start3A_2034 = arith.constant 224 : i32
    %dma_start3A_2035 = arith.constant 1024 : i32
    %dma_start3A_2036 = tpu.memref_slice %arg3[%add3A_2024, %dma_start3A_2034, %dma_start3A_2035] : memref<256x256x2048xf32, #tpu.memory_space<hbm>> -> memref<1x32x1024xf32, #tpu.memory_space<hbm>>
    %dma_start3A_2037 = tpu.memref_squeeze %dma_start3A_2036 : memref<1x32x1024xf32, #tpu.memory_space<hbm>> -> memref<32x1024xf32, #tpu.memory_space<hbm>>
    %dma_start3A_2038 = arith.constant 0 : i32
    %dma_start3A_2039 = arith.constant 0 : i32
    %dma_start3A_2040 = tpu.memref_slice %arg4[%dma_start3A_2025, %dma_start3A_2038, %dma_start3A_2039] : memref<3x32x1024xf32, #tpu.memory_space<vmem>> -> memref<1x32x1024xf32, #tpu.memory_space<vmem>>
    %dma_start3A_2041 = tpu.memref_squeeze %dma_start3A_2040 : memref<1x32x1024xf32, #tpu.memory_space<vmem>> -> memref<32x1024xf32, #tpu.memory_space<vmem>>
    tpu.enqueue_dma source(%dma_start3A_2041 : memref<32x1024xf32, #tpu.memory_space<vmem>>) target(%dma_start3A_2037 : memref<32x1024xf32, #tpu.memory_space<hbm>>) target_semaphore(%arg6 : memref<!tpu.dma_semaphore, #tpu.memory_space<semaphore_mem>>)
    %add3A_2042 = arith.constant 3 : i32
    %add3A_2043 = arith.addi %mul3A_2, %add3A_2042 : i32
    %dma_start3A_2044 = arith.constant 1 : i32
    %dma_start3A_2045 = arith.constant 0 : i32
    %dma_start3A_2046 = arith.constant 0 : i32
    %dma_start3A_2047 = tpu.memref_slice %arg4[%dma_start3A_2044, %dma_start3A_2045, %dma_start3A_2046] : memref<3x32x1024xf32, #tpu.memory_space<vmem>> -> memref<1x32x1024xf32, #tpu.memory_space<vmem>>
    %dma_start3A_2048 = tpu.memref_squeeze %dma_start3A_2047 : memref<1x32x1024xf32, #tpu.memory_space<vmem>> -> memref<32x1024xf32, #tpu.memory_space<vmem>>
    %dma_start3A_2049 = arith.constant 224 : i32
    %dma_start3A_2050 = arith.constant 1024 : i32
    %dma_start3A_2051 = tpu.memref_slice %arg3[%add3A_2043, %dma_start3A_2049, %dma_start3A_2050] : memref<256x256x2048xf32, #tpu.memory_space<hbm>> -> memref<1x32x1024xf32, #tpu.memory_space<hbm>>
    %dma_start3A_2052 = tpu.memref_squeeze %dma_start3A_2051 : memref<1x32x1024xf32, #tpu.memory_space<hbm>> -> memref<32x1024xf32, #tpu.memory_space<hbm>>
    %dma_start3A_2053 = arith.constant 224 : i32
    %dma_start3A_2054 = arith.constant 1024 : i32
    %dma_start3A_2055 = tpu.memref_slice %arg3[%add3A_2043, %dma_start3A_2053, %dma_start3A_2054] : memref<256x256x2048xf32, #tpu.memory_space<hbm>> -> memref<1x32x1024xf32, #tpu.memory_space<hbm>>
    %dma_start3A_2056 = tpu.memref_squeeze %dma_start3A_2055 : memref<1x32x1024xf32, #tpu.memory_space<hbm>> -> memref<32x1024xf32, #tpu.memory_space<hbm>>
    %dma_start3A_2057 = arith.constant 0 : i32
    %dma_start3A_2058 = arith.constant 0 : i32
    %dma_start3A_2059 = tpu.memref_slice %arg4[%dma_start3A_2044, %dma_start3A_2057, %dma_start3A_2058] : memref<3x32x1024xf32, #tpu.memory_space<vmem>> -> memref<1x32x1024xf32, #tpu.memory_space<vmem>>
    %dma_start3A_2060 = tpu.memref_squeeze %dma_start3A_2059 : memref<1x32x1024xf32, #tpu.memory_space<vmem>> -> memref<32x1024xf32, #tpu.memory_space<vmem>>
    tpu.enqueue_dma source(%dma_start3A_2060 : memref<32x1024xf32, #tpu.memory_space<vmem>>) target(%dma_start3A_2056 : memref<32x1024xf32, #tpu.memory_space<hbm>>) target_semaphore(%arg6 : memref<!tpu.dma_semaphore, #tpu.memory_space<semaphore_mem>>)
    %add3A_2061 = arith.constant 4 : i32
    %add3A_2062 = arith.addi %mul3A_2, %add3A_2061 : i32
    %dma_start3A_2063 = arith.constant 1 : i32
    %dma_start3A_2064 = arith.constant 0 : i32
    %dma_start3A_2065 = arith.constant 0 : i32
    %dma_start3A_2066 = tpu.memref_slice %arg4[%dma_start3A_2063, %dma_start3A_2064, %dma_start3A_2065] : memref<3x32x1024xf32, #tpu.memory_space<vmem>> -> memref<1x32x1024xf32, #tpu.memory_space<vmem>>
    %dma_start3A_2067 = tpu.memref_squeeze %dma_start3A_2066 : memref<1x32x1024xf32, #tpu.memory_space<vmem>> -> memref<32x1024xf32, #tpu.memory_space<vmem>>
    %dma_start3A_2068 = arith.constant 224 : i32
    %dma_start3A_2069 = arith.constant 1024 : i32
    %dma_start3A_2070 = tpu.memref_slice %arg3[%add3A_2062, %dma_start3A_2068, %dma_start3A_2069] : memref<256x256x2048xf32, #tpu.memory_space<hbm>> -> memref<1x32x1024xf32, #tpu.memory_space<hbm>>
    %dma_start3A_2071 = tpu.memref_squeeze %dma_start3A_2070 : memref<1x32x1024xf32, #tpu.memory_space<hbm>> -> memref<32x1024xf32, #tpu.memory_space<hbm>>
    %dma_start3A_2072 = arith.constant 224 : i32
    %dma_start3A_2073 = arith.constant 1024 : i32
    %dma_start3A_2074 = tpu.memref_slice %arg3[%add3A_2062, %dma_start3A_2072, %dma_start3A_2073] : memref<256x256x2048xf32, #tpu.memory_space<hbm>> -> memref<1x32x1024xf32, #tpu.memory_space<hbm>>
    %dma_start3A_2075 = tpu.memref_squeeze %dma_start3A_2074 : memref<1x32x1024xf32, #tpu.memory_space<hbm>> -> memref<32x1024xf32, #tpu.memory_space<hbm>>
    %dma_start3A_2076 = arith.constant 0 : i32
    %dma_start3A_2077 = arith.constant 0 : i32
    %dma_start3A_2078 = tpu.memref_slice %arg4[%dma_start3A_2063, %dma_start3A_2076, %dma_start3A_2077] : memref<3x32x1024xf32, #tpu.memory_space<vmem>> -> memref<1x32x1024xf32, #tpu.memory_space<vmem>>
    %dma_start3A_2079 = tpu.memref_squeeze %dma_start3A_2078 : memref<1x32x1024xf32, #tpu.memory_space<vmem>> -> memref<32x1024xf32, #tpu.memory_space<vmem>>
    tpu.enqueue_dma source(%dma_start3A_2079 : memref<32x1024xf32, #tpu.memory_space<vmem>>) target(%dma_start3A_2075 : memref<32x1024xf32, #tpu.memory_space<hbm>>) target_semaphore(%arg6 : memref<!tpu.dma_semaphore, #tpu.memory_space<semaphore_mem>>)
    %add3A_2080 = arith.constant 5 : i32
    %add3A_2081 = arith.addi %mul3A_2, %add3A_2080 : i32
    %dma_start3A_2082 = arith.constant 1 : i32
    %dma_start3A_2083 = arith.constant 0 : i32
    %dma_start3A_2084 = arith.constant 0 : i32
    %dma_start3A_2085 = tpu.memref_slice %arg4[%dma_start3A_2082, %dma_start3A_2083, %dma_start3A_2084] : memref<3x32x1024xf32, #tpu.memory_space<vmem>> -> memref<1x32x1024xf32, #tpu.memory_space<vmem>>
    %dma_start3A_2086 = tpu.memref_squeeze %dma_start3A_2085 : memref<1x32x1024xf32, #tpu.memory_space<vmem>> -> memref<32x1024xf32, #tpu.memory_space<vmem>>
    %dma_start3A_2087 = arith.constant 224 : i32
    %dma_start3A_2088 = arith.constant 1024 : i32
    %dma_start3A_2089 = tpu.memref_slice %arg3[%add3A_2081, %dma_start3A_2087, %dma_start3A_2088] : memref<256x256x2048xf32, #tpu.memory_space<hbm>> -> memref<1x32x1024xf32, #tpu.memory_space<hbm>>
    %dma_start3A_2090 = tpu.memref_squeeze %dma_start3A_2089 : memref<1x32x1024xf32, #tpu.memory_space<hbm>> -> memref<32x1024xf32, #tpu.memory_space<hbm>>
    %dma_start3A_2091 = arith.constant 224 : i32
    %dma_start3A_2092 = arith.constant 1024 : i32
    %dma_start3A_2093 = tpu.memref_slice %arg3[%add3A_2081, %dma_start3A_2091, %dma_start3A_2092] : memref<256x256x2048xf32, #tpu.memory_space<hbm>> -> memref<1x32x1024xf32, #tpu.memory_space<hbm>>
    %dma_start3A_2094 = tpu.memref_squeeze %dma_start3A_2093 : memref<1x32x1024xf32, #tpu.memory_space<hbm>> -> memref<32x1024xf32, #tpu.memory_space<hbm>>
    %dma_start3A_2095 = arith.constant 0 : i32
    %dma_start3A_2096 = arith.constant 0 : i32
    %dma_start3A_2097 = tpu.memref_slice %arg4[%dma_start3A_2082, %dma_start3A_2095, %dma_start3A_2096] : memref<3x32x1024xf32, #tpu.memory_space<vmem>> -> memref<1x32x1024xf32, #tpu.memory_space<vmem>>
    %dma_start3A_2098 = tpu.memref_squeeze %dma_start3A_2097 : memref<1x32x1024xf32, #tpu.memory_space<vmem>> -> memref<32x1024xf32, #tpu.memory_space<vmem>>
    tpu.enqueue_dma source(%dma_start3A_2098 : memref<32x1024xf32, #tpu.memory_space<vmem>>) target(%dma_start3A_2094 : memref<32x1024xf32, #tpu.memory_space<hbm>>) target_semaphore(%arg6 : memref<!tpu.dma_semaphore, #tpu.memory_space<semaphore_mem>>)
    %add3A_2099 = arith.constant 6 : i32
    %add3A_2100 = arith.addi %mul3A_2, %add3A_2099 : i32
    %dma_start3A_2101 = arith.constant 1 : i32
    %dma_start3A_2102 = arith.constant 0 : i32
    %dma_start3A_2103 = arith.constant 0 : i32
    %dma_start3A_2104 = tpu.memref_slice %arg4[%dma_start3A_2101, %dma_start3A_2102, %dma_start3A_2103] : memref<3x32x1024xf32, #tpu.memory_space<vmem>> -> memref<1x32x1024xf32, #tpu.memory_space<vmem>>
    %dma_start3A_2105 = tpu.memref_squeeze %dma_start3A_2104 : memref<1x32x1024xf32, #tpu.memory_space<vmem>> -> memref<32x1024xf32, #tpu.memory_space<vmem>>
    %dma_start3A_2106 = arith.constant 224 : i32
    %dma_start3A_2107 = arith.constant 1024 : i32
    %dma_start3A_2108 = tpu.memref_slice %arg3[%add3A_2100, %dma_start3A_2106, %dma_start3A_2107] : memref<256x256x2048xf32, #tpu.memory_space<hbm>> -> memref<1x32x1024xf32, #tpu.memory_space<hbm>>
    %dma_start3A_2109 = tpu.memref_squeeze %dma_start3A_2108 : memref<1x32x1024xf32, #tpu.memory_space<hbm>> -> memref<32x1024xf32, #tpu.memory_space<hbm>>
    %dma_start3A_2110 = arith.constant 224 : i32
    %dma_start3A_2111 = arith.constant 1024 : i32
    %dma_start3A_2112 = tpu.memref_slice %arg3[%add3A_2100, %dma_start3A_2110, %dma_start3A_2111] : memref<256x256x2048xf32, #tpu.memory_space<hbm>> -> memref<1x32x1024xf32, #tpu.memory_space<hbm>>
    %dma_start3A_2113 = tpu.memref_squeeze %dma_start3A_2112 : memref<1x32x1024xf32, #tpu.memory_space<hbm>> -> memref<32x1024xf32, #tpu.memory_space<hbm>>
    %dma_start3A_2114 = arith.constant 0 : i32
    %dma_start3A_2115 = arith.constant 0 : i32
    %dma_start3A_2116 = tpu.memref_slice %arg4[%dma_start3A_2101, %dma_start3A_2114, %dma_start3A_2115] : memref<3x32x1024xf32, #tpu.memory_space<vmem>> -> memref<1x32x1024xf32, #tpu.memory_space<vmem>>
    %dma_start3A_2117 = tpu.memref_squeeze %dma_start3A_2116 : memref<1x32x1024xf32, #tpu.memory_space<vmem>> -> memref<32x1024xf32, #tpu.memory_space<vmem>>
    tpu.enqueue_dma source(%dma_start3A_2117 : memref<32x1024xf32, #tpu.memory_space<vmem>>) target(%dma_start3A_2113 : memref<32x1024xf32, #tpu.memory_space<hbm>>) target_semaphore(%arg6 : memref<!tpu.dma_semaphore, #tpu.memory_space<semaphore_mem>>)
    %add3A_2118 = arith.constant 7 : i32
    %add3A_2119 = arith.addi %mul3A_2, %add3A_2118 : i32
    %dma_start3A_2120 = arith.constant 1 : i32
    %dma_start3A_2121 = arith.constant 0 : i32
    %dma_start3A_2122 = arith.constant 0 : i32
    %dma_start3A_2123 = tpu.memref_slice %arg4[%dma_start3A_2120, %dma_start3A_2121, %dma_start3A_2122] : memref<3x32x1024xf32, #tpu.memory_space<vmem>> -> memref<1x32x1024xf32, #tpu.memory_space<vmem>>
    %dma_start3A_2124 = tpu.memref_squeeze %dma_start3A_2123 : memref<1x32x1024xf32, #tpu.memory_space<vmem>> -> memref<32x1024xf32, #tpu.memory_space<vmem>>
    %dma_start3A_2125 = arith.constant 224 : i32
    %dma_start3A_2126 = arith.constant 1024 : i32
    %dma_start3A_2127 = tpu.memref_slice %arg3[%add3A_2119, %dma_start3A_2125, %dma_start3A_2126] : memref<256x256x2048xf32, #tpu.memory_space<hbm>> -> memref<1x32x1024xf32, #tpu.memory_space<hbm>>
    %dma_start3A_2128 = tpu.memref_squeeze %dma_start3A_2127 : memref<1x32x1024xf32, #tpu.memory_space<hbm>> -> memref<32x1024xf32, #tpu.memory_space<hbm>>
    %dma_start3A_2129 = arith.constant 224 : i32
    %dma_start3A_2130 = arith.constant 1024 : i32
    %dma_start3A_2131 = tpu.memref_slice %arg3[%add3A_2119, %dma_start3A_2129, %dma_start3A_2130] : memref<256x256x2048xf32, #tpu.memory_space<hbm>> -> memref<1x32x1024xf32, #tpu.memory_space<hbm>>
    %dma_start3A_2132 = tpu.memref_squeeze %dma_start3A_2131 : memref<1x32x1024xf32, #tpu.memory_space<hbm>> -> memref<32x1024xf32, #tpu.memory_space<hbm>>
    %dma_start3A_2133 = arith.constant 0 : i32
    %dma_start3A_2134 = arith.constant 0 : i32
    %dma_start3A_2135 = tpu.memref_slice %arg4[%dma_start3A_2120, %dma_start3A_2133, %dma_start3A_2134] : memref<3x32x1024xf32, #tpu.memory_space<vmem>> -> memref<1x32x1024xf32, #tpu.memory_space<vmem>>
    %dma_start3A_2136 = tpu.memref_squeeze %dma_start3A_2135 : memref<1x32x1024xf32, #tpu.memory_space<vmem>> -> memref<32x1024xf32, #tpu.memory_space<vmem>>
    tpu.enqueue_dma source(%dma_start3A_2136 : memref<32x1024xf32, #tpu.memory_space<vmem>>) target(%dma_start3A_2132 : memref<32x1024xf32, #tpu.memory_space<hbm>>) target_semaphore(%arg6 : memref<!tpu.dma_semaphore, #tpu.memory_space<semaphore_mem>>)
    %dma_wait3A_2137 = arith.constant 0 : i32
    %dma_wait3A_2138 = arith.constant 0 : i32
    %dma_wait3A_2139 = arith.constant 0 : i32
    %dma_wait3A_2140 = tpu.memref_slice %arg4[%dma_wait3A_2137, %dma_wait3A_2138, %dma_wait3A_2139] : memref<3x32x1024xf32, #tpu.memory_space<vmem>> -> memref<1x32x1024xf32, #tpu.memory_space<vmem>>
    %dma_wait3A_2141 = tpu.memref_squeeze %dma_wait3A_2140 : memref<1x32x1024xf32, #tpu.memory_space<vmem>> -> memref<32x1024xf32, #tpu.memory_space<vmem>>
    %dma_wait3A_2142 = arith.constant 192 : i32
    %dma_wait3A_2143 = arith.constant 1024 : i32
    %dma_wait3A_2144 = tpu.memref_slice %arg3[%add3A_1819, %dma_wait3A_2142, %dma_wait3A_2143] : memref<256x256x2048xf32, #tpu.memory_space<hbm>> -> memref<1x32x1024xf32, #tpu.memory_space<hbm>>
    %dma_wait3A_2145 = tpu.memref_squeeze %dma_wait3A_2144 : memref<1x32x1024xf32, #tpu.memory_space<hbm>> -> memref<32x1024xf32, #tpu.memory_space<hbm>>
    %dma_wait3A_2146 = arith.constant 192 : i32
    %dma_wait3A_2147 = arith.constant 1024 : i32
    %dma_wait3A_2148 = tpu.memref_slice %arg3[%add3A_1819, %dma_wait3A_2146, %dma_wait3A_2147] : memref<256x256x2048xf32, #tpu.memory_space<hbm>> -> memref<1x32x1024xf32, #tpu.memory_space<hbm>>
    %dma_wait3A_2149 = tpu.memref_squeeze %dma_wait3A_2148 : memref<1x32x1024xf32, #tpu.memory_space<hbm>> -> memref<32x1024xf32, #tpu.memory_space<hbm>>
    %dma_wait3A_2150 = arith.constant 0 : i32
    %dma_wait3A_2151 = arith.constant 0 : i32
    %dma_wait3A_2152 = tpu.memref_slice %arg4[%dma_wait3A_2137, %dma_wait3A_2150, %dma_wait3A_2151] : memref<3x32x1024xf32, #tpu.memory_space<vmem>> -> memref<1x32x1024xf32, #tpu.memory_space<vmem>>
    %dma_wait3A_2153 = tpu.memref_squeeze %dma_wait3A_2152 : memref<1x32x1024xf32, #tpu.memory_space<vmem>> -> memref<32x1024xf32, #tpu.memory_space<vmem>>
    tpu.wait_dma2 semaphore(%arg6 : memref<!tpu.dma_semaphore, #tpu.memory_space<semaphore_mem>>) src(%dma_wait3A_2153 : memref<32x1024xf32, #tpu.memory_space<vmem>>) dst(%dma_wait3A_2149 : memref<32x1024xf32, #tpu.memory_space<hbm>>)
    %dma_wait3A_2154 = arith.constant 0 : i32
    %dma_wait3A_2155 = arith.constant 0 : i32
    %dma_wait3A_2156 = arith.constant 0 : i32
    %dma_wait3A_2157 = tpu.memref_slice %arg4[%dma_wait3A_2154, %dma_wait3A_2155, %dma_wait3A_2156] : memref<3x32x1024xf32, #tpu.memory_space<vmem>> -> memref<1x32x1024xf32, #tpu.memory_space<vmem>>
    %dma_wait3A_2158 = tpu.memref_squeeze %dma_wait3A_2157 : memref<1x32x1024xf32, #tpu.memory_space<vmem>> -> memref<32x1024xf32, #tpu.memory_space<vmem>>
    %dma_wait3A_2159 = arith.constant 192 : i32
    %dma_wait3A_2160 = arith.constant 1024 : i32
    %dma_wait3A_2161 = tpu.memref_slice %arg3[%add3A_1838, %dma_wait3A_2159, %dma_wait3A_2160] : memref<256x256x2048xf32, #tpu.memory_space<hbm>> -> memref<1x32x1024xf32, #tpu.memory_space<hbm>>
    %dma_wait3A_2162 = tpu.memref_squeeze %dma_wait3A_2161 : memref<1x32x1024xf32, #tpu.memory_space<hbm>> -> memref<32x1024xf32, #tpu.memory_space<hbm>>
    %dma_wait3A_2163 = arith.constant 192 : i32
    %dma_wait3A_2164 = arith.constant 1024 : i32
    %dma_wait3A_2165 = tpu.memref_slice %arg3[%add3A_1838, %dma_wait3A_2163, %dma_wait3A_2164] : memref<256x256x2048xf32, #tpu.memory_space<hbm>> -> memref<1x32x1024xf32, #tpu.memory_space<hbm>>
    %dma_wait3A_2166 = tpu.memref_squeeze %dma_wait3A_2165 : memref<1x32x1024xf32, #tpu.memory_space<hbm>> -> memref<32x1024xf32, #tpu.memory_space<hbm>>
    %dma_wait3A_2167 = arith.constant 0 : i32
    %dma_wait3A_2168 = arith.constant 0 : i32
    %dma_wait3A_2169 = tpu.memref_slice %arg4[%dma_wait3A_2154, %dma_wait3A_2167, %dma_wait3A_2168] : memref<3x32x1024xf32, #tpu.memory_space<vmem>> -> memref<1x32x1024xf32, #tpu.memory_space<vmem>>
    %dma_wait3A_2170 = tpu.memref_squeeze %dma_wait3A_2169 : memref<1x32x1024xf32, #tpu.memory_space<vmem>> -> memref<32x1024xf32, #tpu.memory_space<vmem>>
    tpu.wait_dma2 semaphore(%arg6 : memref<!tpu.dma_semaphore, #tpu.memory_space<semaphore_mem>>) src(%dma_wait3A_2170 : memref<32x1024xf32, #tpu.memory_space<vmem>>) dst(%dma_wait3A_2166 : memref<32x1024xf32, #tpu.memory_space<hbm>>)
    %dma_wait3A_2171 = arith.constant 0 : i32
    %dma_wait3A_2172 = arith.constant 0 : i32
    %dma_wait3A_2173 = arith.constant 0 : i32
    %dma_wait3A_2174 = tpu.memref_slice %arg4[%dma_wait3A_2171, %dma_wait3A_2172, %dma_wait3A_2173] : memref<3x32x1024xf32, #tpu.memory_space<vmem>> -> memref<1x32x1024xf32, #tpu.memory_space<vmem>>
    %dma_wait3A_2175 = tpu.memref_squeeze %dma_wait3A_2174 : memref<1x32x1024xf32, #tpu.memory_space<vmem>> -> memref<32x1024xf32, #tpu.memory_space<vmem>>
    %dma_wait3A_2176 = arith.constant 192 : i32
    %dma_wait3A_2177 = arith.constant 1024 : i32
    %dma_wait3A_2178 = tpu.memref_slice %arg3[%add3A_1857, %dma_wait3A_2176, %dma_wait3A_2177] : memref<256x256x2048xf32, #tpu.memory_space<hbm>> -> memref<1x32x1024xf32, #tpu.memory_space<hbm>>
    %dma_wait3A_2179 = tpu.memref_squeeze %dma_wait3A_2178 : memref<1x32x1024xf32, #tpu.memory_space<hbm>> -> memref<32x1024xf32, #tpu.memory_space<hbm>>
    %dma_wait3A_2180 = arith.constant 192 : i32
    %dma_wait3A_2181 = arith.constant 1024 : i32
    %dma_wait3A_2182 = tpu.memref_slice %arg3[%add3A_1857, %dma_wait3A_2180, %dma_wait3A_2181] : memref<256x256x2048xf32, #tpu.memory_space<hbm>> -> memref<1x32x1024xf32, #tpu.memory_space<hbm>>
    %dma_wait3A_2183 = tpu.memref_squeeze %dma_wait3A_2182 : memref<1x32x1024xf32, #tpu.memory_space<hbm>> -> memref<32x1024xf32, #tpu.memory_space<hbm>>
    %dma_wait3A_2184 = arith.constant 0 : i32
    %dma_wait3A_2185 = arith.constant 0 : i32
    %dma_wait3A_2186 = tpu.memref_slice %arg4[%dma_wait3A_2171, %dma_wait3A_2184, %dma_wait3A_2185] : memref<3x32x1024xf32, #tpu.memory_space<vmem>> -> memref<1x32x1024xf32, #tpu.memory_space<vmem>>
    %dma_wait3A_2187 = tpu.memref_squeeze %dma_wait3A_2186 : memref<1x32x1024xf32, #tpu.memory_space<vmem>> -> memref<32x1024xf32, #tpu.memory_space<vmem>>
    tpu.wait_dma2 semaphore(%arg6 : memref<!tpu.dma_semaphore, #tpu.memory_space<semaphore_mem>>) src(%dma_wait3A_2187 : memref<32x1024xf32, #tpu.memory_space<vmem>>) dst(%dma_wait3A_2183 : memref<32x1024xf32, #tpu.memory_space<hbm>>)
    %dma_wait3A_2188 = arith.constant 0 : i32
    %dma_wait3A_2189 = arith.constant 0 : i32
    %dma_wait3A_2190 = arith.constant 0 : i32
    %dma_wait3A_2191 = tpu.memref_slice %arg4[%dma_wait3A_2188, %dma_wait3A_2189, %dma_wait3A_2190] : memref<3x32x1024xf32, #tpu.memory_space<vmem>> -> memref<1x32x1024xf32, #tpu.memory_space<vmem>>
    %dma_wait3A_2192 = tpu.memref_squeeze %dma_wait3A_2191 : memref<1x32x1024xf32, #tpu.memory_space<vmem>> -> memref<32x1024xf32, #tpu.memory_space<vmem>>
    %dma_wait3A_2193 = arith.constant 192 : i32
    %dma_wait3A_2194 = arith.constant 1024 : i32
    %dma_wait3A_2195 = tpu.memref_slice %arg3[%add3A_1876, %dma_wait3A_2193, %dma_wait3A_2194] : memref<256x256x2048xf32, #tpu.memory_space<hbm>> -> memref<1x32x1024xf32, #tpu.memory_space<hbm>>
    %dma_wait3A_2196 = tpu.memref_squeeze %dma_wait3A_2195 : memref<1x32x1024xf32, #tpu.memory_space<hbm>> -> memref<32x1024xf32, #tpu.memory_space<hbm>>
    %dma_wait3A_2197 = arith.constant 192 : i32
    %dma_wait3A_2198 = arith.constant 1024 : i32
    %dma_wait3A_2199 = tpu.memref_slice %arg3[%add3A_1876, %dma_wait3A_2197, %dma_wait3A_2198] : memref<256x256x2048xf32, #tpu.memory_space<hbm>> -> memref<1x32x1024xf32, #tpu.memory_space<hbm>>
    %dma_wait3A_2200 = tpu.memref_squeeze %dma_wait3A_2199 : memref<1x32x1024xf32, #tpu.memory_space<hbm>> -> memref<32x1024xf32, #tpu.memory_space<hbm>>
    %dma_wait3A_2201 = arith.constant 0 : i32
    %dma_wait3A_2202 = arith.constant 0 : i32
    %dma_wait3A_2203 = tpu.memref_slice %arg4[%dma_wait3A_2188, %dma_wait3A_2201, %dma_wait3A_2202] : memref<3x32x1024xf32, #tpu.memory_space<vmem>> -> memref<1x32x1024xf32, #tpu.memory_space<vmem>>
    %dma_wait3A_2204 = tpu.memref_squeeze %dma_wait3A_2203 : memref<1x32x1024xf32, #tpu.memory_space<vmem>> -> memref<32x1024xf32, #tpu.memory_space<vmem>>
    tpu.wait_dma2 semaphore(%arg6 : memref<!tpu.dma_semaphore, #tpu.memory_space<semaphore_mem>>) src(%dma_wait3A_2204 : memref<32x1024xf32, #tpu.memory_space<vmem>>) dst(%dma_wait3A_2200 : memref<32x1024xf32, #tpu.memory_space<hbm>>)
    %dma_wait3A_2205 = arith.constant 0 : i32
    %dma_wait3A_2206 = arith.constant 0 : i32
    %dma_wait3A_2207 = arith.constant 0 : i32
    %dma_wait3A_2208 = tpu.memref_slice %arg4[%dma_wait3A_2205, %dma_wait3A_2206, %dma_wait3A_2207] : memref<3x32x1024xf32, #tpu.memory_space<vmem>> -> memref<1x32x1024xf32, #tpu.memory_space<vmem>>
    %dma_wait3A_2209 = tpu.memref_squeeze %dma_wait3A_2208 : memref<1x32x1024xf32, #tpu.memory_space<vmem>> -> memref<32x1024xf32, #tpu.memory_space<vmem>>
    %dma_wait3A_2210 = arith.constant 192 : i32
    %dma_wait3A_2211 = arith.constant 1024 : i32
    %dma_wait3A_2212 = tpu.memref_slice %arg3[%add3A_1895, %dma_wait3A_2210, %dma_wait3A_2211] : memref<256x256x2048xf32, #tpu.memory_space<hbm>> -> memref<1x32x1024xf32, #tpu.memory_space<hbm>>
    %dma_wait3A_2213 = tpu.memref_squeeze %dma_wait3A_2212 : memref<1x32x1024xf32, #tpu.memory_space<hbm>> -> memref<32x1024xf32, #tpu.memory_space<hbm>>
    %dma_wait3A_2214 = arith.constant 192 : i32
    %dma_wait3A_2215 = arith.constant 1024 : i32
    %dma_wait3A_2216 = tpu.memref_slice %arg3[%add3A_1895, %dma_wait3A_2214, %dma_wait3A_2215] : memref<256x256x2048xf32, #tpu.memory_space<hbm>> -> memref<1x32x1024xf32, #tpu.memory_space<hbm>>
    %dma_wait3A_2217 = tpu.memref_squeeze %dma_wait3A_2216 : memref<1x32x1024xf32, #tpu.memory_space<hbm>> -> memref<32x1024xf32, #tpu.memory_space<hbm>>
    %dma_wait3A_2218 = arith.constant 0 : i32
    %dma_wait3A_2219 = arith.constant 0 : i32
    %dma_wait3A_2220 = tpu.memref_slice %arg4[%dma_wait3A_2205, %dma_wait3A_2218, %dma_wait3A_2219] : memref<3x32x1024xf32, #tpu.memory_space<vmem>> -> memref<1x32x1024xf32, #tpu.memory_space<vmem>>
    %dma_wait3A_2221 = tpu.memref_squeeze %dma_wait3A_2220 : memref<1x32x1024xf32, #tpu.memory_space<vmem>> -> memref<32x1024xf32, #tpu.memory_space<vmem>>
    tpu.wait_dma2 semaphore(%arg6 : memref<!tpu.dma_semaphore, #tpu.memory_space<semaphore_mem>>) src(%dma_wait3A_2221 : memref<32x1024xf32, #tpu.memory_space<vmem>>) dst(%dma_wait3A_2217 : memref<32x1024xf32, #tpu.memory_space<hbm>>)
    %dma_wait3A_2222 = arith.constant 0 : i32
    %dma_wait3A_2223 = arith.constant 0 : i32
    %dma_wait3A_2224 = arith.constant 0 : i32
    %dma_wait3A_2225 = tpu.memref_slice %arg4[%dma_wait3A_2222, %dma_wait3A_2223, %dma_wait3A_2224] : memref<3x32x1024xf32, #tpu.memory_space<vmem>> -> memref<1x32x1024xf32, #tpu.memory_space<vmem>>
    %dma_wait3A_2226 = tpu.memref_squeeze %dma_wait3A_2225 : memref<1x32x1024xf32, #tpu.memory_space<vmem>> -> memref<32x1024xf32, #tpu.memory_space<vmem>>
    %dma_wait3A_2227 = arith.constant 192 : i32
    %dma_wait3A_2228 = arith.constant 1024 : i32
    %dma_wait3A_2229 = tpu.memref_slice %arg3[%add3A_1914, %dma_wait3A_2227, %dma_wait3A_2228] : memref<256x256x2048xf32, #tpu.memory_space<hbm>> -> memref<1x32x1024xf32, #tpu.memory_space<hbm>>
    %dma_wait3A_2230 = tpu.memref_squeeze %dma_wait3A_2229 : memref<1x32x1024xf32, #tpu.memory_space<hbm>> -> memref<32x1024xf32, #tpu.memory_space<hbm>>
    %dma_wait3A_2231 = arith.constant 192 : i32
    %dma_wait3A_2232 = arith.constant 1024 : i32
    %dma_wait3A_2233 = tpu.memref_slice %arg3[%add3A_1914, %dma_wait3A_2231, %dma_wait3A_2232] : memref<256x256x2048xf32, #tpu.memory_space<hbm>> -> memref<1x32x1024xf32, #tpu.memory_space<hbm>>
    %dma_wait3A_2234 = tpu.memref_squeeze %dma_wait3A_2233 : memref<1x32x1024xf32, #tpu.memory_space<hbm>> -> memref<32x1024xf32, #tpu.memory_space<hbm>>
    %dma_wait3A_2235 = arith.constant 0 : i32
    %dma_wait3A_2236 = arith.constant 0 : i32
    %dma_wait3A_2237 = tpu.memref_slice %arg4[%dma_wait3A_2222, %dma_wait3A_2235, %dma_wait3A_2236] : memref<3x32x1024xf32, #tpu.memory_space<vmem>> -> memref<1x32x1024xf32, #tpu.memory_space<vmem>>
    %dma_wait3A_2238 = tpu.memref_squeeze %dma_wait3A_2237 : memref<1x32x1024xf32, #tpu.memory_space<vmem>> -> memref<32x1024xf32, #tpu.memory_space<vmem>>
    tpu.wait_dma2 semaphore(%arg6 : memref<!tpu.dma_semaphore, #tpu.memory_space<semaphore_mem>>) src(%dma_wait3A_2238 : memref<32x1024xf32, #tpu.memory_space<vmem>>) dst(%dma_wait3A_2234 : memref<32x1024xf32, #tpu.memory_space<hbm>>)
    %dma_wait3A_2239 = arith.constant 0 : i32
    %dma_wait3A_2240 = arith.constant 0 : i32
    %dma_wait3A_2241 = arith.constant 0 : i32
    %dma_wait3A_2242 = tpu.memref_slice %arg4[%dma_wait3A_2239, %dma_wait3A_2240, %dma_wait3A_2241] : memref<3x32x1024xf32, #tpu.memory_space<vmem>> -> memref<1x32x1024xf32, #tpu.memory_space<vmem>>
    %dma_wait3A_2243 = tpu.memref_squeeze %dma_wait3A_2242 : memref<1x32x1024xf32, #tpu.memory_space<vmem>> -> memref<32x1024xf32, #tpu.memory_space<vmem>>
    %dma_wait3A_2244 = arith.constant 192 : i32
    %dma_wait3A_2245 = arith.constant 1024 : i32
    %dma_wait3A_2246 = tpu.memref_slice %arg3[%add3A_1933, %dma_wait3A_2244, %dma_wait3A_2245] : memref<256x256x2048xf32, #tpu.memory_space<hbm>> -> memref<1x32x1024xf32, #tpu.memory_space<hbm>>
    %dma_wait3A_2247 = tpu.memref_squeeze %dma_wait3A_2246 : memref<1x32x1024xf32, #tpu.memory_space<hbm>> -> memref<32x1024xf32, #tpu.memory_space<hbm>>
    %dma_wait3A_2248 = arith.constant 192 : i32
    %dma_wait3A_2249 = arith.constant 1024 : i32
    %dma_wait3A_2250 = tpu.memref_slice %arg3[%add3A_1933, %dma_wait3A_2248, %dma_wait3A_2249] : memref<256x256x2048xf32, #tpu.memory_space<hbm>> -> memref<1x32x1024xf32, #tpu.memory_space<hbm>>
    %dma_wait3A_2251 = tpu.memref_squeeze %dma_wait3A_2250 : memref<1x32x1024xf32, #tpu.memory_space<hbm>> -> memref<32x1024xf32, #tpu.memory_space<hbm>>
    %dma_wait3A_2252 = arith.constant 0 : i32
    %dma_wait3A_2253 = arith.constant 0 : i32
    %dma_wait3A_2254 = tpu.memref_slice %arg4[%dma_wait3A_2239, %dma_wait3A_2252, %dma_wait3A_2253] : memref<3x32x1024xf32, #tpu.memory_space<vmem>> -> memref<1x32x1024xf32, #tpu.memory_space<vmem>>
    %dma_wait3A_2255 = tpu.memref_squeeze %dma_wait3A_2254 : memref<1x32x1024xf32, #tpu.memory_space<vmem>> -> memref<32x1024xf32, #tpu.memory_space<vmem>>
    tpu.wait_dma2 semaphore(%arg6 : memref<!tpu.dma_semaphore, #tpu.memory_space<semaphore_mem>>) src(%dma_wait3A_2255 : memref<32x1024xf32, #tpu.memory_space<vmem>>) dst(%dma_wait3A_2251 : memref<32x1024xf32, #tpu.memory_space<hbm>>)
    %dma_wait3A_2256 = arith.constant 0 : i32
    %dma_wait3A_2257 = arith.constant 0 : i32
    %dma_wait3A_2258 = arith.constant 0 : i32
    %dma_wait3A_2259 = tpu.memref_slice %arg4[%dma_wait3A_2256, %dma_wait3A_2257, %dma_wait3A_2258] : memref<3x32x1024xf32, #tpu.memory_space<vmem>> -> memref<1x32x1024xf32, #tpu.memory_space<vmem>>
    %dma_wait3A_2260 = tpu.memref_squeeze %dma_wait3A_2259 : memref<1x32x1024xf32, #tpu.memory_space<vmem>> -> memref<32x1024xf32, #tpu.memory_space<vmem>>
    %dma_wait3A_2261 = arith.constant 192 : i32
    %dma_wait3A_2262 = arith.constant 1024 : i32
    %dma_wait3A_2263 = tpu.memref_slice %arg3[%add3A_1952, %dma_wait3A_2261, %dma_wait3A_2262] : memref<256x256x2048xf32, #tpu.memory_space<hbm>> -> memref<1x32x1024xf32, #tpu.memory_space<hbm>>
    %dma_wait3A_2264 = tpu.memref_squeeze %dma_wait3A_2263 : memref<1x32x1024xf32, #tpu.memory_space<hbm>> -> memref<32x1024xf32, #tpu.memory_space<hbm>>
    %dma_wait3A_2265 = arith.constant 192 : i32
    %dma_wait3A_2266 = arith.constant 1024 : i32
    %dma_wait3A_2267 = tpu.memref_slice %arg3[%add3A_1952, %dma_wait3A_2265, %dma_wait3A_2266] : memref<256x256x2048xf32, #tpu.memory_space<hbm>> -> memref<1x32x1024xf32, #tpu.memory_space<hbm>>
    %dma_wait3A_2268 = tpu.memref_squeeze %dma_wait3A_2267 : memref<1x32x1024xf32, #tpu.memory_space<hbm>> -> memref<32x1024xf32, #tpu.memory_space<hbm>>
    %dma_wait3A_2269 = arith.constant 0 : i32
    %dma_wait3A_2270 = arith.constant 0 : i32
    %dma_wait3A_2271 = tpu.memref_slice %arg4[%dma_wait3A_2256, %dma_wait3A_2269, %dma_wait3A_2270] : memref<3x32x1024xf32, #tpu.memory_space<vmem>> -> memref<1x32x1024xf32, #tpu.memory_space<vmem>>
    %dma_wait3A_2272 = tpu.memref_squeeze %dma_wait3A_2271 : memref<1x32x1024xf32, #tpu.memory_space<vmem>> -> memref<32x1024xf32, #tpu.memory_space<vmem>>
    tpu.wait_dma2 semaphore(%arg6 : memref<!tpu.dma_semaphore, #tpu.memory_space<semaphore_mem>>) src(%dma_wait3A_2272 : memref<32x1024xf32, #tpu.memory_space<vmem>>) dst(%dma_wait3A_2268 : memref<32x1024xf32, #tpu.memory_space<hbm>>)
    %dma_wait3A_2273 = arith.constant 1 : i32
    %dma_wait3A_2274 = arith.constant 0 : i32
    %dma_wait3A_2275 = arith.constant 0 : i32
    %dma_wait3A_2276 = tpu.memref_slice %arg4[%dma_wait3A_2273, %dma_wait3A_2274, %dma_wait3A_2275] : memref<3x32x1024xf32, #tpu.memory_space<vmem>> -> memref<1x32x1024xf32, #tpu.memory_space<vmem>>
    %dma_wait3A_2277 = tpu.memref_squeeze %dma_wait3A_2276 : memref<1x32x1024xf32, #tpu.memory_space<vmem>> -> memref<32x1024xf32, #tpu.memory_space<vmem>>
    %dma_wait3A_2278 = arith.constant 224 : i32
    %dma_wait3A_2279 = arith.constant 1024 : i32
    %dma_wait3A_2280 = tpu.memref_slice %arg3[%add3A_1986, %dma_wait3A_2278, %dma_wait3A_2279] : memref<256x256x2048xf32, #tpu.memory_space<hbm>> -> memref<1x32x1024xf32, #tpu.memory_space<hbm>>
    %dma_wait3A_2281 = tpu.memref_squeeze %dma_wait3A_2280 : memref<1x32x1024xf32, #tpu.memory_space<hbm>> -> memref<32x1024xf32, #tpu.memory_space<hbm>>
    %dma_wait3A_2282 = arith.constant 224 : i32
    %dma_wait3A_2283 = arith.constant 1024 : i32
    %dma_wait3A_2284 = tpu.memref_slice %arg3[%add3A_1986, %dma_wait3A_2282, %dma_wait3A_2283] : memref<256x256x2048xf32, #tpu.memory_space<hbm>> -> memref<1x32x1024xf32, #tpu.memory_space<hbm>>
    %dma_wait3A_2285 = tpu.memref_squeeze %dma_wait3A_2284 : memref<1x32x1024xf32, #tpu.memory_space<hbm>> -> memref<32x1024xf32, #tpu.memory_space<hbm>>
    %dma_wait3A_2286 = arith.constant 0 : i32
    %dma_wait3A_2287 = arith.constant 0 : i32
    %dma_wait3A_2288 = tpu.memref_slice %arg4[%dma_wait3A_2273, %dma_wait3A_2286, %dma_wait3A_2287] : memref<3x32x1024xf32, #tpu.memory_space<vmem>> -> memref<1x32x1024xf32, #tpu.memory_space<vmem>>
    %dma_wait3A_2289 = tpu.memref_squeeze %dma_wait3A_2288 : memref<1x32x1024xf32, #tpu.memory_space<vmem>> -> memref<32x1024xf32, #tpu.memory_space<vmem>>
    tpu.wait_dma2 semaphore(%arg6 : memref<!tpu.dma_semaphore, #tpu.memory_space<semaphore_mem>>) src(%dma_wait3A_2289 : memref<32x1024xf32, #tpu.memory_space<vmem>>) dst(%dma_wait3A_2285 : memref<32x1024xf32, #tpu.memory_space<hbm>>)
    %dma_wait3A_2290 = arith.constant 1 : i32
    %dma_wait3A_2291 = arith.constant 0 : i32
    %dma_wait3A_2292 = arith.constant 0 : i32
    %dma_wait3A_2293 = tpu.memref_slice %arg4[%dma_wait3A_2290, %dma_wait3A_2291, %dma_wait3A_2292] : memref<3x32x1024xf32, #tpu.memory_space<vmem>> -> memref<1x32x1024xf32, #tpu.memory_space<vmem>>
    %dma_wait3A_2294 = tpu.memref_squeeze %dma_wait3A_2293 : memref<1x32x1024xf32, #tpu.memory_space<vmem>> -> memref<32x1024xf32, #tpu.memory_space<vmem>>
    %dma_wait3A_2295 = arith.constant 224 : i32
    %dma_wait3A_2296 = arith.constant 1024 : i32
    %dma_wait3A_2297 = tpu.memref_slice %arg3[%add3A_2005, %dma_wait3A_2295, %dma_wait3A_2296] : memref<256x256x2048xf32, #tpu.memory_space<hbm>> -> memref<1x32x1024xf32, #tpu.memory_space<hbm>>
    %dma_wait3A_2298 = tpu.memref_squeeze %dma_wait3A_2297 : memref<1x32x1024xf32, #tpu.memory_space<hbm>> -> memref<32x1024xf32, #tpu.memory_space<hbm>>
    %dma_wait3A_2299 = arith.constant 224 : i32
    %dma_wait3A_2300 = arith.constant 1024 : i32
    %dma_wait3A_2301 = tpu.memref_slice %arg3[%add3A_2005, %dma_wait3A_2299, %dma_wait3A_2300] : memref<256x256x2048xf32, #tpu.memory_space<hbm>> -> memref<1x32x1024xf32, #tpu.memory_space<hbm>>
    %dma_wait3A_2302 = tpu.memref_squeeze %dma_wait3A_2301 : memref<1x32x1024xf32, #tpu.memory_space<hbm>> -> memref<32x1024xf32, #tpu.memory_space<hbm>>
    %dma_wait3A_2303 = arith.constant 0 : i32
    %dma_wait3A_2304 = arith.constant 0 : i32
    %dma_wait3A_2305 = tpu.memref_slice %arg4[%dma_wait3A_2290, %dma_wait3A_2303, %dma_wait3A_2304] : memref<3x32x1024xf32, #tpu.memory_space<vmem>> -> memref<1x32x1024xf32, #tpu.memory_space<vmem>>
    %dma_wait3A_2306 = tpu.memref_squeeze %dma_wait3A_2305 : memref<1x32x1024xf32, #tpu.memory_space<vmem>> -> memref<32x1024xf32, #tpu.memory_space<vmem>>
    tpu.wait_dma2 semaphore(%arg6 : memref<!tpu.dma_semaphore, #tpu.memory_space<semaphore_mem>>) src(%dma_wait3A_2306 : memref<32x1024xf32, #tpu.memory_space<vmem>>) dst(%dma_wait3A_2302 : memref<32x1024xf32, #tpu.memory_space<hbm>>)
    %dma_wait3A_2307 = arith.constant 1 : i32
    %dma_wait3A_2308 = arith.constant 0 : i32
    %dma_wait3A_2309 = arith.constant 0 : i32
    %dma_wait3A_2310 = tpu.memref_slice %arg4[%dma_wait3A_2307, %dma_wait3A_2308, %dma_wait3A_2309] : memref<3x32x1024xf32, #tpu.memory_space<vmem>> -> memref<1x32x1024xf32, #tpu.memory_space<vmem>>
    %dma_wait3A_2311 = tpu.memref_squeeze %dma_wait3A_2310 : memref<1x32x1024xf32, #tpu.memory_space<vmem>> -> memref<32x1024xf32, #tpu.memory_space<vmem>>
    %dma_wait3A_2312 = arith.constant 224 : i32
    %dma_wait3A_2313 = arith.constant 1024 : i32
    %dma_wait3A_2314 = tpu.memref_slice %arg3[%add3A_2024, %dma_wait3A_2312, %dma_wait3A_2313] : memref<256x256x2048xf32, #tpu.memory_space<hbm>> -> memref<1x32x1024xf32, #tpu.memory_space<hbm>>
    %dma_wait3A_2315 = tpu.memref_squeeze %dma_wait3A_2314 : memref<1x32x1024xf32, #tpu.memory_space<hbm>> -> memref<32x1024xf32, #tpu.memory_space<hbm>>
    %dma_wait3A_2316 = arith.constant 224 : i32
    %dma_wait3A_2317 = arith.constant 1024 : i32
    %dma_wait3A_2318 = tpu.memref_slice %arg3[%add3A_2024, %dma_wait3A_2316, %dma_wait3A_2317] : memref<256x256x2048xf32, #tpu.memory_space<hbm>> -> memref<1x32x1024xf32, #tpu.memory_space<hbm>>
    %dma_wait3A_2319 = tpu.memref_squeeze %dma_wait3A_2318 : memref<1x32x1024xf32, #tpu.memory_space<hbm>> -> memref<32x1024xf32, #tpu.memory_space<hbm>>
    %dma_wait3A_2320 = arith.constant 0 : i32
    %dma_wait3A_2321 = arith.constant 0 : i32
    %dma_wait3A_2322 = tpu.memref_slice %arg4[%dma_wait3A_2307, %dma_wait3A_2320, %dma_wait3A_2321] : memref<3x32x1024xf32, #tpu.memory_space<vmem>> -> memref<1x32x1024xf32, #tpu.memory_space<vmem>>
    %dma_wait3A_2323 = tpu.memref_squeeze %dma_wait3A_2322 : memref<1x32x1024xf32, #tpu.memory_space<vmem>> -> memref<32x1024xf32, #tpu.memory_space<vmem>>
    tpu.wait_dma2 semaphore(%arg6 : memref<!tpu.dma_semaphore, #tpu.memory_space<semaphore_mem>>) src(%dma_wait3A_2323 : memref<32x1024xf32, #tpu.memory_space<vmem>>) dst(%dma_wait3A_2319 : memref<32x1024xf32, #tpu.memory_space<hbm>>)
    %dma_wait3A_2324 = arith.constant 1 : i32
    %dma_wait3A_2325 = arith.constant 0 : i32
    %dma_wait3A_2326 = arith.constant 0 : i32
    %dma_wait3A_2327 = tpu.memref_slice %arg4[%dma_wait3A_2324, %dma_wait3A_2325, %dma_wait3A_2326] : memref<3x32x1024xf32, #tpu.memory_space<vmem>> -> memref<1x32x1024xf32, #tpu.memory_space<vmem>>
    %dma_wait3A_2328 = tpu.memref_squeeze %dma_wait3A_2327 : memref<1x32x1024xf32, #tpu.memory_space<vmem>> -> memref<32x1024xf32, #tpu.memory_space<vmem>>
    %dma_wait3A_2329 = arith.constant 224 : i32
    %dma_wait3A_2330 = arith.constant 1024 : i32
    %dma_wait3A_2331 = tpu.memref_slice %arg3[%add3A_2043, %dma_wait3A_2329, %dma_wait3A_2330] : memref<256x256x2048xf32, #tpu.memory_space<hbm>> -> memref<1x32x1024xf32, #tpu.memory_space<hbm>>
    %dma_wait3A_2332 = tpu.memref_squeeze %dma_wait3A_2331 : memref<1x32x1024xf32, #tpu.memory_space<hbm>> -> memref<32x1024xf32, #tpu.memory_space<hbm>>
    %dma_wait3A_2333 = arith.constant 224 : i32
    %dma_wait3A_2334 = arith.constant 1024 : i32
    %dma_wait3A_2335 = tpu.memref_slice %arg3[%add3A_2043, %dma_wait3A_2333, %dma_wait3A_2334] : memref<256x256x2048xf32, #tpu.memory_space<hbm>> -> memref<1x32x1024xf32, #tpu.memory_space<hbm>>
    %dma_wait3A_2336 = tpu.memref_squeeze %dma_wait3A_2335 : memref<1x32x1024xf32, #tpu.memory_space<hbm>> -> memref<32x1024xf32, #tpu.memory_space<hbm>>
    %dma_wait3A_2337 = arith.constant 0 : i32
    %dma_wait3A_2338 = arith.constant 0 : i32
    %dma_wait3A_2339 = tpu.memref_slice %arg4[%dma_wait3A_2324, %dma_wait3A_2337, %dma_wait3A_2338] : memref<3x32x1024xf32, #tpu.memory_space<vmem>> -> memref<1x32x1024xf32, #tpu.memory_space<vmem>>
    %dma_wait3A_2340 = tpu.memref_squeeze %dma_wait3A_2339 : memref<1x32x1024xf32, #tpu.memory_space<vmem>> -> memref<32x1024xf32, #tpu.memory_space<vmem>>
    tpu.wait_dma2 semaphore(%arg6 : memref<!tpu.dma_semaphore, #tpu.memory_space<semaphore_mem>>) src(%dma_wait3A_2340 : memref<32x1024xf32, #tpu.memory_space<vmem>>) dst(%dma_wait3A_2336 : memref<32x1024xf32, #tpu.memory_space<hbm>>)
    %dma_wait3A_2341 = arith.constant 1 : i32
    %dma_wait3A_2342 = arith.constant 0 : i32
    %dma_wait3A_2343 = arith.constant 0 : i32
    %dma_wait3A_2344 = tpu.memref_slice %arg4[%dma_wait3A_2341, %dma_wait3A_2342, %dma_wait3A_2343] : memref<3x32x1024xf32, #tpu.memory_space<vmem>> -> memref<1x32x1024xf32, #tpu.memory_space<vmem>>
    %dma_wait3A_2345 = tpu.memref_squeeze %dma_wait3A_2344 : memref<1x32x1024xf32, #tpu.memory_space<vmem>> -> memref<32x1024xf32, #tpu.memory_space<vmem>>
    %dma_wait3A_2346 = arith.constant 224 : i32
    %dma_wait3A_2347 = arith.constant 1024 : i32
    %dma_wait3A_2348 = tpu.memref_slice %arg3[%add3A_2062, %dma_wait3A_2346, %dma_wait3A_2347] : memref<256x256x2048xf32, #tpu.memory_space<hbm>> -> memref<1x32x1024xf32, #tpu.memory_space<hbm>>
    %dma_wait3A_2349 = tpu.memref_squeeze %dma_wait3A_2348 : memref<1x32x1024xf32, #tpu.memory_space<hbm>> -> memref<32x1024xf32, #tpu.memory_space<hbm>>
    %dma_wait3A_2350 = arith.constant 224 : i32
    %dma_wait3A_2351 = arith.constant 1024 : i32
    %dma_wait3A_2352 = tpu.memref_slice %arg3[%add3A_2062, %dma_wait3A_2350, %dma_wait3A_2351] : memref<256x256x2048xf32, #tpu.memory_space<hbm>> -> memref<1x32x1024xf32, #tpu.memory_space<hbm>>
    %dma_wait3A_2353 = tpu.memref_squeeze %dma_wait3A_2352 : memref<1x32x1024xf32, #tpu.memory_space<hbm>> -> memref<32x1024xf32, #tpu.memory_space<hbm>>
    %dma_wait3A_2354 = arith.constant 0 : i32
    %dma_wait3A_2355 = arith.constant 0 : i32
    %dma_wait3A_2356 = tpu.memref_slice %arg4[%dma_wait3A_2341, %dma_wait3A_2354, %dma_wait3A_2355] : memref<3x32x1024xf32, #tpu.memory_space<vmem>> -> memref<1x32x1024xf32, #tpu.memory_space<vmem>>
    %dma_wait3A_2357 = tpu.memref_squeeze %dma_wait3A_2356 : memref<1x32x1024xf32, #tpu.memory_space<vmem>> -> memref<32x1024xf32, #tpu.memory_space<vmem>>
    tpu.wait_dma2 semaphore(%arg6 : memref<!tpu.dma_semaphore, #tpu.memory_space<semaphore_mem>>) src(%dma_wait3A_2357 : memref<32x1024xf32, #tpu.memory_space<vmem>>) dst(%dma_wait3A_2353 : memref<32x1024xf32, #tpu.memory_space<hbm>>)
    %dma_wait3A_2358 = arith.constant 1 : i32
    %dma_wait3A_2359 = arith.constant 0 : i32
    %dma_wait3A_2360 = arith.constant 0 : i32
    %dma_wait3A_2361 = tpu.memref_slice %arg4[%dma_wait3A_2358, %dma_wait3A_2359, %dma_wait3A_2360] : memref<3x32x1024xf32, #tpu.memory_space<vmem>> -> memref<1x32x1024xf32, #tpu.memory_space<vmem>>
    %dma_wait3A_2362 = tpu.memref_squeeze %dma_wait3A_2361 : memref<1x32x1024xf32, #tpu.memory_space<vmem>> -> memref<32x1024xf32, #tpu.memory_space<vmem>>
    %dma_wait3A_2363 = arith.constant 224 : i32
    %dma_wait3A_2364 = arith.constant 1024 : i32
    %dma_wait3A_2365 = tpu.memref_slice %arg3[%add3A_2081, %dma_wait3A_2363, %dma_wait3A_2364] : memref<256x256x2048xf32, #tpu.memory_space<hbm>> -> memref<1x32x1024xf32, #tpu.memory_space<hbm>>
    %dma_wait3A_2366 = tpu.memref_squeeze %dma_wait3A_2365 : memref<1x32x1024xf32, #tpu.memory_space<hbm>> -> memref<32x1024xf32, #tpu.memory_space<hbm>>
    %dma_wait3A_2367 = arith.constant 224 : i32
    %dma_wait3A_2368 = arith.constant 1024 : i32
    %dma_wait3A_2369 = tpu.memref_slice %arg3[%add3A_2081, %dma_wait3A_2367, %dma_wait3A_2368] : memref<256x256x2048xf32, #tpu.memory_space<hbm>> -> memref<1x32x1024xf32, #tpu.memory_space<hbm>>
    %dma_wait3A_2370 = tpu.memref_squeeze %dma_wait3A_2369 : memref<1x32x1024xf32, #tpu.memory_space<hbm>> -> memref<32x1024xf32, #tpu.memory_space<hbm>>
    %dma_wait3A_2371 = arith.constant 0 : i32
    %dma_wait3A_2372 = arith.constant 0 : i32
    %dma_wait3A_2373 = tpu.memref_slice %arg4[%dma_wait3A_2358, %dma_wait3A_2371, %dma_wait3A_2372] : memref<3x32x1024xf32, #tpu.memory_space<vmem>> -> memref<1x32x1024xf32, #tpu.memory_space<vmem>>
    %dma_wait3A_2374 = tpu.memref_squeeze %dma_wait3A_2373 : memref<1x32x1024xf32, #tpu.memory_space<vmem>> -> memref<32x1024xf32, #tpu.memory_space<vmem>>
    tpu.wait_dma2 semaphore(%arg6 : memref<!tpu.dma_semaphore, #tpu.memory_space<semaphore_mem>>) src(%dma_wait3A_2374 : memref<32x1024xf32, #tpu.memory_space<vmem>>) dst(%dma_wait3A_2370 : memref<32x1024xf32, #tpu.memory_space<hbm>>)
    %dma_wait3A_2375 = arith.constant 1 : i32
    %dma_wait3A_2376 = arith.constant 0 : i32
    %dma_wait3A_2377 = arith.constant 0 : i32
    %dma_wait3A_2378 = tpu.memref_slice %arg4[%dma_wait3A_2375, %dma_wait3A_2376, %dma_wait3A_2377] : memref<3x32x1024xf32, #tpu.memory_space<vmem>> -> memref<1x32x1024xf32, #tpu.memory_space<vmem>>
    %dma_wait3A_2379 = tpu.memref_squeeze %dma_wait3A_2378 : memref<1x32x1024xf32, #tpu.memory_space<vmem>> -> memref<32x1024xf32, #tpu.memory_space<vmem>>
    %dma_wait3A_2380 = arith.constant 224 : i32
    %dma_wait3A_2381 = arith.constant 1024 : i32
    %dma_wait3A_2382 = tpu.memref_slice %arg3[%add3A_2100, %dma_wait3A_2380, %dma_wait3A_2381] : memref<256x256x2048xf32, #tpu.memory_space<hbm>> -> memref<1x32x1024xf32, #tpu.memory_space<hbm>>
    %dma_wait3A_2383 = tpu.memref_squeeze %dma_wait3A_2382 : memref<1x32x1024xf32, #tpu.memory_space<hbm>> -> memref<32x1024xf32, #tpu.memory_space<hbm>>
    %dma_wait3A_2384 = arith.constant 224 : i32
    %dma_wait3A_2385 = arith.constant 1024 : i32
    %dma_wait3A_2386 = tpu.memref_slice %arg3[%add3A_2100, %dma_wait3A_2384, %dma_wait3A_2385] : memref<256x256x2048xf32, #tpu.memory_space<hbm>> -> memref<1x32x1024xf32, #tpu.memory_space<hbm>>
    %dma_wait3A_2387 = tpu.memref_squeeze %dma_wait3A_2386 : memref<1x32x1024xf32, #tpu.memory_space<hbm>> -> memref<32x1024xf32, #tpu.memory_space<hbm>>
    %dma_wait3A_2388 = arith.constant 0 : i32
    %dma_wait3A_2389 = arith.constant 0 : i32
    %dma_wait3A_2390 = tpu.memref_slice %arg4[%dma_wait3A_2375, %dma_wait3A_2388, %dma_wait3A_2389] : memref<3x32x1024xf32, #tpu.memory_space<vmem>> -> memref<1x32x1024xf32, #tpu.memory_space<vmem>>
    %dma_wait3A_2391 = tpu.memref_squeeze %dma_wait3A_2390 : memref<1x32x1024xf32, #tpu.memory_space<vmem>> -> memref<32x1024xf32, #tpu.memory_space<vmem>>
    tpu.wait_dma2 semaphore(%arg6 : memref<!tpu.dma_semaphore, #tpu.memory_space<semaphore_mem>>) src(%dma_wait3A_2391 : memref<32x1024xf32, #tpu.memory_space<vmem>>) dst(%dma_wait3A_2387 : memref<32x1024xf32, #tpu.memory_space<hbm>>)
    %dma_wait3A_2392 = arith.constant 1 : i32
    %dma_wait3A_2393 = arith.constant 0 : i32
    %dma_wait3A_2394 = arith.constant 0 : i32
    %dma_wait3A_2395 = tpu.memref_slice %arg4[%dma_wait3A_2392, %dma_wait3A_2393, %dma_wait3A_2394] : memref<3x32x1024xf32, #tpu.memory_space<vmem>> -> memref<1x32x1024xf32, #tpu.memory_space<vmem>>
    %dma_wait3A_2396 = tpu.memref_squeeze %dma_wait3A_2395 : memref<1x32x1024xf32, #tpu.memory_space<vmem>> -> memref<32x1024xf32, #tpu.memory_space<vmem>>
    %dma_wait3A_2397 = arith.constant 224 : i32
    %dma_wait3A_2398 = arith.constant 1024 : i32
    %dma_wait3A_2399 = tpu.memref_slice %arg3[%add3A_2119, %dma_wait3A_2397, %dma_wait3A_2398] : memref<256x256x2048xf32, #tpu.memory_space<hbm>> -> memref<1x32x1024xf32, #tpu.memory_space<hbm>>
    %dma_wait3A_2400 = tpu.memref_squeeze %dma_wait3A_2399 : memref<1x32x1024xf32, #tpu.memory_space<hbm>> -> memref<32x1024xf32, #tpu.memory_space<hbm>>
    %dma_wait3A_2401 = arith.constant 224 : i32
    %dma_wait3A_2402 = arith.constant 1024 : i32
    %dma_wait3A_2403 = tpu.memref_slice %arg3[%add3A_2119, %dma_wait3A_2401, %dma_wait3A_2402] : memref<256x256x2048xf32, #tpu.memory_space<hbm>> -> memref<1x32x1024xf32, #tpu.memory_space<hbm>>
    %dma_wait3A_2404 = tpu.memref_squeeze %dma_wait3A_2403 : memref<1x32x1024xf32, #tpu.memory_space<hbm>> -> memref<32x1024xf32, #tpu.memory_space<hbm>>
    %dma_wait3A_2405 = arith.constant 0 : i32
    %dma_wait3A_2406 = arith.constant 0 : i32
    %dma_wait3A_2407 = tpu.memref_slice %arg4[%dma_wait3A_2392, %dma_wait3A_2405, %dma_wait3A_2406] : memref<3x32x1024xf32, #tpu.memory_space<vmem>> -> memref<1x32x1024xf32, #tpu.memory_space<vmem>>
    %dma_wait3A_2408 = tpu.memref_squeeze %dma_wait3A_2407 : memref<1x32x1024xf32, #tpu.memory_space<vmem>> -> memref<32x1024xf32, #tpu.memory_space<vmem>>
    tpu.wait_dma2 semaphore(%arg6 : memref<!tpu.dma_semaphore, #tpu.memory_space<semaphore_mem>>) src(%dma_wait3A_2408 : memref<32x1024xf32, #tpu.memory_space<vmem>>) dst(%dma_wait3A_2404 : memref<32x1024xf32, #tpu.memory_space<hbm>>)
    %dma_wait3A_2409 = arith.constant 2 : i32
    %dma_wait3A_2410 = arith.constant 0 : i32
    %dma_wait3A_2411 = arith.constant 0 : i32
    %dma_wait3A_2412 = tpu.memref_slice %arg4[%dma_wait3A_2409, %dma_wait3A_2410, %dma_wait3A_2411] : memref<3x32x1024xf32, #tpu.memory_space<vmem>> -> memref<1x32x1024xf32, #tpu.memory_space<vmem>>
    %dma_wait3A_2413 = tpu.memref_squeeze %dma_wait3A_2412 : memref<1x32x1024xf32, #tpu.memory_space<vmem>> -> memref<32x1024xf32, #tpu.memory_space<vmem>>
    %dma_wait3A_2414 = arith.constant 160 : i32
    %dma_wait3A_2415 = arith.constant 1024 : i32
    %dma_wait3A_2416 = tpu.memref_slice %arg3[%add3A_1501, %dma_wait3A_2414, %dma_wait3A_2415] : memref<256x256x2048xf32, #tpu.memory_space<hbm>> -> memref<1x32x1024xf32, #tpu.memory_space<hbm>>
    %dma_wait3A_2417 = tpu.memref_squeeze %dma_wait3A_2416 : memref<1x32x1024xf32, #tpu.memory_space<hbm>> -> memref<32x1024xf32, #tpu.memory_space<hbm>>
    %dma_wait3A_2418 = arith.constant 160 : i32
    %dma_wait3A_2419 = arith.constant 1024 : i32
    %dma_wait3A_2420 = tpu.memref_slice %arg3[%add3A_1501, %dma_wait3A_2418, %dma_wait3A_2419] : memref<256x256x2048xf32, #tpu.memory_space<hbm>> -> memref<1x32x1024xf32, #tpu.memory_space<hbm>>
    %dma_wait3A_2421 = tpu.memref_squeeze %dma_wait3A_2420 : memref<1x32x1024xf32, #tpu.memory_space<hbm>> -> memref<32x1024xf32, #tpu.memory_space<hbm>>
    %dma_wait3A_2422 = arith.constant 0 : i32
    %dma_wait3A_2423 = arith.constant 0 : i32
    %dma_wait3A_2424 = tpu.memref_slice %arg4[%dma_wait3A_2409, %dma_wait3A_2422, %dma_wait3A_2423] : memref<3x32x1024xf32, #tpu.memory_space<vmem>> -> memref<1x32x1024xf32, #tpu.memory_space<vmem>>
    %dma_wait3A_2425 = tpu.memref_squeeze %dma_wait3A_2424 : memref<1x32x1024xf32, #tpu.memory_space<vmem>> -> memref<32x1024xf32, #tpu.memory_space<vmem>>
    tpu.wait_dma2 semaphore(%arg6 : memref<!tpu.dma_semaphore, #tpu.memory_space<semaphore_mem>>) src(%dma_wait3A_2425 : memref<32x1024xf32, #tpu.memory_space<vmem>>) dst(%dma_wait3A_2421 : memref<32x1024xf32, #tpu.memory_space<hbm>>)
    %dma_wait3A_2426 = arith.constant 2 : i32
    %dma_wait3A_2427 = arith.constant 0 : i32
    %dma_wait3A_2428 = arith.constant 0 : i32
    %dma_wait3A_2429 = tpu.memref_slice %arg4[%dma_wait3A_2426, %dma_wait3A_2427, %dma_wait3A_2428] : memref<3x32x1024xf32, #tpu.memory_space<vmem>> -> memref<1x32x1024xf32, #tpu.memory_space<vmem>>
    %dma_wait3A_2430 = tpu.memref_squeeze %dma_wait3A_2429 : memref<1x32x1024xf32, #tpu.memory_space<vmem>> -> memref<32x1024xf32, #tpu.memory_space<vmem>>
    %dma_wait3A_2431 = arith.constant 160 : i32
    %dma_wait3A_2432 = arith.constant 1024 : i32
    %dma_wait3A_2433 = tpu.memref_slice %arg3[%add3A_1520, %dma_wait3A_2431, %dma_wait3A_2432] : memref<256x256x2048xf32, #tpu.memory_space<hbm>> -> memref<1x32x1024xf32, #tpu.memory_space<hbm>>
    %dma_wait3A_2434 = tpu.memref_squeeze %dma_wait3A_2433 : memref<1x32x1024xf32, #tpu.memory_space<hbm>> -> memref<32x1024xf32, #tpu.memory_space<hbm>>
    %dma_wait3A_2435 = arith.constant 160 : i32
    %dma_wait3A_2436 = arith.constant 1024 : i32
    %dma_wait3A_2437 = tpu.memref_slice %arg3[%add3A_1520, %dma_wait3A_2435, %dma_wait3A_2436] : memref<256x256x2048xf32, #tpu.memory_space<hbm>> -> memref<1x32x1024xf32, #tpu.memory_space<hbm>>
    %dma_wait3A_2438 = tpu.memref_squeeze %dma_wait3A_2437 : memref<1x32x1024xf32, #tpu.memory_space<hbm>> -> memref<32x1024xf32, #tpu.memory_space<hbm>>
    %dma_wait3A_2439 = arith.constant 0 : i32
    %dma_wait3A_2440 = arith.constant 0 : i32
    %dma_wait3A_2441 = tpu.memref_slice %arg4[%dma_wait3A_2426, %dma_wait3A_2439, %dma_wait3A_2440] : memref<3x32x1024xf32, #tpu.memory_space<vmem>> -> memref<1x32x1024xf32, #tpu.memory_space<vmem>>
    %dma_wait3A_2442 = tpu.memref_squeeze %dma_wait3A_2441 : memref<1x32x1024xf32, #tpu.memory_space<vmem>> -> memref<32x1024xf32, #tpu.memory_space<vmem>>
    tpu.wait_dma2 semaphore(%arg6 : memref<!tpu.dma_semaphore, #tpu.memory_space<semaphore_mem>>) src(%dma_wait3A_2442 : memref<32x1024xf32, #tpu.memory_space<vmem>>) dst(%dma_wait3A_2438 : memref<32x1024xf32, #tpu.memory_space<hbm>>)
    %dma_wait3A_2443 = arith.constant 2 : i32
    %dma_wait3A_2444 = arith.constant 0 : i32
    %dma_wait3A_2445 = arith.constant 0 : i32
    %dma_wait3A_2446 = tpu.memref_slice %arg4[%dma_wait3A_2443, %dma_wait3A_2444, %dma_wait3A_2445] : memref<3x32x1024xf32, #tpu.memory_space<vmem>> -> memref<1x32x1024xf32, #tpu.memory_space<vmem>>
    %dma_wait3A_2447 = tpu.memref_squeeze %dma_wait3A_2446 : memref<1x32x1024xf32, #tpu.memory_space<vmem>> -> memref<32x1024xf32, #tpu.memory_space<vmem>>
    %dma_wait3A_2448 = arith.constant 160 : i32
    %dma_wait3A_2449 = arith.constant 1024 : i32
    %dma_wait3A_2450 = tpu.memref_slice %arg3[%add3A_1539, %dma_wait3A_2448, %dma_wait3A_2449] : memref<256x256x2048xf32, #tpu.memory_space<hbm>> -> memref<1x32x1024xf32, #tpu.memory_space<hbm>>
    %dma_wait3A_2451 = tpu.memref_squeeze %dma_wait3A_2450 : memref<1x32x1024xf32, #tpu.memory_space<hbm>> -> memref<32x1024xf32, #tpu.memory_space<hbm>>
    %dma_wait3A_2452 = arith.constant 160 : i32
    %dma_wait3A_2453 = arith.constant 1024 : i32
    %dma_wait3A_2454 = tpu.memref_slice %arg3[%add3A_1539, %dma_wait3A_2452, %dma_wait3A_2453] : memref<256x256x2048xf32, #tpu.memory_space<hbm>> -> memref<1x32x1024xf32, #tpu.memory_space<hbm>>
    %dma_wait3A_2455 = tpu.memref_squeeze %dma_wait3A_2454 : memref<1x32x1024xf32, #tpu.memory_space<hbm>> -> memref<32x1024xf32, #tpu.memory_space<hbm>>
    %dma_wait3A_2456 = arith.constant 0 : i32
    %dma_wait3A_2457 = arith.constant 0 : i32
    %dma_wait3A_2458 = tpu.memref_slice %arg4[%dma_wait3A_2443, %dma_wait3A_2456, %dma_wait3A_2457] : memref<3x32x1024xf32, #tpu.memory_space<vmem>> -> memref<1x32x1024xf32, #tpu.memory_space<vmem>>
    %dma_wait3A_2459 = tpu.memref_squeeze %dma_wait3A_2458 : memref<1x32x1024xf32, #tpu.memory_space<vmem>> -> memref<32x1024xf32, #tpu.memory_space<vmem>>
    tpu.wait_dma2 semaphore(%arg6 : memref<!tpu.dma_semaphore, #tpu.memory_space<semaphore_mem>>) src(%dma_wait3A_2459 : memref<32x1024xf32, #tpu.memory_space<vmem>>) dst(%dma_wait3A_2455 : memref<32x1024xf32, #tpu.memory_space<hbm>>)
    %dma_wait3A_2460 = arith.constant 2 : i32
    %dma_wait3A_2461 = arith.constant 0 : i32
    %dma_wait3A_2462 = arith.constant 0 : i32
    %dma_wait3A_2463 = tpu.memref_slice %arg4[%dma_wait3A_2460, %dma_wait3A_2461, %dma_wait3A_2462] : memref<3x32x1024xf32, #tpu.memory_space<vmem>> -> memref<1x32x1024xf32, #tpu.memory_space<vmem>>
    %dma_wait3A_2464 = tpu.memref_squeeze %dma_wait3A_2463 : memref<1x32x1024xf32, #tpu.memory_space<vmem>> -> memref<32x1024xf32, #tpu.memory_space<vmem>>
    %dma_wait3A_2465 = arith.constant 160 : i32
    %dma_wait3A_2466 = arith.constant 1024 : i32
    %dma_wait3A_2467 = tpu.memref_slice %arg3[%add3A_1558, %dma_wait3A_2465, %dma_wait3A_2466] : memref<256x256x2048xf32, #tpu.memory_space<hbm>> -> memref<1x32x1024xf32, #tpu.memory_space<hbm>>
    %dma_wait3A_2468 = tpu.memref_squeeze %dma_wait3A_2467 : memref<1x32x1024xf32, #tpu.memory_space<hbm>> -> memref<32x1024xf32, #tpu.memory_space<hbm>>
    %dma_wait3A_2469 = arith.constant 160 : i32
    %dma_wait3A_2470 = arith.constant 1024 : i32
    %dma_wait3A_2471 = tpu.memref_slice %arg3[%add3A_1558, %dma_wait3A_2469, %dma_wait3A_2470] : memref<256x256x2048xf32, #tpu.memory_space<hbm>> -> memref<1x32x1024xf32, #tpu.memory_space<hbm>>
    %dma_wait3A_2472 = tpu.memref_squeeze %dma_wait3A_2471 : memref<1x32x1024xf32, #tpu.memory_space<hbm>> -> memref<32x1024xf32, #tpu.memory_space<hbm>>
    %dma_wait3A_2473 = arith.constant 0 : i32
    %dma_wait3A_2474 = arith.constant 0 : i32
    %dma_wait3A_2475 = tpu.memref_slice %arg4[%dma_wait3A_2460, %dma_wait3A_2473, %dma_wait3A_2474] : memref<3x32x1024xf32, #tpu.memory_space<vmem>> -> memref<1x32x1024xf32, #tpu.memory_space<vmem>>
    %dma_wait3A_2476 = tpu.memref_squeeze %dma_wait3A_2475 : memref<1x32x1024xf32, #tpu.memory_space<vmem>> -> memref<32x1024xf32, #tpu.memory_space<vmem>>
    tpu.wait_dma2 semaphore(%arg6 : memref<!tpu.dma_semaphore, #tpu.memory_space<semaphore_mem>>) src(%dma_wait3A_2476 : memref<32x1024xf32, #tpu.memory_space<vmem>>) dst(%dma_wait3A_2472 : memref<32x1024xf32, #tpu.memory_space<hbm>>)
    %dma_wait3A_2477 = arith.constant 2 : i32
    %dma_wait3A_2478 = arith.constant 0 : i32
    %dma_wait3A_2479 = arith.constant 0 : i32
    %dma_wait3A_2480 = tpu.memref_slice %arg4[%dma_wait3A_2477, %dma_wait3A_2478, %dma_wait3A_2479] : memref<3x32x1024xf32, #tpu.memory_space<vmem>> -> memref<1x32x1024xf32, #tpu.memory_space<vmem>>
    %dma_wait3A_2481 = tpu.memref_squeeze %dma_wait3A_2480 : memref<1x32x1024xf32, #tpu.memory_space<vmem>> -> memref<32x1024xf32, #tpu.memory_space<vmem>>
    %dma_wait3A_2482 = arith.constant 160 : i32
    %dma_wait3A_2483 = arith.constant 1024 : i32
    %dma_wait3A_2484 = tpu.memref_slice %arg3[%add3A_1577, %dma_wait3A_2482, %dma_wait3A_2483] : memref<256x256x2048xf32, #tpu.memory_space<hbm>> -> memref<1x32x1024xf32, #tpu.memory_space<hbm>>
    %dma_wait3A_2485 = tpu.memref_squeeze %dma_wait3A_2484 : memref<1x32x1024xf32, #tpu.memory_space<hbm>> -> memref<32x1024xf32, #tpu.memory_space<hbm>>
    %dma_wait3A_2486 = arith.constant 160 : i32
    %dma_wait3A_2487 = arith.constant 1024 : i32
    %dma_wait3A_2488 = tpu.memref_slice %arg3[%add3A_1577, %dma_wait3A_2486, %dma_wait3A_2487] : memref<256x256x2048xf32, #tpu.memory_space<hbm>> -> memref<1x32x1024xf32, #tpu.memory_space<hbm>>
    %dma_wait3A_2489 = tpu.memref_squeeze %dma_wait3A_2488 : memref<1x32x1024xf32, #tpu.memory_space<hbm>> -> memref<32x1024xf32, #tpu.memory_space<hbm>>
    %dma_wait3A_2490 = arith.constant 0 : i32
    %dma_wait3A_2491 = arith.constant 0 : i32
    %dma_wait3A_2492 = tpu.memref_slice %arg4[%dma_wait3A_2477, %dma_wait3A_2490, %dma_wait3A_2491] : memref<3x32x1024xf32, #tpu.memory_space<vmem>> -> memref<1x32x1024xf32, #tpu.memory_space<vmem>>
    %dma_wait3A_2493 = tpu.memref_squeeze %dma_wait3A_2492 : memref<1x32x1024xf32, #tpu.memory_space<vmem>> -> memref<32x1024xf32, #tpu.memory_space<vmem>>
    tpu.wait_dma2 semaphore(%arg6 : memref<!tpu.dma_semaphore, #tpu.memory_space<semaphore_mem>>) src(%dma_wait3A_2493 : memref<32x1024xf32, #tpu.memory_space<vmem>>) dst(%dma_wait3A_2489 : memref<32x1024xf32, #tpu.memory_space<hbm>>)
    %dma_wait3A_2494 = arith.constant 2 : i32
    %dma_wait3A_2495 = arith.constant 0 : i32
    %dma_wait3A_2496 = arith.constant 0 : i32
    %dma_wait3A_2497 = tpu.memref_slice %arg4[%dma_wait3A_2494, %dma_wait3A_2495, %dma_wait3A_2496] : memref<3x32x1024xf32, #tpu.memory_space<vmem>> -> memref<1x32x1024xf32, #tpu.memory_space<vmem>>
    %dma_wait3A_2498 = tpu.memref_squeeze %dma_wait3A_2497 : memref<1x32x1024xf32, #tpu.memory_space<vmem>> -> memref<32x1024xf32, #tpu.memory_space<vmem>>
    %dma_wait3A_2499 = arith.constant 160 : i32
    %dma_wait3A_2500 = arith.constant 1024 : i32
    %dma_wait3A_2501 = tpu.memref_slice %arg3[%add3A_1596, %dma_wait3A_2499, %dma_wait3A_2500] : memref<256x256x2048xf32, #tpu.memory_space<hbm>> -> memref<1x32x1024xf32, #tpu.memory_space<hbm>>
    %dma_wait3A_2502 = tpu.memref_squeeze %dma_wait3A_2501 : memref<1x32x1024xf32, #tpu.memory_space<hbm>> -> memref<32x1024xf32, #tpu.memory_space<hbm>>
    %dma_wait3A_2503 = arith.constant 160 : i32
    %dma_wait3A_2504 = arith.constant 1024 : i32
    %dma_wait3A_2505 = tpu.memref_slice %arg3[%add3A_1596, %dma_wait3A_2503, %dma_wait3A_2504] : memref<256x256x2048xf32, #tpu.memory_space<hbm>> -> memref<1x32x1024xf32, #tpu.memory_space<hbm>>
    %dma_wait3A_2506 = tpu.memref_squeeze %dma_wait3A_2505 : memref<1x32x1024xf32, #tpu.memory_space<hbm>> -> memref<32x1024xf32, #tpu.memory_space<hbm>>
    %dma_wait3A_2507 = arith.constant 0 : i32
    %dma_wait3A_2508 = arith.constant 0 : i32
    %dma_wait3A_2509 = tpu.memref_slice %arg4[%dma_wait3A_2494, %dma_wait3A_2507, %dma_wait3A_2508] : memref<3x32x1024xf32, #tpu.memory_space<vmem>> -> memref<1x32x1024xf32, #tpu.memory_space<vmem>>
    %dma_wait3A_2510 = tpu.memref_squeeze %dma_wait3A_2509 : memref<1x32x1024xf32, #tpu.memory_space<vmem>> -> memref<32x1024xf32, #tpu.memory_space<vmem>>
    tpu.wait_dma2 semaphore(%arg6 : memref<!tpu.dma_semaphore, #tpu.memory_space<semaphore_mem>>) src(%dma_wait3A_2510 : memref<32x1024xf32, #tpu.memory_space<vmem>>) dst(%dma_wait3A_2506 : memref<32x1024xf32, #tpu.memory_space<hbm>>)
    %dma_wait3A_2511 = arith.constant 2 : i32
    %dma_wait3A_2512 = arith.constant 0 : i32
    %dma_wait3A_2513 = arith.constant 0 : i32
    %dma_wait3A_2514 = tpu.memref_slice %arg4[%dma_wait3A_2511, %dma_wait3A_2512, %dma_wait3A_2513] : memref<3x32x1024xf32, #tpu.memory_space<vmem>> -> memref<1x32x1024xf32, #tpu.memory_space<vmem>>
    %dma_wait3A_2515 = tpu.memref_squeeze %dma_wait3A_2514 : memref<1x32x1024xf32, #tpu.memory_space<vmem>> -> memref<32x1024xf32, #tpu.memory_space<vmem>>
    %dma_wait3A_2516 = arith.constant 160 : i32
    %dma_wait3A_2517 = arith.constant 1024 : i32
    %dma_wait3A_2518 = tpu.memref_slice %arg3[%add3A_1615, %dma_wait3A_2516, %dma_wait3A_2517] : memref<256x256x2048xf32, #tpu.memory_space<hbm>> -> memref<1x32x1024xf32, #tpu.memory_space<hbm>>
    %dma_wait3A_2519 = tpu.memref_squeeze %dma_wait3A_2518 : memref<1x32x1024xf32, #tpu.memory_space<hbm>> -> memref<32x1024xf32, #tpu.memory_space<hbm>>
    %dma_wait3A_2520 = arith.constant 160 : i32
    %dma_wait3A_2521 = arith.constant 1024 : i32
    %dma_wait3A_2522 = tpu.memref_slice %arg3[%add3A_1615, %dma_wait3A_2520, %dma_wait3A_2521] : memref<256x256x2048xf32, #tpu.memory_space<hbm>> -> memref<1x32x1024xf32, #tpu.memory_space<hbm>>
    %dma_wait3A_2523 = tpu.memref_squeeze %dma_wait3A_2522 : memref<1x32x1024xf32, #tpu.memory_space<hbm>> -> memref<32x1024xf32, #tpu.memory_space<hbm>>
    %dma_wait3A_2524 = arith.constant 0 : i32
    %dma_wait3A_2525 = arith.constant 0 : i32
    %dma_wait3A_2526 = tpu.memref_slice %arg4[%dma_wait3A_2511, %dma_wait3A_2524, %dma_wait3A_2525] : memref<3x32x1024xf32, #tpu.memory_space<vmem>> -> memref<1x32x1024xf32, #tpu.memory_space<vmem>>
    %dma_wait3A_2527 = tpu.memref_squeeze %dma_wait3A_2526 : memref<1x32x1024xf32, #tpu.memory_space<vmem>> -> memref<32x1024xf32, #tpu.memory_space<vmem>>
    tpu.wait_dma2 semaphore(%arg6 : memref<!tpu.dma_semaphore, #tpu.memory_space<semaphore_mem>>) src(%dma_wait3A_2527 : memref<32x1024xf32, #tpu.memory_space<vmem>>) dst(%dma_wait3A_2523 : memref<32x1024xf32, #tpu.memory_space<hbm>>)
    %dma_wait3A_2528 = arith.constant 2 : i32
    %dma_wait3A_2529 = arith.constant 0 : i32
    %dma_wait3A_2530 = arith.constant 0 : i32
    %dma_wait3A_2531 = tpu.memref_slice %arg4[%dma_wait3A_2528, %dma_wait3A_2529, %dma_wait3A_2530] : memref<3x32x1024xf32, #tpu.memory_space<vmem>> -> memref<1x32x1024xf32, #tpu.memory_space<vmem>>
    %dma_wait3A_2532 = tpu.memref_squeeze %dma_wait3A_2531 : memref<1x32x1024xf32, #tpu.memory_space<vmem>> -> memref<32x1024xf32, #tpu.memory_space<vmem>>
    %dma_wait3A_2533 = arith.constant 160 : i32
    %dma_wait3A_2534 = arith.constant 1024 : i32
    %dma_wait3A_2535 = tpu.memref_slice %arg3[%add3A_1634, %dma_wait3A_2533, %dma_wait3A_2534] : memref<256x256x2048xf32, #tpu.memory_space<hbm>> -> memref<1x32x1024xf32, #tpu.memory_space<hbm>>
    %dma_wait3A_2536 = tpu.memref_squeeze %dma_wait3A_2535 : memref<1x32x1024xf32, #tpu.memory_space<hbm>> -> memref<32x1024xf32, #tpu.memory_space<hbm>>
    %dma_wait3A_2537 = arith.constant 160 : i32
    %dma_wait3A_2538 = arith.constant 1024 : i32
    %dma_wait3A_2539 = tpu.memref_slice %arg3[%add3A_1634, %dma_wait3A_2537, %dma_wait3A_2538] : memref<256x256x2048xf32, #tpu.memory_space<hbm>> -> memref<1x32x1024xf32, #tpu.memory_space<hbm>>
    %dma_wait3A_2540 = tpu.memref_squeeze %dma_wait3A_2539 : memref<1x32x1024xf32, #tpu.memory_space<hbm>> -> memref<32x1024xf32, #tpu.memory_space<hbm>>
    %dma_wait3A_2541 = arith.constant 0 : i32
    %dma_wait3A_2542 = arith.constant 0 : i32
    %dma_wait3A_2543 = tpu.memref_slice %arg4[%dma_wait3A_2528, %dma_wait3A_2541, %dma_wait3A_2542] : memref<3x32x1024xf32, #tpu.memory_space<vmem>> -> memref<1x32x1024xf32, #tpu.memory_space<vmem>>
    %dma_wait3A_2544 = tpu.memref_squeeze %dma_wait3A_2543 : memref<1x32x1024xf32, #tpu.memory_space<vmem>> -> memref<32x1024xf32, #tpu.memory_space<vmem>>
    tpu.wait_dma2 semaphore(%arg6 : memref<!tpu.dma_semaphore, #tpu.memory_space<semaphore_mem>>) src(%dma_wait3A_2544 : memref<32x1024xf32, #tpu.memory_space<vmem>>) dst(%dma_wait3A_2540 : memref<32x1024xf32, #tpu.memory_space<hbm>>)
    return
  }
}

module attributes {stable_mosaic.version = 14 : i64} {
  func.func @_tc_body(%arg0: i32, %arg1: memref<8x256x1024xf32, #tpu.memory_space<vmem>>, %arg2: memref<256x256x2048xf32, #tpu.memory_space<any>>, %arg3: memref<8x256x1024xf32, #tpu.memory_space<vmem>>) attributes {dimension_semantics = [#tpu.dimension_semantics<arbitrary>], iteration_bounds = array<i64: 32>, scalar_prefetch = 0 : i64, scratch_operands = 0 : i64, tpu.core_type = #tpu.core_type<tc>, window_params = [{transform_indices = @transform_0, window_bounds = array<i64: 8, 256, 1024>}, {}, {transform_indices = @transform_2, window_bounds = array<i64: 8, 256, 1024>}]} {
    %get3A = arith.constant 0 : index
    %get3A_0 = arith.constant 0 : index
    %get3A_1 = arith.constant 0 : index
    %get3A_2 = vector.load %arg1[%get3A, %get3A_0, %get3A_1] : memref<8x256x1024xf32, #tpu.memory_space<vmem>>, vector<8x256x1024xf32>
    %swap3A = arith.constant 0 : index
    %swap3A_3 = arith.constant 0 : index
    %swap3A_4 = arith.constant 0 : index
    %swap3A_5 = vector.load %arg3[%swap3A, %swap3A_3, %swap3A_4] : memref<8x256x1024xf32, #tpu.memory_space<vmem>>, vector<8x256x1024xf32>
    tpu.vector_store %arg3[%swap3A, %swap3A_3, %swap3A_4], %get3A_2 {strides = array<i32>} : memref<8x256x1024xf32, #tpu.memory_space<vmem>>, vector<8x256x1024xf32>,
    return
  }
  func.func @transform_0(%arg0: i32) -> (i32, i32, i32) {
    %c0_i32 = arith.constant 0 : i32
    %c0_i32_0 = arith.constant 0 : i32
    %c0_i32_1 = arith.constant 0 : i32
    return %arg0, %c0_i32, %c0_i32_0 : i32, i32, i32
  }
  func.func @transform_2(%arg0: i32) -> (i32, i32, i32) {
    %c0_i32 = arith.constant 0 : i32
    %c0_i32_0 = arith.constant 0 : i32
    %c0_i32_1 = arith.constant 0 : i32
    return %arg0, %c0_i32, %c0_i32_0 : i32, i32, i32
  }
}

</mosaic_0001>

<sc_bundles>
// kernel: kernel.4.cloned.1.call-start
scs
__scs_entry_jumppad:
0x0: {  	(pc) =	sbr.rel $0x88, $3  }
0x1: {  	(tag) =	ssettag $0x0;
	lr =	simm.s32 $0x1  }
0x2: {  	[smem:$0x3F9F] =	sst lr;
	_ =	strace $0xD0000000  }
0x3: {  	_ = 	snop  }
0x4: {  	_ = 	snop  }
0x5: {  	_ = 	snop  }
0x6: {  	_ = 	snop  }
0x7: {  	_ = 	snop  }
__scs_overlays_trampoline_lowered:
0x8: {  	[smem:$0x3FAE] =	sst s0  }
0x9: {  	[smem:$0x3FAF] =	sst s1  }
0xa: {  	[smem:$0x3FB0] =	sst s2  }
0xb: {  	[smem:$0x3FB1] =	sst s3  }
0xc: {  	[smem:$0x3FB2] =	sst s4  }
0xd: {  	[smem:$0x3FB3] =	sst s5  }
0xe: {  	[smem:$0x3FB4] =	sst s6  }
0xf: {  	[smem:$0x3FB5] =	sst s7  }
0x10: {  	[smem:$0x3FB6] =	sst s8  }
0x11: {  	[smem:$0x3FB7] =	sst s9;
	s0 =	simm.s32 @!p0 $0x0  }
0x12: {  	s1 =	sld [smem:$0x3F9D];
	s0 =	simm.s32 @p0 $0x1  }
0x13: {  	[smem:$0x3FB8] =	sst s0;
	s0 =	simm.s32 @!p1 $0x0  }
0x14: {  	s2 =	sld [smem:$0x3F9C];
	s0 =	simm.s32 @p1 $0x1  }
0x15: {  	[smem:$0x3FB9] =	sst s0;
	s0 =	simm.s32 @!p2 $0x0  }
0x16: {  	s3 =	sld [smem:$0x3FDB];
	s0 =	simm.s32 @p2 $0x1  }
0x17: {  	s4 =	simm.s32 $0x1BF5;
	[smem:$0x3FBB] =	sst s0  }
0x18: {  	s0 =	sld [smem:$0x3F9E];
	_ =	swait.ge [sflag:s4], $0x0  }
0x19: {  	s7 =	sld [smem:$0x3F9F]  }
0x1a: {  	s8 =	sadd.s32 $0xFFFFE003, lr  }
0x1b: {  	s9 =	sadd.s32 $0xFFFFFEF7, lr;
	s5 =	simm.s32 $0xFFFFFFFF;
	p2 =	slt.u32 s8, $0xFFFFF086  }
0x1c: {  	p1 =	slt.u32 s9, $0xF7A;
	s5 =	simm.s32 @!p2 $0x0  }
0x1d: {  	s5 =	simm.s32 @p1 $0x1;
	p0 =	seq.s32 s7, s2  }
0x1e: {  	s7 =	smul.u32 @!p0 $0xF7A, s2;
	p2 =	seq.s32 @!p0 s5, $0x0  }
0x1f: {  	s9 =	smul.u32 $0xF7A, s1;
	s8 =	simm.s32 @!p0 $0x1BF5;
	p2 =	por !p2, p0  }
0x20: {  	[sflag:s8] =	ssyncset.s32 @!p0 $0xFFFFF086;
	s6 =	sadd.s32 @!p0 s3, s7;
	s7 =	simm.s32 @!p0 $0x108  }
0x21: {  	s3 =	sadd.s32 s3, s9;
	s6 =	sadd.s32 @!p0 $0x88, s6;
	s7 =	simm.s32 @p2 $0x1082  }
0x22: {  	[simem:s7], [sflag:s8] =	dma.local @!p0 [hbm:s6], $0xF7A  }
0x23: {  	s9 =	sor.u32 $0xD0000000, s2;
	s6 =	simm.s32 $0x108;
	_ =	swait.ge @!p0 [sflag:s8], $0x0  }
0x24: {  	s3 =	sadd.s32 $0x88, s3;
	s6 =	simm.s32 @!p1 $0x1082;
	[sflag:s4] =	ssyncset.s32 $0xFFFFF086  }
0x25: {  	[simem:s6], [sflag:s4] =	dma.local [hbm:s3], $0xF7A  }
0x26: {  	[smem:$0x3F9F] =	sst s1;
	(tag) =	ssettag s2;
	_ =	strace s9  }
0x27: {  	s1 =	sld [smem:$0x3FAF]  }
0x28: {  	s2 =	sld [smem:$0x3FB0]  }
0x29: {  	s4 =	sld [smem:$0x3FB2]  }
0x2a: {  	p0 =	seq.s32 s5, $0x0;
	s5 =	sld [smem:$0x3FB3]  }
0x2b: {  	s6 =	sld [smem:$0x3FB4]  }
0x2c: {  	s7 =	sld [smem:$0x3FB5]  }
0x2d: {  	s3 =	simm.s32 $0x108;
	s8 =	sld [smem:$0x3FB6]  }
0x2e: {  	s3 =	simm.s32 @!p0 $0x1082;
	s9 =	sld [smem:$0x3FB7]  }
0x2f: {  	lr =	sadd.s32 s0, s3;
	s0 =	sld [smem:$0x3FAE]  }
0x30: {  	s3 =	sld [smem:$0x3FB1]  }
0x31: {  	[smem:$0x3FBA] =	sst s10  }
0x32: {  	s10 =	sld [smem:$0x3FB8];
	_ =	sdelay $0x3  }
0x33: {  	p0 =	seq.s32 s10, $0x1;
	s10 =	sld [smem:$0x3FBA];
	_ =	sdelay $0x3  }
0x34: {  	[smem:$0x3FBA] =	sst s10  }
0x35: {  	s10 =	sld [smem:$0x3FB9];
	_ =	sdelay $0x3  }
0x36: {  	p1 =	seq.s32 s10, $0x1;
	s10 =	sld [smem:$0x3FBA];
	_ =	sdelay $0x3  }
0x37: {  	[smem:$0x3FBA] =	sst s10  }
0x38: {  	s10 =	sld [smem:$0x3FBB]  }
0x39: {  	_ = 	snop;
	(pc) =	sbr.ind lr, $3  }
0x3a: {  	_ = 	snop  }
0x3b: {  	_ = 	snop  }
0x3c: {  	p2 =	seq.s32 s10, $0x1;
	s10 =	sld [smem:$0x3FBA]  }
0x3d: {  	_ =	shalt  }
0x3e: {  	_ =	shalt  }
0x3f: {  	_ =	shalt  }
0x40: {  	_ =	shalt  }
0x41: {  	_ =	shalt  }
0x42: {  	_ =	shalt  }
0x43: {  	_ =	shalt  }
0x44: {  	_ =	shalt  }
0x45: {  	_ =	shalt  }
0x46: {  	_ =	shalt  }
0x47: {  	_ =	shalt  }
0x48: {  	_ =	shalt  }
0x49: {  	_ =	shalt  }
0x4a: {  	_ =	shalt  }
0x4b: {  	_ =	shalt  }
0x4c: {  	_ =	shalt  }
0x4d: {  	_ =	shalt  }
0x4e: {  	_ =	shalt  }
0x4f: {  	_ =	shalt  }
0x50: {  	_ =	shalt  }
0x51: {  	_ =	shalt  }
0x52: {  	_ =	shalt  }
0x53: {  	_ =	shalt  }
0x54: {  	_ =	shalt  }
0x55: {  	_ =	shalt  }
0x56: {  	_ =	shalt  }
0x57: {  	_ =	shalt  }
0x58: {  	_ =	shalt  }
0x59: {  	_ =	shalt  }
0x5a: {  	_ =	shalt  }
0x5b: {  	_ =	shalt  }
0x5c: {  	_ =	shalt  }
0x5d: {  	_ =	shalt  }
0x5e: {  	_ =	shalt  }
0x5f: {  	_ =	shalt  }
0x60: {  	_ =	shalt  }
0x61: {  	_ =	shalt  }
0x62: {  	_ =	shalt  }
0x63: {  	_ =	shalt  }
0x64: {  	_ =	shalt  }
0x65: {  	_ =	shalt  }
0x66: {  	_ =	shalt  }
0x67: {  	_ =	shalt  }
0x68: {  	_ =	shalt  }
0x69: {  	_ =	shalt  }
0x6a: {  	_ =	shalt  }
0x6b: {  	_ =	shalt  }
0x6c: {  	_ =	shalt  }
0x6d: {  	_ =	shalt  }
0x6e: {  	_ =	shalt  }
0x6f: {  	_ =	shalt  }
0x70: {  	_ =	shalt  }
0x71: {  	_ =	shalt  }
0x72: {  	_ =	shalt  }
0x73: {  	_ =	shalt  }
0x74: {  	_ =	shalt  }
0x75: {  	_ =	shalt  }
0x76: {  	_ =	shalt  }
0x77: {  	_ =	shalt  }
0x78: {  	_ =	shalt  }
0x79: {  	_ =	shalt  }
0x7a: {  	_ =	shalt  }
0x7b: {  	_ =	shalt  }
0x7c: {  	_ =	shalt  }
0x7d: {  	_ =	shalt  }
0x7e: {  	_ =	shalt  }
0x7f: {  	_ =	shalt  }
0x80: {  	_ =	shalt  }
0x81: {  	_ =	shalt  }
0x82: {  	_ =	shalt  }
0x83: {  	_ =	shalt  }
0x84: {  	_ =	shalt  }
0x85: {  	_ =	shalt  }
0x86: {  	_ =	shalt  }
0x87: {  	_ =	shalt  }
.Lfunc_end0:
.L_simem_size_0:
called_computation_lowered:
.L_overlay_start_0:
0x88: {  	s2 =	sld [smem:$0x3FD9]  }
0x89: {  	s3 =	sld [smem:$0x3FFE];
	_ =	sdelay $0x1  }
0x8a: {  	s1 =	srdreg.scid  }
0x8b: {  	s0 =	sand.u32 $0x1, s1  }
0x8c: {  	s18 =	sshll.u32 s0, $0xA;
	s2 =	sadd.s32 s3, s2  }
0x8d: {  	s2 =	sadd.s32 s2, s18  }
0x8e: {  	[smem:$0x3FC6] =	sst s2  }
0x8f: {  	_ = 	snop  }
0x90: {  	s2 =	sld [smem:$0x3FC8]  }
0x91: {  	s19 =	sld [smem:$0x3FD0];
	(tm) =	ssettm $0x1  }
0x92: {  	s4 =	sld [smem:$0x3FFB];
	_ =	sdelay $0x3  }
0x93: {  	_ =	strace s4  }
0x94: {  	s4 =	sld [smem:$0x3FFC];
	_ =	sdelay $0x3  }
0x95: {  	_ =	strace s4  }
0x96: {  	s4 =	sld [smem:$0x3FFD];
	_ =	sdelay $0x3  }
0x97: {  	_ =	strace s4  }
0x98: {  	_ =	strace $0x8FFFFFFF  }
0x99: {  	s20 =	sld [smem:$0x3FDB];
	_ =	sdelay $0x1  }
0x9a: {  	s5 =	simm.s32 $_scs_section_size  }
0x9b: {  	s6 =	simm.s32 $_size__tile_overlayer_lowered;
	s7 =	simm.s32 $_tile_overlayer_lowered  }
0x9c: {  	s23 =	simm.s32 $0x1BFF;
	s22 =	sshll.u32 s7, $0x1;
	s4 =	sadd.s32 s5, s20  }
0x9d: {  	s8 =	simm.s32 $0x0;
	s21 =	sshll.u32 s6, $0x1;
	s6 =	sadd.s32 s22, s4  }
0x9e: {  	[timem:s8], [sflag:s23] =	dma.local [hbm:s6], s21  }
0x9f: {  	_ =	swait.ge [sflag:s23], s21  }
0xa0: {  	s5 =	ssub.s32 $0x0, s21;
	[sflag:s23] =	ssyncset.done $0x0  }
0xa1: {  	[sflag:s23] =	ssyncadd.s32 s5;
	_ =	sdelay $0x1  }
0xa2: {  	s24 =	simm.s32 $0x1B8B  }
0xa3: {  	_ =	swait.ge [sflag:s24], $0x1  }
0xa4: {  	[sflag:s24] =	ssyncset.done $0x0  }
0xa5: {  	s25 =	simm.s32 $0x1B8E;
	[sflag:s24] =	ssyncadd.s32 $0xFFFFFFFF  }
0xa6: {  	s26 =	simm.s32 $execute0_lowered;
	[smem:$0x3FD2] =	sst s25  }
0xa7: {  	s5 =	sshll.u32 s26, $0x1;
	_ =	strace $0x80000046;
	[dreg:$0x1] =	wrdreg $0xFFFFFFFF  }
0xa8: {  	s28 =	simm.s32 $_size_execute0_lowered;
	s4 =	sadd.s32 s4, s5;
	[dreg:$0x0] =	wrdreg $0x0  }
0xa9: {  	s5 =	sshll.u32 s28, $0x1;
	[dreg:$0x2] =	wrdreg s4  }
0xaa: {  	[dreg:$0x3] =	wrdreg s5  }
0xab: {  	[dreg:$0x4] =	wrdreg $0xC0  }
0xac: {  	_ =	task [dreg:s8], $0x5FFFF  }
0xad: {  	[dreg:$0x1] =	wrdreg $0xFFFFFFFF  }
0xae: {  	[dreg:$0x0] =	wrdreg $0x60  }
0xaf: {  	[dreg:$0x2] =	wrdreg s2  }
0xb0: {  	[dreg:$0x3] =	wrdreg s19  }
0xb1: {  	[dreg:$0x4] =	wrdreg $0x9  }
0xb2: {  	_ =	task.clear_ibuf [dreg:s8], $0x5FFFF;
	_ =	strace $0x90000046  }
0xb3: {  	s29 =	simm.s32 $0x9;
	_ =	strace $0x80000048  }
0xb4: {  	_ =	swait.ge [sflag:s29], $0x1  }
0xb5: {  	[sflag:s29] =	ssyncadd.s32 $0xFFFFFFFF  }
0xb6: {  	_ =	strace $0x90000048  }
0xb7: {  	_ =	sfence  }
0xb8: {  	s30 =	sld [smem:$0x0];
	_ =	sdelay $0x2  }
0xb9: {  	s31 =	sshll.u32 s1, $0xD;
	s1 =	sshrl.u32 s1, $0x2  }
0xba: {  	s3 =	sand.u32 $0x4000, s31;
	s1 =	sadd.s32 s1, s30  }
0xbb: {  	s0 =	sor.u32 s3, s0;
	s1 =	sshll.u32 s1, $0x11  }
0xbc: {  	s0 =	sor.u32 s1, s0  }
0xbd: {  	s0 =	sadd.s32 $0x8F2B, s0  }
0xbe: {  	[sflag:s0] =	ssyncadd.remote.s32 $0x1  }
0xbf: {  	_ =	sfence.sel $0xFFFF  }
0xc0: {  	[dreg:$0x0] =	wrdreg $0xFFFFFFFF;
	(pc) =	sbr.abs _section_cstart, $3  }
0xc1: {  	[dreg:$0x1] =	wrdreg $0xFFFFFFFF  }
0xc2: {  	_ =	task.clear_ibuf [dreg:s8], $0x2FFFF;
	_ =	strace $0x9FFFFFFF  }
0xc3: {  	(tm) =	ssettm $0x7FFFFFFF  }
tec
execute0_lowered:
.L_overlay_start_1:
0x0: {  	(tag) =	ssettag $0x1  }
0x1: {  	s5 =	rddreg [dreg:$0x0]  }
0x2: {  	s0 =	rddreg [dreg:$0x1]  }
0x3: {  	s2 =	srdreg.scid;
	s31 =	rddreg [dreg:$0x2]  }
0x4: {  	s1 =	stileid.u32;
	s3 =	sand.u32 $0x1, s2;
	s2 =	simm.s32 $0x0  }
0x5: {  	s4 =	sshll.u32 s1, $0x14;
	s1 =	smov.u32 s5;
	s17 =	sshll.u32 s3, $0x13  }
0x6: {  	[smem:$0x7FF] =	sst s2;
	s18 =	sadd.s32 $0x1000, s1;
	s26 =	sadd.s32 $0x2000, s1  }
0x7: {  	s4 =	sor.u32 s17, s4;
	_ =	strace $0x80000047;
	[dreg:$0x3] =	wrdreg s18  }
0x8: {  	s13 =	sadd.s32 $0x3000, s1;
	[dreg:$0xc] =	wrdreg s26;
	s0 =	sadd.s32 s4, s0  }
0x9: {  	[dreg:$0x15] =	wrdreg s13;
	s4 =	sadd.s32 $0x400, s0  }
0xa: {  	s19 =	sadd.s32 $0x10400, s0;
	[dreg:$0x4] =	wrdreg s4  }
0xb: {  	s20 =	sadd.s32 $0x20400, s0;
	[dreg:$0x5] =	wrdreg s19  }
0xc: {  	s21 =	sadd.s32 $0x30400, s0;
	[dreg:$0x6] =	wrdreg s20  }
0xd: {  	s22 =	sadd.s32 $0x40400, s0;
	[dreg:$0x7] =	wrdreg s21  }
0xe: {  	s23 =	sadd.s32 $0x50400, s0;
	[dreg:$0x8] =	wrdreg s22  }
0xf: {  	s24 =	sadd.s32 $0x60400, s0;
	[dreg:$0x9] =	wrdreg s23  }
0x10: {  	s25 =	sadd.s32 $0x70400, s0;
	[dreg:$0xa] =	wrdreg s24  }
0x11: {  	s5 =	sadd.s32 $0x2400, s0;
	[dreg:$0xb] =	wrdreg s25  }
0x12: {  	s6 =	sadd.s32 $0x12400, s0;
	[dreg:$0xd] =	wrdreg s5  }
0x13: {  	s7 =	sadd.s32 $0x22400, s0;
	[dreg:$0xe] =	wrdreg s6  }
0x14: {  	s8 =	sadd.s32 $0x32400, s0;
	[dreg:$0xf] =	wrdreg s7  }
0x15: {  	s9 =	sadd.s32 $0x42400, s0;
	[dreg:$0x10] =	wrdreg s8  }
0x16: {  	s10 =	sadd.s32 $0x52400, s0;
	[dreg:$0x11] =	wrdreg s9  }
0x17: {  	s11 =	sadd.s32 $0x62400, s0;
	[dreg:$0x12] =	wrdreg s10  }
0x18: {  	s12 =	sadd.s32 $0x72400, s0;
	[dreg:$0x13] =	wrdreg s11  }
0x19: {  	s14 =	sadd.s32 $0x4400, s0;
	[dreg:$0x14] =	wrdreg s12  }
0x1a: {  	s15 =	sadd.s32 $0x14400, s0;
	[dreg:$0x16] =	wrdreg s14  }
0x1b: {  	s16 =	sadd.s32 $0x24400, s0;
	[dreg:$0x17] =	wrdreg s15  }
0x1c: {  	s17 =	sadd.s32 $0x34400, s0;
	[dreg:$0x18] =	wrdreg s16  }
0x1d: {  	s18 =	sadd.s32 $0x44400, s0;
	[dreg:$0x19] =	wrdreg s17  }
0x1e: {  	s26 =	sadd.s32 $0x36400, s0;
	[dreg:$0x1a] =	wrdreg s18  }
0x1f: {  	s13 =	sadd.s32 $0x38400, s0;
	[smem:$0x7EB] =	sst s26  }
0x20: {  	s19 =	sadd.s32 $0x54400, s0;
	[smem:$0x7F4] =	sst s13  }
0x21: {  	s20 =	sadd.s32 $0x64400, s0;
	[dreg:$0x1b] =	wrdreg s19  }
0x22: {  	s21 =	sadd.s32 $0x74400, s0;
	[dreg:$0x1c] =	wrdreg s20  }
0x23: {  	s22 =	sadd.s32 $0x4000, s1;
	[dreg:$0x1d] =	wrdreg s21  }
0x24: {  	s23 =	sadd.s32 $0x6400, s0;
	[dreg:$0x1e] =	wrdreg s22  }
0x25: {  	s24 =	sadd.s32 $0x16400, s0;
	[dreg:$0x1f] =	wrdreg s23  }
0x26: {  	s25 =	sadd.s32 $0x26400, s0;
	[smem:$0x7E9] =	sst s24  }
0x27: {  	s5 =	sadd.s32 $0x46400, s0;
	[smem:$0x7EA] =	sst s25  }
0x28: {  	s6 =	sadd.s32 $0x56400, s0;
	[smem:$0x7EC] =	sst s5  }
0x29: {  	s7 =	sadd.s32 $0x66400, s0;
	[smem:$0x7ED] =	sst s6  }
0x2a: {  	s8 =	sadd.s32 $0x76400, s0;
	[smem:$0x7EE] =	sst s7  }
0x2b: {  	s9 =	sadd.s32 $0x5000, s1;
	[smem:$0x7EF] =	sst s8  }
0x2c: {  	p0 =	por $0x0, $0x0;
	s10 =	sadd.s32 $0x8400, s0;
	[smem:$0x7F0] =	sst s9  }
0x2d: {  	s30 =	simm.s32 $0x10000;
	s11 =	sadd.s32 $0x18400, s0;
	[smem:$0x7F1] =	sst s10  }
0x2e: {  	s3 =	ssub.s32 $0x2, s3;
	s12 =	sadd.s32 $0x28400, s0;
	[smem:$0x7F2] =	sst s11  }
0x2f: {  	s28 =	sadd.s32 $0x6A400, s0;
	s14 =	sadd.s32 $0x48400, s0;
	[smem:$0x7F3] =	sst s12  }
0x30: {  	s29 =	sadd.s32 $0x7A400, s0;
	s15 =	sadd.s32 $0x58400, s0;
	[smem:$0x7F5] =	sst s14  }
0x31: {  	s16 =	sadd.s32 $0x68400, s0;
	s17 =	sadd.s32 $0x78400, s0;
	[smem:$0x7F6] =	sst s15  }
0x32: {  	s18 =	sadd.s32 $0x6000, s1;
	s26 =	sadd.s32 $0x5A400, s0;
	[smem:$0x7F7] =	sst s16  }
0x33: {  	s13 =	sadd.s32 $0x1C400, s0;
	s4 =	sadd.s32 $0xE400, s0;
	[smem:$0x7F8] =	sst s17  }
0x34: {  	[smem:$0x7F9] =	sst s18;
	s19 =	sadd.s32 $0xA400, s0;
	s20 =	sadd.s32 $0x1A400, s0  }
0x35: {  	s21 =	sadd.s32 $0x2A400, s0;
	s22 =	sshrl.u32 s3, $0x1;
	s23 =	sadd.s32 $0x3A400, s0  }
0x36: {  	s25 =	sadd.s32 $0x4A400, s0;
	s12 =	sadd.s32 $0xC400, s0;
	s14 =	sadd.s32 $0x2C400, s0  }
0x37: {  	s15 =	sadd.s32 $0x3C400, s0;
	s16 =	sadd.s32 $0x4C400, s0;
	s17 =	sadd.s32 $0x5C400, s0  }
0x38: {  	s18 =	sadd.s32 $0x6C400, s0;
	s5 =	sadd.s32 $0x1E400, s0;
	s3 =	ssub.s32 s3, s22  }
0x39: {  	s6 =	sadd.s32 $0x2E400, s0;
	s7 =	sadd.s32 $0x3E400, s0;
	s24 =	smax.u32 s3, $0x1  }
0x3a: {  	s8 =	sadd.s32 $0x4E400, s0;
	[smem:$0x7FA] =	sst s19;
	p1 =	sne.s32 s24, $0x1  }
.Ltmp0:
0x3b: {  	s9 =	sadd.s32 $0x5E400, s0;
	[smem:$0x7FB] =	sst s20;
	(pc) =	sbr.rel @!p1 .LBB2_5-.Ltmp0, $4  }
0x3c: {  	s10 =	sadd.s32 $0x6E400, s0;
	s11 =	sadd.s32 $0x7E400, s0;
	[smem:$0x7FC] =	sst s21  }
0x3d: {  	[smem:$0x7FD] =	sst s23;
	s21 =	sadd.s32 $0x7000, s1;
	s19 =	sadd.s32 $0x7C400, s0  }
0x3e: {  	s20 =	simm.s32 $0x8000;
	s22 =	simm.s32 $0x2000;
	s23 =	simm.s32 $0x4000  }
0x3f: {  	s3 =	simm.s32 $0x2;
	s0 =	sadd.s32 $0xFFFFFFFF, s24;
	s24 =	simm.s32 $0x1  }
0x40: {  	s31 =	smov.u32 s0;
	s0 =	smov.u32 s1  }
0x41: {  	[tilespmem:s2], [sflag:$0x1] =	stream.linear.gather [hbm4b:s0+s2], $0x8000, $0x38;
	[tilespmem:$0x18000] =	vst v63  }
0x42: {  	s1 =	rddreg [dreg:$0x3]  }
0x43: {  	[tilespmem:s20], [sflag:$0x1] =	stream.linear.gather [hbm4b:s1+s2], $0x8000, $0x38;
	[tilespmem:$0x18000] =	vst v63  }
0x44: {  	_ =	swait.ge [sflag:s24], $0x8000  }
0x45: {  	[sflag:s24] =	ssyncset.done $0x0  }
0x46: {  	s1 =	rddreg [dreg:$0x4];
	[sflag:s24] =	ssyncadd.s32 $0xFFFF8000  }
0x47: {  	[hbm4b:s1+s22] =	stream.strided.scatter [tilespmem:s2], [sflag:$0x2], $0x8000, s23, s22, $0x38;
	[tilespmem:$0x18000] =	vst v63  }
0x48: {  	s0 =	rddreg [dreg:$0x5]  }
0x49: {  	[hbm4b:s0+s22] =	stream.strided.scatter [tilespmem:s2], [sflag:$0x2], $0x8000, s23, s22, $0x38;
	[tilespmem:$0x18000] =	vst v63  }
0x4a: {  	s1 =	rddreg [dreg:$0x6]  }
0x4b: {  	[hbm4b:s1+s22] =	stream.strided.scatter [tilespmem:s2], [sflag:$0x2], $0x8000, s23, s22, $0x38;
	[tilespmem:$0x18000] =	vst v63  }
0x4c: {  	s0 =	rddreg [dreg:$0x7]  }
0x4d: {  	[hbm4b:s0+s22] =	stream.strided.scatter [tilespmem:s2], [sflag:$0x2], $0x8000, s23, s22, $0x38;
	[tilespmem:$0x18000] =	vst v63  }
0x4e: {  	s1 =	rddreg [dreg:$0x8]  }
0x4f: {  	[hbm4b:s1+s22] =	stream.strided.scatter [tilespmem:s2], [sflag:$0x2], $0x8000, s23, s22, $0x38;
	[tilespmem:$0x18000] =	vst v63  }
0x50: {  	s0 =	rddreg [dreg:$0x9]  }
0x51: {  	[hbm4b:s0+s22] =	stream.strided.scatter [tilespmem:s2], [sflag:$0x2], $0x8000, s23, s22, $0x38;
	[tilespmem:$0x18000] =	vst v63  }
0x52: {  	s1 =	rddreg [dreg:$0xa]  }
0x53: {  	[hbm4b:s1+s22] =	stream.strided.scatter [tilespmem:s2], [sflag:$0x2], $0x8000, s23, s22, $0x38;
	[tilespmem:$0x18000] =	vst v63  }
0x54: {  	s0 =	rddreg [dreg:$0xb]  }
0x55: {  	[hbm4b:s0+s22] =	stream.strided.scatter [tilespmem:s2], [sflag:$0x2], $0x8000, s23, s22, $0x38;
	[tilespmem:$0x18000] =	vst v63  }
0x56: {  	s1 =	rddreg [dreg:$0xc]  }
0x57: {  	[tilespmem:s30], [sflag:$0x1] =	stream.linear.gather [hbm4b:s1+s2], $0x8000, $0x38;
	[tilespmem:$0x18000] =	vst v63  }
0x58: {  	_ =	swait.ge [sflag:s24], $0x8000  }
0x59: {  	[sflag:s24] =	ssyncset.done $0x0  }
0x5a: {  	s0 =	rddreg [dreg:$0xd];
	[sflag:s24] =	ssyncadd.s32 $0xFFFF8000  }
0x5b: {  	[hbm4b:s0+s22] =	stream.strided.scatter [tilespmem:s20], [sflag:$0x2], $0x8000, s23, s22, $0x38;
	[tilespmem:$0x18000] =	vst v63  }
0x5c: {  	s1 =	rddreg [dreg:$0xe]  }
0x5d: {  	[hbm4b:s1+s22] =	stream.strided.scatter [tilespmem:s20], [sflag:$0x2], $0x8000, s23, s22, $0x38;
	[tilespmem:$0x18000] =	vst v63  }
0x5e: {  	s0 =	rddreg [dreg:$0xf]  }
0x5f: {  	[hbm4b:s0+s22] =	stream.strided.scatter [tilespmem:s20], [sflag:$0x2], $0x8000, s23, s22, $0x38;
	[tilespmem:$0x18000] =	vst v63  }
0x60: {  	s1 =	rddreg [dreg:$0x10]  }
0x61: {  	[hbm4b:s1+s22] =	stream.strided.scatter [tilespmem:s20], [sflag:$0x2], $0x8000, s23, s22, $0x38;
	[tilespmem:$0x18000] =	vst v63  }
0x62: {  	s0 =	rddreg [dreg:$0x11]  }
0x63: {  	[hbm4b:s0+s22] =	stream.strided.scatter [tilespmem:s20], [sflag:$0x2], $0x8000, s23, s22, $0x38;
	[tilespmem:$0x18000] =	vst v63  }
0x64: {  	s1 =	rddreg [dreg:$0x12]  }
0x65: {  	[hbm4b:s1+s22] =	stream.strided.scatter [tilespmem:s20], [sflag:$0x2], $0x8000, s23, s22, $0x38;
	[tilespmem:$0x18000] =	vst v63  }
0x66: {  	s0 =	rddreg [dreg:$0x13]  }
0x67: {  	[hbm4b:s0+s22] =	stream.strided.scatter [tilespmem:s20], [sflag:$0x2], $0x8000, s23, s22, $0x38;
	[tilespmem:$0x18000] =	vst v63  }
0x68: {  	s1 =	rddreg [dreg:$0x14]  }
0x69: {  	[hbm4b:s1+s22] =	stream.strided.scatter [tilespmem:s20], [sflag:$0x2], $0x8000, s23, s22, $0x38;
	[tilespmem:$0x18000] =	vst v63  }
0x6a: {  	_ =	swait.ge [sflag:s3], $0x8000  }
0x6b: {  	[sflag:s3] =	ssyncset.done $0x0  }
0x6c: {  	[sflag:s3] =	ssyncadd.s32 $0xFFFF8000  }
0x6d: {  	_ =	swait.ge [sflag:s3], $0x8000  }
0x6e: {  	[sflag:s3] =	ssyncset.done $0x0  }
0x6f: {  	[sflag:s3] =	ssyncadd.s32 $0xFFFF8000  }
0x70: {  	_ =	swait.ge [sflag:s3], $0x8000  }
0x71: {  	[sflag:s3] =	ssyncset.done $0x0  }
0x72: {  	[sflag:s3] =	ssyncadd.s32 $0xFFFF8000  }
0x73: {  	_ =	swait.ge [sflag:s3], $0x8000  }
0x74: {  	[sflag:s3] =	ssyncset.done $0x0  }
0x75: {  	[sflag:s3] =	ssyncadd.s32 $0xFFFF8000  }
0x76: {  	_ =	swait.ge [sflag:s3], $0x8000  }
0x77: {  	[sflag:s3] =	ssyncset.done $0x0  }
0x78: {  	[sflag:s3] =	ssyncadd.s32 $0xFFFF8000  }
0x79: {  	_ =	swait.ge [sflag:s3], $0x8000  }
0x7a: {  	[sflag:s3] =	ssyncset.done $0x0  }
0x7b: {  	[sflag:s3] =	ssyncadd.s32 $0xFFFF8000  }
0x7c: {  	_ =	swait.ge [sflag:s3], $0x8000  }
0x7d: {  	[sflag:s3] =	ssyncset.done $0x0  }
0x7e: {  	[sflag:s3] =	ssyncadd.s32 $0xFFFF8000  }
0x7f: {  	_ =	swait.ge [sflag:s3], $0x8000  }
0x80: {  	[sflag:s3] =	ssyncset.done $0x0  }
0x81: {  	s1 =	rddreg [dreg:$0x15];
	[sflag:s3] =	ssyncadd.s32 $0xFFFF8000  }
0x82: {  	[tilespmem:s2], [sflag:$0x1] =	stream.linear.gather [hbm4b:s1+s2], $0x8000, $0x38;
	[tilespmem:$0x18000] =	vst v63  }
0x83: {  	_ =	swait.ge [sflag:s24], $0x8000  }
0x84: {  	[sflag:s24] =	ssyncset.done $0x0  }
0x85: {  	s0 =	rddreg [dreg:$0x16];
	[sflag:s24] =	ssyncadd.s32 $0xFFFF8000  }
0x86: {  	[hbm4b:s0+s22] =	stream.strided.scatter [tilespmem:s30], [sflag:$0x2], $0x8000, s23, s22, $0x38;
	[tilespmem:$0x18000] =	vst v63  }
0x87: {  	s1 =	rddreg [dreg:$0x17]  }
0x88: {  	[hbm4b:s1+s22] =	stream.strided.scatter [tilespmem:s30], [sflag:$0x2], $0x8000, s23, s22, $0x38;
	[tilespmem:$0x18000] =	vst v63  }
0x89: {  	s0 =	rddreg [dreg:$0x18]  }
0x8a: {  	[hbm4b:s0+s22] =	stream.strided.scatter [tilespmem:s30], [sflag:$0x2], $0x8000, s23, s22, $0x38;
	[tilespmem:$0x18000] =	vst v63  }
0x8b: {  	s1 =	rddreg [dreg:$0x19]  }
0x8c: {  	[hbm4b:s1+s22] =	stream.strided.scatter [tilespmem:s30], [sflag:$0x2], $0x8000, s23, s22, $0x38;
	[tilespmem:$0x18000] =	vst v63  }
0x8d: {  	s0 =	rddreg [dreg:$0x1a]  }
0x8e: {  	[hbm4b:s0+s22] =	stream.strided.scatter [tilespmem:s30], [sflag:$0x2], $0x8000, s23, s22, $0x38;
	[tilespmem:$0x18000] =	vst v63  }
0x8f: {  	s1 =	rddreg [dreg:$0x1b]  }
0x90: {  	[hbm4b:s1+s22] =	stream.strided.scatter [tilespmem:s30], [sflag:$0x2], $0x8000, s23, s22, $0x38;
	[tilespmem:$0x18000] =	vst v63  }
0x91: {  	s0 =	rddreg [dreg:$0x1c]  }
0x92: {  	[hbm4b:s0+s22] =	stream.strided.scatter [tilespmem:s30], [sflag:$0x2], $0x8000, s23, s22, $0x38;
	[tilespmem:$0x18000] =	vst v63  }
0x93: {  	s1 =	rddreg [dreg:$0x1d]  }
0x94: {  	[hbm4b:s1+s22] =	stream.strided.scatter [tilespmem:s30], [sflag:$0x2], $0x8000, s23, s22, $0x38;
	[tilespmem:$0x18000] =	vst v63  }
0x95: {  	_ =	swait.ge [sflag:s3], $0x8000  }
0x96: {  	[sflag:s3] =	ssyncset.done $0x0  }
0x97: {  	[sflag:s3] =	ssyncadd.s32 $0xFFFF8000  }
0x98: {  	_ =	swait.ge [sflag:s3], $0x8000  }
0x99: {  	[sflag:s3] =	ssyncset.done $0x0  }
0x9a: {  	[sflag:s3] =	ssyncadd.s32 $0xFFFF8000  }
0x9b: {  	_ =	swait.ge [sflag:s3], $0x8000  }
0x9c: {  	[sflag:s3] =	ssyncset.done $0x0  }
0x9d: {  	[sflag:s3] =	ssyncadd.s32 $0xFFFF8000  }
0x9e: {  	_ =	swait.ge [sflag:s3], $0x8000  }
0x9f: {  	[sflag:s3] =	ssyncset.done $0x0  }
0xa0: {  	[sflag:s3] =	ssyncadd.s32 $0xFFFF8000  }
0xa1: {  	_ =	swait.ge [sflag:s3], $0x8000  }
0xa2: {  	[sflag:s3] =	ssyncset.done $0x0  }
0xa3: {  	[sflag:s3] =	ssyncadd.s32 $0xFFFF8000  }
0xa4: {  	_ =	swait.ge [sflag:s3], $0x8000  }
0xa5: {  	[sflag:s3] =	ssyncset.done $0x0  }
0xa6: {  	[sflag:s3] =	ssyncadd.s32 $0xFFFF8000  }
0xa7: {  	_ =	swait.ge [sflag:s3], $0x8000  }
0xa8: {  	[sflag:s3] =	ssyncset.done $0x0  }
0xa9: {  	[sflag:s3] =	ssyncadd.s32 $0xFFFF8000  }
0xaa: {  	_ =	swait.ge [sflag:s3], $0x8000  }
0xab: {  	[sflag:s3] =	ssyncset.done $0x0  }
0xac: {  	s1 =	rddreg [dreg:$0x1e];
	[sflag:s3] =	ssyncadd.s32 $0xFFFF8000  }
0xad: {  	[tilespmem:s20], [sflag:$0x1] =	stream.linear.gather [hbm4b:s1+s2], $0x8000, $0x38;
	[tilespmem:$0x18000] =	vst v63  }
0xae: {  	_ =	swait.ge [sflag:s24], $0x8000  }
0xaf: {  	s0 =	rddreg [dreg:$0x1f];
	[sflag:s24] =	ssyncset.done $0x0  }
0xb0: {  	s1 =	sld [smem:$0x7E9];
	[sflag:s24] =	ssyncadd.s32 $0xFFFF8000  }
0xb1: {  	[hbm4b:s0+s22] =	stream.strided.scatter [tilespmem:s2], [sflag:$0x2], $0x8000, s23, s22, $0x38;
	[tilespmem:$0x18000] =	vst v63  }
0xb2: {  	s0 =	sld [smem:$0x7EA]  }
0xb3: {  	[hbm4b:s1+s22] =	stream.strided.scatter [tilespmem:s2], [sflag:$0x2], $0x8000, s23, s22, $0x38;
	[tilespmem:$0x18000] =	vst v63  }
0xb4: {  	s1 =	sld [smem:$0x7EB]  }
0xb5: {  	[hbm4b:s0+s22] =	stream.strided.scatter [tilespmem:s2], [sflag:$0x2], $0x8000, s23, s22, $0x38;
	[tilespmem:$0x18000] =	vst v63  }
0xb6: {  	s0 =	sld [smem:$0x7EC]  }
0xb7: {  	[hbm4b:s1+s22] =	stream.strided.scatter [tilespmem:s2], [sflag:$0x2], $0x8000, s23, s22, $0x38;
	[tilespmem:$0x18000] =	vst v63  }
0xb8: {  	s1 =	sld [smem:$0x7ED]  }
0xb9: {  	[hbm4b:s0+s22] =	stream.strided.scatter [tilespmem:s2], [sflag:$0x2], $0x8000, s23, s22, $0x38;
	[tilespmem:$0x18000] =	vst v63  }
0xba: {  	s0 =	sld [smem:$0x7EE]  }
0xbb: {  	[hbm4b:s1+s22] =	stream.strided.scatter [tilespmem:s2], [sflag:$0x2], $0x8000, s23, s22, $0x38;
	[tilespmem:$0x18000] =	vst v63  }
0xbc: {  	s1 =	sld [smem:$0x7EF]  }
0xbd: {  	[hbm4b:s0+s22] =	stream.strided.scatter [tilespmem:s2], [sflag:$0x2], $0x8000, s23, s22, $0x38;
	[tilespmem:$0x18000] =	vst v63  }
0xbe: {  	_ = 	snop  }
0xbf: {  	[hbm4b:s1+s22] =	stream.strided.scatter [tilespmem:s2], [sflag:$0x2], $0x8000, s23, s22, $0x38;
	[tilespmem:$0x18000] =	vst v63  }
0xc0: {  	_ =	swait.ge [sflag:s3], $0x8000  }
0xc1: {  	[sflag:s3] =	ssyncset.done $0x0  }
0xc2: {  	[sflag:s3] =	ssyncadd.s32 $0xFFFF8000  }
0xc3: {  	_ =	swait.ge [sflag:s3], $0x8000  }
0xc4: {  	[sflag:s3] =	ssyncset.done $0x0  }
0xc5: {  	[sflag:s3] =	ssyncadd.s32 $0xFFFF8000  }
0xc6: {  	_ =	swait.ge [sflag:s3], $0x8000  }
0xc7: {  	[sflag:s3] =	ssyncset.done $0x0  }
0xc8: {  	[sflag:s3] =	ssyncadd.s32 $0xFFFF8000  }
0xc9: {  	_ =	swait.ge [sflag:s3], $0x8000  }
0xca: {  	[sflag:s3] =	ssyncset.done $0x0  }
0xcb: {  	[sflag:s3] =	ssyncadd.s32 $0xFFFF8000  }
0xcc: {  	_ =	swait.ge [sflag:s3], $0x8000  }
0xcd: {  	[sflag:s3] =	ssyncset.done $0x0  }
0xce: {  	[sflag:s3] =	ssyncadd.s32 $0xFFFF8000  }
0xcf: {  	_ =	swait.ge [sflag:s3], $0x8000  }
0xd0: {  	[sflag:s3] =	ssyncset.done $0x0  }
0xd1: {  	[sflag:s3] =	ssyncadd.s32 $0xFFFF8000  }
0xd2: {  	_ =	swait.ge [sflag:s3], $0x8000  }
0xd3: {  	[sflag:s3] =	ssyncset.done $0x0  }
0xd4: {  	[sflag:s3] =	ssyncadd.s32 $0xFFFF8000  }
0xd5: {  	_ =	swait.ge [sflag:s3], $0x8000  }
0xd6: {  	s1 =	sld [smem:$0x7F0]  }
0xd7: {  	[sflag:s3] =	ssyncset.done $0x0  }
0xd8: {  	[sflag:s3] =	ssyncadd.s32 $0xFFFF8000  }
0xd9: {  	[tilespmem:s30], [sflag:$0x1] =	stream.linear.gather [hbm4b:s1+s2], $0x8000, $0x38;
	[tilespmem:$0x18000] =	vst v63  }
0xda: {  	_ =	swait.ge [sflag:s24], $0x8000  }
0xdb: {  	s0 =	sld [smem:$0x7F1]  }
0xdc: {  	[sflag:s24] =	ssyncset.done $0x0  }
0xdd: {  	s1 =	sld [smem:$0x7F2];
	[sflag:s24] =	ssyncadd.s32 $0xFFFF8000  }
0xde: {  	[hbm4b:s0+s22] =	stream.strided.scatter [tilespmem:s20], [sflag:$0x2], $0x8000, s23, s22, $0x38;
	[tilespmem:$0x18000] =	vst v63  }
0xdf: {  	s0 =	sld [smem:$0x7F3]  }
0xe0: {  	[hbm4b:s1+s22] =	stream.strided.scatter [tilespmem:s20], [sflag:$0x2], $0x8000, s23, s22, $0x38;
	[tilespmem:$0x18000] =	vst v63  }
0xe1: {  	s1 =	sld [smem:$0x7F4]  }
0xe2: {  	[hbm4b:s0+s22] =	stream.strided.scatter [tilespmem:s20], [sflag:$0x2], $0x8000, s23, s22, $0x38;
	[tilespmem:$0x18000] =	vst v63  }
0xe3: {  	s0 =	sld [smem:$0x7F5]  }
0xe4: {  	[hbm4b:s1+s22] =	stream.strided.scatter [tilespmem:s20], [sflag:$0x2], $0x8000, s23, s22, $0x38;
	[tilespmem:$0x18000] =	vst v63  }
0xe5: {  	s1 =	sld [smem:$0x7F6]  }
0xe6: {  	[hbm4b:s0+s22] =	stream.strided.scatter [tilespmem:s20], [sflag:$0x2], $0x8000, s23, s22, $0x38;
	[tilespmem:$0x18000] =	vst v63  }
0xe7: {  	s0 =	sld [smem:$0x7F7]  }
0xe8: {  	[hbm4b:s1+s22] =	stream.strided.scatter [tilespmem:s20], [sflag:$0x2], $0x8000, s23, s22, $0x38;
	[tilespmem:$0x18000] =	vst v63  }
0xe9: {  	s1 =	sld [smem:$0x7F8]  }
0xea: {  	[hbm4b:s0+s22] =	stream.strided.scatter [tilespmem:s20], [sflag:$0x2], $0x8000, s23, s22, $0x38;
	[tilespmem:$0x18000] =	vst v63  }
0xeb: {  	_ = 	snop  }
0xec: {  	[hbm4b:s1+s22] =	stream.strided.scatter [tilespmem:s20], [sflag:$0x2], $0x8000, s23, s22, $0x38;
	[tilespmem:$0x18000] =	vst v63  }
0xed: {  	_ =	swait.ge [sflag:s3], $0x8000  }
0xee: {  	[sflag:s3] =	ssyncset.done $0x0  }
0xef: {  	[sflag:s3] =	ssyncadd.s32 $0xFFFF8000  }
0xf0: {  	_ =	swait.ge [sflag:s3], $0x8000  }
0xf1: {  	[sflag:s3] =	ssyncset.done $0x0  }
0xf2: {  	[sflag:s3] =	ssyncadd.s32 $0xFFFF8000  }
0xf3: {  	_ =	swait.ge [sflag:s3], $0x8000  }
0xf4: {  	[sflag:s3] =	ssyncset.done $0x0  }
0xf5: {  	[sflag:s3] =	ssyncadd.s32 $0xFFFF8000  }
0xf6: {  	_ =	swait.ge [sflag:s3], $0x8000  }
0xf7: {  	[sflag:s3] =	ssyncset.done $0x0  }
0xf8: {  	[sflag:s3] =	ssyncadd.s32 $0xFFFF8000  }
0xf9: {  	_ =	swait.ge [sflag:s3], $0x8000  }
0xfa: {  	[sflag:s3] =	ssyncset.done $0x0  }
0xfb: {  	[sflag:s3] =	ssyncadd.s32 $0xFFFF8000  }
0xfc: {  	_ =	swait.ge [sflag:s3], $0x8000  }
0xfd: {  	[sflag:s3] =	ssyncset.done $0x0  }
0xfe: {  	[sflag:s3] =	ssyncadd.s32 $0xFFFF8000  }
0xff: {  	_ =	swait.ge [sflag:s3], $0x8000  }
0x100: {  	[sflag:s3] =	ssyncset.done $0x0  }
0x101: {  	[sflag:s3] =	ssyncadd.s32 $0xFFFF8000  }
0x102: {  	_ =	swait.ge [sflag:s3], $0x8000  }
0x103: {  	s1 =	sld [smem:$0x7F9]  }
0x104: {  	[sflag:s3] =	ssyncset.done $0x0  }
0x105: {  	[sflag:s3] =	ssyncadd.s32 $0xFFFF8000  }
0x106: {  	[tilespmem:s2], [sflag:$0x1] =	stream.linear.gather [hbm4b:s1+s2], $0x8000, $0x38;
	[tilespmem:$0x18000] =	vst v63  }
0x107: {  	_ =	swait.ge [sflag:s24], $0x8000  }
0x108: {  	s0 =	sld [smem:$0x7FA]  }
0x109: {  	[sflag:s24] =	ssyncset.done $0x0  }
0x10a: {  	s1 =	sld [smem:$0x7FB];
	[sflag:s24] =	ssyncadd.s32 $0xFFFF8000  }
0x10b: {  	[hbm4b:s0+s22] =	stream.strided.scatter [tilespmem:s30], [sflag:$0x2], $0x8000, s23, s22, $0x38;
	[tilespmem:$0x18000] =	vst v63  }
0x10c: {  	s0 =	sld [smem:$0x7FC]  }
0x10d: {  	[hbm4b:s1+s22] =	stream.strided.scatter [tilespmem:s30], [sflag:$0x2], $0x8000, s23, s22, $0x38;
	[tilespmem:$0x18000] =	vst v63  }
0x10e: {  	s1 =	sld [smem:$0x7FD]  }
0x10f: {  	[hbm4b:s0+s22] =	stream.strided.scatter [tilespmem:s30], [sflag:$0x2], $0x8000, s23, s22, $0x38;
	[tilespmem:$0x18000] =	vst v63  }
0x110: {  	_ = 	snop  }
0x111: {  	[hbm4b:s1+s22] =	stream.strided.scatter [tilespmem:s30], [sflag:$0x2], $0x8000, s23, s22, $0x38;
	[tilespmem:$0x18000] =	vst v63  }
0x112: {  	_ = 	snop  }
0x113: {  	[hbm4b:s25+s22] =	stream.strided.scatter [tilespmem:s30], [sflag:$0x2], $0x8000, s23, s22, $0x38;
	[tilespmem:$0x18000] =	vst v63  }
0x114: {  	_ = 	snop  }
0x115: {  	[hbm4b:s26+s22] =	stream.strided.scatter [tilespmem:s30], [sflag:$0x2], $0x8000, s23, s22, $0x38;
	[tilespmem:$0x18000] =	vst v63  }
0x116: {  	_ = 	snop  }
0x117: {  	[hbm4b:s28+s22] =	stream.strided.scatter [tilespmem:s30], [sflag:$0x2], $0x8000, s23, s22, $0x38;
	[tilespmem:$0x18000] =	vst v63  }
0x118: {  	_ = 	snop  }
0x119: {  	[hbm4b:s29+s22] =	stream.strided.scatter [tilespmem:s30], [sflag:$0x2], $0x8000, s23, s22, $0x38;
	[tilespmem:$0x18000] =	vst v63  }
0x11a: {  	_ =	swait.ge [sflag:s3], $0x8000  }
0x11b: {  	[sflag:s3] =	ssyncset.done $0x0  }
0x11c: {  	[sflag:s3] =	ssyncadd.s32 $0xFFFF8000  }
0x11d: {  	_ =	swait.ge [sflag:s3], $0x8000  }
0x11e: {  	[sflag:s3] =	ssyncset.done $0x0  }
0x11f: {  	[sflag:s3] =	ssyncadd.s32 $0xFFFF8000  }
0x120: {  	_ =	swait.ge [sflag:s3], $0x8000  }
0x121: {  	[sflag:s3] =	ssyncset.done $0x0  }
0x122: {  	[sflag:s3] =	ssyncadd.s32 $0xFFFF8000  }
0x123: {  	_ =	swait.ge [sflag:s3], $0x8000  }
0x124: {  	[sflag:s3] =	ssyncset.done $0x0  }
0x125: {  	[sflag:s3] =	ssyncadd.s32 $0xFFFF8000  }
0x126: {  	_ =	swait.ge [sflag:s3], $0x8000  }
0x127: {  	[sflag:s3] =	ssyncset.done $0x0  }
0x128: {  	[sflag:s3] =	ssyncadd.s32 $0xFFFF8000  }
0x129: {  	_ =	swait.ge [sflag:s3], $0x8000  }
0x12a: {  	[sflag:s3] =	ssyncset.done $0x0  }
0x12b: {  	[sflag:s3] =	ssyncadd.s32 $0xFFFF8000  }
0x12c: {  	_ =	swait.ge [sflag:s3], $0x8000  }
0x12d: {  	[sflag:s3] =	ssyncset.done $0x0  }
0x12e: {  	[sflag:s3] =	ssyncadd.s32 $0xFFFF8000  }
0x12f: {  	_ =	swait.ge [sflag:s3], $0x8000  }
0x130: {  	[sflag:s3] =	ssyncset.done $0x0  }
0x131: {  	[sflag:s3] =	ssyncadd.s32 $0xFFFF8000  }
0x132: {  	[tilespmem:s20], [sflag:$0x1] =	stream.linear.gather [hbm4b:s21+s2], $0x8000, $0x38;
	[tilespmem:$0x18000] =	vst v63  }
0x133: {  	_ =	swait.ge [sflag:s24], $0x8000  }
0x134: {  	[sflag:s24] =	ssyncset.done $0x0  }
0x135: {  	[sflag:s24] =	ssyncadd.s32 $0xFFFF8000  }
0x136: {  	[hbm4b:s12+s22] =	stream.strided.scatter [tilespmem:s2], [sflag:$0x2], $0x8000, s23, s22, $0x38;
	[tilespmem:$0x18000] =	vst v63  }
0x137: {  	_ = 	snop  }
0x138: {  	[hbm4b:s13+s22] =	stream.strided.scatter [tilespmem:s2], [sflag:$0x2], $0x8000, s23, s22, $0x38;
	[tilespmem:$0x18000] =	vst v63  }
0x139: {  	_ = 	snop  }
0x13a: {  	[hbm4b:s14+s22] =	stream.strided.scatter [tilespmem:s2], [sflag:$0x2], $0x8000, s23, s22, $0x38;
	[tilespmem:$0x18000] =	vst v63  }
0x13b: {  	_ = 	snop  }
0x13c: {  	[hbm4b:s15+s22] =	stream.strided.scatter [tilespmem:s2], [sflag:$0x2], $0x8000, s23, s22, $0x38;
	[tilespmem:$0x18000] =	vst v63  }
0x13d: {  	_ = 	snop  }
0x13e: {  	[hbm4b:s16+s22] =	stream.strided.scatter [tilespmem:s2], [sflag:$0x2], $0x8000, s23, s22, $0x38;
	[tilespmem:$0x18000] =	vst v63  }
0x13f: {  	_ = 	snop  }
0x140: {  	[hbm4b:s17+s22] =	stream.strided.scatter [tilespmem:s2], [sflag:$0x2], $0x8000, s23, s22, $0x38;
	[tilespmem:$0x18000] =	vst v63  }
0x141: {  	_ = 	snop  }
0x142: {  	[hbm4b:s18+s22] =	stream.strided.scatter [tilespmem:s2], [sflag:$0x2], $0x8000, s23, s22, $0x38;
	[tilespmem:$0x18000] =	vst v63  }
0x143: {  	_ = 	snop  }
0x144: {  	[hbm4b:s19+s22] =	stream.strided.scatter [tilespmem:s2], [sflag:$0x2], $0x8000, s23, s22, $0x38;
	[tilespmem:$0x18000] =	vst v63  }
0x145: {  	_ =	swait.ge [sflag:s24], $0x8000  }
0x146: {  	[sflag:s24] =	ssyncset.done $0x0  }
0x147: {  	[sflag:s24] =	ssyncadd.s32 $0xFFFF8000  }
0x148: {  	[hbm4b:s4+s22] =	stream.strided.scatter [tilespmem:s20], [sflag:$0x2], $0x8000, s23, s22, $0x38;
	[tilespmem:$0x18000] =	vst v63  }
0x149: {  	_ = 	snop  }
0x14a: {  	[hbm4b:s5+s22] =	stream.strided.scatter [tilespmem:s20], [sflag:$0x2], $0x8000, s23, s22, $0x38;
	[tilespmem:$0x18000] =	vst v63  }
0x14b: {  	_ = 	snop  }
0x14c: {  	[hbm4b:s6+s22] =	stream.strided.scatter [tilespmem:s20], [sflag:$0x2], $0x8000, s23, s22, $0x38;
	[tilespmem:$0x18000] =	vst v63  }
0x14d: {  	_ = 	snop  }
0x14e: {  	[hbm4b:s7+s22] =	stream.strided.scatter [tilespmem:s20], [sflag:$0x2], $0x8000, s23, s22, $0x38;
	[tilespmem:$0x18000] =	vst v63  }
0x14f: {  	_ = 	snop  }
0x150: {  	[hbm4b:s8+s22] =	stream.strided.scatter [tilespmem:s20], [sflag:$0x2], $0x8000, s23, s22, $0x38;
	[tilespmem:$0x18000] =	vst v63  }
0x151: {  	_ = 	snop  }
0x152: {  	[hbm4b:s9+s22] =	stream.strided.scatter [tilespmem:s20], [sflag:$0x2], $0x8000, s23, s22, $0x38;
	[tilespmem:$0x18000] =	vst v63  }
0x153: {  	_ = 	snop  }
0x154: {  	[hbm4b:s10+s22] =	stream.strided.scatter [tilespmem:s20], [sflag:$0x2], $0x8000, s23, s22, $0x38;
	[tilespmem:$0x18000] =	vst v63  }
0x155: {  	_ = 	snop  }
0x156: {  	[hbm4b:s11+s22] =	stream.strided.scatter [tilespmem:s20], [sflag:$0x2], $0x8000, s23, s22, $0x38;
	[tilespmem:$0x18000] =	vst v63  }
0x157: {  	_ =	swait.ge [sflag:s3], $0x8000  }
0x158: {  	[sflag:s3] =	ssyncset.done $0x0  }
0x159: {  	[sflag:s3] =	ssyncadd.s32 $0xFFFF8000  }
0x15a: {  	_ =	swait.ge [sflag:s3], $0x8000  }
0x15b: {  	[sflag:s3] =	ssyncset.done $0x0  }
0x15c: {  	[sflag:s3] =	ssyncadd.s32 $0xFFFF8000  }
0x15d: {  	_ =	swait.ge [sflag:s3], $0x8000  }
0x15e: {  	[sflag:s3] =	ssyncset.done $0x0  }
0x15f: {  	[sflag:s3] =	ssyncadd.s32 $0xFFFF8000  }
0x160: {  	_ =	swait.ge [sflag:s3], $0x8000  }
0x161: {  	[sflag:s3] =	ssyncset.done $0x0  }
0x162: {  	[sflag:s3] =	ssyncadd.s32 $0xFFFF8000  }
0x163: {  	_ =	swait.ge [sflag:s3], $0x8000  }
0x164: {  	[sflag:s3] =	ssyncset.done $0x0  }
0x165: {  	[sflag:s3] =	ssyncadd.s32 $0xFFFF8000  }
0x166: {  	_ =	swait.ge [sflag:s3], $0x8000  }
0x167: {  	[sflag:s3] =	ssyncset.done $0x0  }
0x168: {  	[sflag:s3] =	ssyncadd.s32 $0xFFFF8000  }
0x169: {  	_ =	swait.ge [sflag:s3], $0x8000  }
0x16a: {  	[sflag:s3] =	ssyncset.done $0x0  }
0x16b: {  	[sflag:s3] =	ssyncadd.s32 $0xFFFF8000  }
0x16c: {  	_ =	swait.ge [sflag:s3], $0x8000  }
0x16d: {  	[sflag:s3] =	ssyncset.done $0x0  }
0x16e: {  	[sflag:s3] =	ssyncadd.s32 $0xFFFF8000  }
0x16f: {  	_ =	swait.ge [sflag:s3], $0x8000  }
0x170: {  	[sflag:s3] =	ssyncset.done $0x0  }
0x171: {  	[sflag:s3] =	ssyncadd.s32 $0xFFFF8000  }
0x172: {  	_ =	swait.ge [sflag:s3], $0x8000  }
0x173: {  	[sflag:s3] =	ssyncset.done $0x0  }
0x174: {  	[sflag:s3] =	ssyncadd.s32 $0xFFFF8000  }
0x175: {  	_ =	swait.ge [sflag:s3], $0x8000  }
0x176: {  	[sflag:s3] =	ssyncset.done $0x0  }
0x177: {  	[sflag:s3] =	ssyncadd.s32 $0xFFFF8000  }
0x178: {  	_ =	swait.ge [sflag:s3], $0x8000  }
0x179: {  	[sflag:s3] =	ssyncset.done $0x0  }
0x17a: {  	[sflag:s3] =	ssyncadd.s32 $0xFFFF8000  }
0x17b: {  	_ =	swait.ge [sflag:s3], $0x8000  }
0x17c: {  	[sflag:s3] =	ssyncset.done $0x0  }
0x17d: {  	[sflag:s3] =	ssyncadd.s32 $0xFFFF8000  }
0x17e: {  	_ =	swait.ge [sflag:s3], $0x8000  }
0x17f: {  	[sflag:s3] =	ssyncset.done $0x0  }
0x180: {  	[sflag:s3] =	ssyncadd.s32 $0xFFFF8000  }
0x181: {  	_ =	swait.ge [sflag:s3], $0x8000  }
0x182: {  	[sflag:s3] =	ssyncset.done $0x0  }
0x183: {  	[sflag:s3] =	ssyncadd.s32 $0xFFFF8000  }
0x184: {  	_ =	swait.ge [sflag:s3], $0x8000  }
0x185: {  	[sflag:s3] =	ssyncset.done $0x0  }
0x186: {  	[sflag:s3] =	ssyncadd.s32 $0xFFFF8000  }
0x187: {  	_ =	swait.ge [sflag:s3], $0x8000  }
0x188: {  	[sflag:s3] =	ssyncset.done $0x0  }
0x189: {  	[sflag:s3] =	ssyncadd.s32 $0xFFFF8000  }
0x18a: {  	_ =	swait.ge [sflag:s3], $0x8000  }
0x18b: {  	[sflag:s3] =	ssyncset.done $0x0  }
0x18c: {  	[sflag:s3] =	ssyncadd.s32 $0xFFFF8000  }
0x18d: {  	_ =	swait.ge [sflag:s3], $0x8000  }
0x18e: {  	[sflag:s3] =	ssyncset.done $0x0  }
0x18f: {  	[sflag:s3] =	ssyncadd.s32 $0xFFFF8000  }
0x190: {  	_ =	swait.ge [sflag:s3], $0x8000  }
0x191: {  	[sflag:s3] =	ssyncset.done $0x0  }
0x192: {  	[sflag:s3] =	ssyncadd.s32 $0xFFFF8000  }
0x193: {  	_ =	swait.ge [sflag:s3], $0x8000  }
0x194: {  	[sflag:s3] =	ssyncset.done $0x0  }
0x195: {  	[sflag:s3] =	ssyncadd.s32 $0xFFFF8000  }
0x196: {  	_ =	swait.ge [sflag:s3], $0x8000  }
0x197: {  	[sflag:s3] =	ssyncset.done $0x0  }
0x198: {  	p1 =	sne.s32 s31, $0x1;
	[sflag:s3] =	ssyncadd.s32 $0xFFFF8000  }
.Ltmp1:
0x199: {  	_ =	swait.ge [sflag:s3], $0x8000;
	(pc) =	sbr.rel @!p1 .LBB2_2-.Ltmp1, $4  }
0x19a: {  	[sflag:s3] =	ssyncset.done $0x0  }
0x19b: {  	[sflag:s3] =	ssyncadd.s32 $0xFFFF8000  }
0x19c: {  	_ =	swait.ge [sflag:s3], $0x8000  }
0x19d: {  	p0 =	por $0x1, $0x1;
	s0 =	sadd.s32 $0xFFFFFFFF, s31;
	[sflag:s3] =	ssyncset.done $0x0  }
.LBB2_3:
0x19e: {  	[sflag:s3] =	ssyncadd.s32 $0xFFFF8000  }
0x19f: {  	s31 =	rddreg [dreg:$0x0]  }
0x1a0: {  	[tilespmem:s2], [sflag:$0x1] =	stream.linear.gather [hbm4b:s31+s2], $0x8000, $0x38;
	[tilespmem:$0x18000] =	vst v63  }
0x1a1: {  	s1 =	rddreg [dreg:$0x3]  }
0x1a2: {  	[tilespmem:s20], [sflag:$0x1] =	stream.linear.gather [hbm4b:s1+s2], $0x8000, $0x38;
	[tilespmem:$0x18000] =	vst v63  }
0x1a3: {  	_ =	swait.ge [sflag:s24], $0x8000  }
0x1a4: {  	[sflag:s24] =	ssyncset.done $0x0  }
0x1a5: {  	s1 =	rddreg [dreg:$0x4];
	[sflag:s24] =	ssyncadd.s32 $0xFFFF8000  }
0x1a6: {  	[hbm4b:s1+s22] =	stream.strided.scatter [tilespmem:s2], [sflag:$0x2], $0x8000, s23, s22, $0x38;
	[tilespmem:$0x18000] =	vst v63  }
0x1a7: {  	s31 =	rddreg [dreg:$0x5]  }
0x1a8: {  	[hbm4b:s31+s22] =	stream.strided.scatter [tilespmem:s2], [sflag:$0x2], $0x8000, s23, s22, $0x38;
	[tilespmem:$0x18000] =	vst v63  }
0x1a9: {  	s1 =	rddreg [dreg:$0x6]  }
0x1aa: {  	[hbm4b:s1+s22] =	stream.strided.scatter [tilespmem:s2], [sflag:$0x2], $0x8000, s23, s22, $0x38;
	[tilespmem:$0x18000] =	vst v63  }
0x1ab: {  	s31 =	rddreg [dreg:$0x7]  }
0x1ac: {  	[hbm4b:s31+s22] =	stream.strided.scatter [tilespmem:s2], [sflag:$0x2], $0x8000, s23, s22, $0x38;
	[tilespmem:$0x18000] =	vst v63  }
0x1ad: {  	s1 =	rddreg [dreg:$0x8]  }
0x1ae: {  	[hbm4b:s1+s22] =	stream.strided.scatter [tilespmem:s2], [sflag:$0x2], $0x8000, s23, s22, $0x38;
	[tilespmem:$0x18000] =	vst v63  }
0x1af: {  	s31 =	rddreg [dreg:$0x9]  }
0x1b0: {  	[hbm4b:s31+s22] =	stream.strided.scatter [tilespmem:s2], [sflag:$0x2], $0x8000, s23, s22, $0x38;
	[tilespmem:$0x18000] =	vst v63  }
0x1b1: {  	s1 =	rddreg [dreg:$0xa]  }
0x1b2: {  	[hbm4b:s1+s22] =	stream.strided.scatter [tilespmem:s2], [sflag:$0x2], $0x8000, s23, s22, $0x38;
	[tilespmem:$0x18000] =	vst v63  }
0x1b3: {  	s31 =	rddreg [dreg:$0xb]  }
0x1b4: {  	[hbm4b:s31+s22] =	stream.strided.scatter [tilespmem:s2], [sflag:$0x2], $0x8000, s23, s22, $0x38;
	[tilespmem:$0x18000] =	vst v63  }
0x1b5: {  	s1 =	rddreg [dreg:$0xc]  }
0x1b6: {  	[tilespmem:s30], [sflag:$0x1] =	stream.linear.gather [hbm4b:s1+s2], $0x8000, $0x38;
	[tilespmem:$0x18000] =	vst v63  }
0x1b7: {  	_ =	swait.ge [sflag:s24], $0x8000  }
0x1b8: {  	[sflag:s24] =	ssyncset.done $0x0  }
0x1b9: {  	s1 =	rddreg [dreg:$0xd];
	[sflag:s24] =	ssyncadd.s32 $0xFFFF8000  }
0x1ba: {  	[hbm4b:s1+s22] =	stream.strided.scatter [tilespmem:s20], [sflag:$0x2], $0x8000, s23, s22, $0x38;
	[tilespmem:$0x18000] =	vst v63  }
0x1bb: {  	s31 =	rddreg [dreg:$0xe]  }
0x1bc: {  	[hbm4b:s31+s22] =	stream.strided.scatter [tilespmem:s20], [sflag:$0x2], $0x8000, s23, s22, $0x38;
	[tilespmem:$0x18000] =	vst v63  }
0x1bd: {  	s1 =	rddreg [dreg:$0xf]  }
0x1be: {  	[hbm4b:s1+s22] =	stream.strided.scatter [tilespmem:s20], [sflag:$0x2], $0x8000, s23, s22, $0x38;
	[tilespmem:$0x18000] =	vst v63  }
0x1bf: {  	s31 =	rddreg [dreg:$0x10]  }
0x1c0: {  	[hbm4b:s31+s22] =	stream.strided.scatter [tilespmem:s20], [sflag:$0x2], $0x8000, s23, s22, $0x38;
	[tilespmem:$0x18000] =	vst v63  }
0x1c1: {  	s1 =	rddreg [dreg:$0x11]  }
0x1c2: {  	[hbm4b:s1+s22] =	stream.strided.scatter [tilespmem:s20], [sflag:$0x2], $0x8000, s23, s22, $0x38;
	[tilespmem:$0x18000] =	vst v63  }
0x1c3: {  	s31 =	rddreg [dreg:$0x12]  }
0x1c4: {  	[hbm4b:s31+s22] =	stream.strided.scatter [tilespmem:s20], [sflag:$0x2], $0x8000, s23, s22, $0x38;
	[tilespmem:$0x18000] =	vst v63  }
0x1c5: {  	s1 =	rddreg [dreg:$0x13]  }
0x1c6: {  	[hbm4b:s1+s22] =	stream.strided.scatter [tilespmem:s20], [sflag:$0x2], $0x8000, s23, s22, $0x38;
	[tilespmem:$0x18000] =	vst v63  }
0x1c7: {  	s31 =	rddreg [dreg:$0x14]  }
0x1c8: {  	[hbm4b:s31+s22] =	stream.strided.scatter [tilespmem:s20], [sflag:$0x2], $0x8000, s23, s22, $0x38;
	[tilespmem:$0x18000] =	vst v63  }
0x1c9: {  	_ =	swait.ge [sflag:s3], $0x8000  }
0x1ca: {  	[sflag:s3] =	ssyncset.done $0x0  }
0x1cb: {  	[sflag:s3] =	ssyncadd.s32 $0xFFFF8000  }
0x1cc: {  	_ =	swait.ge [sflag:s3], $0x8000  }
0x1cd: {  	[sflag:s3] =	ssyncset.done $0x0  }
0x1ce: {  	[sflag:s3] =	ssyncadd.s32 $0xFFFF8000  }
0x1cf: {  	_ =	swait.ge [sflag:s3], $0x8000  }
0x1d0: {  	[sflag:s3] =	ssyncset.done $0x0  }
0x1d1: {  	[sflag:s3] =	ssyncadd.s32 $0xFFFF8000  }
0x1d2: {  	_ =	swait.ge [sflag:s3], $0x8000  }
0x1d3: {  	[sflag:s3] =	ssyncset.done $0x0  }
0x1d4: {  	[sflag:s3] =	ssyncadd.s32 $0xFFFF8000  }
0x1d5: {  	_ =	swait.ge [sflag:s3], $0x8000  }
0x1d6: {  	[sflag:s3] =	ssyncset.done $0x0  }
0x1d7: {  	[sflag:s3] =	ssyncadd.s32 $0xFFFF8000  }
0x1d8: {  	_ =	swait.ge [sflag:s3], $0x8000  }
0x1d9: {  	[sflag:s3] =	ssyncset.done $0x0  }
0x1da: {  	[sflag:s3] =	ssyncadd.s32 $0xFFFF8000  }
0x1db: {  	_ =	swait.ge [sflag:s3], $0x8000  }
0x1dc: {  	[sflag:s3] =	ssyncset.done $0x0  }
0x1dd: {  	[sflag:s3] =	ssyncadd.s32 $0xFFFF8000  }
0x1de: {  	_ =	swait.ge [sflag:s3], $0x8000  }
0x1df: {  	[sflag:s3] =	ssyncset.done $0x0  }
0x1e0: {  	s31 =	rddreg [dreg:$0x15];
	[sflag:s3] =	ssyncadd.s32 $0xFFFF8000  }
0x1e1: {  	[tilespmem:s2], [sflag:$0x1] =	stream.linear.gather [hbm4b:s31+s2], $0x8000, $0x38;
	[tilespmem:$0x18000] =	vst v63  }
0x1e2: {  	_ =	swait.ge [sflag:s24], $0x8000  }
0x1e3: {  	[sflag:s24] =	ssyncset.done $0x0  }
0x1e4: {  	s1 =	rddreg [dreg:$0x16];
	[sflag:s24] =	ssyncadd.s32 $0xFFFF8000  }
0x1e5: {  	[hbm4b:s1+s22] =	stream.strided.scatter [tilespmem:s30], [sflag:$0x2], $0x8000, s23, s22, $0x38;
	[tilespmem:$0x18000] =	vst v63  }
0x1e6: {  	s31 =	rddreg [dreg:$0x17]  }
0x1e7: {  	[hbm4b:s31+s22] =	stream.strided.scatter [tilespmem:s30], [sflag:$0x2], $0x8000, s23, s22, $0x38;
	[tilespmem:$0x18000] =	vst v63  }
0x1e8: {  	s1 =	rddreg [dreg:$0x18]  }
0x1e9: {  	[hbm4b:s1+s22] =	stream.strided.scatter [tilespmem:s30], [sflag:$0x2], $0x8000, s23, s22, $0x38;
	[tilespmem:$0x18000] =	vst v63  }
0x1ea: {  	s31 =	rddreg [dreg:$0x19]  }
0x1eb: {  	[hbm4b:s31+s22] =	stream.strided.scatter [tilespmem:s30], [sflag:$0x2], $0x8000, s23, s22, $0x38;
	[tilespmem:$0x18000] =	vst v63  }
0x1ec: {  	s1 =	rddreg [dreg:$0x1a]  }
0x1ed: {  	[hbm4b:s1+s22] =	stream.strided.scatter [tilespmem:s30], [sflag:$0x2], $0x8000, s23, s22, $0x38;
	[tilespmem:$0x18000] =	vst v63  }
0x1ee: {  	s31 =	rddreg [dreg:$0x1b]  }
0x1ef: {  	[hbm4b:s31+s22] =	stream.strided.scatter [tilespmem:s30], [sflag:$0x2], $0x8000, s23, s22, $0x38;
	[tilespmem:$0x18000] =	vst v63  }
0x1f0: {  	s1 =	rddreg [dreg:$0x1c]  }
0x1f1: {  	[hbm4b:s1+s22] =	stream.strided.scatter [tilespmem:s30], [sflag:$0x2], $0x8000, s23, s22, $0x38;
	[tilespmem:$0x18000] =	vst v63  }
0x1f2: {  	s31 =	rddreg [dreg:$0x1d]  }
0x1f3: {  	[hbm4b:s31+s22] =	stream.strided.scatter [tilespmem:s30], [sflag:$0x2], $0x8000, s23, s22, $0x38;
	[tilespmem:$0x18000] =	vst v63  }
0x1f4: {  	_ =	swait.ge [sflag:s3], $0x8000  }
0x1f5: {  	[sflag:s3] =	ssyncset.done $0x0  }
0x1f6: {  	[sflag:s3] =	ssyncadd.s32 $0xFFFF8000  }
0x1f7: {  	_ =	swait.ge [sflag:s3], $0x8000  }
0x1f8: {  	[sflag:s3] =	ssyncset.done $0x0  }
0x1f9: {  	[sflag:s3] =	ssyncadd.s32 $0xFFFF8000  }
0x1fa: {  	_ =	swait.ge [sflag:s3], $0x8000  }
0x1fb: {  	[sflag:s3] =	ssyncset.done $0x0  }
0x1fc: {  	[sflag:s3] =	ssyncadd.s32 $0xFFFF8000  }
0x1fd: {  	_ =	swait.ge [sflag:s3], $0x8000  }
0x1fe: {  	[sflag:s3] =	ssyncset.done $0x0  }
0x1ff: {  	[sflag:s3] =	ssyncadd.s32 $0xFFFF8000  }
0x200: {  	_ =	swait.ge [sflag:s3], $0x8000  }
0x201: {  	[sflag:s3] =	ssyncset.done $0x0  }
0x202: {  	[sflag:s3] =	ssyncadd.s32 $0xFFFF8000  }
0x203: {  	_ =	swait.ge [sflag:s3], $0x8000  }
0x204: {  	[sflag:s3] =	ssyncset.done $0x0  }
0x205: {  	[sflag:s3] =	ssyncadd.s32 $0xFFFF8000  }
0x206: {  	_ =	swait.ge [sflag:s3], $0x8000  }
0x207: {  	[sflag:s3] =	ssyncset.done $0x0  }
0x208: {  	[sflag:s3] =	ssyncadd.s32 $0xFFFF8000  }
0x209: {  	_ =	swait.ge [sflag:s3], $0x8000  }
0x20a: {  	[sflag:s3] =	ssyncset.done $0x0  }
0x20b: {  	s31 =	rddreg [dreg:$0x1e];
	[sflag:s3] =	ssyncadd.s32 $0xFFFF8000  }
0x20c: {  	[tilespmem:s20], [sflag:$0x1] =	stream.linear.gather [hbm4b:s31+s2], $0x8000, $0x38;
	[tilespmem:$0x18000] =	vst v63  }
0x20d: {  	_ =	swait.ge [sflag:s24], $0x8000  }
0x20e: {  	s1 =	rddreg [dreg:$0x1f];
	[sflag:s24] =	ssyncset.done $0x0  }
0x20f: {  	s31 =	sld [smem:$0x7E9];
	[sflag:s24] =	ssyncadd.s32 $0xFFFF8000  }
0x210: {  	[hbm4b:s1+s22] =	stream.strided.scatter [tilespmem:s2], [sflag:$0x2], $0x8000, s23, s22, $0x38;
	[tilespmem:$0x18000] =	vst v63  }
0x211: {  	s1 =	sld [smem:$0x7EA]  }
0x212: {  	[hbm4b:s31+s22] =	stream.strided.scatter [tilespmem:s2], [sflag:$0x2], $0x8000, s23, s22, $0x38;
	[tilespmem:$0x18000] =	vst v63  }
0x213: {  	s31 =	sld [smem:$0x7EB]  }
0x214: {  	[hbm4b:s1+s22] =	stream.strided.scatter [tilespmem:s2], [sflag:$0x2], $0x8000, s23, s22, $0x38;
	[tilespmem:$0x18000] =	vst v63  }
0x215: {  	s1 =	sld [smem:$0x7EC]  }
0x216: {  	[hbm4b:s31+s22] =	stream.strided.scatter [tilespmem:s2], [sflag:$0x2], $0x8000, s23, s22, $0x38;
	[tilespmem:$0x18000] =	vst v63  }
0x217: {  	s31 =	sld [smem:$0x7ED]  }
0x218: {  	[hbm4b:s1+s22] =	stream.strided.scatter [tilespmem:s2], [sflag:$0x2], $0x8000, s23, s22, $0x38;
	[tilespmem:$0x18000] =	vst v63  }
0x219: {  	s1 =	sld [smem:$0x7EE]  }
0x21a: {  	[hbm4b:s31+s22] =	stream.strided.scatter [tilespmem:s2], [sflag:$0x2], $0x8000, s23, s22, $0x38;
	[tilespmem:$0x18000] =	vst v63  }
0x21b: {  	s31 =	sld [smem:$0x7EF]  }
0x21c: {  	[hbm4b:s1+s22] =	stream.strided.scatter [tilespmem:s2], [sflag:$0x2], $0x8000, s23, s22, $0x38;
	[tilespmem:$0x18000] =	vst v63  }
0x21d: {  	_ = 	snop  }
0x21e: {  	[hbm4b:s31+s22] =	stream.strided.scatter [tilespmem:s2], [sflag:$0x2], $0x8000, s23, s22, $0x38;
	[tilespmem:$0x18000] =	vst v63  }
0x21f: {  	_ =	swait.ge [sflag:s3], $0x8000  }
0x220: {  	[sflag:s3] =	ssyncset.done $0x0  }
0x221: {  	[sflag:s3] =	ssyncadd.s32 $0xFFFF8000  }
0x222: {  	_ =	swait.ge [sflag:s3], $0x8000  }
0x223: {  	[sflag:s3] =	ssyncset.done $0x0  }
0x224: {  	[sflag:s3] =	ssyncadd.s32 $0xFFFF8000  }
0x225: {  	_ =	swait.ge [sflag:s3], $0x8000  }
0x226: {  	[sflag:s3] =	ssyncset.done $0x0  }
0x227: {  	[sflag:s3] =	ssyncadd.s32 $0xFFFF8000  }
0x228: {  	_ =	swait.ge [sflag:s3], $0x8000  }
0x229: {  	[sflag:s3] =	ssyncset.done $0x0  }
0x22a: {  	[sflag:s3] =	ssyncadd.s32 $0xFFFF8000  }
0x22b: {  	_ =	swait.ge [sflag:s3], $0x8000  }
0x22c: {  	[sflag:s3] =	ssyncset.done $0x0  }
0x22d: {  	[sflag:s3] =	ssyncadd.s32 $0xFFFF8000  }
0x22e: {  	_ =	swait.ge [sflag:s3], $0x8000  }
0x22f: {  	[sflag:s3] =	ssyncset.done $0x0  }
0x230: {  	[sflag:s3] =	ssyncadd.s32 $0xFFFF8000  }
0x231: {  	_ =	swait.ge [sflag:s3], $0x8000  }
0x232: {  	[sflag:s3] =	ssyncset.done $0x0  }
0x233: {  	[sflag:s3] =	ssyncadd.s32 $0xFFFF8000  }
0x234: {  	_ =	swait.ge [sflag:s3], $0x8000  }
0x235: {  	s31 =	sld [smem:$0x7F0]  }
0x236: {  	[sflag:s3] =	ssyncset.done $0x0  }
0x237: {  	[sflag:s3] =	ssyncadd.s32 $0xFFFF8000  }
0x238: {  	[tilespmem:s30], [sflag:$0x1] =	stream.linear.gather [hbm4b:s31+s2], $0x8000, $0x38;
	[tilespmem:$0x18000] =	vst v63  }
0x239: {  	_ =	swait.ge [sflag:s24], $0x8000  }
0x23a: {  	s1 =	sld [smem:$0x7F1]  }
0x23b: {  	[sflag:s24] =	ssyncset.done $0x0  }
0x23c: {  	s31 =	sld [smem:$0x7F2];
	[sflag:s24] =	ssyncadd.s32 $0xFFFF8000  }
0x23d: {  	[hbm4b:s1+s22] =	stream.strided.scatter [tilespmem:s20], [sflag:$0x2], $0x8000, s23, s22, $0x38;
	[tilespmem:$0x18000] =	vst v63  }
0x23e: {  	s1 =	sld [smem:$0x7F3]  }
0x23f: {  	[hbm4b:s31+s22] =	stream.strided.scatter [tilespmem:s20], [sflag:$0x2], $0x8000, s23, s22, $0x38;
	[tilespmem:$0x18000] =	vst v63  }
0x240: {  	s31 =	sld [smem:$0x7F4]  }
0x241: {  	[hbm4b:s1+s22] =	stream.strided.scatter [tilespmem:s20], [sflag:$0x2], $0x8000, s23, s22, $0x38;
	[tilespmem:$0x18000] =	vst v63  }
0x242: {  	s1 =	sld [smem:$0x7F5]  }
0x243: {  	[hbm4b:s31+s22] =	stream.strided.scatter [tilespmem:s20], [sflag:$0x2], $0x8000, s23, s22, $0x38;
	[tilespmem:$0x18000] =	vst v63  }
0x244: {  	s31 =	sld [smem:$0x7F6]  }
0x245: {  	[hbm4b:s1+s22] =	stream.strided.scatter [tilespmem:s20], [sflag:$0x2], $0x8000, s23, s22, $0x38;
	[tilespmem:$0x18000] =	vst v63  }
0x246: {  	s1 =	sld [smem:$0x7F7]  }
0x247: {  	[hbm4b:s31+s22] =	stream.strided.scatter [tilespmem:s20], [sflag:$0x2], $0x8000, s23, s22, $0x38;
	[tilespmem:$0x18000] =	vst v63  }
0x248: {  	s31 =	sld [smem:$0x7F8]  }
0x249: {  	[hbm4b:s1+s22] =	stream.strided.scatter [tilespmem:s20], [sflag:$0x2], $0x8000, s23, s22, $0x38;
	[tilespmem:$0x18000] =	vst v63  }
0x24a: {  	_ = 	snop  }
0x24b: {  	[hbm4b:s31+s22] =	stream.strided.scatter [tilespmem:s20], [sflag:$0x2], $0x8000, s23, s22, $0x38;
	[tilespmem:$0x18000] =	vst v63  }
0x24c: {  	_ =	swait.ge [sflag:s3], $0x8000  }
0x24d: {  	[sflag:s3] =	ssyncset.done $0x0  }
0x24e: {  	[sflag:s3] =	ssyncadd.s32 $0xFFFF8000  }
0x24f: {  	_ =	swait.ge [sflag:s3], $0x8000  }
0x250: {  	[sflag:s3] =	ssyncset.done $0x0  }
0x251: {  	[sflag:s3] =	ssyncadd.s32 $0xFFFF8000  }
0x252: {  	_ =	swait.ge [sflag:s3], $0x8000  }
0x253: {  	[sflag:s3] =	ssyncset.done $0x0  }
0x254: {  	[sflag:s3] =	ssyncadd.s32 $0xFFFF8000  }
0x255: {  	_ =	swait.ge [sflag:s3], $0x8000  }
0x256: {  	[sflag:s3] =	ssyncset.done $0x0  }
0x257: {  	[sflag:s3] =	ssyncadd.s32 $0xFFFF8000  }
0x258: {  	_ =	swait.ge [sflag:s3], $0x8000  }
0x259: {  	[sflag:s3] =	ssyncset.done $0x0  }
0x25a: {  	[sflag:s3] =	ssyncadd.s32 $0xFFFF8000  }
0x25b: {  	_ =	swait.ge [sflag:s3], $0x8000  }
0x25c: {  	[sflag:s3] =	ssyncset.done $0x0  }
0x25d: {  	[sflag:s3] =	ssyncadd.s32 $0xFFFF8000  }
0x25e: {  	_ =	swait.ge [sflag:s3], $0x8000  }
0x25f: {  	[sflag:s3] =	ssyncset.done $0x0  }
0x260: {  	[sflag:s3] =	ssyncadd.s32 $0xFFFF8000  }
0x261: {  	_ =	swait.ge [sflag:s3], $0x8000  }
0x262: {  	s31 =	sld [smem:$0x7F9]  }
0x263: {  	[sflag:s3] =	ssyncset.done $0x0  }
0x264: {  	[sflag:s3] =	ssyncadd.s32 $0xFFFF8000  }
0x265: {  	[tilespmem:s2], [sflag:$0x1] =	stream.linear.gather [hbm4b:s31+s2], $0x8000, $0x38;
	[tilespmem:$0x18000] =	vst v63  }
0x266: {  	_ =	swait.ge [sflag:s24], $0x8000  }
0x267: {  	s1 =	sld [smem:$0x7FA]  }
0x268: {  	[sflag:s24] =	ssyncset.done $0x0  }
0x269: {  	s31 =	sld [smem:$0x7FB];
	[sflag:s24] =	ssyncadd.s32 $0xFFFF8000  }
0x26a: {  	[hbm4b:s1+s22] =	stream.strided.scatter [tilespmem:s30], [sflag:$0x2], $0x8000, s23, s22, $0x38;
	[tilespmem:$0x18000] =	vst v63  }
0x26b: {  	s1 =	sld [smem:$0x7FC]  }
0x26c: {  	[hbm4b:s31+s22] =	stream.strided.scatter [tilespmem:s30], [sflag:$0x2], $0x8000, s23, s22, $0x38;
	[tilespmem:$0x18000] =	vst v63  }
0x26d: {  	s31 =	sld [smem:$0x7FD]  }
0x26e: {  	[hbm4b:s1+s22] =	stream.strided.scatter [tilespmem:s30], [sflag:$0x2], $0x8000, s23, s22, $0x38;
	[tilespmem:$0x18000] =	vst v63  }
0x26f: {  	_ = 	snop  }
0x270: {  	[hbm4b:s31+s22] =	stream.strided.scatter [tilespmem:s30], [sflag:$0x2], $0x8000, s23, s22, $0x38;
	[tilespmem:$0x18000] =	vst v63  }
0x271: {  	_ = 	snop  }
0x272: {  	[hbm4b:s25+s22] =	stream.strided.scatter [tilespmem:s30], [sflag:$0x2], $0x8000, s23, s22, $0x38;
	[tilespmem:$0x18000] =	vst v63  }
0x273: {  	_ = 	snop  }
0x274: {  	[hbm4b:s26+s22] =	stream.strided.scatter [tilespmem:s30], [sflag:$0x2], $0x8000, s23, s22, $0x38;
	[tilespmem:$0x18000] =	vst v63  }
0x275: {  	_ = 	snop  }
0x276: {  	[hbm4b:s28+s22] =	stream.strided.scatter [tilespmem:s30], [sflag:$0x2], $0x8000, s23, s22, $0x38;
	[tilespmem:$0x18000] =	vst v63  }
0x277: {  	_ = 	snop  }
0x278: {  	[hbm4b:s29+s22] =	stream.strided.scatter [tilespmem:s30], [sflag:$0x2], $0x8000, s23, s22, $0x38;
	[tilespmem:$0x18000] =	vst v63  }
0x279: {  	_ =	swait.ge [sflag:s3], $0x8000  }
0x27a: {  	[sflag:s3] =	ssyncset.done $0x0  }
0x27b: {  	[sflag:s3] =	ssyncadd.s32 $0xFFFF8000  }
0x27c: {  	_ =	swait.ge [sflag:s3], $0x8000  }
0x27d: {  	[sflag:s3] =	ssyncset.done $0x0  }
0x27e: {  	[sflag:s3] =	ssyncadd.s32 $0xFFFF8000  }
0x27f: {  	_ =	swait.ge [sflag:s3], $0x8000  }
0x280: {  	[sflag:s3] =	ssyncset.done $0x0  }
0x281: {  	[sflag:s3] =	ssyncadd.s32 $0xFFFF8000  }
0x282: {  	_ =	swait.ge [sflag:s3], $0x8000  }
0x283: {  	[sflag:s3] =	ssyncset.done $0x0  }
0x284: {  	[sflag:s3] =	ssyncadd.s32 $0xFFFF8000  }
0x285: {  	_ =	swait.ge [sflag:s3], $0x8000  }
0x286: {  	[sflag:s3] =	ssyncset.done $0x0  }
0x287: {  	[sflag:s3] =	ssyncadd.s32 $0xFFFF8000  }
0x288: {  	_ =	swait.ge [sflag:s3], $0x8000  }
0x289: {  	[sflag:s3] =	ssyncset.done $0x0  }
0x28a: {  	[sflag:s3] =	ssyncadd.s32 $0xFFFF8000  }
0x28b: {  	_ =	swait.ge [sflag:s3], $0x8000  }
0x28c: {  	[sflag:s3] =	ssyncset.done $0x0  }
0x28d: {  	[sflag:s3] =	ssyncadd.s32 $0xFFFF8000  }
0x28e: {  	_ =	swait.ge [sflag:s3], $0x8000  }
0x28f: {  	[sflag:s3] =	ssyncset.done $0x0  }
0x290: {  	[sflag:s3] =	ssyncadd.s32 $0xFFFF8000  }
0x291: {  	[tilespmem:s20], [sflag:$0x1] =	stream.linear.gather [hbm4b:s21+s2], $0x8000, $0x38;
	[tilespmem:$0x18000] =	vst v63  }
0x292: {  	_ =	swait.ge [sflag:s24], $0x8000  }
0x293: {  	[sflag:s24] =	ssyncset.done $0x0  }
0x294: {  	[sflag:s24] =	ssyncadd.s32 $0xFFFF8000  }
0x295: {  	[hbm4b:s12+s22] =	stream.strided.scatter [tilespmem:s2], [sflag:$0x2], $0x8000, s23, s22, $0x38;
	[tilespmem:$0x18000] =	vst v63  }
0x296: {  	_ = 	snop  }
0x297: {  	[hbm4b:s13+s22] =	stream.strided.scatter [tilespmem:s2], [sflag:$0x2], $0x8000, s23, s22, $0x38;
	[tilespmem:$0x18000] =	vst v63  }
0x298: {  	_ = 	snop  }
0x299: {  	[hbm4b:s14+s22] =	stream.strided.scatter [tilespmem:s2], [sflag:$0x2], $0x8000, s23, s22, $0x38;
	[tilespmem:$0x18000] =	vst v63  }
0x29a: {  	_ = 	snop  }
0x29b: {  	[hbm4b:s15+s22] =	stream.strided.scatter [tilespmem:s2], [sflag:$0x2], $0x8000, s23, s22, $0x38;
	[tilespmem:$0x18000] =	vst v63  }
0x29c: {  	_ = 	snop  }
0x29d: {  	[hbm4b:s16+s22] =	stream.strided.scatter [tilespmem:s2], [sflag:$0x2], $0x8000, s23, s22, $0x38;
	[tilespmem:$0x18000] =	vst v63  }
0x29e: {  	_ = 	snop  }
0x29f: {  	[hbm4b:s17+s22] =	stream.strided.scatter [tilespmem:s2], [sflag:$0x2], $0x8000, s23, s22, $0x38;
	[tilespmem:$0x18000] =	vst v63  }
0x2a0: {  	_ = 	snop  }
0x2a1: {  	[hbm4b:s18+s22] =	stream.strided.scatter [tilespmem:s2], [sflag:$0x2], $0x8000, s23, s22, $0x38;
	[tilespmem:$0x18000] =	vst v63  }
0x2a2: {  	_ = 	snop  }
0x2a3: {  	[hbm4b:s19+s22] =	stream.strided.scatter [tilespmem:s2], [sflag:$0x2], $0x8000, s23, s22, $0x38;
	[tilespmem:$0x18000] =	vst v63  }
0x2a4: {  	_ =	swait.ge [sflag:s24], $0x8000  }
0x2a5: {  	[sflag:s24] =	ssyncset.done $0x0  }
0x2a6: {  	[sflag:s24] =	ssyncadd.s32 $0xFFFF8000  }
0x2a7: {  	[hbm4b:s4+s22] =	stream.strided.scatter [tilespmem:s20], [sflag:$0x2], $0x8000, s23, s22, $0x38;
	[tilespmem:$0x18000] =	vst v63  }
0x2a8: {  	_ = 	snop  }
0x2a9: {  	[hbm4b:s5+s22] =	stream.strided.scatter [tilespmem:s20], [sflag:$0x2], $0x8000, s23, s22, $0x38;
	[tilespmem:$0x18000] =	vst v63  }
0x2aa: {  	_ = 	snop  }
0x2ab: {  	[hbm4b:s6+s22] =	stream.strided.scatter [tilespmem:s20], [sflag:$0x2], $0x8000, s23, s22, $0x38;
	[tilespmem:$0x18000] =	vst v63  }
0x2ac: {  	_ = 	snop  }
0x2ad: {  	[hbm4b:s7+s22] =	stream.strided.scatter [tilespmem:s20], [sflag:$0x2], $0x8000, s23, s22, $0x38;
	[tilespmem:$0x18000] =	vst v63  }
0x2ae: {  	_ = 	snop  }
0x2af: {  	[hbm4b:s8+s22] =	stream.strided.scatter [tilespmem:s20], [sflag:$0x2], $0x8000, s23, s22, $0x38;
	[tilespmem:$0x18000] =	vst v63  }
0x2b0: {  	_ = 	snop  }
0x2b1: {  	[hbm4b:s9+s22] =	stream.strided.scatter [tilespmem:s20], [sflag:$0x2], $0x8000, s23, s22, $0x38;
	[tilespmem:$0x18000] =	vst v63  }
0x2b2: {  	_ = 	snop  }
0x2b3: {  	[hbm4b:s10+s22] =	stream.strided.scatter [tilespmem:s20], [sflag:$0x2], $0x8000, s23, s22, $0x38;
	[tilespmem:$0x18000] =	vst v63  }
0x2b4: {  	_ = 	snop  }
0x2b5: {  	[hbm4b:s11+s22] =	stream.strided.scatter [tilespmem:s20], [sflag:$0x2], $0x8000, s23, s22, $0x38;
	[tilespmem:$0x18000] =	vst v63  }
0x2b6: {  	_ =	swait.ge [sflag:s3], $0x8000  }
0x2b7: {  	[sflag:s3] =	ssyncset.done $0x0  }
0x2b8: {  	[sflag:s3] =	ssyncadd.s32 $0xFFFF8000  }
0x2b9: {  	_ =	swait.ge [sflag:s3], $0x8000  }
0x2ba: {  	[sflag:s3] =	ssyncset.done $0x0  }
0x2bb: {  	[sflag:s3] =	ssyncadd.s32 $0xFFFF8000  }
0x2bc: {  	_ =	swait.ge [sflag:s3], $0x8000  }
0x2bd: {  	[sflag:s3] =	ssyncset.done $0x0  }
0x2be: {  	[sflag:s3] =	ssyncadd.s32 $0xFFFF8000  }
0x2bf: {  	_ =	swait.ge [sflag:s3], $0x8000  }
0x2c0: {  	[sflag:s3] =	ssyncset.done $0x0  }
0x2c1: {  	[sflag:s3] =	ssyncadd.s32 $0xFFFF8000  }
0x2c2: {  	_ =	swait.ge [sflag:s3], $0x8000  }
0x2c3: {  	[sflag:s3] =	ssyncset.done $0x0  }
0x2c4: {  	[sflag:s3] =	ssyncadd.s32 $0xFFFF8000  }
0x2c5: {  	_ =	swait.ge [sflag:s3], $0x8000  }
0x2c6: {  	[sflag:s3] =	ssyncset.done $0x0  }
0x2c7: {  	[sflag:s3] =	ssyncadd.s32 $0xFFFF8000  }
0x2c8: {  	_ =	swait.ge [sflag:s3], $0x8000  }
0x2c9: {  	[sflag:s3] =	ssyncset.done $0x0  }
0x2ca: {  	[sflag:s3] =	ssyncadd.s32 $0xFFFF8000  }
0x2cb: {  	_ =	swait.ge [sflag:s3], $0x8000  }
0x2cc: {  	[sflag:s3] =	ssyncset.done $0x0  }
0x2cd: {  	[sflag:s3] =	ssyncadd.s32 $0xFFFF8000  }
0x2ce: {  	_ =	swait.ge [sflag:s3], $0x8000  }
0x2cf: {  	[sflag:s3] =	ssyncset.done $0x0  }
0x2d0: {  	[sflag:s3] =	ssyncadd.s32 $0xFFFF8000  }
0x2d1: {  	_ =	swait.ge [sflag:s3], $0x8000  }
0x2d2: {  	[sflag:s3] =	ssyncset.done $0x0  }
0x2d3: {  	[sflag:s3] =	ssyncadd.s32 $0xFFFF8000  }
0x2d4: {  	_ =	swait.ge [sflag:s3], $0x8000  }
0x2d5: {  	[sflag:s3] =	ssyncset.done $0x0  }
0x2d6: {  	[sflag:s3] =	ssyncadd.s32 $0xFFFF8000  }
0x2d7: {  	_ =	swait.ge [sflag:s3], $0x8000  }
0x2d8: {  	[sflag:s3] =	ssyncset.done $0x0  }
0x2d9: {  	[sflag:s3] =	ssyncadd.s32 $0xFFFF8000  }
0x2da: {  	_ =	swait.ge [sflag:s3], $0x8000  }
0x2db: {  	[sflag:s3] =	ssyncset.done $0x0  }
0x2dc: {  	[sflag:s3] =	ssyncadd.s32 $0xFFFF8000  }
0x2dd: {  	_ =	swait.ge [sflag:s3], $0x8000  }
0x2de: {  	[sflag:s3] =	ssyncset.done $0x0  }
0x2df: {  	[sflag:s3] =	ssyncadd.s32 $0xFFFF8000  }
0x2e0: {  	_ =	swait.ge [sflag:s3], $0x8000  }
0x2e1: {  	[sflag:s3] =	ssyncset.done $0x0  }
0x2e2: {  	[sflag:s3] =	ssyncadd.s32 $0xFFFF8000  }
0x2e3: {  	_ =	swait.ge [sflag:s3], $0x8000  }
0x2e4: {  	[sflag:s3] =	ssyncset.done $0x0  }
0x2e5: {  	[sflag:s3] =	ssyncadd.s32 $0xFFFF8000  }
0x2e6: {  	_ =	swait.ge [sflag:s3], $0x8000  }
0x2e7: {  	[sflag:s3] =	ssyncset.done $0x0  }
0x2e8: {  	[sflag:s3] =	ssyncadd.s32 $0xFFFF8000  }
0x2e9: {  	_ =	swait.ge [sflag:s3], $0x8000  }
0x2ea: {  	[sflag:s3] =	ssyncset.done $0x0  }
0x2eb: {  	[sflag:s3] =	ssyncadd.s32 $0xFFFF8000  }
0x2ec: {  	_ =	swait.ge [sflag:s3], $0x8000  }
0x2ed: {  	[sflag:s3] =	ssyncset.done $0x0  }
0x2ee: {  	[sflag:s3] =	ssyncadd.s32 $0xFFFF8000  }
0x2ef: {  	_ =	swait.ge [sflag:s3], $0x8000  }
0x2f0: {  	[sflag:s3] =	ssyncset.done $0x0  }
0x2f1: {  	[sflag:s3] =	ssyncadd.s32 $0xFFFF8000  }
0x2f2: {  	_ =	swait.ge [sflag:s3], $0x8000  }
0x2f3: {  	[sflag:s3] =	ssyncset.done $0x0  }
0x2f4: {  	[sflag:s3] =	ssyncadd.s32 $0xFFFF8000  }
0x2f5: {  	_ =	swait.ge [sflag:s3], $0x8000  }
0x2f6: {  	[sflag:s3] =	ssyncset.done $0x0  }
0x2f7: {  	p1 =	sne.s32 s0, $0x1;
	[sflag:s3] =	ssyncadd.s32 $0xFFFF8000  }
.Ltmp2:
0x2f8: {  	_ =	swait.ge [sflag:s3], $0x8000;
	(pc) =	sbr.rel @p1 .LBB2_3-.Ltmp2, $4  }
0x2f9: {  	[sflag:s3] =	ssyncset.done $0x0  }
0x2fa: {  	[sflag:s3] =	ssyncadd.s32 $0xFFFF8000  }
0x2fb: {  	_ =	swait.ge [sflag:s3], $0x8000  }
0x2fc: {  	s0 =	sadd.s32 $0xFFFFFFFF, s0;
	[sflag:s3] =	ssyncset.done $0x0  }
0x2fd: {  	s31 =	rddreg [dreg:$0x2]  }
0x2fe: {  	s1 =	rddreg [dreg:$0x0]  }
.LBB2_5:
0x2ff: {  	[sflag:s3] =	ssyncadd.s32 @p0 $0xFFFF8000  }
0x300: {  	[tilespmem:s2], [sflag:$0x1] =	stream.linear.gather [hbm4b:s1+s2], $0x8000, $0x38;
	[tilespmem:$0x18000] =	vst v63  }
0x301: {  	s0 =	rddreg [dreg:$0x3]  }
0x302: {  	[tilespmem:s20], [sflag:$0x1] =	stream.linear.gather [hbm4b:s0+s2], $0x8000, $0x38;
	[tilespmem:$0x18000] =	vst v63  }
0x303: {  	_ =	swait.ge [sflag:s24], $0x8000  }
0x304: {  	[sflag:s24] =	ssyncset.done $0x0  }
0x305: {  	s0 =	rddreg [dreg:$0x4];
	[sflag:s24] =	ssyncadd.s32 $0xFFFF8000  }
0x306: {  	[hbm4b:s0+s22] =	stream.strided.scatter [tilespmem:s2], [sflag:$0x2], $0x8000, s23, s22, $0x38;
	[tilespmem:$0x18000] =	vst v63  }
0x307: {  	s1 =	rddreg [dreg:$0x5]  }
0x308: {  	[hbm4b:s1+s22] =	stream.strided.scatter [tilespmem:s2], [sflag:$0x2], $0x8000, s23, s22, $0x38;
	[tilespmem:$0x18000] =	vst v63  }
0x309: {  	s0 =	rddreg [dreg:$0x6]  }
0x30a: {  	[hbm4b:s0+s22] =	stream.strided.scatter [tilespmem:s2], [sflag:$0x2], $0x8000, s23, s22, $0x38;
	[tilespmem:$0x18000] =	vst v63  }
0x30b: {  	s1 =	rddreg [dreg:$0x7]  }
0x30c: {  	[hbm4b:s1+s22] =	stream.strided.scatter [tilespmem:s2], [sflag:$0x2], $0x8000, s23, s22, $0x38;
	[tilespmem:$0x18000] =	vst v63  }
0x30d: {  	s0 =	rddreg [dreg:$0x8]  }
0x30e: {  	[hbm4b:s0+s22] =	stream.strided.scatter [tilespmem:s2], [sflag:$0x2], $0x8000, s23, s22, $0x38;
	[tilespmem:$0x18000] =	vst v63  }
0x30f: {  	s1 =	rddreg [dreg:$0x9]  }
0x310: {  	[hbm4b:s1+s22] =	stream.strided.scatter [tilespmem:s2], [sflag:$0x2], $0x8000, s23, s22, $0x38;
	[tilespmem:$0x18000] =	vst v63  }
0x311: {  	s0 =	rddreg [dreg:$0xa]  }
0x312: {  	[hbm4b:s0+s22] =	stream.strided.scatter [tilespmem:s2], [sflag:$0x2], $0x8000, s23, s22, $0x38;
	[tilespmem:$0x18000] =	vst v63  }
0x313: {  	s1 =	rddreg [dreg:$0xb]  }
0x314: {  	[hbm4b:s1+s22] =	stream.strided.scatter [tilespmem:s2], [sflag:$0x2], $0x8000, s23, s22, $0x38;
	[tilespmem:$0x18000] =	vst v63  }
0x315: {  	s0 =	rddreg [dreg:$0xc]  }
0x316: {  	[tilespmem:s30], [sflag:$0x1] =	stream.linear.gather [hbm4b:s0+s2], $0x8000, $0x38;
	[tilespmem:$0x18000] =	vst v63  }
0x317: {  	_ =	swait.ge [sflag:s24], $0x8000  }
0x318: {  	[sflag:s24] =	ssyncset.done $0x0  }
0x319: {  	s0 =	rddreg [dreg:$0xd];
	[sflag:s24] =	ssyncadd.s32 $0xFFFF8000  }
0x31a: {  	[hbm4b:s0+s22] =	stream.strided.scatter [tilespmem:s20], [sflag:$0x2], $0x8000, s23, s22, $0x38;
	[tilespmem:$0x18000] =	vst v63  }
0x31b: {  	s1 =	rddreg [dreg:$0xe]  }
0x31c: {  	[hbm4b:s1+s22] =	stream.strided.scatter [tilespmem:s20], [sflag:$0x2], $0x8000, s23, s22, $0x38;
	[tilespmem:$0x18000] =	vst v63  }
0x31d: {  	s0 =	rddreg [dreg:$0xf]  }
0x31e: {  	[hbm4b:s0+s22] =	stream.strided.scatter [tilespmem:s20], [sflag:$0x2], $0x8000, s23, s22, $0x38;
	[tilespmem:$0x18000] =	vst v63  }
0x31f: {  	s1 =	rddreg [dreg:$0x10]  }
0x320: {  	[hbm4b:s1+s22] =	stream.strided.scatter [tilespmem:s20], [sflag:$0x2], $0x8000, s23, s22, $0x38;
	[tilespmem:$0x18000] =	vst v63  }
0x321: {  	s0 =	rddreg [dreg:$0x11]  }
0x322: {  	[hbm4b:s0+s22] =	stream.strided.scatter [tilespmem:s20], [sflag:$0x2], $0x8000, s23, s22, $0x38;
	[tilespmem:$0x18000] =	vst v63  }
0x323: {  	s1 =	rddreg [dreg:$0x12]  }
0x324: {  	[hbm4b:s1+s22] =	stream.strided.scatter [tilespmem:s20], [sflag:$0x2], $0x8000, s23, s22, $0x38;
	[tilespmem:$0x18000] =	vst v63  }
0x325: {  	s0 =	rddreg [dreg:$0x13]  }
0x326: {  	[hbm4b:s0+s22] =	stream.strided.scatter [tilespmem:s20], [sflag:$0x2], $0x8000, s23, s22, $0x38;
	[tilespmem:$0x18000] =	vst v63  }
0x327: {  	s1 =	rddreg [dreg:$0x14]  }
0x328: {  	[hbm4b:s1+s22] =	stream.strided.scatter [tilespmem:s20], [sflag:$0x2], $0x8000, s23, s22, $0x38;
	[tilespmem:$0x18000] =	vst v63  }
0x329: {  	_ =	swait.ge [sflag:s3], $0x8000  }
0x32a: {  	[sflag:s3] =	ssyncset.done $0x0  }
0x32b: {  	[sflag:s3] =	ssyncadd.s32 $0xFFFF8000  }
0x32c: {  	_ =	swait.ge [sflag:s3], $0x8000  }
0x32d: {  	[sflag:s3] =	ssyncset.done $0x0  }
0x32e: {  	[sflag:s3] =	ssyncadd.s32 $0xFFFF8000  }
0x32f: {  	_ =	swait.ge [sflag:s3], $0x8000  }
0x330: {  	[sflag:s3] =	ssyncset.done $0x0  }
0x331: {  	[sflag:s3] =	ssyncadd.s32 $0xFFFF8000  }
0x332: {  	_ =	swait.ge [sflag:s3], $0x8000  }
0x333: {  	[sflag:s3] =	ssyncset.done $0x0  }
0x334: {  	[sflag:s3] =	ssyncadd.s32 $0xFFFF8000  }
0x335: {  	_ =	swait.ge [sflag:s3], $0x8000  }
0x336: {  	[sflag:s3] =	ssyncset.done $0x0  }
0x337: {  	[sflag:s3] =	ssyncadd.s32 $0xFFFF8000  }
0x338: {  	_ =	swait.ge [sflag:s3], $0x8000  }
0x339: {  	[sflag:s3] =	ssyncset.done $0x0  }
0x33a: {  	[sflag:s3] =	ssyncadd.s32 $0xFFFF8000  }
0x33b: {  	_ =	swait.ge [sflag:s3], $0x8000  }
0x33c: {  	[sflag:s3] =	ssyncset.done $0x0  }
0x33d: {  	[sflag:s3] =	ssyncadd.s32 $0xFFFF8000  }
0x33e: {  	_ =	swait.ge [sflag:s3], $0x8000  }
0x33f: {  	[sflag:s3] =	ssyncset.done $0x0  }
0x340: {  	s1 =	rddreg [dreg:$0x15];
	[sflag:s3] =	ssyncadd.s32 $0xFFFF8000  }
0x341: {  	[tilespmem:s2], [sflag:$0x1] =	stream.linear.gather [hbm4b:s1+s2], $0x8000, $0x38;
	[tilespmem:$0x18000] =	vst v63  }
0x342: {  	_ =	swait.ge [sflag:s24], $0x8000  }
0x343: {  	[sflag:s24] =	ssyncset.done $0x0  }
0x344: {  	s0 =	rddreg [dreg:$0x16];
	[sflag:s24] =	ssyncadd.s32 $0xFFFF8000  }
0x345: {  	[hbm4b:s0+s22] =	stream.strided.scatter [tilespmem:s30], [sflag:$0x2], $0x8000, s23, s22, $0x38;
	[tilespmem:$0x18000] =	vst v63  }
0x346: {  	s1 =	rddreg [dreg:$0x17]  }
0x347: {  	[hbm4b:s1+s22] =	stream.strided.scatter [tilespmem:s30], [sflag:$0x2], $0x8000, s23, s22, $0x38;
	[tilespmem:$0x18000] =	vst v63  }
0x348: {  	s0 =	rddreg [dreg:$0x18]  }
0x349: {  	[hbm4b:s0+s22] =	stream.strided.scatter [tilespmem:s30], [sflag:$0x2], $0x8000, s23, s22, $0x38;
	[tilespmem:$0x18000] =	vst v63  }
0x34a: {  	s1 =	rddreg [dreg:$0x19]  }
0x34b: {  	[hbm4b:s1+s22] =	stream.strided.scatter [tilespmem:s30], [sflag:$0x2], $0x8000, s23, s22, $0x38;
	[tilespmem:$0x18000] =	vst v63  }
0x34c: {  	s0 =	rddreg [dreg:$0x1a]  }
0x34d: {  	[hbm4b:s0+s22] =	stream.strided.scatter [tilespmem:s30], [sflag:$0x2], $0x8000, s23, s22, $0x38;
	[tilespmem:$0x18000] =	vst v63  }
0x34e: {  	s1 =	rddreg [dreg:$0x1b]  }
0x34f: {  	[hbm4b:s1+s22] =	stream.strided.scatter [tilespmem:s30], [sflag:$0x2], $0x8000, s23, s22, $0x38;
	[tilespmem:$0x18000] =	vst v63  }
0x350: {  	s0 =	rddreg [dreg:$0x1c]  }
0x351: {  	[hbm4b:s0+s22] =	stream.strided.scatter [tilespmem:s30], [sflag:$0x2], $0x8000, s23, s22, $0x38;
	[tilespmem:$0x18000] =	vst v63  }
0x352: {  	s1 =	rddreg [dreg:$0x1d]  }
0x353: {  	[hbm4b:s1+s22] =	stream.strided.scatter [tilespmem:s30], [sflag:$0x2], $0x8000, s23, s22, $0x38;
	[tilespmem:$0x18000] =	vst v63  }
0x354: {  	_ =	swait.ge [sflag:s3], $0x8000  }
0x355: {  	[sflag:s3] =	ssyncset.done $0x0  }
0x356: {  	[sflag:s3] =	ssyncadd.s32 $0xFFFF8000  }
0x357: {  	_ =	swait.ge [sflag:s3], $0x8000  }
0x358: {  	[sflag:s3] =	ssyncset.done $0x0  }
0x359: {  	[sflag:s3] =	ssyncadd.s32 $0xFFFF8000  }
0x35a: {  	_ =	swait.ge [sflag:s3], $0x8000  }
0x35b: {  	[sflag:s3] =	ssyncset.done $0x0  }
0x35c: {  	[sflag:s3] =	ssyncadd.s32 $0xFFFF8000  }
0x35d: {  	_ =	swait.ge [sflag:s3], $0x8000  }
0x35e: {  	[sflag:s3] =	ssyncset.done $0x0  }
0x35f: {  	[sflag:s3] =	ssyncadd.s32 $0xFFFF8000  }
0x360: {  	_ =	swait.ge [sflag:s3], $0x8000  }
0x361: {  	[sflag:s3] =	ssyncset.done $0x0  }
0x362: {  	[sflag:s3] =	ssyncadd.s32 $0xFFFF8000  }
0x363: {  	_ =	swait.ge [sflag:s3], $0x8000  }
0x364: {  	[sflag:s3] =	ssyncset.done $0x0  }
0x365: {  	[sflag:s3] =	ssyncadd.s32 $0xFFFF8000  }
0x366: {  	_ =	swait.ge [sflag:s3], $0x8000  }
0x367: {  	[sflag:s3] =	ssyncset.done $0x0  }
0x368: {  	[sflag:s3] =	ssyncadd.s32 $0xFFFF8000  }
0x369: {  	_ =	swait.ge [sflag:s3], $0x8000  }
0x36a: {  	[sflag:s3] =	ssyncset.done $0x0  }
0x36b: {  	s1 =	rddreg [dreg:$0x1e];
	[sflag:s3] =	ssyncadd.s32 $0xFFFF8000  }
0x36c: {  	[tilespmem:s20], [sflag:$0x1] =	stream.linear.gather [hbm4b:s1+s2], $0x8000, $0x38;
	[tilespmem:$0x18000] =	vst v63  }
0x36d: {  	_ =	swait.ge [sflag:s24], $0x8000  }
0x36e: {  	s0 =	rddreg [dreg:$0x1f];
	[sflag:s24] =	ssyncset.done $0x0  }
0x36f: {  	s1 =	sld [smem:$0x7E9];
	[sflag:s24] =	ssyncadd.s32 $0xFFFF8000  }
0x370: {  	[hbm4b:s0+s22] =	stream.strided.scatter [tilespmem:s2], [sflag:$0x2], $0x8000, s23, s22, $0x38;
	[tilespmem:$0x18000] =	vst v63  }
0x371: {  	s0 =	sld [smem:$0x7EA]  }
0x372: {  	[hbm4b:s1+s22] =	stream.strided.scatter [tilespmem:s2], [sflag:$0x2], $0x8000, s23, s22, $0x38;
	[tilespmem:$0x18000] =	vst v63  }
0x373: {  	s1 =	sld [smem:$0x7EB]  }
0x374: {  	[hbm4b:s0+s22] =	stream.strided.scatter [tilespmem:s2], [sflag:$0x2], $0x8000, s23, s22, $0x38;
	[tilespmem:$0x18000] =	vst v63  }
0x375: {  	s0 =	sld [smem:$0x7EC]  }
0x376: {  	[hbm4b:s1+s22] =	stream.strided.scatter [tilespmem:s2], [sflag:$0x2], $0x8000, s23, s22, $0x38;
	[tilespmem:$0x18000] =	vst v63  }
0x377: {  	s1 =	sld [smem:$0x7ED]  }
0x378: {  	[hbm4b:s0+s22] =	stream.strided.scatter [tilespmem:s2], [sflag:$0x2], $0x8000, s23, s22, $0x38;
	[tilespmem:$0x18000] =	vst v63  }
0x379: {  	s0 =	sld [smem:$0x7EE]  }
0x37a: {  	[hbm4b:s1+s22] =	stream.strided.scatter [tilespmem:s2], [sflag:$0x2], $0x8000, s23, s22, $0x38;
	[tilespmem:$0x18000] =	vst v63  }
0x37b: {  	s1 =	sld [smem:$0x7EF]  }
0x37c: {  	[hbm4b:s0+s22] =	stream.strided.scatter [tilespmem:s2], [sflag:$0x2], $0x8000, s23, s22, $0x38;
	[tilespmem:$0x18000] =	vst v63  }
0x37d: {  	_ = 	snop  }
0x37e: {  	[hbm4b:s1+s22] =	stream.strided.scatter [tilespmem:s2], [sflag:$0x2], $0x8000, s23, s22, $0x38;
	[tilespmem:$0x18000] =	vst v63  }
0x37f: {  	_ =	swait.ge [sflag:s3], $0x8000  }
0x380: {  	[sflag:s3] =	ssyncset.done $0x0  }
0x381: {  	[sflag:s3] =	ssyncadd.s32 $0xFFFF8000  }
0x382: {  	_ =	swait.ge [sflag:s3], $0x8000  }
0x383: {  	[sflag:s3] =	ssyncset.done $0x0  }
0x384: {  	[sflag:s3] =	ssyncadd.s32 $0xFFFF8000  }
0x385: {  	_ =	swait.ge [sflag:s3], $0x8000  }
0x386: {  	[sflag:s3] =	ssyncset.done $0x0  }
0x387: {  	[sflag:s3] =	ssyncadd.s32 $0xFFFF8000  }
0x388: {  	_ =	swait.ge [sflag:s3], $0x8000  }
0x389: {  	[sflag:s3] =	ssyncset.done $0x0  }
0x38a: {  	[sflag:s3] =	ssyncadd.s32 $0xFFFF8000  }
0x38b: {  	_ =	swait.ge [sflag:s3], $0x8000  }
0x38c: {  	[sflag:s3] =	ssyncset.done $0x0  }
0x38d: {  	[sflag:s3] =	ssyncadd.s32 $0xFFFF8000  }
0x38e: {  	_ =	swait.ge [sflag:s3], $0x8000  }
0x38f: {  	[sflag:s3] =	ssyncset.done $0x0  }
0x390: {  	[sflag:s3] =	ssyncadd.s32 $0xFFFF8000  }
0x391: {  	_ =	swait.ge [sflag:s3], $0x8000  }
0x392: {  	[sflag:s3] =	ssyncset.done $0x0  }
0x393: {  	[sflag:s3] =	ssyncadd.s32 $0xFFFF8000  }
0x394: {  	_ =	swait.ge [sflag:s3], $0x8000  }
0x395: {  	s1 =	sld [smem:$0x7F0]  }
0x396: {  	[sflag:s3] =	ssyncset.done $0x0  }
0x397: {  	[sflag:s3] =	ssyncadd.s32 $0xFFFF8000  }
0x398: {  	[tilespmem:s30], [sflag:$0x1] =	stream.linear.gather [hbm4b:s1+s2], $0x8000, $0x38;
	[tilespmem:$0x18000] =	vst v63  }
0x399: {  	_ =	swait.ge [sflag:s24], $0x8000  }
0x39a: {  	s0 =	sld [smem:$0x7F1]  }
0x39b: {  	[sflag:s24] =	ssyncset.done $0x0  }
0x39c: {  	s1 =	sld [smem:$0x7F2];
	[sflag:s24] =	ssyncadd.s32 $0xFFFF8000  }
0x39d: {  	[hbm4b:s0+s22] =	stream.strided.scatter [tilespmem:s20], [sflag:$0x2], $0x8000, s23, s22, $0x38;
	[tilespmem:$0x18000] =	vst v63  }
0x39e: {  	s0 =	sld [smem:$0x7F3]  }
0x39f: {  	[hbm4b:s1+s22] =	stream.strided.scatter [tilespmem:s20], [sflag:$0x2], $0x8000, s23, s22, $0x38;
	[tilespmem:$0x18000] =	vst v63  }
0x3a0: {  	s1 =	sld [smem:$0x7F4]  }
0x3a1: {  	[hbm4b:s0+s22] =	stream.strided.scatter [tilespmem:s20], [sflag:$0x2], $0x8000, s23, s22, $0x38;
	[tilespmem:$0x18000] =	vst v63  }
0x3a2: {  	s0 =	sld [smem:$0x7F5]  }
0x3a3: {  	[hbm4b:s1+s22] =	stream.strided.scatter [tilespmem:s20], [sflag:$0x2], $0x8000, s23, s22, $0x38;
	[tilespmem:$0x18000] =	vst v63  }
0x3a4: {  	s1 =	sld [smem:$0x7F6]  }
0x3a5: {  	[hbm4b:s0+s22] =	stream.strided.scatter [tilespmem:s20], [sflag:$0x2], $0x8000, s23, s22, $0x38;
	[tilespmem:$0x18000] =	vst v63  }
0x3a6: {  	s0 =	sld [smem:$0x7F7]  }
0x3a7: {  	[hbm4b:s1+s22] =	stream.strided.scatter [tilespmem:s20], [sflag:$0x2], $0x8000, s23, s22, $0x38;
	[tilespmem:$0x18000] =	vst v63  }
0x3a8: {  	s1 =	sld [smem:$0x7F8]  }
0x3a9: {  	[hbm4b:s0+s22] =	stream.strided.scatter [tilespmem:s20], [sflag:$0x2], $0x8000, s23, s22, $0x38;
	[tilespmem:$0x18000] =	vst v63  }
0x3aa: {  	_ = 	snop  }
0x3ab: {  	[hbm4b:s1+s22] =	stream.strided.scatter [tilespmem:s20], [sflag:$0x2], $0x8000, s23, s22, $0x38;
	[tilespmem:$0x18000] =	vst v63  }
0x3ac: {  	_ =	swait.ge [sflag:s3], $0x8000  }
0x3ad: {  	[sflag:s3] =	ssyncset.done $0x0  }
0x3ae: {  	[sflag:s3] =	ssyncadd.s32 $0xFFFF8000  }
0x3af: {  	_ =	swait.ge [sflag:s3], $0x8000  }
0x3b0: {  	[sflag:s3] =	ssyncset.done $0x0  }
0x3b1: {  	[sflag:s3] =	ssyncadd.s32 $0xFFFF8000  }
0x3b2: {  	_ =	swait.ge [sflag:s3], $0x8000  }
0x3b3: {  	[sflag:s3] =	ssyncset.done $0x0  }
0x3b4: {  	[sflag:s3] =	ssyncadd.s32 $0xFFFF8000  }
0x3b5: {  	_ =	swait.ge [sflag:s3], $0x8000  }
0x3b6: {  	[sflag:s3] =	ssyncset.done $0x0  }
0x3b7: {  	[sflag:s3] =	ssyncadd.s32 $0xFFFF8000  }
0x3b8: {  	_ =	swait.ge [sflag:s3], $0x8000  }
0x3b9: {  	[sflag:s3] =	ssyncset.done $0x0  }
0x3ba: {  	[sflag:s3] =	ssyncadd.s32 $0xFFFF8000  }
0x3bb: {  	_ =	swait.ge [sflag:s3], $0x8000  }
0x3bc: {  	[sflag:s3] =	ssyncset.done $0x0  }
0x3bd: {  	[sflag:s3] =	ssyncadd.s32 $0xFFFF8000  }
0x3be: {  	_ =	swait.ge [sflag:s3], $0x8000  }
0x3bf: {  	[sflag:s3] =	ssyncset.done $0x0  }
0x3c0: {  	[sflag:s3] =	ssyncadd.s32 $0xFFFF8000  }
0x3c1: {  	_ =	swait.ge [sflag:s3], $0x8000  }
0x3c2: {  	s1 =	sld [smem:$0x7F9]  }
0x3c3: {  	[sflag:s3] =	ssyncset.done $0x0  }
0x3c4: {  	[sflag:s3] =	ssyncadd.s32 $0xFFFF8000  }
0x3c5: {  	[tilespmem:s2], [sflag:$0x1] =	stream.linear.gather [hbm4b:s1+s2], $0x8000, $0x38;
	[tilespmem:$0x18000] =	vst v63  }
0x3c6: {  	_ =	swait.ge [sflag:s24], $0x8000  }
0x3c7: {  	s0 =	sld [smem:$0x7FA]  }
0x3c8: {  	[sflag:s24] =	ssyncset.done $0x0  }
0x3c9: {  	s1 =	sld [smem:$0x7FB];
	[sflag:s24] =	ssyncadd.s32 $0xFFFF8000  }
0x3ca: {  	[hbm4b:s0+s22] =	stream.strided.scatter [tilespmem:s30], [sflag:$0x2], $0x8000, s23, s22, $0x38;
	[tilespmem:$0x18000] =	vst v63  }
0x3cb: {  	s0 =	sld [smem:$0x7FC]  }
0x3cc: {  	[hbm4b:s1+s22] =	stream.strided.scatter [tilespmem:s30], [sflag:$0x2], $0x8000, s23, s22, $0x38;
	[tilespmem:$0x18000] =	vst v63  }
0x3cd: {  	s1 =	sld [smem:$0x7FD]  }
0x3ce: {  	[hbm4b:s0+s22] =	stream.strided.scatter [tilespmem:s30], [sflag:$0x2], $0x8000, s23, s22, $0x38;
	[tilespmem:$0x18000] =	vst v63  }
0x3cf: {  	_ = 	snop  }
0x3d0: {  	[hbm4b:s1+s22] =	stream.strided.scatter [tilespmem:s30], [sflag:$0x2], $0x8000, s23, s22, $0x38;
	[tilespmem:$0x18000] =	vst v63  }
0x3d1: {  	_ = 	snop  }
0x3d2: {  	[hbm4b:s25+s22] =	stream.strided.scatter [tilespmem:s30], [sflag:$0x2], $0x8000, s23, s22, $0x38;
	[tilespmem:$0x18000] =	vst v63  }
0x3d3: {  	_ = 	snop  }
0x3d4: {  	[hbm4b:s26+s22] =	stream.strided.scatter [tilespmem:s30], [sflag:$0x2], $0x8000, s23, s22, $0x38;
	[tilespmem:$0x18000] =	vst v63  }
0x3d5: {  	_ = 	snop  }
0x3d6: {  	[hbm4b:s28+s22] =	stream.strided.scatter [tilespmem:s30], [sflag:$0x2], $0x8000, s23, s22, $0x38;
	[tilespmem:$0x18000] =	vst v63  }
0x3d7: {  	_ = 	snop  }
0x3d8: {  	[hbm4b:s29+s22] =	stream.strided.scatter [tilespmem:s30], [sflag:$0x2], $0x8000, s23, s22, $0x38;
	[tilespmem:$0x18000] =	vst v63  }
0x3d9: {  	_ =	swait.ge [sflag:s3], $0x8000  }
0x3da: {  	[sflag:s3] =	ssyncset.done $0x0  }
0x3db: {  	[sflag:s3] =	ssyncadd.s32 $0xFFFF8000  }
0x3dc: {  	_ =	swait.ge [sflag:s3], $0x8000  }
0x3dd: {  	[sflag:s3] =	ssyncset.done $0x0  }
0x3de: {  	[sflag:s3] =	ssyncadd.s32 $0xFFFF8000  }
0x3df: {  	_ =	swait.ge [sflag:s3], $0x8000  }
0x3e0: {  	[sflag:s3] =	ssyncset.done $0x0  }
0x3e1: {  	[sflag:s3] =	ssyncadd.s32 $0xFFFF8000  }
0x3e2: {  	_ =	swait.ge [sflag:s3], $0x8000  }
0x3e3: {  	[sflag:s3] =	ssyncset.done $0x0  }
0x3e4: {  	[sflag:s3] =	ssyncadd.s32 $0xFFFF8000  }
0x3e5: {  	_ =	swait.ge [sflag:s3], $0x8000  }
0x3e6: {  	[sflag:s3] =	ssyncset.done $0x0  }
0x3e7: {  	[sflag:s3] =	ssyncadd.s32 $0xFFFF8000  }
0x3e8: {  	_ =	swait.ge [sflag:s3], $0x8000  }
0x3e9: {  	[sflag:s3] =	ssyncset.done $0x0  }
0x3ea: {  	[sflag:s3] =	ssyncadd.s32 $0xFFFF8000  }
0x3eb: {  	_ =	swait.ge [sflag:s3], $0x8000  }
0x3ec: {  	[sflag:s3] =	ssyncset.done $0x0  }
0x3ed: {  	[sflag:s3] =	ssyncadd.s32 $0xFFFF8000  }
0x3ee: {  	_ =	swait.ge [sflag:s3], $0x8000  }
0x3ef: {  	[sflag:s3] =	ssyncset.done $0x0  }
0x3f0: {  	[sflag:s3] =	ssyncadd.s32 $0xFFFF8000  }
0x3f1: {  	[tilespmem:s20], [sflag:$0x1] =	stream.linear.gather [hbm4b:s21+s2], $0x8000, $0x38;
	[tilespmem:$0x18000] =	vst v63  }
0x3f2: {  	_ =	swait.ge [sflag:s24], $0x8000  }
0x3f3: {  	[sflag:s24] =	ssyncset.done $0x0  }
0x3f4: {  	[sflag:s24] =	ssyncadd.s32 $0xFFFF8000  }
0x3f5: {  	[hbm4b:s12+s22] =	stream.strided.scatter [tilespmem:s2], [sflag:$0x2], $0x8000, s23, s22, $0x38;
	[tilespmem:$0x18000] =	vst v63  }
0x3f6: {  	_ = 	snop  }
0x3f7: {  	[hbm4b:s13+s22] =	stream.strided.scatter [tilespmem:s2], [sflag:$0x2], $0x8000, s23, s22, $0x38;
	[tilespmem:$0x18000] =	vst v63  }
0x3f8: {  	_ = 	snop  }
0x3f9: {  	[hbm4b:s14+s22] =	stream.strided.scatter [tilespmem:s2], [sflag:$0x2], $0x8000, s23, s22, $0x38;
	[tilespmem:$0x18000] =	vst v63  }
0x3fa: {  	_ = 	snop  }
0x3fb: {  	[hbm4b:s15+s22] =	stream.strided.scatter [tilespmem:s2], [sflag:$0x2], $0x8000, s23, s22, $0x38;
	[tilespmem:$0x18000] =	vst v63  }
0x3fc: {  	_ = 	snop  }
0x3fd: {  	[hbm4b:s16+s22] =	stream.strided.scatter [tilespmem:s2], [sflag:$0x2], $0x8000, s23, s22, $0x38;
	[tilespmem:$0x18000] =	vst v63  }
0x3fe: {  	_ = 	snop  }
0x3ff: {  	[hbm4b:s17+s22] =	stream.strided.scatter [tilespmem:s2], [sflag:$0x2], $0x8000, s23, s22, $0x38;
	[tilespmem:$0x18000] =	vst v63  }
0x400: {  	_ = 	snop  }
0x401: {  	[hbm4b:s18+s22] =	stream.strided.scatter [tilespmem:s2], [sflag:$0x2], $0x8000, s23, s22, $0x38;
	[tilespmem:$0x18000] =	vst v63  }
0x402: {  	_ = 	snop  }
0x403: {  	[hbm4b:s19+s22] =	stream.strided.scatter [tilespmem:s2], [sflag:$0x2], $0x8000, s23, s22, $0x38;
	[tilespmem:$0x18000] =	vst v63  }
0x404: {  	_ =	swait.ge [sflag:s24], $0x8000  }
0x405: {  	[sflag:s24] =	ssyncset.done $0x0  }
0x406: {  	[sflag:s24] =	ssyncadd.s32 $0xFFFF8000  }
0x407: {  	[hbm4b:s4+s22] =	stream.strided.scatter [tilespmem:s20], [sflag:$0x2], $0x8000, s23, s22, $0x38;
	[tilespmem:$0x18000] =	vst v63  }
0x408: {  	_ = 	snop  }
0x409: {  	[hbm4b:s5+s22] =	stream.strided.scatter [tilespmem:s20], [sflag:$0x2], $0x8000, s23, s22, $0x38;
	[tilespmem:$0x18000] =	vst v63  }
0x40a: {  	_ = 	snop  }
0x40b: {  	[hbm4b:s6+s22] =	stream.strided.scatter [tilespmem:s20], [sflag:$0x2], $0x8000, s23, s22, $0x38;
	[tilespmem:$0x18000] =	vst v63  }
0x40c: {  	_ = 	snop  }
0x40d: {  	[hbm4b:s7+s22] =	stream.strided.scatter [tilespmem:s20], [sflag:$0x2], $0x8000, s23, s22, $0x38;
	[tilespmem:$0x18000] =	vst v63  }
0x40e: {  	_ = 	snop  }
0x40f: {  	[hbm4b:s8+s22] =	stream.strided.scatter [tilespmem:s20], [sflag:$0x2], $0x8000, s23, s22, $0x38;
	[tilespmem:$0x18000] =	vst v63  }
0x410: {  	_ = 	snop  }
0x411: {  	[hbm4b:s9+s22] =	stream.strided.scatter [tilespmem:s20], [sflag:$0x2], $0x8000, s23, s22, $0x38;
	[tilespmem:$0x18000] =	vst v63  }
0x412: {  	_ = 	snop  }
0x413: {  	[hbm4b:s10+s22] =	stream.strided.scatter [tilespmem:s20], [sflag:$0x2], $0x8000, s23, s22, $0x38;
	[tilespmem:$0x18000] =	vst v63  }
0x414: {  	_ = 	snop  }
0x415: {  	[hbm4b:s11+s22] =	stream.strided.scatter [tilespmem:s20], [sflag:$0x2], $0x8000, s23, s22, $0x38;
	[tilespmem:$0x18000] =	vst v63  }
0x416: {  	_ =	swait.ge [sflag:s3], $0x8000  }
0x417: {  	[sflag:s3] =	ssyncset.done $0x0  }
0x418: {  	[sflag:s3] =	ssyncadd.s32 $0xFFFF8000  }
0x419: {  	_ =	swait.ge [sflag:s3], $0x8000  }
0x41a: {  	[sflag:s3] =	ssyncset.done $0x0  }
0x41b: {  	[sflag:s3] =	ssyncadd.s32 $0xFFFF8000  }
0x41c: {  	_ =	swait.ge [sflag:s3], $0x8000  }
0x41d: {  	[sflag:s3] =	ssyncset.done $0x0  }
0x41e: {  	[sflag:s3] =	ssyncadd.s32 $0xFFFF8000  }
0x41f: {  	_ =	swait.ge [sflag:s3], $0x8000  }
0x420: {  	[sflag:s3] =	ssyncset.done $0x0  }
0x421: {  	[sflag:s3] =	ssyncadd.s32 $0xFFFF8000  }
0x422: {  	_ =	swait.ge [sflag:s3], $0x8000  }
0x423: {  	[sflag:s3] =	ssyncset.done $0x0  }
0x424: {  	[sflag:s3] =	ssyncadd.s32 $0xFFFF8000  }
0x425: {  	_ =	swait.ge [sflag:s3], $0x8000  }
0x426: {  	[sflag:s3] =	ssyncset.done $0x0  }
0x427: {  	[sflag:s3] =	ssyncadd.s32 $0xFFFF8000  }
0x428: {  	_ =	swait.ge [sflag:s3], $0x8000  }
0x429: {  	[sflag:s3] =	ssyncset.done $0x0  }
0x42a: {  	[sflag:s3] =	ssyncadd.s32 $0xFFFF8000  }
0x42b: {  	_ =	swait.ge [sflag:s3], $0x8000  }
0x42c: {  	[sflag:s3] =	ssyncset.done $0x0  }
0x42d: {  	[sflag:s3] =	ssyncadd.s32 $0xFFFF8000  }
0x42e: {  	_ =	swait.ge [sflag:s3], $0x8000  }
0x42f: {  	[sflag:s3] =	ssyncset.done $0x0  }
0x430: {  	[sflag:s3] =	ssyncadd.s32 $0xFFFF8000  }
0x431: {  	_ =	swait.ge [sflag:s3], $0x8000  }
0x432: {  	[sflag:s3] =	ssyncset.done $0x0  }
0x433: {  	[sflag:s3] =	ssyncadd.s32 $0xFFFF8000  }
0x434: {  	_ =	swait.ge [sflag:s3], $0x8000  }
0x435: {  	[sflag:s3] =	ssyncset.done $0x0  }
0x436: {  	[sflag:s3] =	ssyncadd.s32 $0xFFFF8000  }
0x437: {  	_ =	swait.ge [sflag:s3], $0x8000  }
0x438: {  	[sflag:s3] =	ssyncset.done $0x0  }
0x439: {  	[sflag:s3] =	ssyncadd.s32 $0xFFFF8000  }
0x43a: {  	_ =	swait.ge [sflag:s3], $0x8000  }
0x43b: {  	[sflag:s3] =	ssyncset.done $0x0  }
0x43c: {  	[sflag:s3] =	ssyncadd.s32 $0xFFFF8000  }
0x43d: {  	_ =	swait.ge [sflag:s3], $0x8000  }
0x43e: {  	[sflag:s3] =	ssyncset.done $0x0  }
0x43f: {  	[sflag:s3] =	ssyncadd.s32 $0xFFFF8000  }
0x440: {  	_ =	swait.ge [sflag:s3], $0x8000  }
0x441: {  	[sflag:s3] =	ssyncset.done $0x0  }
0x442: {  	[sflag:s3] =	ssyncadd.s32 $0xFFFF8000  }
0x443: {  	_ =	swait.ge [sflag:s3], $0x8000  }
0x444: {  	[sflag:s3] =	ssyncset.done $0x0  }
0x445: {  	[sflag:s3] =	ssyncadd.s32 $0xFFFF8000  }
0x446: {  	_ =	swait.ge [sflag:s3], $0x8000  }
0x447: {  	[sflag:s3] =	ssyncset.done $0x0  }
0x448: {  	[sflag:s3] =	ssyncadd.s32 $0xFFFF8000  }
0x449: {  	_ =	swait.ge [sflag:s3], $0x8000  }
0x44a: {  	[sflag:s3] =	ssyncset.done $0x0  }
0x44b: {  	[sflag:s3] =	ssyncadd.s32 $0xFFFF8000  }
0x44c: {  	_ =	swait.ge [sflag:s3], $0x8000  }
0x44d: {  	[sflag:s3] =	ssyncset.done $0x0  }
0x44e: {  	[sflag:s3] =	ssyncadd.s32 $0xFFFF8000  }
0x44f: {  	_ =	swait.ge [sflag:s3], $0x8000  }
0x450: {  	[sflag:s3] =	ssyncset.done $0x0  }
0x451: {  	[sflag:s3] =	ssyncadd.s32 $0xFFFF8000  }
0x452: {  	_ =	swait.ge [sflag:s3], $0x8000  }
0x453: {  	[sflag:s3] =	ssyncset.done $0x0  }
0x454: {  	[sflag:s3] =	ssyncadd.s32 $0xFFFF8000  }
0x455: {  	_ =	swait.ge [sflag:s3], $0x8000  }
0x456: {  	[sflag:s3] =	ssyncset.done $0x0  }
0x457: {  	[sflag:s3] =	ssyncadd.s32 $0xFFFF8000  }
0x458: {  	_ =	swait.ge [sflag:s3], $0x8000  }
0x459: {  	[sflag:s3] =	ssyncset.done $0x0  }
0x45a: {  	[sflag:s3] =	ssyncadd.s32 $0xFFFF8000  }
0x45b: {  	_ =	swait.ge [sflag:s3], $0x8000  }
0x45c: {  	[sflag:s3] =	ssyncset.done $0x0  }
0x45d: {  	[sflag:s3] =	ssyncadd.s32 $0xFFFF8000  }
0x45e: {  	_ =	sfence.sel $0x180000  }
0x45f: {  	s30 =	stileid.u32;
	[bflag:$0x0] =	sbarrier.arrive $0xFFFF  }
0x460: {  	p0 =	sne.s32 s30, $0x0;
	_ =	strace $0x90000047  }
0x461: {  	s0 =	sadd.s32 @!p0 $0x100000, s31;
	[bflag:$0x2] =	sbarrier.arrive $0xFFFF  }
0x462: {  	[sflag:s0] =	ssyncadd.tile.s32 @!p0 $0x1;
	_ =	shalt  }
.LBB2_2:
.Ltmp3:
0x463: {  	(pc) =	sbr.rel .LBB2_5-.Ltmp3, $3  }
0x464: {  	_ =	sdelay $0x1  }
0x465: {  	s31 =	rddreg [dreg:$0x2]  }
0x466: {  	s1 =	rddreg [dreg:$0x0]  }
.Lfunc_end2:
_tile_overlayer_lowered:
.L_overlay_start_2:
0x467: {  	(tag) =	ssettag $0x2  }
0x468: {  	s0 =	rddreg [dreg:$0x0];
	s2 =	stileid.u32  }
0x469: {  	s1 =	rddreg [dreg:$0x1];
	p0 =	sne.s32 s2, $0x0  }
0x46a: {  	s3 =	rddreg [dreg:$0x2];
	[bflag:$0x3] =	sbarrier.arrive $0xFFFF;
	s2 =	simm.s32 @!p0 $0x1C03  }
0x46b: {  	[timem:s3], [sflag:s2] =	dma.local @!p0 [hbm:s0], s1  }
0x46c: {  	s0 =	simm.s32 @!p0 $0x3  }
0x46d: {  	_ =	swait.ge @!p0 [sflag:s0], s1  }
0x46e: {  	s1 =	ssub.s32 @!p0 $0x0, s1;
	[sflag:s0] =	ssyncset.done @!p0 $0x0  }
0x46f: {  	[sflag:s0] =	ssyncadd.s32 @!p0 s1  }
0x470: {  	[bflag:$0x3] =	sbarrier.arrive $0xFFFF  }
0x471: {  	_ =	shalt  }

</sc_bundles>
